<compile_context>
chip_gen: v7x
topology: tpu7x:2x2x1
jax: 0.10.2.dev20260603
libtpu: 0.0.44.dev20260713+nightly
codegen_flags: <defaults>
</compile_context>

<pallas_src>
import functools

import jax
import jax.numpy as jnp
from jax import lax
from jax.experimental import pallas as pl
from jax.experimental.pallas import tpu as pltpu
from jax.experimental.pallas import tpu_sc as plsc

_IN = 2048
_OUT = 8192
_RANK = 2
_B = 4096
_K = _RANK * _OUT
_NC = 2
_NS = 16
_NW = _NC * _NS
_RW = _B // _NW
_L = 16
_R = 8
_G = _RW // _R
_SEG = 4096
_NSEG = _K // _SEG
_SPR = _OUT // _SEG


@functools.partial(
    pl.kernel,
    out_type=jax.ShapeDtypeStruct((_B, _RANK, _OUT), jnp.float32),
    mesh=plsc.VectorSubcoreMesh(core_axis_name="c", subcore_axis_name="s",
                                num_cores=_NC),
    scratch_types=[
        pltpu.VMEM((_K,), jnp.int32),
        pltpu.VMEM((_R * _IN,), jnp.float32),
        pltpu.VMEM((_R * _IN,), jnp.float32),
        pltpu.VMEM((_R * _SEG,), jnp.float32),
        pltpu.VMEM((_R * _SEG,), jnp.float32),
        pltpu.SemaphoreType.DMA,
        pltpu.SemaphoreType.DMA,
        pltpu.SemaphoreType.DMA,
        pltpu.SemaphoreType.DMA,
    ],
    compiler_params=pltpu.CompilerParams(needs_layout_passes=False),
)
def _lut_gather(x_hbm, idx_hbm, out_hbm, idx_v, x0, x1, o0, o1,
                si0, si1, so0, so1):
    wid = lax.axis_index("s") * _NC + lax.axis_index("c")
    base = wid * _RW

    xb, ob, si, so = (x0, x1), (o0, o1), (si0, si1), (so0, so1)

    def in_copies(g, buf, sem):
        row0 = base + g * _R
        return [
            pltpu.make_async_copy(
                x_hbm.at[row0 + q], buf.at[pl.ds(q * _IN, _IN)], sem)
            for q in range(_R)
        ]

    def seg_copies(g, s, buf, sem):
        row0 = base + g * _R
        return [
            pltpu.make_async_copy(
                buf.at[pl.ds(q * _SEG, _SEG)],
                out_hbm.at[row0 + q, s // _SPR,
                           pl.ds((s % _SPR) * _SEG, _SEG)],
                sem)
            for q in range(_R)
        ]

    for c in in_copies(0, x0, si0):
        c.start()
    for r in range(_RANK):
        pltpu.sync_copy(idx_hbm.at[r], idx_v.at[pl.ds(r * _OUT, _OUT)])

    def do_group(g, carry):
        gpar = lax.rem(g, 2)

        def run_parity(par):
            xv = xb[par]
            for c in in_copies(g, xv, si[par]):
                c.wait()

            @pl.when(g + 1 < _G)
            def _start_next():
                for c in in_copies(g + 1, xb[1 - par], si[1 - par]):
                    c.start()

            def seg_pair(spair, c2):
                for sp in range(2):
                    s = spair * 2 + sp
                    ov = ob[sp]

                    @pl.when((g >= 1) | (spair >= 1))
                    def _wait_out():
                        for c in seg_copies(g, s, ov, so[sp]):
                            c.wait()

                    @plsc.parallel_loop(0, _SEG, step=_L, unroll=8)
                    def chunk(off):
                        iv = idx_v[pl.ds(s * _SEG + off, _L)]
                        for q in range(_R):
                            ov[pl.ds(q * _SEG + off, _L)] = (
                                plsc.load_gather(xv, [iv + q * _IN]))

                    for c in seg_copies(g, s, ov, so[sp]):
                        c.start()
                return c2

            lax.fori_loop(0, _NSEG // 2, seg_pair, 0)

        @pl.when(gpar == 0)
        def _p0():
            run_parity(0)

        @pl.when(gpar == 1)
        def _p1():
            run_parity(1)

        return carry

    lax.fori_loop(0, _G, do_group, 0)
    for c in seg_copies(_G - 1, _NSEG - 2, o0, so0):
        c.wait()
    for c in seg_copies(_G - 1, _NSEG - 1, o1, so1):
        c.wait()


@jax.jit
def kernel(x, indices):
    return _lut_gather(x, indices.astype(jnp.int32))

# --- scband reference (transcript-rebuilt; emitter-appended) ---
"""Pipeline reference for scband-connections-83021717832661 (READ-ONLY COPY).

The authoritative reference and input builder live on the scoring server;
editing this copy changes nothing except your own understanding.
"""

import jax, jax.numpy as jnp
import numpy as np

IN_DIM = 2048
OUT_DIM = 8192
LUT_RANK = 2
BATCH = 4096


def setup_inputs(seed: int = 0) -> dict:
    key = jax.random.key(seed)
    k_x, k_perm = jax.random.split(key)
    x = jax.random.normal(k_x, (BATCH, IN_DIM), dtype=jnp.float32)
    # Replicates Connections._init_connections with method='random':
    # c = randperm(lut_rank * out_dim) % in_dim, reshaped to (lut_rank, out_dim)
    perm = jax.random.permutation(k_perm, LUT_RANK * OUT_DIM)
    indices = (perm % IN_DIM).reshape(LUT_RANK, OUT_DIM).astype(jnp.int64)
    return {"x": x, "indices": indices}


def reference(x, indices):
    # Faithful translation of forward: return x[:, self.indices]
    # Advanced indexing with an integer tensor along dim 1 -> gather along axis 1.
    # Output shape: (batch, lut_rank, out_dim)
    return jnp.take(x, indices, axis=1)

if __name__ == "__main__":
    import jax
    _d = setup_inputs()
    print(jax.jit(kernel)(*tuple(_d.values())))

</pallas_src>

<mosaic_0001>
#map = affine_map<(d0, d1) -> (0, 0)>
#map1 = affine_map<(d0, d1) -> (0, 0, 0)>
module attributes {stable_mosaic.version = 14 : i64} {
  func.func @_lut_gather(%arg0: i32, %arg1: i32, %arg2: memref<4096x2048xf32, #tpu.memory_space<hbm>>, %arg3: memref<2x8192xi32, #tpu.memory_space<hbm>>, %arg4: memref<4096x2x8192xf32, #tpu.memory_space<hbm>>, %arg5: memref<16384xi32, #tpu.memory_space<vmem>>, %arg6: memref<16384xf32, #tpu.memory_space<vmem>>, %arg7: memref<16384xf32, #tpu.memory_space<vmem>>, %arg8: memref<32768xf32, #tpu.memory_space<vmem>>, %arg9: memref<32768xf32, #tpu.memory_space<vmem>>, %arg10: memref<!tpu.dma_semaphore, #tpu.memory_space<semaphore_mem>>, %arg11: memref<!tpu.dma_semaphore, #tpu.memory_space<semaphore_mem>>, %arg12: memref<!tpu.dma_semaphore, #tpu.memory_space<semaphore_mem>>, %arg13: memref<!tpu.dma_semaphore, #tpu.memory_space<semaphore_mem>>) attributes {dimension_semantics = [#tpu.dimension_semantics<core_parallel>, #tpu.dimension_semantics<subcore_parallel>], iteration_bounds = array<i64: 2, 16>, scalar_prefetch = 0 : i64, scratch_operands = 9 : i64, tpu.core_type = #tpu.core_type<sc_vector_subcore>, window_params = [{transform_indices = #map}, {transform_indices = #map}, {transform_indices = #map1}]} {
    %mul3A = arith.constant 2 : i32
    %mul3A_0 = arith.muli %arg1, %mul3A : i32
    %add3A = arith.addi %mul3A_0, %arg0 : i32
    %mul3A_1 = arith.constant 128 : i32
    %mul3A_2 = arith.muli %add3A, %mul3A_1 : i32
    %add3A_3 = arith.constant 0 : i32
    %add3A_4 = arith.addi %mul3A_2, %add3A_3 : i32
    %add3A_5 = arith.constant 0 : i32
    %add3A_6 = arith.addi %add3A_4, %add3A_5 : i32
    %add3A_7 = arith.constant 1 : i32
    %add3A_8 = arith.addi %add3A_4, %add3A_7 : i32
    %add3A_9 = arith.constant 2 : i32
    %add3A_10 = arith.addi %add3A_4, %add3A_9 : i32
    %add3A_11 = arith.constant 3 : i32
    %add3A_12 = arith.addi %add3A_4, %add3A_11 : i32
    %add3A_13 = arith.constant 4 : i32
    %add3A_14 = arith.addi %add3A_4, %add3A_13 : i32
    %add3A_15 = arith.constant 5 : i32
    %add3A_16 = arith.addi %add3A_4, %add3A_15 : i32
    %add3A_17 = arith.constant 6 : i32
    %add3A_18 = arith.addi %add3A_4, %add3A_17 : i32
    %add3A_19 = arith.constant 7 : i32
    %add3A_20 = arith.addi %add3A_4, %add3A_19 : i32
    %dma_start3A = arith.constant 0 : i32
    %dma_start3A_21 = tpu.memref_slice %arg6[%dma_start3A] : memref<16384xf32, #tpu.memory_space<vmem>> -> memref<2048xf32, #tpu.memory_space<vmem>>
    %dma_start3A_22 = arith.constant 0 : i32
    %dma_start3A_23 = tpu.memref_slice %arg2[%add3A_6, %dma_start3A_22] : memref<4096x2048xf32, #tpu.memory_space<hbm>> -> memref<1x2048xf32, #tpu.memory_space<hbm>>
    %dma_start3A_24 = tpu.memref_squeeze %dma_start3A_23 : memref<1x2048xf32, #tpu.memory_space<hbm>> -> memref<2048xf32, #tpu.memory_space<hbm>>
    %dma_start3A_25 = arith.constant 0 : i32
    %dma_start3A_26 = tpu.memref_slice %arg6[%dma_start3A_25] : memref<16384xf32, #tpu.memory_space<vmem>> -> memref<2048xf32, #tpu.memory_space<vmem>>
    %dma_start3A_27 = arith.constant 0 : i32
    %dma_start3A_28 = tpu.memref_slice %arg2[%add3A_6, %dma_start3A_27] : memref<4096x2048xf32, #tpu.memory_space<hbm>> -> memref<1x2048xf32, #tpu.memory_space<hbm>>
    %dma_start3A_29 = tpu.memref_squeeze %dma_start3A_28 : memref<1x2048xf32, #tpu.memory_space<hbm>> -> memref<2048xf32, #tpu.memory_space<hbm>>
    tpu.enqueue_dma source(%dma_start3A_29 : memref<2048xf32, #tpu.memory_space<hbm>>) target(%dma_start3A_26 : memref<2048xf32, #tpu.memory_space<vmem>>) target_semaphore(%arg10 : memref<!tpu.dma_semaphore, #tpu.memory_space<semaphore_mem>>)
    %dma_start3A_30 = arith.constant 2048 : i32
    %dma_start3A_31 = tpu.memref_slice %arg6[%dma_start3A_30] : memref<16384xf32, #tpu.memory_space<vmem>> -> memref<2048xf32, #tpu.memory_space<vmem>>
    %dma_start3A_32 = arith.constant 0 : i32
    %dma_start3A_33 = tpu.memref_slice %arg2[%add3A_8, %dma_start3A_32] : memref<4096x2048xf32, #tpu.memory_space<hbm>> -> memref<1x2048xf32, #tpu.memory_space<hbm>>
    %dma_start3A_34 = tpu.memref_squeeze %dma_start3A_33 : memref<1x2048xf32, #tpu.memory_space<hbm>> -> memref<2048xf32, #tpu.memory_space<hbm>>
    %dma_start3A_35 = arith.constant 2048 : i32
    %dma_start3A_36 = tpu.memref_slice %arg6[%dma_start3A_35] : memref<16384xf32, #tpu.memory_space<vmem>> -> memref<2048xf32, #tpu.memory_space<vmem>>
    %dma_start3A_37 = arith.constant 0 : i32
    %dma_start3A_38 = tpu.memref_slice %arg2[%add3A_8, %dma_start3A_37] : memref<4096x2048xf32, #tpu.memory_space<hbm>> -> memref<1x2048xf32, #tpu.memory_space<hbm>>
    %dma_start3A_39 = tpu.memref_squeeze %dma_start3A_38 : memref<1x2048xf32, #tpu.memory_space<hbm>> -> memref<2048xf32, #tpu.memory_space<hbm>>
    tpu.enqueue_dma source(%dma_start3A_39 : memref<2048xf32, #tpu.memory_space<hbm>>) target(%dma_start3A_36 : memref<2048xf32, #tpu.memory_space<vmem>>) target_semaphore(%arg10 : memref<!tpu.dma_semaphore, #tpu.memory_space<semaphore_mem>>)
    %dma_start3A_40 = arith.constant 4096 : i32
    %dma_start3A_41 = tpu.memref_slice %arg6[%dma_start3A_40] : memref<16384xf32, #tpu.memory_space<vmem>> -> memref<2048xf32, #tpu.memory_space<vmem>>
    %dma_start3A_42 = arith.constant 0 : i32
    %dma_start3A_43 = tpu.memref_slice %arg2[%add3A_10, %dma_start3A_42] : memref<4096x2048xf32, #tpu.memory_space<hbm>> -> memref<1x2048xf32, #tpu.memory_space<hbm>>
    %dma_start3A_44 = tpu.memref_squeeze %dma_start3A_43 : memref<1x2048xf32, #tpu.memory_space<hbm>> -> memref<2048xf32, #tpu.memory_space<hbm>>
    %dma_start3A_45 = arith.constant 4096 : i32
    %dma_start3A_46 = tpu.memref_slice %arg6[%dma_start3A_45] : memref<16384xf32, #tpu.memory_space<vmem>> -> memref<2048xf32, #tpu.memory_space<vmem>>
    %dma_start3A_47 = arith.constant 0 : i32
    %dma_start3A_48 = tpu.memref_slice %arg2[%add3A_10, %dma_start3A_47] : memref<4096x2048xf32, #tpu.memory_space<hbm>> -> memref<1x2048xf32, #tpu.memory_space<hbm>>
    %dma_start3A_49 = tpu.memref_squeeze %dma_start3A_48 : memref<1x2048xf32, #tpu.memory_space<hbm>> -> memref<2048xf32, #tpu.memory_space<hbm>>
    tpu.enqueue_dma source(%dma_start3A_49 : memref<2048xf32, #tpu.memory_space<hbm>>) target(%dma_start3A_46 : memref<2048xf32, #tpu.memory_space<vmem>>) target_semaphore(%arg10 : memref<!tpu.dma_semaphore, #tpu.memory_space<semaphore_mem>>)
    %dma_start3A_50 = arith.constant 6144 : i32
    %dma_start3A_51 = tpu.memref_slice %arg6[%dma_start3A_50] : memref<16384xf32, #tpu.memory_space<vmem>> -> memref<2048xf32, #tpu.memory_space<vmem>>
    %dma_start3A_52 = arith.constant 0 : i32
    %dma_start3A_53 = tpu.memref_slice %arg2[%add3A_12, %dma_start3A_52] : memref<4096x2048xf32, #tpu.memory_space<hbm>> -> memref<1x2048xf32, #tpu.memory_space<hbm>>
    %dma_start3A_54 = tpu.memref_squeeze %dma_start3A_53 : memref<1x2048xf32, #tpu.memory_space<hbm>> -> memref<2048xf32, #tpu.memory_space<hbm>>
    %dma_start3A_55 = arith.constant 6144 : i32
    %dma_start3A_56 = tpu.memref_slice %arg6[%dma_start3A_55] : memref<16384xf32, #tpu.memory_space<vmem>> -> memref<2048xf32, #tpu.memory_space<vmem>>
    %dma_start3A_57 = arith.constant 0 : i32
    %dma_start3A_58 = tpu.memref_slice %arg2[%add3A_12, %dma_start3A_57] : memref<4096x2048xf32, #tpu.memory_space<hbm>> -> memref<1x2048xf32, #tpu.memory_space<hbm>>
    %dma_start3A_59 = tpu.memref_squeeze %dma_start3A_58 : memref<1x2048xf32, #tpu.memory_space<hbm>> -> memref<2048xf32, #tpu.memory_space<hbm>>
    tpu.enqueue_dma source(%dma_start3A_59 : memref<2048xf32, #tpu.memory_space<hbm>>) target(%dma_start3A_56 : memref<2048xf32, #tpu.memory_space<vmem>>) target_semaphore(%arg10 : memref<!tpu.dma_semaphore, #tpu.memory_space<semaphore_mem>>)
    %dma_start3A_60 = arith.constant 8192 : i32
    %dma_start3A_61 = tpu.memref_slice %arg6[%dma_start3A_60] : memref<16384xf32, #tpu.memory_space<vmem>> -> memref<2048xf32, #tpu.memory_space<vmem>>
    %dma_start3A_62 = arith.constant 0 : i32
    %dma_start3A_63 = tpu.memref_slice %arg2[%add3A_14, %dma_start3A_62] : memref<4096x2048xf32, #tpu.memory_space<hbm>> -> memref<1x2048xf32, #tpu.memory_space<hbm>>
    %dma_start3A_64 = tpu.memref_squeeze %dma_start3A_63 : memref<1x2048xf32, #tpu.memory_space<hbm>> -> memref<2048xf32, #tpu.memory_space<hbm>>
    %dma_start3A_65 = arith.constant 8192 : i32
    %dma_start3A_66 = tpu.memref_slice %arg6[%dma_start3A_65] : memref<16384xf32, #tpu.memory_space<vmem>> -> memref<2048xf32, #tpu.memory_space<vmem>>
    %dma_start3A_67 = arith.constant 0 : i32
    %dma_start3A_68 = tpu.memref_slice %arg2[%add3A_14, %dma_start3A_67] : memref<4096x2048xf32, #tpu.memory_space<hbm>> -> memref<1x2048xf32, #tpu.memory_space<hbm>>
    %dma_start3A_69 = tpu.memref_squeeze %dma_start3A_68 : memref<1x2048xf32, #tpu.memory_space<hbm>> -> memref<2048xf32, #tpu.memory_space<hbm>>
    tpu.enqueue_dma source(%dma_start3A_69 : memref<2048xf32, #tpu.memory_space<hbm>>) target(%dma_start3A_66 : memref<2048xf32, #tpu.memory_space<vmem>>) target_semaphore(%arg10 : memref<!tpu.dma_semaphore, #tpu.memory_space<semaphore_mem>>)
    %dma_start3A_70 = arith.constant 10240 : i32
    %dma_start3A_71 = tpu.memref_slice %arg6[%dma_start3A_70] : memref<16384xf32, #tpu.memory_space<vmem>> -> memref<2048xf32, #tpu.memory_space<vmem>>
    %dma_start3A_72 = arith.constant 0 : i32
    %dma_start3A_73 = tpu.memref_slice %arg2[%add3A_16, %dma_start3A_72] : memref<4096x2048xf32, #tpu.memory_space<hbm>> -> memref<1x2048xf32, #tpu.memory_space<hbm>>
    %dma_start3A_74 = tpu.memref_squeeze %dma_start3A_73 : memref<1x2048xf32, #tpu.memory_space<hbm>> -> memref<2048xf32, #tpu.memory_space<hbm>>
    %dma_start3A_75 = arith.constant 10240 : i32
    %dma_start3A_76 = tpu.memref_slice %arg6[%dma_start3A_75] : memref<16384xf32, #tpu.memory_space<vmem>> -> memref<2048xf32, #tpu.memory_space<vmem>>
    %dma_start3A_77 = arith.constant 0 : i32
    %dma_start3A_78 = tpu.memref_slice %arg2[%add3A_16, %dma_start3A_77] : memref<4096x2048xf32, #tpu.memory_space<hbm>> -> memref<1x2048xf32, #tpu.memory_space<hbm>>
    %dma_start3A_79 = tpu.memref_squeeze %dma_start3A_78 : memref<1x2048xf32, #tpu.memory_space<hbm>> -> memref<2048xf32, #tpu.memory_space<hbm>>
    tpu.enqueue_dma source(%dma_start3A_79 : memref<2048xf32, #tpu.memory_space<hbm>>) target(%dma_start3A_76 : memref<2048xf32, #tpu.memory_space<vmem>>) target_semaphore(%arg10 : memref<!tpu.dma_semaphore, #tpu.memory_space<semaphore_mem>>)
    %dma_start3A_80 = arith.constant 12288 : i32
    %dma_start3A_81 = tpu.memref_slice %arg6[%dma_start3A_80] : memref<16384xf32, #tpu.memory_space<vmem>> -> memref<2048xf32, #tpu.memory_space<vmem>>
    %dma_start3A_82 = arith.constant 0 : i32
    %dma_start3A_83 = tpu.memref_slice %arg2[%add3A_18, %dma_start3A_82] : memref<4096x2048xf32, #tpu.memory_space<hbm>> -> memref<1x2048xf32, #tpu.memory_space<hbm>>
    %dma_start3A_84 = tpu.memref_squeeze %dma_start3A_83 : memref<1x2048xf32, #tpu.memory_space<hbm>> -> memref<2048xf32, #tpu.memory_space<hbm>>
    %dma_start3A_85 = arith.constant 12288 : i32
    %dma_start3A_86 = tpu.memref_slice %arg6[%dma_start3A_85] : memref<16384xf32, #tpu.memory_space<vmem>> -> memref<2048xf32, #tpu.memory_space<vmem>>
    %dma_start3A_87 = arith.constant 0 : i32
    %dma_start3A_88 = tpu.memref_slice %arg2[%add3A_18, %dma_start3A_87] : memref<4096x2048xf32, #tpu.memory_space<hbm>> -> memref<1x2048xf32, #tpu.memory_space<hbm>>
    %dma_start3A_89 = tpu.memref_squeeze %dma_start3A_88 : memref<1x2048xf32, #tpu.memory_space<hbm>> -> memref<2048xf32, #tpu.memory_space<hbm>>
    tpu.enqueue_dma source(%dma_start3A_89 : memref<2048xf32, #tpu.memory_space<hbm>>) target(%dma_start3A_86 : memref<2048xf32, #tpu.memory_space<vmem>>) target_semaphore(%arg10 : memref<!tpu.dma_semaphore, #tpu.memory_space<semaphore_mem>>)
    %dma_start3A_90 = arith.constant 14336 : i32
    %dma_start3A_91 = tpu.memref_slice %arg6[%dma_start3A_90] : memref<16384xf32, #tpu.memory_space<vmem>> -> memref<2048xf32, #tpu.memory_space<vmem>>
    %dma_start3A_92 = arith.constant 0 : i32
    %dma_start3A_93 = tpu.memref_slice %arg2[%add3A_20, %dma_start3A_92] : memref<4096x2048xf32, #tpu.memory_space<hbm>> -> memref<1x2048xf32, #tpu.memory_space<hbm>>
    %dma_start3A_94 = tpu.memref_squeeze %dma_start3A_93 : memref<1x2048xf32, #tpu.memory_space<hbm>> -> memref<2048xf32, #tpu.memory_space<hbm>>
    %dma_start3A_95 = arith.constant 14336 : i32
    %dma_start3A_96 = tpu.memref_slice %arg6[%dma_start3A_95] : memref<16384xf32, #tpu.memory_space<vmem>> -> memref<2048xf32, #tpu.memory_space<vmem>>
    %dma_start3A_97 = arith.constant 0 : i32
    %dma_start3A_98 = tpu.memref_slice %arg2[%add3A_20, %dma_start3A_97] : memref<4096x2048xf32, #tpu.memory_space<hbm>> -> memref<1x2048xf32, #tpu.memory_space<hbm>>
    %dma_start3A_99 = tpu.memref_squeeze %dma_start3A_98 : memref<1x2048xf32, #tpu.memory_space<hbm>> -> memref<2048xf32, #tpu.memory_space<hbm>>
    tpu.enqueue_dma source(%dma_start3A_99 : memref<2048xf32, #tpu.memory_space<hbm>>) target(%dma_start3A_96 : memref<2048xf32, #tpu.memory_space<vmem>>) target_semaphore(%arg10 : memref<!tpu.dma_semaphore, #tpu.memory_space<semaphore_mem>>)
    %run_scoped3A = arith.constant 0 : i32
    "tpu.region"() ({
      %run_scoped3A_317 = tpu.sem_alloc : memref<!tpu.dma_semaphore, #tpu.memory_space<semaphore_mem>>
      %dma_start3A_318 = arith.constant 0 : i32
      %dma_start3A_319 = tpu.memref_slice %arg5[%dma_start3A_318] : memref<16384xi32, #tpu.memory_space<vmem>> -> memref<8192xi32, #tpu.memory_space<vmem>>
      %dma_start3A_320 = arith.constant 0 : i32
      %dma_start3A_321 = tpu.memref_slice %arg3[%run_scoped3A, %dma_start3A_320] : memref<2x8192xi32, #tpu.memory_space<hbm>> -> memref<1x8192xi32, #tpu.memory_space<hbm>>
      %dma_start3A_322 = tpu.memref_squeeze %dma_start3A_321 : memref<1x8192xi32, #tpu.memory_space<hbm>> -> memref<8192xi32, #tpu.memory_space<hbm>>
      %dma_start3A_323 = arith.constant 0 : i32
      %dma_start3A_324 = tpu.memref_slice %arg5[%dma_start3A_323] : memref<16384xi32, #tpu.memory_space<vmem>> -> memref<8192xi32, #tpu.memory_space<vmem>>
      %dma_start3A_325 = arith.constant 0 : i32
      %dma_start3A_326 = tpu.memref_slice %arg3[%run_scoped3A, %dma_start3A_325] : memref<2x8192xi32, #tpu.memory_space<hbm>> -> memref<1x8192xi32, #tpu.memory_space<hbm>>
      %dma_start3A_327 = tpu.memref_squeeze %dma_start3A_326 : memref<1x8192xi32, #tpu.memory_space<hbm>> -> memref<8192xi32, #tpu.memory_space<hbm>>
      tpu.enqueue_dma source(%dma_start3A_327 : memref<8192xi32, #tpu.memory_space<hbm>>) target(%dma_start3A_324 : memref<8192xi32, #tpu.memory_space<vmem>>) target_semaphore(%run_scoped3A_317 : memref<!tpu.dma_semaphore, #tpu.memory_space<semaphore_mem>>)
      %dma_wait3A_328 = arith.constant 0 : i32
      %dma_wait3A_329 = tpu.memref_slice %arg5[%dma_wait3A_328] : memref<16384xi32, #tpu.memory_space<vmem>> -> memref<8192xi32, #tpu.memory_space<vmem>>
      %dma_wait3A_330 = arith.constant 0 : i32
      %dma_wait3A_331 = tpu.memref_slice %arg3[%run_scoped3A, %dma_wait3A_330] : memref<2x8192xi32, #tpu.memory_space<hbm>> -> memref<1x8192xi32, #tpu.memory_space<hbm>>
      %dma_wait3A_332 = tpu.memref_squeeze %dma_wait3A_331 : memref<1x8192xi32, #tpu.memory_space<hbm>> -> memref<8192xi32, #tpu.memory_space<hbm>>
      %dma_wait3A_333 = arith.constant 0 : i32
      %dma_wait3A_334 = tpu.memref_slice %arg5[%dma_wait3A_333] : memref<16384xi32, #tpu.memory_space<vmem>> -> memref<8192xi32, #tpu.memory_space<vmem>>
      %dma_wait3A_335 = arith.constant 0 : i32
      %dma_wait3A_336 = tpu.memref_slice %arg3[%run_scoped3A, %dma_wait3A_335] : memref<2x8192xi32, #tpu.memory_space<hbm>> -> memref<1x8192xi32, #tpu.memory_space<hbm>>
      %dma_wait3A_337 = tpu.memref_squeeze %dma_wait3A_336 : memref<1x8192xi32, #tpu.memory_space<hbm>> -> memref<8192xi32, #tpu.memory_space<hbm>>
      tpu.wait_dma2 semaphore(%run_scoped3A_317 : memref<!tpu.dma_semaphore, #tpu.memory_space<semaphore_mem>>) src(%dma_wait3A_337 : memref<8192xi32, #tpu.memory_space<hbm>>) dst(%dma_wait3A_334 : memref<8192xi32, #tpu.memory_space<vmem>>)
      tpu.yield
    }) : () -> ()
    %run_scoped3A_100 = arith.constant 1 : i32
    "tpu.region"() ({
      %run_scoped3A_317 = tpu.sem_alloc : memref<!tpu.dma_semaphore, #tpu.memory_space<semaphore_mem>>
      %dma_start3A_318 = arith.constant 8192 : i32
      %dma_start3A_319 = tpu.memref_slice %arg5[%dma_start3A_318] : memref<16384xi32, #tpu.memory_space<vmem>> -> memref<8192xi32, #tpu.memory_space<vmem>>
      %dma_start3A_320 = arith.constant 0 : i32
      %dma_start3A_321 = tpu.memref_slice %arg3[%run_scoped3A_100, %dma_start3A_320] : memref<2x8192xi32, #tpu.memory_space<hbm>> -> memref<1x8192xi32, #tpu.memory_space<hbm>>
      %dma_start3A_322 = tpu.memref_squeeze %dma_start3A_321 : memref<1x8192xi32, #tpu.memory_space<hbm>> -> memref<8192xi32, #tpu.memory_space<hbm>>
      %dma_start3A_323 = arith.constant 8192 : i32
      %dma_start3A_324 = tpu.memref_slice %arg5[%dma_start3A_323] : memref<16384xi32, #tpu.memory_space<vmem>> -> memref<8192xi32, #tpu.memory_space<vmem>>
      %dma_start3A_325 = arith.constant 0 : i32
      %dma_start3A_326 = tpu.memref_slice %arg3[%run_scoped3A_100, %dma_start3A_325] : memref<2x8192xi32, #tpu.memory_space<hbm>> -> memref<1x8192xi32, #tpu.memory_space<hbm>>
      %dma_start3A_327 = tpu.memref_squeeze %dma_start3A_326 : memref<1x8192xi32, #tpu.memory_space<hbm>> -> memref<8192xi32, #tpu.memory_space<hbm>>
      tpu.enqueue_dma source(%dma_start3A_327 : memref<8192xi32, #tpu.memory_space<hbm>>) target(%dma_start3A_324 : memref<8192xi32, #tpu.memory_space<vmem>>) target_semaphore(%run_scoped3A_317 : memref<!tpu.dma_semaphore, #tpu.memory_space<semaphore_mem>>)
      %dma_wait3A_328 = arith.constant 8192 : i32
      %dma_wait3A_329 = tpu.memref_slice %arg5[%dma_wait3A_328] : memref<16384xi32, #tpu.memory_space<vmem>> -> memref<8192xi32, #tpu.memory_space<vmem>>
      %dma_wait3A_330 = arith.constant 0 : i32
      %dma_wait3A_331 = tpu.memref_slice %arg3[%run_scoped3A_100, %dma_wait3A_330] : memref<2x8192xi32, #tpu.memory_space<hbm>> -> memref<1x8192xi32, #tpu.memory_space<hbm>>
      %dma_wait3A_332 = tpu.memref_squeeze %dma_wait3A_331 : memref<1x8192xi32, #tpu.memory_space<hbm>> -> memref<8192xi32, #tpu.memory_space<hbm>>
      %dma_wait3A_333 = arith.constant 8192 : i32
      %dma_wait3A_334 = tpu.memref_slice %arg5[%dma_wait3A_333] : memref<16384xi32, #tpu.memory_space<vmem>> -> memref<8192xi32, #tpu.memory_space<vmem>>
      %dma_wait3A_335 = arith.constant 0 : i32
      %dma_wait3A_336 = tpu.memref_slice %arg3[%run_scoped3A_100, %dma_wait3A_335] : memref<2x8192xi32, #tpu.memory_space<hbm>> -> memref<1x8192xi32, #tpu.memory_space<hbm>>
      %dma_wait3A_337 = tpu.memref_squeeze %dma_wait3A_336 : memref<1x8192xi32, #tpu.memory_space<hbm>> -> memref<8192xi32, #tpu.memory_space<hbm>>
      tpu.wait_dma2 semaphore(%run_scoped3A_317 : memref<!tpu.dma_semaphore, #tpu.memory_space<semaphore_mem>>) src(%dma_wait3A_337 : memref<8192xi32, #tpu.memory_space<hbm>>) dst(%dma_wait3A_334 : memref<8192xi32, #tpu.memory_space<vmem>>)
      tpu.yield
    }) : () -> ()
    %scan3A = arith.constant 0 : i32
    %scan3A_101 = arith.constant 0 : i32
    %scan3A_102 = arith.constant 16 : i32
    %scan3A_103 = arith.addi %scan3A_101, %scan3A_102 : i32
    %scan3A_104 = arith.constant 1 : i32
    scf.for %scan3A_317 = %scan3A_101 to %scan3A_103 step %scan3A_104  : i32 {
      %rem3A = arith.constant 2 : i32
      %rem3A_318 = arith.remsi %scan3A_317, %rem3A : i32
      %eq3A = arith.constant 0 : i32
      %eq3A_319 = arith.cmpi eq, %rem3A_318, %eq3A : i32
      %convert_element_type3A = arith.extui %eq3A_319 : i1 to i32
      %cond3A = arith.constant 0 : i32
      %cond3A_320 = arith.cmpi ne, %convert_element_type3A, %cond3A : i32
      scf.if %cond3A_320 {
        %mul3A_326 = arith.constant 8 : i32
        %mul3A_327 = arith.muli %scan3A_317, %mul3A_326 : i32
        %add3A_328 = arith.addi %mul3A_2, %mul3A_327 : i32
        %add3A_329 = arith.constant 0 : i32
        %add3A_330 = arith.addi %add3A_328, %add3A_329 : i32
        %add3A_331 = arith.constant 1 : i32
        %add3A_332 = arith.addi %add3A_328, %add3A_331 : i32
        %add3A_333 = arith.constant 2 : i32
        %add3A_334 = arith.addi %add3A_328, %add3A_333 : i32
        %add3A_335 = arith.constant 3 : i32
        %add3A_336 = arith.addi %add3A_328, %add3A_335 : i32
        %add3A_337 = arith.constant 4 : i32
        %add3A_338 = arith.addi %add3A_328, %add3A_337 : i32
        %add3A_339 = arith.constant 5 : i32
        %add3A_340 = arith.addi %add3A_328, %add3A_339 : i32
        %add3A_341 = arith.constant 6 : i32
        %add3A_342 = arith.addi %add3A_328, %add3A_341 : i32
        %add3A_343 = arith.constant 7 : i32
        %add3A_344 = arith.addi %add3A_328, %add3A_343 : i32
        %dma_wait3A_345 = arith.constant 0 : i32
        %dma_wait3A_346 = tpu.memref_slice %arg6[%dma_wait3A_345] : memref<16384xf32, #tpu.memory_space<vmem>> -> memref<2048xf32, #tpu.memory_space<vmem>>
        %dma_wait3A_347 = arith.constant 0 : i32
        %dma_wait3A_348 = tpu.memref_slice %arg2[%add3A_330, %dma_wait3A_347] : memref<4096x2048xf32, #tpu.memory_space<hbm>> -> memref<1x2048xf32, #tpu.memory_space<hbm>>
        %dma_wait3A_349 = tpu.memref_squeeze %dma_wait3A_348 : memref<1x2048xf32, #tpu.memory_space<hbm>> -> memref<2048xf32, #tpu.memory_space<hbm>>
        %dma_wait3A_350 = arith.constant 0 : i32
        %dma_wait3A_351 = tpu.memref_slice %arg6[%dma_wait3A_350] : memref<16384xf32, #tpu.memory_space<vmem>> -> memref<2048xf32, #tpu.memory_space<vmem>>
        %dma_wait3A_352 = arith.constant 0 : i32
        %dma_wait3A_353 = tpu.memref_slice %arg2[%add3A_330, %dma_wait3A_352] : memref<4096x2048xf32, #tpu.memory_space<hbm>> -> memref<1x2048xf32, #tpu.memory_space<hbm>>
        %dma_wait3A_354 = tpu.memref_squeeze %dma_wait3A_353 : memref<1x2048xf32, #tpu.memory_space<hbm>> -> memref<2048xf32, #tpu.memory_space<hbm>>
        tpu.wait_dma2 semaphore(%arg10 : memref<!tpu.dma_semaphore, #tpu.memory_space<semaphore_mem>>) src(%dma_wait3A_354 : memref<2048xf32, #tpu.memory_space<hbm>>) dst(%dma_wait3A_351 : memref<2048xf32, #tpu.memory_space<vmem>>)
        %dma_wait3A_355 = arith.constant 2048 : i32
        %dma_wait3A_356 = tpu.memref_slice %arg6[%dma_wait3A_355] : memref<16384xf32, #tpu.memory_space<vmem>> -> memref<2048xf32, #tpu.memory_space<vmem>>
        %dma_wait3A_357 = arith.constant 0 : i32
        %dma_wait3A_358 = tpu.memref_slice %arg2[%add3A_332, %dma_wait3A_357] : memref<4096x2048xf32, #tpu.memory_space<hbm>> -> memref<1x2048xf32, #tpu.memory_space<hbm>>
        %dma_wait3A_359 = tpu.memref_squeeze %dma_wait3A_358 : memref<1x2048xf32, #tpu.memory_space<hbm>> -> memref<2048xf32, #tpu.memory_space<hbm>>
        %dma_wait3A_360 = arith.constant 2048 : i32
        %dma_wait3A_361 = tpu.memref_slice %arg6[%dma_wait3A_360] : memref<16384xf32, #tpu.memory_space<vmem>> -> memref<2048xf32, #tpu.memory_space<vmem>>
        %dma_wait3A_362 = arith.constant 0 : i32
        %dma_wait3A_363 = tpu.memref_slice %arg2[%add3A_332, %dma_wait3A_362] : memref<4096x2048xf32, #tpu.memory_space<hbm>> -> memref<1x2048xf32, #tpu.memory_space<hbm>>
        %dma_wait3A_364 = tpu.memref_squeeze %dma_wait3A_363 : memref<1x2048xf32, #tpu.memory_space<hbm>> -> memref<2048xf32, #tpu.memory_space<hbm>>
        tpu.wait_dma2 semaphore(%arg10 : memref<!tpu.dma_semaphore, #tpu.memory_space<semaphore_mem>>) src(%dma_wait3A_364 : memref<2048xf32, #tpu.memory_space<hbm>>) dst(%dma_wait3A_361 : memref<2048xf32, #tpu.memory_space<vmem>>)
        %dma_wait3A_365 = arith.constant 4096 : i32
        %dma_wait3A_366 = tpu.memref_slice %arg6[%dma_wait3A_365] : memref<16384xf32, #tpu.memory_space<vmem>> -> memref<2048xf32, #tpu.memory_space<vmem>>
        %dma_wait3A_367 = arith.constant 0 : i32
        %dma_wait3A_368 = tpu.memref_slice %arg2[%add3A_334, %dma_wait3A_367] : memref<4096x2048xf32, #tpu.memory_space<hbm>> -> memref<1x2048xf32, #tpu.memory_space<hbm>>
        %dma_wait3A_369 = tpu.memref_squeeze %dma_wait3A_368 : memref<1x2048xf32, #tpu.memory_space<hbm>> -> memref<2048xf32, #tpu.memory_space<hbm>>
        %dma_wait3A_370 = arith.constant 4096 : i32
        %dma_wait3A_371 = tpu.memref_slice %arg6[%dma_wait3A_370] : memref<16384xf32, #tpu.memory_space<vmem>> -> memref<2048xf32, #tpu.memory_space<vmem>>
        %dma_wait3A_372 = arith.constant 0 : i32
        %dma_wait3A_373 = tpu.memref_slice %arg2[%add3A_334, %dma_wait3A_372] : memref<4096x2048xf32, #tpu.memory_space<hbm>> -> memref<1x2048xf32, #tpu.memory_space<hbm>>
        %dma_wait3A_374 = tpu.memref_squeeze %dma_wait3A_373 : memref<1x2048xf32, #tpu.memory_space<hbm>> -> memref<2048xf32, #tpu.memory_space<hbm>>
        tpu.wait_dma2 semaphore(%arg10 : memref<!tpu.dma_semaphore, #tpu.memory_space<semaphore_mem>>) src(%dma_wait3A_374 : memref<2048xf32, #tpu.memory_space<hbm>>) dst(%dma_wait3A_371 : memref<2048xf32, #tpu.memory_space<vmem>>)
        %dma_wait3A_375 = arith.constant 6144 : i32
        %dma_wait3A_376 = tpu.memref_slice %arg6[%dma_wait3A_375] : memref<16384xf32, #tpu.memory_space<vmem>> -> memref<2048xf32, #tpu.memory_space<vmem>>
        %dma_wait3A_377 = arith.constant 0 : i32
        %dma_wait3A_378 = tpu.memref_slice %arg2[%add3A_336, %dma_wait3A_377] : memref<4096x2048xf32, #tpu.memory_space<hbm>> -> memref<1x2048xf32, #tpu.memory_space<hbm>>
        %dma_wait3A_379 = tpu.memref_squeeze %dma_wait3A_378 : memref<1x2048xf32, #tpu.memory_space<hbm>> -> memref<2048xf32, #tpu.memory_space<hbm>>
        %dma_wait3A_380 = arith.constant 6144 : i32
        %dma_wait3A_381 = tpu.memref_slice %arg6[%dma_wait3A_380] : memref<16384xf32, #tpu.memory_space<vmem>> -> memref<2048xf32, #tpu.memory_space<vmem>>
        %dma_wait3A_382 = arith.constant 0 : i32
        %dma_wait3A_383 = tpu.memref_slice %arg2[%add3A_336, %dma_wait3A_382] : memref<4096x2048xf32, #tpu.memory_space<hbm>> -> memref<1x2048xf32, #tpu.memory_space<hbm>>
        %dma_wait3A_384 = tpu.memref_squeeze %dma_wait3A_383 : memref<1x2048xf32, #tpu.memory_space<hbm>> -> memref<2048xf32, #tpu.memory_space<hbm>>
        tpu.wait_dma2 semaphore(%arg10 : memref<!tpu.dma_semaphore, #tpu.memory_space<semaphore_mem>>) src(%dma_wait3A_384 : memref<2048xf32, #tpu.memory_space<hbm>>) dst(%dma_wait3A_381 : memref<2048xf32, #tpu.memory_space<vmem>>)
        %dma_wait3A_385 = arith.constant 8192 : i32
        %dma_wait3A_386 = tpu.memref_slice %arg6[%dma_wait3A_385] : memref<16384xf32, #tpu.memory_space<vmem>> -> memref<2048xf32, #tpu.memory_space<vmem>>
        %dma_wait3A_387 = arith.constant 0 : i32
        %dma_wait3A_388 = tpu.memref_slice %arg2[%add3A_338, %dma_wait3A_387] : memref<4096x2048xf32, #tpu.memory_space<hbm>> -> memref<1x2048xf32, #tpu.memory_space<hbm>>
        %dma_wait3A_389 = tpu.memref_squeeze %dma_wait3A_388 : memref<1x2048xf32, #tpu.memory_space<hbm>> -> memref<2048xf32, #tpu.memory_space<hbm>>
        %dma_wait3A_390 = arith.constant 8192 : i32
        %dma_wait3A_391 = tpu.memref_slice %arg6[%dma_wait3A_390] : memref<16384xf32, #tpu.memory_space<vmem>> -> memref<2048xf32, #tpu.memory_space<vmem>>
        %dma_wait3A_392 = arith.constant 0 : i32
        %dma_wait3A_393 = tpu.memref_slice %arg2[%add3A_338, %dma_wait3A_392] : memref<4096x2048xf32, #tpu.memory_space<hbm>> -> memref<1x2048xf32, #tpu.memory_space<hbm>>
        %dma_wait3A_394 = tpu.memref_squeeze %dma_wait3A_393 : memref<1x2048xf32, #tpu.memory_space<hbm>> -> memref<2048xf32, #tpu.memory_space<hbm>>
        tpu.wait_dma2 semaphore(%arg10 : memref<!tpu.dma_semaphore, #tpu.memory_space<semaphore_mem>>) src(%dma_wait3A_394 : memref<2048xf32, #tpu.memory_space<hbm>>) dst(%dma_wait3A_391 : memref<2048xf32, #tpu.memory_space<vmem>>)
        %dma_wait3A_395 = arith.constant 10240 : i32
        %dma_wait3A_396 = tpu.memref_slice %arg6[%dma_wait3A_395] : memref<16384xf32, #tpu.memory_space<vmem>> -> memref<2048xf32, #tpu.memory_space<vmem>>
        %dma_wait3A_397 = arith.constant 0 : i32
        %dma_wait3A_398 = tpu.memref_slice %arg2[%add3A_340, %dma_wait3A_397] : memref<4096x2048xf32, #tpu.memory_space<hbm>> -> memref<1x2048xf32, #tpu.memory_space<hbm>>
        %dma_wait3A_399 = tpu.memref_squeeze %dma_wait3A_398 : memref<1x2048xf32, #tpu.memory_space<hbm>> -> memref<2048xf32, #tpu.memory_space<hbm>>
        %dma_wait3A_400 = arith.constant 10240 : i32
        %dma_wait3A_401 = tpu.memref_slice %arg6[%dma_wait3A_400] : memref<16384xf32, #tpu.memory_space<vmem>> -> memref<2048xf32, #tpu.memory_space<vmem>>
        %dma_wait3A_402 = arith.constant 0 : i32
        %dma_wait3A_403 = tpu.memref_slice %arg2[%add3A_340, %dma_wait3A_402] : memref<4096x2048xf32, #tpu.memory_space<hbm>> -> memref<1x2048xf32, #tpu.memory_space<hbm>>
        %dma_wait3A_404 = tpu.memref_squeeze %dma_wait3A_403 : memref<1x2048xf32, #tpu.memory_space<hbm>> -> memref<2048xf32, #tpu.memory_space<hbm>>
        tpu.wait_dma2 semaphore(%arg10 : memref<!tpu.dma_semaphore, #tpu.memory_space<semaphore_mem>>) src(%dma_wait3A_404 : memref<2048xf32, #tpu.memory_space<hbm>>) dst(%dma_wait3A_401 : memref<2048xf32, #tpu.memory_space<vmem>>)
        %dma_wait3A_405 = arith.constant 12288 : i32
        %dma_wait3A_406 = tpu.memref_slice %arg6[%dma_wait3A_405] : memref<16384xf32, #tpu.memory_space<vmem>> -> memref<2048xf32, #tpu.memory_space<vmem>>
        %dma_wait3A_407 = arith.constant 0 : i32
        %dma_wait3A_408 = tpu.memref_slice %arg2[%add3A_342, %dma_wait3A_407] : memref<4096x2048xf32, #tpu.memory_space<hbm>> -> memref<1x2048xf32, #tpu.memory_space<hbm>>
        %dma_wait3A_409 = tpu.memref_squeeze %dma_wait3A_408 : memref<1x2048xf32, #tpu.memory_space<hbm>> -> memref<2048xf32, #tpu.memory_space<hbm>>
        %dma_wait3A_410 = arith.constant 12288 : i32
        %dma_wait3A_411 = tpu.memref_slice %arg6[%dma_wait3A_410] : memref<16384xf32, #tpu.memory_space<vmem>> -> memref<2048xf32, #tpu.memory_space<vmem>>
        %dma_wait3A_412 = arith.constant 0 : i32
        %dma_wait3A_413 = tpu.memref_slice %arg2[%add3A_342, %dma_wait3A_412] : memref<4096x2048xf32, #tpu.memory_space<hbm>> -> memref<1x2048xf32, #tpu.memory_space<hbm>>
        %dma_wait3A_414 = tpu.memref_squeeze %dma_wait3A_413 : memref<1x2048xf32, #tpu.memory_space<hbm>> -> memref<2048xf32, #tpu.memory_space<hbm>>
        tpu.wait_dma2 semaphore(%arg10 : memref<!tpu.dma_semaphore, #tpu.memory_space<semaphore_mem>>) src(%dma_wait3A_414 : memref<2048xf32, #tpu.memory_space<hbm>>) dst(%dma_wait3A_411 : memref<2048xf32, #tpu.memory_space<vmem>>)
        %dma_wait3A_415 = arith.constant 14336 : i32
        %dma_wait3A_416 = tpu.memref_slice %arg6[%dma_wait3A_415] : memref<16384xf32, #tpu.memory_space<vmem>> -> memref<2048xf32, #tpu.memory_space<vmem>>
        %dma_wait3A_417 = arith.constant 0 : i32
        %dma_wait3A_418 = tpu.memref_slice %arg2[%add3A_344, %dma_wait3A_417] : memref<4096x2048xf32, #tpu.memory_space<hbm>> -> memref<1x2048xf32, #tpu.memory_space<hbm>>
        %dma_wait3A_419 = tpu.memref_squeeze %dma_wait3A_418 : memref<1x2048xf32, #tpu.memory_space<hbm>> -> memref<2048xf32, #tpu.memory_space<hbm>>
        %dma_wait3A_420 = arith.constant 14336 : i32
        %dma_wait3A_421 = tpu.memref_slice %arg6[%dma_wait3A_420] : memref<16384xf32, #tpu.memory_space<vmem>> -> memref<2048xf32, #tpu.memory_space<vmem>>
        %dma_wait3A_422 = arith.constant 0 : i32
        %dma_wait3A_423 = tpu.memref_slice %arg2[%add3A_344, %dma_wait3A_422] : memref<4096x2048xf32, #tpu.memory_space<hbm>> -> memref<1x2048xf32, #tpu.memory_space<hbm>>
        %dma_wait3A_424 = tpu.memref_squeeze %dma_wait3A_423 : memref<1x2048xf32, #tpu.memory_space<hbm>> -> memref<2048xf32, #tpu.memory_space<hbm>>
        tpu.wait_dma2 semaphore(%arg10 : memref<!tpu.dma_semaphore, #tpu.memory_space<semaphore_mem>>) src(%dma_wait3A_424 : memref<2048xf32, #tpu.memory_space<hbm>>) dst(%dma_wait3A_421 : memref<2048xf32, #tpu.memory_space<vmem>>)
        %add3A_425 = arith.constant 1 : i32
        %add3A_426 = arith.addi %scan3A_317, %add3A_425 : i32
        %lt3A = arith.constant 16 : i32
        %lt3A_427 = arith.cmpi slt, %add3A_426, %lt3A : i32
        %convert_element_type3A_428 = arith.extui %lt3A_427 : i1 to i32
        %cond3A_429 = arith.constant 0 : i32
        %cond3A_430 = arith.cmpi ne, %convert_element_type3A_428, %cond3A_429 : i32
        scf.if %cond3A_430 {
          %add3A_437 = arith.constant 1 : i32
          %add3A_438 = arith.addi %scan3A_317, %add3A_437 : i32
          %mul3A_439 = arith.constant 8 : i32
          %mul3A_440 = arith.muli %add3A_438, %mul3A_439 : i32
          %add3A_441 = arith.addi %mul3A_2, %mul3A_440 : i32
          %add3A_442 = arith.constant 0 : i32
          %add3A_443 = arith.addi %add3A_441, %add3A_442 : i32
          %add3A_444 = arith.constant 1 : i32
          %add3A_445 = arith.addi %add3A_441, %add3A_444 : i32
          %add3A_446 = arith.constant 2 : i32
          %add3A_447 = arith.addi %add3A_441, %add3A_446 : i32
          %add3A_448 = arith.constant 3 : i32
          %add3A_449 = arith.addi %add3A_441, %add3A_448 : i32
          %add3A_450 = arith.constant 4 : i32
          %add3A_451 = arith.addi %add3A_441, %add3A_450 : i32
          %add3A_452 = arith.constant 5 : i32
          %add3A_453 = arith.addi %add3A_441, %add3A_452 : i32
          %add3A_454 = arith.constant 6 : i32
          %add3A_455 = arith.addi %add3A_441, %add3A_454 : i32
          %add3A_456 = arith.constant 7 : i32
          %add3A_457 = arith.addi %add3A_441, %add3A_456 : i32
          %dma_start3A_458 = arith.constant 0 : i32
          %dma_start3A_459 = tpu.memref_slice %arg7[%dma_start3A_458] : memref<16384xf32, #tpu.memory_space<vmem>> -> memref<2048xf32, #tpu.memory_space<vmem>>
          %dma_start3A_460 = arith.constant 0 : i32
          %dma_start3A_461 = tpu.memref_slice %arg2[%add3A_443, %dma_start3A_460] : memref<4096x2048xf32, #tpu.memory_space<hbm>> -> memref<1x2048xf32, #tpu.memory_space<hbm>>
          %dma_start3A_462 = tpu.memref_squeeze %dma_start3A_461 : memref<1x2048xf32, #tpu.memory_space<hbm>> -> memref<2048xf32, #tpu.memory_space<hbm>>
          %dma_start3A_463 = arith.constant 0 : i32
          %dma_start3A_464 = tpu.memref_slice %arg7[%dma_start3A_463] : memref<16384xf32, #tpu.memory_space<vmem>> -> memref<2048xf32, #tpu.memory_space<vmem>>
          %dma_start3A_465 = arith.constant 0 : i32
          %dma_start3A_466 = tpu.memref_slice %arg2[%add3A_443, %dma_start3A_465] : memref<4096x2048xf32, #tpu.memory_space<hbm>> -> memref<1x2048xf32, #tpu.memory_space<hbm>>
          %dma_start3A_467 = tpu.memref_squeeze %dma_start3A_466 : memref<1x2048xf32, #tpu.memory_space<hbm>> -> memref<2048xf32, #tpu.memory_space<hbm>>
          tpu.enqueue_dma source(%dma_start3A_467 : memref<2048xf32, #tpu.memory_space<hbm>>) target(%dma_start3A_464 : memref<2048xf32, #tpu.memory_space<vmem>>) target_semaphore(%arg11 : memref<!tpu.dma_semaphore, #tpu.memory_space<semaphore_mem>>)
          %dma_start3A_468 = arith.constant 2048 : i32
          %dma_start3A_469 = tpu.memref_slice %arg7[%dma_start3A_468] : memref<16384xf32, #tpu.memory_space<vmem>> -> memref<2048xf32, #tpu.memory_space<vmem>>
          %dma_start3A_470 = arith.constant 0 : i32
          %dma_start3A_471 = tpu.memref_slice %arg2[%add3A_445, %dma_start3A_470] : memref<4096x2048xf32, #tpu.memory_space<hbm>> -> memref<1x2048xf32, #tpu.memory_space<hbm>>
          %dma_start3A_472 = tpu.memref_squeeze %dma_start3A_471 : memref<1x2048xf32, #tpu.memory_space<hbm>> -> memref<2048xf32, #tpu.memory_space<hbm>>
          %dma_start3A_473 = arith.constant 2048 : i32
          %dma_start3A_474 = tpu.memref_slice %arg7[%dma_start3A_473] : memref<16384xf32, #tpu.memory_space<vmem>> -> memref<2048xf32, #tpu.memory_space<vmem>>
          %dma_start3A_475 = arith.constant 0 : i32
          %dma_start3A_476 = tpu.memref_slice %arg2[%add3A_445, %dma_start3A_475] : memref<4096x2048xf32, #tpu.memory_space<hbm>> -> memref<1x2048xf32, #tpu.memory_space<hbm>>
          %dma_start3A_477 = tpu.memref_squeeze %dma_start3A_476 : memref<1x2048xf32, #tpu.memory_space<hbm>> -> memref<2048xf32, #tpu.memory_space<hbm>>
          tpu.enqueue_dma source(%dma_start3A_477 : memref<2048xf32, #tpu.memory_space<hbm>>) target(%dma_start3A_474 : memref<2048xf32, #tpu.memory_space<vmem>>) target_semaphore(%arg11 : memref<!tpu.dma_semaphore, #tpu.memory_space<semaphore_mem>>)
          %dma_start3A_478 = arith.constant 4096 : i32
          %dma_start3A_479 = tpu.memref_slice %arg7[%dma_start3A_478] : memref<16384xf32, #tpu.memory_space<vmem>> -> memref<2048xf32, #tpu.memory_space<vmem>>
          %dma_start3A_480 = arith.constant 0 : i32
          %dma_start3A_481 = tpu.memref_slice %arg2[%add3A_447, %dma_start3A_480] : memref<4096x2048xf32, #tpu.memory_space<hbm>> -> memref<1x2048xf32, #tpu.memory_space<hbm>>
          %dma_start3A_482 = tpu.memref_squeeze %dma_start3A_481 : memref<1x2048xf32, #tpu.memory_space<hbm>> -> memref<2048xf32, #tpu.memory_space<hbm>>
          %dma_start3A_483 = arith.constant 4096 : i32
          %dma_start3A_484 = tpu.memref_slice %arg7[%dma_start3A_483] : memref<16384xf32, #tpu.memory_space<vmem>> -> memref<2048xf32, #tpu.memory_space<vmem>>
          %dma_start3A_485 = arith.constant 0 : i32
          %dma_start3A_486 = tpu.memref_slice %arg2[%add3A_447, %dma_start3A_485] : memref<4096x2048xf32, #tpu.memory_space<hbm>> -> memref<1x2048xf32, #tpu.memory_space<hbm>>
          %dma_start3A_487 = tpu.memref_squeeze %dma_start3A_486 : memref<1x2048xf32, #tpu.memory_space<hbm>> -> memref<2048xf32, #tpu.memory_space<hbm>>
          tpu.enqueue_dma source(%dma_start3A_487 : memref<2048xf32, #tpu.memory_space<hbm>>) target(%dma_start3A_484 : memref<2048xf32, #tpu.memory_space<vmem>>) target_semaphore(%arg11 : memref<!tpu.dma_semaphore, #tpu.memory_space<semaphore_mem>>)
          %dma_start3A_488 = arith.constant 6144 : i32
          %dma_start3A_489 = tpu.memref_slice %arg7[%dma_start3A_488] : memref<16384xf32, #tpu.memory_space<vmem>> -> memref<2048xf32, #tpu.memory_space<vmem>>
          %dma_start3A_490 = arith.constant 0 : i32
          %dma_start3A_491 = tpu.memref_slice %arg2[%add3A_449, %dma_start3A_490] : memref<4096x2048xf32, #tpu.memory_space<hbm>> -> memref<1x2048xf32, #tpu.memory_space<hbm>>
          %dma_start3A_492 = tpu.memref_squeeze %dma_start3A_491 : memref<1x2048xf32, #tpu.memory_space<hbm>> -> memref<2048xf32, #tpu.memory_space<hbm>>
          %dma_start3A_493 = arith.constant 6144 : i32
          %dma_start3A_494 = tpu.memref_slice %arg7[%dma_start3A_493] : memref<16384xf32, #tpu.memory_space<vmem>> -> memref<2048xf32, #tpu.memory_space<vmem>>
          %dma_start3A_495 = arith.constant 0 : i32
          %dma_start3A_496 = tpu.memref_slice %arg2[%add3A_449, %dma_start3A_495] : memref<4096x2048xf32, #tpu.memory_space<hbm>> -> memref<1x2048xf32, #tpu.memory_space<hbm>>
          %dma_start3A_497 = tpu.memref_squeeze %dma_start3A_496 : memref<1x2048xf32, #tpu.memory_space<hbm>> -> memref<2048xf32, #tpu.memory_space<hbm>>
          tpu.enqueue_dma source(%dma_start3A_497 : memref<2048xf32, #tpu.memory_space<hbm>>) target(%dma_start3A_494 : memref<2048xf32, #tpu.memory_space<vmem>>) target_semaphore(%arg11 : memref<!tpu.dma_semaphore, #tpu.memory_space<semaphore_mem>>)
          %dma_start3A_498 = arith.constant 8192 : i32
          %dma_start3A_499 = tpu.memref_slice %arg7[%dma_start3A_498] : memref<16384xf32, #tpu.memory_space<vmem>> -> memref<2048xf32, #tpu.memory_space<vmem>>
          %dma_start3A_500 = arith.constant 0 : i32
          %dma_start3A_501 = tpu.memref_slice %arg2[%add3A_451, %dma_start3A_500] : memref<4096x2048xf32, #tpu.memory_space<hbm>> -> memref<1x2048xf32, #tpu.memory_space<hbm>>
          %dma_start3A_502 = tpu.memref_squeeze %dma_start3A_501 : memref<1x2048xf32, #tpu.memory_space<hbm>> -> memref<2048xf32, #tpu.memory_space<hbm>>
          %dma_start3A_503 = arith.constant 8192 : i32
          %dma_start3A_504 = tpu.memref_slice %arg7[%dma_start3A_503] : memref<16384xf32, #tpu.memory_space<vmem>> -> memref<2048xf32, #tpu.memory_space<vmem>>
          %dma_start3A_505 = arith.constant 0 : i32
          %dma_start3A_506 = tpu.memref_slice %arg2[%add3A_451, %dma_start3A_505] : memref<4096x2048xf32, #tpu.memory_space<hbm>> -> memref<1x2048xf32, #tpu.memory_space<hbm>>
          %dma_start3A_507 = tpu.memref_squeeze %dma_start3A_506 : memref<1x2048xf32, #tpu.memory_space<hbm>> -> memref<2048xf32, #tpu.memory_space<hbm>>
          tpu.enqueue_dma source(%dma_start3A_507 : memref<2048xf32, #tpu.memory_space<hbm>>) target(%dma_start3A_504 : memref<2048xf32, #tpu.memory_space<vmem>>) target_semaphore(%arg11 : memref<!tpu.dma_semaphore, #tpu.memory_space<semaphore_mem>>)
          %dma_start3A_508 = arith.constant 10240 : i32
          %dma_start3A_509 = tpu.memref_slice %arg7[%dma_start3A_508] : memref<16384xf32, #tpu.memory_space<vmem>> -> memref<2048xf32, #tpu.memory_space<vmem>>
          %dma_start3A_510 = arith.constant 0 : i32
          %dma_start3A_511 = tpu.memref_slice %arg2[%add3A_453, %dma_start3A_510] : memref<4096x2048xf32, #tpu.memory_space<hbm>> -> memref<1x2048xf32, #tpu.memory_space<hbm>>
          %dma_start3A_512 = tpu.memref_squeeze %dma_start3A_511 : memref<1x2048xf32, #tpu.memory_space<hbm>> -> memref<2048xf32, #tpu.memory_space<hbm>>
          %dma_start3A_513 = arith.constant 10240 : i32
          %dma_start3A_514 = tpu.memref_slice %arg7[%dma_start3A_513] : memref<16384xf32, #tpu.memory_space<vmem>> -> memref<2048xf32, #tpu.memory_space<vmem>>
          %dma_start3A_515 = arith.constant 0 : i32
          %dma_start3A_516 = tpu.memref_slice %arg2[%add3A_453, %dma_start3A_515] : memref<4096x2048xf32, #tpu.memory_space<hbm>> -> memref<1x2048xf32, #tpu.memory_space<hbm>>
          %dma_start3A_517 = tpu.memref_squeeze %dma_start3A_516 : memref<1x2048xf32, #tpu.memory_space<hbm>> -> memref<2048xf32, #tpu.memory_space<hbm>>
          tpu.enqueue_dma source(%dma_start3A_517 : memref<2048xf32, #tpu.memory_space<hbm>>) target(%dma_start3A_514 : memref<2048xf32, #tpu.memory_space<vmem>>) target_semaphore(%arg11 : memref<!tpu.dma_semaphore, #tpu.memory_space<semaphore_mem>>)
          %dma_start3A_518 = arith.constant 12288 : i32
          %dma_start3A_519 = tpu.memref_slice %arg7[%dma_start3A_518] : memref<16384xf32, #tpu.memory_space<vmem>> -> memref<2048xf32, #tpu.memory_space<vmem>>
          %dma_start3A_520 = arith.constant 0 : i32
          %dma_start3A_521 = tpu.memref_slice %arg2[%add3A_455, %dma_start3A_520] : memref<4096x2048xf32, #tpu.memory_space<hbm>> -> memref<1x2048xf32, #tpu.memory_space<hbm>>
          %dma_start3A_522 = tpu.memref_squeeze %dma_start3A_521 : memref<1x2048xf32, #tpu.memory_space<hbm>> -> memref<2048xf32, #tpu.memory_space<hbm>>
          %dma_start3A_523 = arith.constant 12288 : i32
          %dma_start3A_524 = tpu.memref_slice %arg7[%dma_start3A_523] : memref<16384xf32, #tpu.memory_space<vmem>> -> memref<2048xf32, #tpu.memory_space<vmem>>
          %dma_start3A_525 = arith.constant 0 : i32
          %dma_start3A_526 = tpu.memref_slice %arg2[%add3A_455, %dma_start3A_525] : memref<4096x2048xf32, #tpu.memory_space<hbm>> -> memref<1x2048xf32, #tpu.memory_space<hbm>>
          %dma_start3A_527 = tpu.memref_squeeze %dma_start3A_526 : memref<1x2048xf32, #tpu.memory_space<hbm>> -> memref<2048xf32, #tpu.memory_space<hbm>>
          tpu.enqueue_dma source(%dma_start3A_527 : memref<2048xf32, #tpu.memory_space<hbm>>) target(%dma_start3A_524 : memref<2048xf32, #tpu.memory_space<vmem>>) target_semaphore(%arg11 : memref<!tpu.dma_semaphore, #tpu.memory_space<semaphore_mem>>)
          %dma_start3A_528 = arith.constant 14336 : i32
          %dma_start3A_529 = tpu.memref_slice %arg7[%dma_start3A_528] : memref<16384xf32, #tpu.memory_space<vmem>> -> memref<2048xf32, #tpu.memory_space<vmem>>
          %dma_start3A_530 = arith.constant 0 : i32
          %dma_start3A_531 = tpu.memref_slice %arg2[%add3A_457, %dma_start3A_530] : memref<4096x2048xf32, #tpu.memory_space<hbm>> -> memref<1x2048xf32, #tpu.memory_space<hbm>>
          %dma_start3A_532 = tpu.memref_squeeze %dma_start3A_531 : memref<1x2048xf32, #tpu.memory_space<hbm>> -> memref<2048xf32, #tpu.memory_space<hbm>>
          %dma_start3A_533 = arith.constant 14336 : i32
          %dma_start3A_534 = tpu.memref_slice %arg7[%dma_start3A_533] : memref<16384xf32, #tpu.memory_space<vmem>> -> memref<2048xf32, #tpu.memory_space<vmem>>
          %dma_start3A_535 = arith.constant 0 : i32
          %dma_start3A_536 = tpu.memref_slice %arg2[%add3A_457, %dma_start3A_535] : memref<4096x2048xf32, #tpu.memory_space<hbm>> -> memref<1x2048xf32, #tpu.memory_space<hbm>>
          %dma_start3A_537 = tpu.memref_squeeze %dma_start3A_536 : memref<1x2048xf32, #tpu.memory_space<hbm>> -> memref<2048xf32, #tpu.memory_space<hbm>>
          tpu.enqueue_dma source(%dma_start3A_537 : memref<2048xf32, #tpu.memory_space<hbm>>) target(%dma_start3A_534 : memref<2048xf32, #tpu.memory_space<vmem>>) target_semaphore(%arg11 : memref<!tpu.dma_semaphore, #tpu.memory_space<semaphore_mem>>)
        } else {
        }
        %scan3A_431 = arith.constant 0 : i32
        %scan3A_432 = arith.constant 0 : i32
        %scan3A_433 = arith.constant 2 : i32
        %scan3A_434 = arith.addi %scan3A_432, %scan3A_433 : i32
        %scan3A_435 = arith.constant 1 : i32
        scf.for %scan3A_437 = %scan3A_432 to %scan3A_434 step %scan3A_435  : i32 {
          %mul3A_438 = arith.constant 2 : i32
          %mul3A_439 = arith.muli %scan3A_437, %mul3A_438 : i32
          %add3A_440 = arith.constant 0 : i32
          %add3A_441 = arith.addi %mul3A_439, %add3A_440 : i32
          %ge3A = arith.constant 1 : i32
          %ge3A_442 = arith.cmpi sge, %scan3A_317, %ge3A : i32
          %ge3A_443 = arith.constant 1 : i32
          %ge3A_444 = arith.cmpi sge, %scan3A_437, %ge3A_443 : i32
          %or3A = arith.ori %ge3A_442, %ge3A_444 : i1
          %convert_element_type3A_445 = arith.extui %or3A : i1 to i32
          %cond3A_446 = arith.constant 0 : i32
          %cond3A_447 = arith.cmpi ne, %convert_element_type3A_445, %cond3A_446 : i32
          scf.if %cond3A_447 {
            %mul3A_1296 = arith.constant 8 : i32
            %mul3A_1297 = arith.muli %scan3A_317, %mul3A_1296 : i32
            %add3A_1298 = arith.addi %mul3A_2, %mul3A_1297 : i32
            %add3A_1299 = arith.constant 0 : i32
            %add3A_1300 = arith.addi %add3A_1298, %add3A_1299 : i32
            %jit3A_1301 = arith.constant 2 : i32
            %div3A_1302 = arith.divsi %add3A_441, %jit3A_1301 : i32
            %sign3A_1303 = arith.constant 0 : i32
            %sign3A_1304 = arith.cmpi sgt, %add3A_441, %sign3A_1303 : i32
            %sign3A_1305 = arith.extui %sign3A_1304 : i1 to i32
            %sign3A_1306 = arith.constant 0 : i32
            %sign3A_1307 = arith.cmpi slt, %add3A_441, %sign3A_1306 : i32
            %sign3A_1308 = arith.extui %sign3A_1307 : i1 to i32
            %sign3A_1309 = arith.subi %sign3A_1305, %sign3A_1308 : i32
            %sign3A_1310 = arith.constant 0 : i32
            %sign3A_1311 = arith.cmpi sgt, %jit3A_1301, %sign3A_1310 : i32
            %sign3A_1312 = arith.extui %sign3A_1311 : i1 to i32
            %sign3A_1313 = arith.constant 0 : i32
            %sign3A_1314 = arith.cmpi slt, %jit3A_1301, %sign3A_1313 : i32
            %sign3A_1315 = arith.extui %sign3A_1314 : i1 to i32
            %sign3A_1316 = arith.subi %sign3A_1312, %sign3A_1315 : i32
            %ne3A_1317 = arith.cmpi ne, %sign3A_1309, %sign3A_1316 : i32
            %rem3A_1318 = arith.remsi %add3A_441, %jit3A_1301 : i32
            %ne3A_1319 = arith.constant 0 : i32
            %ne3A_1320 = arith.cmpi ne, %rem3A_1318, %ne3A_1319 : i32
            %and3A_1321 = arith.andi %ne3A_1317, %ne3A_1320 : i1
            %sub3A_1322 = arith.constant 1 : i32
            %sub3A_1323 = arith.subi %div3A_1302, %sub3A_1322 : i32
            %select_n3A_1324 = arith.select %and3A_1321, %sub3A_1323, %div3A_1302 : i32
            %jit3A_1325 = arith.constant 2 : i32
            %eq3A_1326 = arith.constant 0 : i32
            %eq3A_1327 = arith.cmpi eq, %jit3A_1325, %eq3A_1326 : i32
            %jit3A_1328 = arith.constant 1 : i32
            %select_n3A_1329 = arith.select %eq3A_1327, %jit3A_1328, %jit3A_1325 : i32
            %rem3A_1330 = arith.remsi %add3A_441, %select_n3A_1329 : i32
            %ne3A_1331 = arith.constant 0 : i32
            %ne3A_1332 = arith.cmpi ne, %rem3A_1330, %ne3A_1331 : i32
            %lt3A_1333 = arith.constant 0 : i32
            %lt3A_1334 = arith.cmpi slt, %rem3A_1330, %lt3A_1333 : i32
            %lt3A_1335 = arith.constant 0 : i32
            %lt3A_1336 = arith.cmpi slt, %select_n3A_1329, %lt3A_1335 : i32
            %ne3A_1337 = arith.xori %lt3A_1334, %lt3A_1336 : i1
            %and3A_1338 = arith.andi %ne3A_1337, %ne3A_1332 : i1
            %add3A_1339 = arith.addi %rem3A_1330, %select_n3A_1329 : i32
            %select_n3A_1340 = arith.select %and3A_1338, %add3A_1339, %rem3A_1330 : i32
            %mul3A_1341 = arith.constant 4096 : i32
            %mul3A_1342 = arith.muli %select_n3A_1340, %mul3A_1341 : i32
            %add3A_1343 = arith.constant 1 : i32
            %add3A_1344 = arith.addi %add3A_1298, %add3A_1343 : i32
            %jit3A_1345 = arith.constant 2 : i32
            %div3A_1346 = arith.divsi %add3A_441, %jit3A_1345 : i32
            %sign3A_1347 = arith.constant 0 : i32
            %sign3A_1348 = arith.cmpi sgt, %add3A_441, %sign3A_1347 : i32
            %sign3A_1349 = arith.extui %sign3A_1348 : i1 to i32
            %sign3A_1350 = arith.constant 0 : i32
            %sign3A_1351 = arith.cmpi slt, %add3A_441, %sign3A_1350 : i32
            %sign3A_1352 = arith.extui %sign3A_1351 : i1 to i32
            %sign3A_1353 = arith.subi %sign3A_1349, %sign3A_1352 : i32
            %sign3A_1354 = arith.constant 0 : i32
            %sign3A_1355 = arith.cmpi sgt, %jit3A_1345, %sign3A_1354 : i32
            %sign3A_1356 = arith.extui %sign3A_1355 : i1 to i32
            %sign3A_1357 = arith.constant 0 : i32
            %sign3A_1358 = arith.cmpi slt, %jit3A_1345, %sign3A_1357 : i32
            %sign3A_1359 = arith.extui %sign3A_1358 : i1 to i32
            %sign3A_1360 = arith.subi %sign3A_1356, %sign3A_1359 : i32
            %ne3A_1361 = arith.cmpi ne, %sign3A_1353, %sign3A_1360 : i32
            %rem3A_1362 = arith.remsi %add3A_441, %jit3A_1345 : i32
            %ne3A_1363 = arith.constant 0 : i32
            %ne3A_1364 = arith.cmpi ne, %rem3A_1362, %ne3A_1363 : i32
            %and3A_1365 = arith.andi %ne3A_1361, %ne3A_1364 : i1
            %sub3A_1366 = arith.constant 1 : i32
            %sub3A_1367 = arith.subi %div3A_1346, %sub3A_1366 : i32
            %select_n3A_1368 = arith.select %and3A_1365, %sub3A_1367, %div3A_1346 : i32
            %jit3A_1369 = arith.constant 2 : i32
            %eq3A_1370 = arith.constant 0 : i32
            %eq3A_1371 = arith.cmpi eq, %jit3A_1369, %eq3A_1370 : i32
            %jit3A_1372 = arith.constant 1 : i32
            %select_n3A_1373 = arith.select %eq3A_1371, %jit3A_1372, %jit3A_1369 : i32
            %rem3A_1374 = arith.remsi %add3A_441, %select_n3A_1373 : i32
            %ne3A_1375 = arith.constant 0 : i32
            %ne3A_1376 = arith.cmpi ne, %rem3A_1374, %ne3A_1375 : i32
            %lt3A_1377 = arith.constant 0 : i32
            %lt3A_1378 = arith.cmpi slt, %rem3A_1374, %lt3A_1377 : i32
            %lt3A_1379 = arith.constant 0 : i32
            %lt3A_1380 = arith.cmpi slt, %select_n3A_1373, %lt3A_1379 : i32
            %ne3A_1381 = arith.xori %lt3A_1378, %lt3A_1380 : i1
            %and3A_1382 = arith.andi %ne3A_1381, %ne3A_1376 : i1
            %add3A_1383 = arith.addi %rem3A_1374, %select_n3A_1373 : i32
            %select_n3A_1384 = arith.select %and3A_1382, %add3A_1383, %rem3A_1374 : i32
            %mul3A_1385 = arith.constant 4096 : i32
            %mul3A_1386 = arith.muli %select_n3A_1384, %mul3A_1385 : i32
            %add3A_1387 = arith.constant 2 : i32
            %add3A_1388 = arith.addi %add3A_1298, %add3A_1387 : i32
            %jit3A_1389 = arith.constant 2 : i32
            %div3A_1390 = arith.divsi %add3A_441, %jit3A_1389 : i32
            %sign3A_1391 = arith.constant 0 : i32
            %sign3A_1392 = arith.cmpi sgt, %add3A_441, %sign3A_1391 : i32
            %sign3A_1393 = arith.extui %sign3A_1392 : i1 to i32
            %sign3A_1394 = arith.constant 0 : i32
            %sign3A_1395 = arith.cmpi slt, %add3A_441, %sign3A_1394 : i32
            %sign3A_1396 = arith.extui %sign3A_1395 : i1 to i32
            %sign3A_1397 = arith.subi %sign3A_1393, %sign3A_1396 : i32
            %sign3A_1398 = arith.constant 0 : i32
            %sign3A_1399 = arith.cmpi sgt, %jit3A_1389, %sign3A_1398 : i32
            %sign3A_1400 = arith.extui %sign3A_1399 : i1 to i32
            %sign3A_1401 = arith.constant 0 : i32
            %sign3A_1402 = arith.cmpi slt, %jit3A_1389, %sign3A_1401 : i32
            %sign3A_1403 = arith.extui %sign3A_1402 : i1 to i32
            %sign3A_1404 = arith.subi %sign3A_1400, %sign3A_1403 : i32
            %ne3A_1405 = arith.cmpi ne, %sign3A_1397, %sign3A_1404 : i32
            %rem3A_1406 = arith.remsi %add3A_441, %jit3A_1389 : i32
            %ne3A_1407 = arith.constant 0 : i32
            %ne3A_1408 = arith.cmpi ne, %rem3A_1406, %ne3A_1407 : i32
            %and3A_1409 = arith.andi %ne3A_1405, %ne3A_1408 : i1
            %sub3A_1410 = arith.constant 1 : i32
            %sub3A_1411 = arith.subi %div3A_1390, %sub3A_1410 : i32
            %select_n3A_1412 = arith.select %and3A_1409, %sub3A_1411, %div3A_1390 : i32
            %jit3A_1413 = arith.constant 2 : i32
            %eq3A_1414 = arith.constant 0 : i32
            %eq3A_1415 = arith.cmpi eq, %jit3A_1413, %eq3A_1414 : i32
            %jit3A_1416 = arith.constant 1 : i32
            %select_n3A_1417 = arith.select %eq3A_1415, %jit3A_1416, %jit3A_1413 : i32
            %rem3A_1418 = arith.remsi %add3A_441, %select_n3A_1417 : i32
            %ne3A_1419 = arith.constant 0 : i32
            %ne3A_1420 = arith.cmpi ne, %rem3A_1418, %ne3A_1419 : i32
            %lt3A_1421 = arith.constant 0 : i32
            %lt3A_1422 = arith.cmpi slt, %rem3A_1418, %lt3A_1421 : i32
            %lt3A_1423 = arith.constant 0 : i32
            %lt3A_1424 = arith.cmpi slt, %select_n3A_1417, %lt3A_1423 : i32
            %ne3A_1425 = arith.xori %lt3A_1422, %lt3A_1424 : i1
            %and3A_1426 = arith.andi %ne3A_1425, %ne3A_1420 : i1
            %add3A_1427 = arith.addi %rem3A_1418, %select_n3A_1417 : i32
            %select_n3A_1428 = arith.select %and3A_1426, %add3A_1427, %rem3A_1418 : i32
            %mul3A_1429 = arith.constant 4096 : i32
            %mul3A_1430 = arith.muli %select_n3A_1428, %mul3A_1429 : i32
            %add3A_1431 = arith.constant 3 : i32
            %add3A_1432 = arith.addi %add3A_1298, %add3A_1431 : i32
            %jit3A_1433 = arith.constant 2 : i32
            %div3A_1434 = arith.divsi %add3A_441, %jit3A_1433 : i32
            %sign3A_1435 = arith.constant 0 : i32
            %sign3A_1436 = arith.cmpi sgt, %add3A_441, %sign3A_1435 : i32
            %sign3A_1437 = arith.extui %sign3A_1436 : i1 to i32
            %sign3A_1438 = arith.constant 0 : i32
            %sign3A_1439 = arith.cmpi slt, %add3A_441, %sign3A_1438 : i32
            %sign3A_1440 = arith.extui %sign3A_1439 : i1 to i32
            %sign3A_1441 = arith.subi %sign3A_1437, %sign3A_1440 : i32
            %sign3A_1442 = arith.constant 0 : i32
            %sign3A_1443 = arith.cmpi sgt, %jit3A_1433, %sign3A_1442 : i32
            %sign3A_1444 = arith.extui %sign3A_1443 : i1 to i32
            %sign3A_1445 = arith.constant 0 : i32
            %sign3A_1446 = arith.cmpi slt, %jit3A_1433, %sign3A_1445 : i32
            %sign3A_1447 = arith.extui %sign3A_1446 : i1 to i32
            %sign3A_1448 = arith.subi %sign3A_1444, %sign3A_1447 : i32
            %ne3A_1449 = arith.cmpi ne, %sign3A_1441, %sign3A_1448 : i32
            %rem3A_1450 = arith.remsi %add3A_441, %jit3A_1433 : i32
            %ne3A_1451 = arith.constant 0 : i32
            %ne3A_1452 = arith.cmpi ne, %rem3A_1450, %ne3A_1451 : i32
            %and3A_1453 = arith.andi %ne3A_1449, %ne3A_1452 : i1
            %sub3A_1454 = arith.constant 1 : i32
            %sub3A_1455 = arith.subi %div3A_1434, %sub3A_1454 : i32
            %select_n3A_1456 = arith.select %and3A_1453, %sub3A_1455, %div3A_1434 : i32
            %jit3A_1457 = arith.constant 2 : i32
            %eq3A_1458 = arith.constant 0 : i32
            %eq3A_1459 = arith.cmpi eq, %jit3A_1457, %eq3A_1458 : i32
            %jit3A_1460 = arith.constant 1 : i32
            %select_n3A_1461 = arith.select %eq3A_1459, %jit3A_1460, %jit3A_1457 : i32
            %rem3A_1462 = arith.remsi %add3A_441, %select_n3A_1461 : i32
            %ne3A_1463 = arith.constant 0 : i32
            %ne3A_1464 = arith.cmpi ne, %rem3A_1462, %ne3A_1463 : i32
            %lt3A_1465 = arith.constant 0 : i32
            %lt3A_1466 = arith.cmpi slt, %rem3A_1462, %lt3A_1465 : i32
            %lt3A_1467 = arith.constant 0 : i32
            %lt3A_1468 = arith.cmpi slt, %select_n3A_1461, %lt3A_1467 : i32
            %ne3A_1469 = arith.xori %lt3A_1466, %lt3A_1468 : i1
            %and3A_1470 = arith.andi %ne3A_1469, %ne3A_1464 : i1
            %add3A_1471 = arith.addi %rem3A_1462, %select_n3A_1461 : i32
            %select_n3A_1472 = arith.select %and3A_1470, %add3A_1471, %rem3A_1462 : i32
            %mul3A_1473 = arith.constant 4096 : i32
            %mul3A_1474 = arith.muli %select_n3A_1472, %mul3A_1473 : i32
            %add3A_1475 = arith.constant 4 : i32
            %add3A_1476 = arith.addi %add3A_1298, %add3A_1475 : i32
            %jit3A_1477 = arith.constant 2 : i32
            %div3A_1478 = arith.divsi %add3A_441, %jit3A_1477 : i32
            %sign3A_1479 = arith.constant 0 : i32
            %sign3A_1480 = arith.cmpi sgt, %add3A_441, %sign3A_1479 : i32
            %sign3A_1481 = arith.extui %sign3A_1480 : i1 to i32
            %sign3A_1482 = arith.constant 0 : i32
            %sign3A_1483 = arith.cmpi slt, %add3A_441, %sign3A_1482 : i32
            %sign3A_1484 = arith.extui %sign3A_1483 : i1 to i32
            %sign3A_1485 = arith.subi %sign3A_1481, %sign3A_1484 : i32
            %sign3A_1486 = arith.constant 0 : i32
            %sign3A_1487 = arith.cmpi sgt, %jit3A_1477, %sign3A_1486 : i32
            %sign3A_1488 = arith.extui %sign3A_1487 : i1 to i32
            %sign3A_1489 = arith.constant 0 : i32
            %sign3A_1490 = arith.cmpi slt, %jit3A_1477, %sign3A_1489 : i32
            %sign3A_1491 = arith.extui %sign3A_1490 : i1 to i32
            %sign3A_1492 = arith.subi %sign3A_1488, %sign3A_1491 : i32
            %ne3A_1493 = arith.cmpi ne, %sign3A_1485, %sign3A_1492 : i32
            %rem3A_1494 = arith.remsi %add3A_441, %jit3A_1477 : i32
            %ne3A_1495 = arith.constant 0 : i32
            %ne3A_1496 = arith.cmpi ne, %rem3A_1494, %ne3A_1495 : i32
            %and3A_1497 = arith.andi %ne3A_1493, %ne3A_1496 : i1
            %sub3A_1498 = arith.constant 1 : i32
            %sub3A_1499 = arith.subi %div3A_1478, %sub3A_1498 : i32
            %select_n3A_1500 = arith.select %and3A_1497, %sub3A_1499, %div3A_1478 : i32
            %jit3A_1501 = arith.constant 2 : i32
            %eq3A_1502 = arith.constant 0 : i32
            %eq3A_1503 = arith.cmpi eq, %jit3A_1501, %eq3A_1502 : i32
            %jit3A_1504 = arith.constant 1 : i32
            %select_n3A_1505 = arith.select %eq3A_1503, %jit3A_1504, %jit3A_1501 : i32
            %rem3A_1506 = arith.remsi %add3A_441, %select_n3A_1505 : i32
            %ne3A_1507 = arith.constant 0 : i32
            %ne3A_1508 = arith.cmpi ne, %rem3A_1506, %ne3A_1507 : i32
            %lt3A_1509 = arith.constant 0 : i32
            %lt3A_1510 = arith.cmpi slt, %rem3A_1506, %lt3A_1509 : i32
            %lt3A_1511 = arith.constant 0 : i32
            %lt3A_1512 = arith.cmpi slt, %select_n3A_1505, %lt3A_1511 : i32
            %ne3A_1513 = arith.xori %lt3A_1510, %lt3A_1512 : i1
            %and3A_1514 = arith.andi %ne3A_1513, %ne3A_1508 : i1
            %add3A_1515 = arith.addi %rem3A_1506, %select_n3A_1505 : i32
            %select_n3A_1516 = arith.select %and3A_1514, %add3A_1515, %rem3A_1506 : i32
            %mul3A_1517 = arith.constant 4096 : i32
            %mul3A_1518 = arith.muli %select_n3A_1516, %mul3A_1517 : i32
            %add3A_1519 = arith.constant 5 : i32
            %add3A_1520 = arith.addi %add3A_1298, %add3A_1519 : i32
            %jit3A_1521 = arith.constant 2 : i32
            %div3A_1522 = arith.divsi %add3A_441, %jit3A_1521 : i32
            %sign3A_1523 = arith.constant 0 : i32
            %sign3A_1524 = arith.cmpi sgt, %add3A_441, %sign3A_1523 : i32
            %sign3A_1525 = arith.extui %sign3A_1524 : i1 to i32
            %sign3A_1526 = arith.constant 0 : i32
            %sign3A_1527 = arith.cmpi slt, %add3A_441, %sign3A_1526 : i32
            %sign3A_1528 = arith.extui %sign3A_1527 : i1 to i32
            %sign3A_1529 = arith.subi %sign3A_1525, %sign3A_1528 : i32
            %sign3A_1530 = arith.constant 0 : i32
            %sign3A_1531 = arith.cmpi sgt, %jit3A_1521, %sign3A_1530 : i32
            %sign3A_1532 = arith.extui %sign3A_1531 : i1 to i32
            %sign3A_1533 = arith.constant 0 : i32
            %sign3A_1534 = arith.cmpi slt, %jit3A_1521, %sign3A_1533 : i32
            %sign3A_1535 = arith.extui %sign3A_1534 : i1 to i32
            %sign3A_1536 = arith.subi %sign3A_1532, %sign3A_1535 : i32
            %ne3A_1537 = arith.cmpi ne, %sign3A_1529, %sign3A_1536 : i32
            %rem3A_1538 = arith.remsi %add3A_441, %jit3A_1521 : i32
            %ne3A_1539 = arith.constant 0 : i32
            %ne3A_1540 = arith.cmpi ne, %rem3A_1538, %ne3A_1539 : i32
            %and3A_1541 = arith.andi %ne3A_1537, %ne3A_1540 : i1
            %sub3A_1542 = arith.constant 1 : i32
            %sub3A_1543 = arith.subi %div3A_1522, %sub3A_1542 : i32
            %select_n3A_1544 = arith.select %and3A_1541, %sub3A_1543, %div3A_1522 : i32
            %jit3A_1545 = arith.constant 2 : i32
            %eq3A_1546 = arith.constant 0 : i32
            %eq3A_1547 = arith.cmpi eq, %jit3A_1545, %eq3A_1546 : i32
            %jit3A_1548 = arith.constant 1 : i32
            %select_n3A_1549 = arith.select %eq3A_1547, %jit3A_1548, %jit3A_1545 : i32
            %rem3A_1550 = arith.remsi %add3A_441, %select_n3A_1549 : i32
            %ne3A_1551 = arith.constant 0 : i32
            %ne3A_1552 = arith.cmpi ne, %rem3A_1550, %ne3A_1551 : i32
            %lt3A_1553 = arith.constant 0 : i32
            %lt3A_1554 = arith.cmpi slt, %rem3A_1550, %lt3A_1553 : i32
            %lt3A_1555 = arith.constant 0 : i32
            %lt3A_1556 = arith.cmpi slt, %select_n3A_1549, %lt3A_1555 : i32
            %ne3A_1557 = arith.xori %lt3A_1554, %lt3A_1556 : i1
            %and3A_1558 = arith.andi %ne3A_1557, %ne3A_1552 : i1
            %add3A_1559 = arith.addi %rem3A_1550, %select_n3A_1549 : i32
            %select_n3A_1560 = arith.select %and3A_1558, %add3A_1559, %rem3A_1550 : i32
            %mul3A_1561 = arith.constant 4096 : i32
            %mul3A_1562 = arith.muli %select_n3A_1560, %mul3A_1561 : i32
            %add3A_1563 = arith.constant 6 : i32
            %add3A_1564 = arith.addi %add3A_1298, %add3A_1563 : i32
            %jit3A_1565 = arith.constant 2 : i32
            %div3A_1566 = arith.divsi %add3A_441, %jit3A_1565 : i32
            %sign3A_1567 = arith.constant 0 : i32
            %sign3A_1568 = arith.cmpi sgt, %add3A_441, %sign3A_1567 : i32
            %sign3A_1569 = arith.extui %sign3A_1568 : i1 to i32
            %sign3A_1570 = arith.constant 0 : i32
            %sign3A_1571 = arith.cmpi slt, %add3A_441, %sign3A_1570 : i32
            %sign3A_1572 = arith.extui %sign3A_1571 : i1 to i32
            %sign3A_1573 = arith.subi %sign3A_1569, %sign3A_1572 : i32
            %sign3A_1574 = arith.constant 0 : i32
            %sign3A_1575 = arith.cmpi sgt, %jit3A_1565, %sign3A_1574 : i32
            %sign3A_1576 = arith.extui %sign3A_1575 : i1 to i32
            %sign3A_1577 = arith.constant 0 : i32
            %sign3A_1578 = arith.cmpi slt, %jit3A_1565, %sign3A_1577 : i32
            %sign3A_1579 = arith.extui %sign3A_1578 : i1 to i32
            %sign3A_1580 = arith.subi %sign3A_1576, %sign3A_1579 : i32
            %ne3A_1581 = arith.cmpi ne, %sign3A_1573, %sign3A_1580 : i32
            %rem3A_1582 = arith.remsi %add3A_441, %jit3A_1565 : i32
            %ne3A_1583 = arith.constant 0 : i32
            %ne3A_1584 = arith.cmpi ne, %rem3A_1582, %ne3A_1583 : i32
            %and3A_1585 = arith.andi %ne3A_1581, %ne3A_1584 : i1
            %sub3A_1586 = arith.constant 1 : i32
            %sub3A_1587 = arith.subi %div3A_1566, %sub3A_1586 : i32
            %select_n3A_1588 = arith.select %and3A_1585, %sub3A_1587, %div3A_1566 : i32
            %jit3A_1589 = arith.constant 2 : i32
            %eq3A_1590 = arith.constant 0 : i32
            %eq3A_1591 = arith.cmpi eq, %jit3A_1589, %eq3A_1590 : i32
            %jit3A_1592 = arith.constant 1 : i32
            %select_n3A_1593 = arith.select %eq3A_1591, %jit3A_1592, %jit3A_1589 : i32
            %rem3A_1594 = arith.remsi %add3A_441, %select_n3A_1593 : i32
            %ne3A_1595 = arith.constant 0 : i32
            %ne3A_1596 = arith.cmpi ne, %rem3A_1594, %ne3A_1595 : i32
            %lt3A_1597 = arith.constant 0 : i32
            %lt3A_1598 = arith.cmpi slt, %rem3A_1594, %lt3A_1597 : i32
            %lt3A_1599 = arith.constant 0 : i32
            %lt3A_1600 = arith.cmpi slt, %select_n3A_1593, %lt3A_1599 : i32
            %ne3A_1601 = arith.xori %lt3A_1598, %lt3A_1600 : i1
            %and3A_1602 = arith.andi %ne3A_1601, %ne3A_1596 : i1
            %add3A_1603 = arith.addi %rem3A_1594, %select_n3A_1593 : i32
            %select_n3A_1604 = arith.select %and3A_1602, %add3A_1603, %rem3A_1594 : i32
            %mul3A_1605 = arith.constant 4096 : i32
            %mul3A_1606 = arith.muli %select_n3A_1604, %mul3A_1605 : i32
            %add3A_1607 = arith.constant 7 : i32
            %add3A_1608 = arith.addi %add3A_1298, %add3A_1607 : i32
            %jit3A_1609 = arith.constant 2 : i32
            %div3A_1610 = arith.divsi %add3A_441, %jit3A_1609 : i32
            %sign3A_1611 = arith.constant 0 : i32
            %sign3A_1612 = arith.cmpi sgt, %add3A_441, %sign3A_1611 : i32
            %sign3A_1613 = arith.extui %sign3A_1612 : i1 to i32
            %sign3A_1614 = arith.constant 0 : i32
            %sign3A_1615 = arith.cmpi slt, %add3A_441, %sign3A_1614 : i32
            %sign3A_1616 = arith.extui %sign3A_1615 : i1 to i32
            %sign3A_1617 = arith.subi %sign3A_1613, %sign3A_1616 : i32
            %sign3A_1618 = arith.constant 0 : i32
            %sign3A_1619 = arith.cmpi sgt, %jit3A_1609, %sign3A_1618 : i32
            %sign3A_1620 = arith.extui %sign3A_1619 : i1 to i32
            %sign3A_1621 = arith.constant 0 : i32
            %sign3A_1622 = arith.cmpi slt, %jit3A_1609, %sign3A_1621 : i32
            %sign3A_1623 = arith.extui %sign3A_1622 : i1 to i32
            %sign3A_1624 = arith.subi %sign3A_1620, %sign3A_1623 : i32
            %ne3A_1625 = arith.cmpi ne, %sign3A_1617, %sign3A_1624 : i32
            %rem3A_1626 = arith.remsi %add3A_441, %jit3A_1609 : i32
            %ne3A_1627 = arith.constant 0 : i32
            %ne3A_1628 = arith.cmpi ne, %rem3A_1626, %ne3A_1627 : i32
            %and3A_1629 = arith.andi %ne3A_1625, %ne3A_1628 : i1
            %sub3A_1630 = arith.constant 1 : i32
            %sub3A_1631 = arith.subi %div3A_1610, %sub3A_1630 : i32
            %select_n3A_1632 = arith.select %and3A_1629, %sub3A_1631, %div3A_1610 : i32
            %jit3A_1633 = arith.constant 2 : i32
            %eq3A_1634 = arith.constant 0 : i32
            %eq3A_1635 = arith.cmpi eq, %jit3A_1633, %eq3A_1634 : i32
            %jit3A_1636 = arith.constant 1 : i32
            %select_n3A_1637 = arith.select %eq3A_1635, %jit3A_1636, %jit3A_1633 : i32
            %rem3A_1638 = arith.remsi %add3A_441, %select_n3A_1637 : i32
            %ne3A_1639 = arith.constant 0 : i32
            %ne3A_1640 = arith.cmpi ne, %rem3A_1638, %ne3A_1639 : i32
            %lt3A_1641 = arith.constant 0 : i32
            %lt3A_1642 = arith.cmpi slt, %rem3A_1638, %lt3A_1641 : i32
            %lt3A_1643 = arith.constant 0 : i32
            %lt3A_1644 = arith.cmpi slt, %select_n3A_1637, %lt3A_1643 : i32
            %ne3A_1645 = arith.xori %lt3A_1642, %lt3A_1644 : i1
            %and3A_1646 = arith.andi %ne3A_1645, %ne3A_1640 : i1
            %add3A_1647 = arith.addi %rem3A_1638, %select_n3A_1637 : i32
            %select_n3A_1648 = arith.select %and3A_1646, %add3A_1647, %rem3A_1638 : i32
            %mul3A_1649 = arith.constant 4096 : i32
            %mul3A_1650 = arith.muli %select_n3A_1648, %mul3A_1649 : i32
            %dma_wait3A_1651 = arith.constant 0 : i32
            %dma_wait3A_1652 = tpu.memref_slice %arg8[%dma_wait3A_1651] : memref<32768xf32, #tpu.memory_space<vmem>> -> memref<4096xf32, #tpu.memory_space<vmem>>
            %dma_wait3A_1653 = tpu.memref_slice %arg4[%add3A_1300, %select_n3A_1324, %mul3A_1342] : memref<4096x2x8192xf32, #tpu.memory_space<hbm>> -> memref<1x1x4096xf32, #tpu.memory_space<hbm>>
            %dma_wait3A_1654 = tpu.memref_squeeze %dma_wait3A_1653 : memref<1x1x4096xf32, #tpu.memory_space<hbm>> -> memref<4096xf32, #tpu.memory_space<hbm>>
            %dma_wait3A_1655 = tpu.memref_slice %arg4[%add3A_1300, %select_n3A_1324, %mul3A_1342] : memref<4096x2x8192xf32, #tpu.memory_space<hbm>> -> memref<1x1x4096xf32, #tpu.memory_space<hbm>>
            %dma_wait3A_1656 = tpu.memref_squeeze %dma_wait3A_1655 : memref<1x1x4096xf32, #tpu.memory_space<hbm>> -> memref<4096xf32, #tpu.memory_space<hbm>>
            %dma_wait3A_1657 = arith.constant 0 : i32
            %dma_wait3A_1658 = tpu.memref_slice %arg8[%dma_wait3A_1657] : memref<32768xf32, #tpu.memory_space<vmem>> -> memref<4096xf32, #tpu.memory_space<vmem>>
            tpu.wait_dma2 semaphore(%arg12 : memref<!tpu.dma_semaphore, #tpu.memory_space<semaphore_mem>>) src(%dma_wait3A_1658 : memref<4096xf32, #tpu.memory_space<vmem>>) dst(%dma_wait3A_1656 : memref<4096xf32, #tpu.memory_space<hbm>>)
            %dma_wait3A_1659 = arith.constant 4096 : i32
            %dma_wait3A_1660 = tpu.memref_slice %arg8[%dma_wait3A_1659] : memref<32768xf32, #tpu.memory_space<vmem>> -> memref<4096xf32, #tpu.memory_space<vmem>>
            %dma_wait3A_1661 = tpu.memref_slice %arg4[%add3A_1344, %select_n3A_1368, %mul3A_1386] : memref<4096x2x8192xf32, #tpu.memory_space<hbm>> -> memref<1x1x4096xf32, #tpu.memory_space<hbm>>
            %dma_wait3A_1662 = tpu.memref_squeeze %dma_wait3A_1661 : memref<1x1x4096xf32, #tpu.memory_space<hbm>> -> memref<4096xf32, #tpu.memory_space<hbm>>
            %dma_wait3A_1663 = tpu.memref_slice %arg4[%add3A_1344, %select_n3A_1368, %mul3A_1386] : memref<4096x2x8192xf32, #tpu.memory_space<hbm>> -> memref<1x1x4096xf32, #tpu.memory_space<hbm>>
            %dma_wait3A_1664 = tpu.memref_squeeze %dma_wait3A_1663 : memref<1x1x4096xf32, #tpu.memory_space<hbm>> -> memref<4096xf32, #tpu.memory_space<hbm>>
            %dma_wait3A_1665 = arith.constant 4096 : i32
            %dma_wait3A_1666 = tpu.memref_slice %arg8[%dma_wait3A_1665] : memref<32768xf32, #tpu.memory_space<vmem>> -> memref<4096xf32, #tpu.memory_space<vmem>>
            tpu.wait_dma2 semaphore(%arg12 : memref<!tpu.dma_semaphore, #tpu.memory_space<semaphore_mem>>) src(%dma_wait3A_1666 : memref<4096xf32, #tpu.memory_space<vmem>>) dst(%dma_wait3A_1664 : memref<4096xf32, #tpu.memory_space<hbm>>)
            %dma_wait3A_1667 = arith.constant 8192 : i32
            %dma_wait3A_1668 = tpu.memref_slice %arg8[%dma_wait3A_1667] : memref<32768xf32, #tpu.memory_space<vmem>> -> memref<4096xf32, #tpu.memory_space<vmem>>
            %dma_wait3A_1669 = tpu.memref_slice %arg4[%add3A_1388, %select_n3A_1412, %mul3A_1430] : memref<4096x2x8192xf32, #tpu.memory_space<hbm>> -> memref<1x1x4096xf32, #tpu.memory_space<hbm>>
            %dma_wait3A_1670 = tpu.memref_squeeze %dma_wait3A_1669 : memref<1x1x4096xf32, #tpu.memory_space<hbm>> -> memref<4096xf32, #tpu.memory_space<hbm>>
            %dma_wait3A_1671 = tpu.memref_slice %arg4[%add3A_1388, %select_n3A_1412, %mul3A_1430] : memref<4096x2x8192xf32, #tpu.memory_space<hbm>> -> memref<1x1x4096xf32, #tpu.memory_space<hbm>>
            %dma_wait3A_1672 = tpu.memref_squeeze %dma_wait3A_1671 : memref<1x1x4096xf32, #tpu.memory_space<hbm>> -> memref<4096xf32, #tpu.memory_space<hbm>>
            %dma_wait3A_1673 = arith.constant 8192 : i32
            %dma_wait3A_1674 = tpu.memref_slice %arg8[%dma_wait3A_1673] : memref<32768xf32, #tpu.memory_space<vmem>> -> memref<4096xf32, #tpu.memory_space<vmem>>
            tpu.wait_dma2 semaphore(%arg12 : memref<!tpu.dma_semaphore, #tpu.memory_space<semaphore_mem>>) src(%dma_wait3A_1674 : memref<4096xf32, #tpu.memory_space<vmem>>) dst(%dma_wait3A_1672 : memref<4096xf32, #tpu.memory_space<hbm>>)
            %dma_wait3A_1675 = arith.constant 12288 : i32
            %dma_wait3A_1676 = tpu.memref_slice %arg8[%dma_wait3A_1675] : memref<32768xf32, #tpu.memory_space<vmem>> -> memref<4096xf32, #tpu.memory_space<vmem>>
            %dma_wait3A_1677 = tpu.memref_slice %arg4[%add3A_1432, %select_n3A_1456, %mul3A_1474] : memref<4096x2x8192xf32, #tpu.memory_space<hbm>> -> memref<1x1x4096xf32, #tpu.memory_space<hbm>>
            %dma_wait3A_1678 = tpu.memref_squeeze %dma_wait3A_1677 : memref<1x1x4096xf32, #tpu.memory_space<hbm>> -> memref<4096xf32, #tpu.memory_space<hbm>>
            %dma_wait3A_1679 = tpu.memref_slice %arg4[%add3A_1432, %select_n3A_1456, %mul3A_1474] : memref<4096x2x8192xf32, #tpu.memory_space<hbm>> -> memref<1x1x4096xf32, #tpu.memory_space<hbm>>
            %dma_wait3A_1680 = tpu.memref_squeeze %dma_wait3A_1679 : memref<1x1x4096xf32, #tpu.memory_space<hbm>> -> memref<4096xf32, #tpu.memory_space<hbm>>
            %dma_wait3A_1681 = arith.constant 12288 : i32
            %dma_wait3A_1682 = tpu.memref_slice %arg8[%dma_wait3A_1681] : memref<32768xf32, #tpu.memory_space<vmem>> -> memref<4096xf32, #tpu.memory_space<vmem>>
            tpu.wait_dma2 semaphore(%arg12 : memref<!tpu.dma_semaphore, #tpu.memory_space<semaphore_mem>>) src(%dma_wait3A_1682 : memref<4096xf32, #tpu.memory_space<vmem>>) dst(%dma_wait3A_1680 : memref<4096xf32, #tpu.memory_space<hbm>>)
            %dma_wait3A_1683 = arith.constant 16384 : i32
            %dma_wait3A_1684 = tpu.memref_slice %arg8[%dma_wait3A_1683] : memref<32768xf32, #tpu.memory_space<vmem>> -> memref<4096xf32, #tpu.memory_space<vmem>>
            %dma_wait3A_1685 = tpu.memref_slice %arg4[%add3A_1476, %select_n3A_1500, %mul3A_1518] : memref<4096x2x8192xf32, #tpu.memory_space<hbm>> -> memref<1x1x4096xf32, #tpu.memory_space<hbm>>
            %dma_wait3A_1686 = tpu.memref_squeeze %dma_wait3A_1685 : memref<1x1x4096xf32, #tpu.memory_space<hbm>> -> memref<4096xf32, #tpu.memory_space<hbm>>
            %dma_wait3A_1687 = tpu.memref_slice %arg4[%add3A_1476, %select_n3A_1500, %mul3A_1518] : memref<4096x2x8192xf32, #tpu.memory_space<hbm>> -> memref<1x1x4096xf32, #tpu.memory_space<hbm>>
            %dma_wait3A_1688 = tpu.memref_squeeze %dma_wait3A_1687 : memref<1x1x4096xf32, #tpu.memory_space<hbm>> -> memref<4096xf32, #tpu.memory_space<hbm>>
            %dma_wait3A_1689 = arith.constant 16384 : i32
            %dma_wait3A_1690 = tpu.memref_slice %arg8[%dma_wait3A_1689] : memref<32768xf32, #tpu.memory_space<vmem>> -> memref<4096xf32, #tpu.memory_space<vmem>>
            tpu.wait_dma2 semaphore(%arg12 : memref<!tpu.dma_semaphore, #tpu.memory_space<semaphore_mem>>) src(%dma_wait3A_1690 : memref<4096xf32, #tpu.memory_space<vmem>>) dst(%dma_wait3A_1688 : memref<4096xf32, #tpu.memory_space<hbm>>)
            %dma_wait3A_1691 = arith.constant 20480 : i32
            %dma_wait3A_1692 = tpu.memref_slice %arg8[%dma_wait3A_1691] : memref<32768xf32, #tpu.memory_space<vmem>> -> memref<4096xf32, #tpu.memory_space<vmem>>
            %dma_wait3A_1693 = tpu.memref_slice %arg4[%add3A_1520, %select_n3A_1544, %mul3A_1562] : memref<4096x2x8192xf32, #tpu.memory_space<hbm>> -> memref<1x1x4096xf32, #tpu.memory_space<hbm>>
            %dma_wait3A_1694 = tpu.memref_squeeze %dma_wait3A_1693 : memref<1x1x4096xf32, #tpu.memory_space<hbm>> -> memref<4096xf32, #tpu.memory_space<hbm>>
            %dma_wait3A_1695 = tpu.memref_slice %arg4[%add3A_1520, %select_n3A_1544, %mul3A_1562] : memref<4096x2x8192xf32, #tpu.memory_space<hbm>> -> memref<1x1x4096xf32, #tpu.memory_space<hbm>>
            %dma_wait3A_1696 = tpu.memref_squeeze %dma_wait3A_1695 : memref<1x1x4096xf32, #tpu.memory_space<hbm>> -> memref<4096xf32, #tpu.memory_space<hbm>>
            %dma_wait3A_1697 = arith.constant 20480 : i32
            %dma_wait3A_1698 = tpu.memref_slice %arg8[%dma_wait3A_1697] : memref<32768xf32, #tpu.memory_space<vmem>> -> memref<4096xf32, #tpu.memory_space<vmem>>
            tpu.wait_dma2 semaphore(%arg12 : memref<!tpu.dma_semaphore, #tpu.memory_space<semaphore_mem>>) src(%dma_wait3A_1698 : memref<4096xf32, #tpu.memory_space<vmem>>) dst(%dma_wait3A_1696 : memref<4096xf32, #tpu.memory_space<hbm>>)
            %dma_wait3A_1699 = arith.constant 24576 : i32
            %dma_wait3A_1700 = tpu.memref_slice %arg8[%dma_wait3A_1699] : memref<32768xf32, #tpu.memory_space<vmem>> -> memref<4096xf32, #tpu.memory_space<vmem>>
            %dma_wait3A_1701 = tpu.memref_slice %arg4[%add3A_1564, %select_n3A_1588, %mul3A_1606] : memref<4096x2x8192xf32, #tpu.memory_space<hbm>> -> memref<1x1x4096xf32, #tpu.memory_space<hbm>>
            %dma_wait3A_1702 = tpu.memref_squeeze %dma_wait3A_1701 : memref<1x1x4096xf32, #tpu.memory_space<hbm>> -> memref<4096xf32, #tpu.memory_space<hbm>>
            %dma_wait3A_1703 = tpu.memref_slice %arg4[%add3A_1564, %select_n3A_1588, %mul3A_1606] : memref<4096x2x8192xf32, #tpu.memory_space<hbm>> -> memref<1x1x4096xf32, #tpu.memory_space<hbm>>
            %dma_wait3A_1704 = tpu.memref_squeeze %dma_wait3A_1703 : memref<1x1x4096xf32, #tpu.memory_space<hbm>> -> memref<4096xf32, #tpu.memory_space<hbm>>
            %dma_wait3A_1705 = arith.constant 24576 : i32
            %dma_wait3A_1706 = tpu.memref_slice %arg8[%dma_wait3A_1705] : memref<32768xf32, #tpu.memory_space<vmem>> -> memref<4096xf32, #tpu.memory_space<vmem>>
            tpu.wait_dma2 semaphore(%arg12 : memref<!tpu.dma_semaphore, #tpu.memory_space<semaphore_mem>>) src(%dma_wait3A_1706 : memref<4096xf32, #tpu.memory_space<vmem>>) dst(%dma_wait3A_1704 : memref<4096xf32, #tpu.memory_space<hbm>>)
            %dma_wait3A_1707 = arith.constant 28672 : i32
            %dma_wait3A_1708 = tpu.memref_slice %arg8[%dma_wait3A_1707] : memref<32768xf32, #tpu.memory_space<vmem>> -> memref<4096xf32, #tpu.memory_space<vmem>>
            %dma_wait3A_1709 = tpu.memref_slice %arg4[%add3A_1608, %select_n3A_1632, %mul3A_1650] : memref<4096x2x8192xf32, #tpu.memory_space<hbm>> -> memref<1x1x4096xf32, #tpu.memory_space<hbm>>
            %dma_wait3A_1710 = tpu.memref_squeeze %dma_wait3A_1709 : memref<1x1x4096xf32, #tpu.memory_space<hbm>> -> memref<4096xf32, #tpu.memory_space<hbm>>
            %dma_wait3A_1711 = tpu.memref_slice %arg4[%add3A_1608, %select_n3A_1632, %mul3A_1650] : memref<4096x2x8192xf32, #tpu.memory_space<hbm>> -> memref<1x1x4096xf32, #tpu.memory_space<hbm>>
            %dma_wait3A_1712 = tpu.memref_squeeze %dma_wait3A_1711 : memref<1x1x4096xf32, #tpu.memory_space<hbm>> -> memref<4096xf32, #tpu.memory_space<hbm>>
            %dma_wait3A_1713 = arith.constant 28672 : i32
            %dma_wait3A_1714 = tpu.memref_slice %arg8[%dma_wait3A_1713] : memref<32768xf32, #tpu.memory_space<vmem>> -> memref<4096xf32, #tpu.memory_space<vmem>>
            tpu.wait_dma2 semaphore(%arg12 : memref<!tpu.dma_semaphore, #tpu.memory_space<semaphore_mem>>) src(%dma_wait3A_1714 : memref<4096xf32, #tpu.memory_space<vmem>>) dst(%dma_wait3A_1712 : memref<4096xf32, #tpu.memory_space<hbm>>)
          } else {
          }
          %parallel_loop3A = arith.constant 0 : i32
          %parallel_loop3A_448 = arith.constant 4096 : i32
          %parallel_loop3A_449 = arith.constant 16 : i32
          scf.for %parallel_loop3A_1296 = %parallel_loop3A to %parallel_loop3A_448 step %parallel_loop3A_449  : i32 {
            %parallel_loop3A_1297 = arith.constant 4096 : i32
            %parallel_loop3A_1298 = arith.muli %add3A_441, %parallel_loop3A_1297 : i32
            %parallel_loop3A_1299 = arith.addi %parallel_loop3A_1298, %parallel_loop3A_1296 : i32
            %parallel_loop3A_1300 = arith.index_cast %parallel_loop3A_1299 : i32 to index
            %parallel_loop3A_1301 = tpu.vector_load %arg5[%parallel_loop3A_1300] {strides = array<i32>} : memref<16384xi32, #tpu.memory_space<vmem>>, vector<16xi32>,
            %parallel_loop3A_1302 = arith.constant 0 : i32
            %parallel_loop3A_1303 = vector.broadcast %parallel_loop3A_1302 : i32 to vector<16xi32>
            %parallel_loop3A_1304 = arith.addi %parallel_loop3A_1301, %parallel_loop3A_1303 : vector<16xi32>
            %parallel_loop3A_1305 = tpu.vector_load_idx %arg6[%parallel_loop3A_1304] : memref<16384xf32, #tpu.memory_space<vmem>>[vector<16xi32>], vector<16xf32>,
            %parallel_loop3A_1306 = arith.constant 0 : i32
            %parallel_loop3A_1307 = arith.addi %parallel_loop3A_1306, %parallel_loop3A_1296 : i32
            %parallel_loop3A_1308 = arith.index_cast %parallel_loop3A_1307 : i32 to index
            %parallel_loop3A_1309 = tpu.vector_load %arg8[%parallel_loop3A_1308] {strides = array<i32>} : memref<32768xf32, #tpu.memory_space<vmem>>, vector<16xf32>,
            tpu.vector_store %arg8[%parallel_loop3A_1308], %parallel_loop3A_1305 {strides = array<i32>} : memref<32768xf32, #tpu.memory_space<vmem>>, vector<16xf32>,
            %parallel_loop3A_1310 = arith.constant 2048 : i32
            %parallel_loop3A_1311 = vector.broadcast %parallel_loop3A_1310 : i32 to vector<16xi32>
            %parallel_loop3A_1312 = arith.addi %parallel_loop3A_1301, %parallel_loop3A_1311 : vector<16xi32>
            %parallel_loop3A_1313 = tpu.vector_load_idx %arg6[%parallel_loop3A_1312] : memref<16384xf32, #tpu.memory_space<vmem>>[vector<16xi32>], vector<16xf32>,
            %parallel_loop3A_1314 = arith.constant 4096 : i32
            %parallel_loop3A_1315 = arith.addi %parallel_loop3A_1314, %parallel_loop3A_1296 : i32
            %parallel_loop3A_1316 = arith.index_cast %parallel_loop3A_1315 : i32 to index
            %parallel_loop3A_1317 = tpu.vector_load %arg8[%parallel_loop3A_1316] {strides = array<i32>} : memref<32768xf32, #tpu.memory_space<vmem>>, vector<16xf32>,
            tpu.vector_store %arg8[%parallel_loop3A_1316], %parallel_loop3A_1313 {strides = array<i32>} : memref<32768xf32, #tpu.memory_space<vmem>>, vector<16xf32>,
            %parallel_loop3A_1318 = arith.constant 4096 : i32
            %parallel_loop3A_1319 = vector.broadcast %parallel_loop3A_1318 : i32 to vector<16xi32>
            %parallel_loop3A_1320 = arith.addi %parallel_loop3A_1301, %parallel_loop3A_1319 : vector<16xi32>
            %parallel_loop3A_1321 = tpu.vector_load_idx %arg6[%parallel_loop3A_1320] : memref<16384xf32, #tpu.memory_space<vmem>>[vector<16xi32>], vector<16xf32>,
            %parallel_loop3A_1322 = arith.constant 8192 : i32
            %parallel_loop3A_1323 = arith.addi %parallel_loop3A_1322, %parallel_loop3A_1296 : i32
            %parallel_loop3A_1324 = arith.index_cast %parallel_loop3A_1323 : i32 to index
            %parallel_loop3A_1325 = tpu.vector_load %arg8[%parallel_loop3A_1324] {strides = array<i32>} : memref<32768xf32, #tpu.memory_space<vmem>>, vector<16xf32>,
            tpu.vector_store %arg8[%parallel_loop3A_1324], %parallel_loop3A_1321 {strides = array<i32>} : memref<32768xf32, #tpu.memory_space<vmem>>, vector<16xf32>,
            %parallel_loop3A_1326 = arith.constant 6144 : i32
            %parallel_loop3A_1327 = vector.broadcast %parallel_loop3A_1326 : i32 to vector<16xi32>
            %parallel_loop3A_1328 = arith.addi %parallel_loop3A_1301, %parallel_loop3A_1327 : vector<16xi32>
            %parallel_loop3A_1329 = tpu.vector_load_idx %arg6[%parallel_loop3A_1328] : memref<16384xf32, #tpu.memory_space<vmem>>[vector<16xi32>], vector<16xf32>,
            %parallel_loop3A_1330 = arith.constant 12288 : i32
            %parallel_loop3A_1331 = arith.addi %parallel_loop3A_1330, %parallel_loop3A_1296 : i32
            %parallel_loop3A_1332 = arith.index_cast %parallel_loop3A_1331 : i32 to index
            %parallel_loop3A_1333 = tpu.vector_load %arg8[%parallel_loop3A_1332] {strides = array<i32>} : memref<32768xf32, #tpu.memory_space<vmem>>, vector<16xf32>,
            tpu.vector_store %arg8[%parallel_loop3A_1332], %parallel_loop3A_1329 {strides = array<i32>} : memref<32768xf32, #tpu.memory_space<vmem>>, vector<16xf32>,
            %parallel_loop3A_1334 = arith.constant 8192 : i32
            %parallel_loop3A_1335 = vector.broadcast %parallel_loop3A_1334 : i32 to vector<16xi32>
            %parallel_loop3A_1336 = arith.addi %parallel_loop3A_1301, %parallel_loop3A_1335 : vector<16xi32>
            %parallel_loop3A_1337 = tpu.vector_load_idx %arg6[%parallel_loop3A_1336] : memref<16384xf32, #tpu.memory_space<vmem>>[vector<16xi32>], vector<16xf32>,
            %parallel_loop3A_1338 = arith.constant 16384 : i32
            %parallel_loop3A_1339 = arith.addi %parallel_loop3A_1338, %parallel_loop3A_1296 : i32
            %parallel_loop3A_1340 = arith.index_cast %parallel_loop3A_1339 : i32 to index
            %parallel_loop3A_1341 = tpu.vector_load %arg8[%parallel_loop3A_1340] {strides = array<i32>} : memref<32768xf32, #tpu.memory_space<vmem>>, vector<16xf32>,
            tpu.vector_store %arg8[%parallel_loop3A_1340], %parallel_loop3A_1337 {strides = array<i32>} : memref<32768xf32, #tpu.memory_space<vmem>>, vector<16xf32>,
            %parallel_loop3A_1342 = arith.constant 10240 : i32
            %parallel_loop3A_1343 = vector.broadcast %parallel_loop3A_1342 : i32 to vector<16xi32>
            %parallel_loop3A_1344 = arith.addi %parallel_loop3A_1301, %parallel_loop3A_1343 : vector<16xi32>
            %parallel_loop3A_1345 = tpu.vector_load_idx %arg6[%parallel_loop3A_1344] : memref<16384xf32, #tpu.memory_space<vmem>>[vector<16xi32>], vector<16xf32>,
            %parallel_loop3A_1346 = arith.constant 20480 : i32
            %parallel_loop3A_1347 = arith.addi %parallel_loop3A_1346, %parallel_loop3A_1296 : i32
            %parallel_loop3A_1348 = arith.index_cast %parallel_loop3A_1347 : i32 to index
            %parallel_loop3A_1349 = tpu.vector_load %arg8[%parallel_loop3A_1348] {strides = array<i32>} : memref<32768xf32, #tpu.memory_space<vmem>>, vector<16xf32>,
            tpu.vector_store %arg8[%parallel_loop3A_1348], %parallel_loop3A_1345 {strides = array<i32>} : memref<32768xf32, #tpu.memory_space<vmem>>, vector<16xf32>,
            %parallel_loop3A_1350 = arith.constant 12288 : i32
            %parallel_loop3A_1351 = vector.broadcast %parallel_loop3A_1350 : i32 to vector<16xi32>
            %parallel_loop3A_1352 = arith.addi %parallel_loop3A_1301, %parallel_loop3A_1351 : vector<16xi32>
            %parallel_loop3A_1353 = tpu.vector_load_idx %arg6[%parallel_loop3A_1352] : memref<16384xf32, #tpu.memory_space<vmem>>[vector<16xi32>], vector<16xf32>,
            %parallel_loop3A_1354 = arith.constant 24576 : i32
            %parallel_loop3A_1355 = arith.addi %parallel_loop3A_1354, %parallel_loop3A_1296 : i32
            %parallel_loop3A_1356 = arith.index_cast %parallel_loop3A_1355 : i32 to index
            %parallel_loop3A_1357 = tpu.vector_load %arg8[%parallel_loop3A_1356] {strides = array<i32>} : memref<32768xf32, #tpu.memory_space<vmem>>, vector<16xf32>,
            tpu.vector_store %arg8[%parallel_loop3A_1356], %parallel_loop3A_1353 {strides = array<i32>} : memref<32768xf32, #tpu.memory_space<vmem>>, vector<16xf32>,
            %parallel_loop3A_1358 = arith.constant 14336 : i32
            %parallel_loop3A_1359 = vector.broadcast %parallel_loop3A_1358 : i32 to vector<16xi32>
            %parallel_loop3A_1360 = arith.addi %parallel_loop3A_1301, %parallel_loop3A_1359 : vector<16xi32>
            %parallel_loop3A_1361 = tpu.vector_load_idx %arg6[%parallel_loop3A_1360] : memref<16384xf32, #tpu.memory_space<vmem>>[vector<16xi32>], vector<16xf32>,
            %parallel_loop3A_1362 = arith.constant 28672 : i32
            %parallel_loop3A_1363 = arith.addi %parallel_loop3A_1362, %parallel_loop3A_1296 : i32
            %parallel_loop3A_1364 = arith.index_cast %parallel_loop3A_1363 : i32 to index
            %parallel_loop3A_1365 = tpu.vector_load %arg8[%parallel_loop3A_1364] {strides = array<i32>} : memref<32768xf32, #tpu.memory_space<vmem>>, vector<16xf32>,
            tpu.vector_store %arg8[%parallel_loop3A_1364], %parallel_loop3A_1361 {strides = array<i32>} : memref<32768xf32, #tpu.memory_space<vmem>>, vector<16xf32>,
          } {sc.loop_unroll_factor = 8 : i64, sc.parallel_access}
          %mul3A_450 = arith.constant 8 : i32
          %mul3A_451 = arith.muli %scan3A_317, %mul3A_450 : i32
          %add3A_452 = arith.addi %mul3A_2, %mul3A_451 : i32
          %add3A_453 = arith.constant 0 : i32
          %add3A_454 = arith.addi %add3A_452, %add3A_453 : i32
          %jit3A = arith.constant 2 : i32
          %div3A = arith.divsi %add3A_441, %jit3A : i32
          %sign3A = arith.constant 0 : i32
          %sign3A_455 = arith.cmpi sgt, %add3A_441, %sign3A : i32
          %sign3A_456 = arith.extui %sign3A_455 : i1 to i32
          %sign3A_457 = arith.constant 0 : i32
          %sign3A_458 = arith.cmpi slt, %add3A_441, %sign3A_457 : i32
          %sign3A_459 = arith.extui %sign3A_458 : i1 to i32
          %sign3A_460 = arith.subi %sign3A_456, %sign3A_459 : i32
          %sign3A_461 = arith.constant 0 : i32
          %sign3A_462 = arith.cmpi sgt, %jit3A, %sign3A_461 : i32
          %sign3A_463 = arith.extui %sign3A_462 : i1 to i32
          %sign3A_464 = arith.constant 0 : i32
          %sign3A_465 = arith.cmpi slt, %jit3A, %sign3A_464 : i32
          %sign3A_466 = arith.extui %sign3A_465 : i1 to i32
          %sign3A_467 = arith.subi %sign3A_463, %sign3A_466 : i32
          %ne3A = arith.cmpi ne, %sign3A_460, %sign3A_467 : i32
          %rem3A_468 = arith.remsi %add3A_441, %jit3A : i32
          %ne3A_469 = arith.constant 0 : i32
          %ne3A_470 = arith.cmpi ne, %rem3A_468, %ne3A_469 : i32
          %and3A = arith.andi %ne3A, %ne3A_470 : i1
          %sub3A = arith.constant 1 : i32
          %sub3A_471 = arith.subi %div3A, %sub3A : i32
          %select_n3A = arith.select %and3A, %sub3A_471, %div3A : i32
          %jit3A_472 = arith.constant 2 : i32
          %eq3A_473 = arith.constant 0 : i32
          %eq3A_474 = arith.cmpi eq, %jit3A_472, %eq3A_473 : i32
          %jit3A_475 = arith.constant 1 : i32
          %select_n3A_476 = arith.select %eq3A_474, %jit3A_475, %jit3A_472 : i32
          %rem3A_477 = arith.remsi %add3A_441, %select_n3A_476 : i32
          %ne3A_478 = arith.constant 0 : i32
          %ne3A_479 = arith.cmpi ne, %rem3A_477, %ne3A_478 : i32
          %lt3A_480 = arith.constant 0 : i32
          %lt3A_481 = arith.cmpi slt, %rem3A_477, %lt3A_480 : i32
          %lt3A_482 = arith.constant 0 : i32
          %lt3A_483 = arith.cmpi slt, %select_n3A_476, %lt3A_482 : i32
          %ne3A_484 = arith.xori %lt3A_481, %lt3A_483 : i1
          %and3A_485 = arith.andi %ne3A_484, %ne3A_479 : i1
          %add3A_486 = arith.addi %rem3A_477, %select_n3A_476 : i32
          %select_n3A_487 = arith.select %and3A_485, %add3A_486, %rem3A_477 : i32
          %mul3A_488 = arith.constant 4096 : i32
          %mul3A_489 = arith.muli %select_n3A_487, %mul3A_488 : i32
          %add3A_490 = arith.constant 1 : i32
          %add3A_491 = arith.addi %add3A_452, %add3A_490 : i32
          %jit3A_492 = arith.constant 2 : i32
          %div3A_493 = arith.divsi %add3A_441, %jit3A_492 : i32
          %sign3A_494 = arith.constant 0 : i32
          %sign3A_495 = arith.cmpi sgt, %add3A_441, %sign3A_494 : i32
          %sign3A_496 = arith.extui %sign3A_495 : i1 to i32
          %sign3A_497 = arith.constant 0 : i32
          %sign3A_498 = arith.cmpi slt, %add3A_441, %sign3A_497 : i32
          %sign3A_499 = arith.extui %sign3A_498 : i1 to i32
          %sign3A_500 = arith.subi %sign3A_496, %sign3A_499 : i32
          %sign3A_501 = arith.constant 0 : i32
          %sign3A_502 = arith.cmpi sgt, %jit3A_492, %sign3A_501 : i32
          %sign3A_503 = arith.extui %sign3A_502 : i1 to i32
          %sign3A_504 = arith.constant 0 : i32
          %sign3A_505 = arith.cmpi slt, %jit3A_492, %sign3A_504 : i32
          %sign3A_506 = arith.extui %sign3A_505 : i1 to i32
          %sign3A_507 = arith.subi %sign3A_503, %sign3A_506 : i32
          %ne3A_508 = arith.cmpi ne, %sign3A_500, %sign3A_507 : i32
          %rem3A_509 = arith.remsi %add3A_441, %jit3A_492 : i32
          %ne3A_510 = arith.constant 0 : i32
          %ne3A_511 = arith.cmpi ne, %rem3A_509, %ne3A_510 : i32
          %and3A_512 = arith.andi %ne3A_508, %ne3A_511 : i1
          %sub3A_513 = arith.constant 1 : i32
          %sub3A_514 = arith.subi %div3A_493, %sub3A_513 : i32
          %select_n3A_515 = arith.select %and3A_512, %sub3A_514, %div3A_493 : i32
          %jit3A_516 = arith.constant 2 : i32
          %eq3A_517 = arith.constant 0 : i32
          %eq3A_518 = arith.cmpi eq, %jit3A_516, %eq3A_517 : i32
          %jit3A_519 = arith.constant 1 : i32
          %select_n3A_520 = arith.select %eq3A_518, %jit3A_519, %jit3A_516 : i32
          %rem3A_521 = arith.remsi %add3A_441, %select_n3A_520 : i32
          %ne3A_522 = arith.constant 0 : i32
          %ne3A_523 = arith.cmpi ne, %rem3A_521, %ne3A_522 : i32
          %lt3A_524 = arith.constant 0 : i32
          %lt3A_525 = arith.cmpi slt, %rem3A_521, %lt3A_524 : i32
          %lt3A_526 = arith.constant 0 : i32
          %lt3A_527 = arith.cmpi slt, %select_n3A_520, %lt3A_526 : i32
          %ne3A_528 = arith.xori %lt3A_525, %lt3A_527 : i1
          %and3A_529 = arith.andi %ne3A_528, %ne3A_523 : i1
          %add3A_530 = arith.addi %rem3A_521, %select_n3A_520 : i32
          %select_n3A_531 = arith.select %and3A_529, %add3A_530, %rem3A_521 : i32
          %mul3A_532 = arith.constant 4096 : i32
          %mul3A_533 = arith.muli %select_n3A_531, %mul3A_532 : i32
          %add3A_534 = arith.constant 2 : i32
          %add3A_535 = arith.addi %add3A_452, %add3A_534 : i32
          %jit3A_536 = arith.constant 2 : i32
          %div3A_537 = arith.divsi %add3A_441, %jit3A_536 : i32
          %sign3A_538 = arith.constant 0 : i32
          %sign3A_539 = arith.cmpi sgt, %add3A_441, %sign3A_538 : i32
          %sign3A_540 = arith.extui %sign3A_539 : i1 to i32
          %sign3A_541 = arith.constant 0 : i32
          %sign3A_542 = arith.cmpi slt, %add3A_441, %sign3A_541 : i32
          %sign3A_543 = arith.extui %sign3A_542 : i1 to i32
          %sign3A_544 = arith.subi %sign3A_540, %sign3A_543 : i32
          %sign3A_545 = arith.constant 0 : i32
          %sign3A_546 = arith.cmpi sgt, %jit3A_536, %sign3A_545 : i32
          %sign3A_547 = arith.extui %sign3A_546 : i1 to i32
          %sign3A_548 = arith.constant 0 : i32
          %sign3A_549 = arith.cmpi slt, %jit3A_536, %sign3A_548 : i32
          %sign3A_550 = arith.extui %sign3A_549 : i1 to i32
          %sign3A_551 = arith.subi %sign3A_547, %sign3A_550 : i32
          %ne3A_552 = arith.cmpi ne, %sign3A_544, %sign3A_551 : i32
          %rem3A_553 = arith.remsi %add3A_441, %jit3A_536 : i32
          %ne3A_554 = arith.constant 0 : i32
          %ne3A_555 = arith.cmpi ne, %rem3A_553, %ne3A_554 : i32
          %and3A_556 = arith.andi %ne3A_552, %ne3A_555 : i1
          %sub3A_557 = arith.constant 1 : i32
          %sub3A_558 = arith.subi %div3A_537, %sub3A_557 : i32
          %select_n3A_559 = arith.select %and3A_556, %sub3A_558, %div3A_537 : i32
          %jit3A_560 = arith.constant 2 : i32
          %eq3A_561 = arith.constant 0 : i32
          %eq3A_562 = arith.cmpi eq, %jit3A_560, %eq3A_561 : i32
          %jit3A_563 = arith.constant 1 : i32
          %select_n3A_564 = arith.select %eq3A_562, %jit3A_563, %jit3A_560 : i32
          %rem3A_565 = arith.remsi %add3A_441, %select_n3A_564 : i32
          %ne3A_566 = arith.constant 0 : i32
          %ne3A_567 = arith.cmpi ne, %rem3A_565, %ne3A_566 : i32
          %lt3A_568 = arith.constant 0 : i32
          %lt3A_569 = arith.cmpi slt, %rem3A_565, %lt3A_568 : i32
          %lt3A_570 = arith.constant 0 : i32
          %lt3A_571 = arith.cmpi slt, %select_n3A_564, %lt3A_570 : i32
          %ne3A_572 = arith.xori %lt3A_569, %lt3A_571 : i1
          %and3A_573 = arith.andi %ne3A_572, %ne3A_567 : i1
          %add3A_574 = arith.addi %rem3A_565, %select_n3A_564 : i32
          %select_n3A_575 = arith.select %and3A_573, %add3A_574, %rem3A_565 : i32
          %mul3A_576 = arith.constant 4096 : i32
          %mul3A_577 = arith.muli %select_n3A_575, %mul3A_576 : i32
          %add3A_578 = arith.constant 3 : i32
          %add3A_579 = arith.addi %add3A_452, %add3A_578 : i32
          %jit3A_580 = arith.constant 2 : i32
          %div3A_581 = arith.divsi %add3A_441, %jit3A_580 : i32
          %sign3A_582 = arith.constant 0 : i32
          %sign3A_583 = arith.cmpi sgt, %add3A_441, %sign3A_582 : i32
          %sign3A_584 = arith.extui %sign3A_583 : i1 to i32
          %sign3A_585 = arith.constant 0 : i32
          %sign3A_586 = arith.cmpi slt, %add3A_441, %sign3A_585 : i32
          %sign3A_587 = arith.extui %sign3A_586 : i1 to i32
          %sign3A_588 = arith.subi %sign3A_584, %sign3A_587 : i32
          %sign3A_589 = arith.constant 0 : i32
          %sign3A_590 = arith.cmpi sgt, %jit3A_580, %sign3A_589 : i32
          %sign3A_591 = arith.extui %sign3A_590 : i1 to i32
          %sign3A_592 = arith.constant 0 : i32
          %sign3A_593 = arith.cmpi slt, %jit3A_580, %sign3A_592 : i32
          %sign3A_594 = arith.extui %sign3A_593 : i1 to i32
          %sign3A_595 = arith.subi %sign3A_591, %sign3A_594 : i32
          %ne3A_596 = arith.cmpi ne, %sign3A_588, %sign3A_595 : i32
          %rem3A_597 = arith.remsi %add3A_441, %jit3A_580 : i32
          %ne3A_598 = arith.constant 0 : i32
          %ne3A_599 = arith.cmpi ne, %rem3A_597, %ne3A_598 : i32
          %and3A_600 = arith.andi %ne3A_596, %ne3A_599 : i1
          %sub3A_601 = arith.constant 1 : i32
          %sub3A_602 = arith.subi %div3A_581, %sub3A_601 : i32
          %select_n3A_603 = arith.select %and3A_600, %sub3A_602, %div3A_581 : i32
          %jit3A_604 = arith.constant 2 : i32
          %eq3A_605 = arith.constant 0 : i32
          %eq3A_606 = arith.cmpi eq, %jit3A_604, %eq3A_605 : i32
          %jit3A_607 = arith.constant 1 : i32
          %select_n3A_608 = arith.select %eq3A_606, %jit3A_607, %jit3A_604 : i32
          %rem3A_609 = arith.remsi %add3A_441, %select_n3A_608 : i32
          %ne3A_610 = arith.constant 0 : i32
          %ne3A_611 = arith.cmpi ne, %rem3A_609, %ne3A_610 : i32
          %lt3A_612 = arith.constant 0 : i32
          %lt3A_613 = arith.cmpi slt, %rem3A_609, %lt3A_612 : i32
          %lt3A_614 = arith.constant 0 : i32
          %lt3A_615 = arith.cmpi slt, %select_n3A_608, %lt3A_614 : i32
          %ne3A_616 = arith.xori %lt3A_613, %lt3A_615 : i1
          %and3A_617 = arith.andi %ne3A_616, %ne3A_611 : i1
          %add3A_618 = arith.addi %rem3A_609, %select_n3A_608 : i32
          %select_n3A_619 = arith.select %and3A_617, %add3A_618, %rem3A_609 : i32
          %mul3A_620 = arith.constant 4096 : i32
          %mul3A_621 = arith.muli %select_n3A_619, %mul3A_620 : i32
          %add3A_622 = arith.constant 4 : i32
          %add3A_623 = arith.addi %add3A_452, %add3A_622 : i32
          %jit3A_624 = arith.constant 2 : i32
          %div3A_625 = arith.divsi %add3A_441, %jit3A_624 : i32
          %sign3A_626 = arith.constant 0 : i32
          %sign3A_627 = arith.cmpi sgt, %add3A_441, %sign3A_626 : i32
          %sign3A_628 = arith.extui %sign3A_627 : i1 to i32
          %sign3A_629 = arith.constant 0 : i32
          %sign3A_630 = arith.cmpi slt, %add3A_441, %sign3A_629 : i32
          %sign3A_631 = arith.extui %sign3A_630 : i1 to i32
          %sign3A_632 = arith.subi %sign3A_628, %sign3A_631 : i32
          %sign3A_633 = arith.constant 0 : i32
          %sign3A_634 = arith.cmpi sgt, %jit3A_624, %sign3A_633 : i32
          %sign3A_635 = arith.extui %sign3A_634 : i1 to i32
          %sign3A_636 = arith.constant 0 : i32
          %sign3A_637 = arith.cmpi slt, %jit3A_624, %sign3A_636 : i32
          %sign3A_638 = arith.extui %sign3A_637 : i1 to i32
          %sign3A_639 = arith.subi %sign3A_635, %sign3A_638 : i32
          %ne3A_640 = arith.cmpi ne, %sign3A_632, %sign3A_639 : i32
          %rem3A_641 = arith.remsi %add3A_441, %jit3A_624 : i32
          %ne3A_642 = arith.constant 0 : i32
          %ne3A_643 = arith.cmpi ne, %rem3A_641, %ne3A_642 : i32
          %and3A_644 = arith.andi %ne3A_640, %ne3A_643 : i1
          %sub3A_645 = arith.constant 1 : i32
          %sub3A_646 = arith.subi %div3A_625, %sub3A_645 : i32
          %select_n3A_647 = arith.select %and3A_644, %sub3A_646, %div3A_625 : i32
          %jit3A_648 = arith.constant 2 : i32
          %eq3A_649 = arith.constant 0 : i32
          %eq3A_650 = arith.cmpi eq, %jit3A_648, %eq3A_649 : i32
          %jit3A_651 = arith.constant 1 : i32
          %select_n3A_652 = arith.select %eq3A_650, %jit3A_651, %jit3A_648 : i32
          %rem3A_653 = arith.remsi %add3A_441, %select_n3A_652 : i32
          %ne3A_654 = arith.constant 0 : i32
          %ne3A_655 = arith.cmpi ne, %rem3A_653, %ne3A_654 : i32
          %lt3A_656 = arith.constant 0 : i32
          %lt3A_657 = arith.cmpi slt, %rem3A_653, %lt3A_656 : i32
          %lt3A_658 = arith.constant 0 : i32
          %lt3A_659 = arith.cmpi slt, %select_n3A_652, %lt3A_658 : i32
          %ne3A_660 = arith.xori %lt3A_657, %lt3A_659 : i1
          %and3A_661 = arith.andi %ne3A_660, %ne3A_655 : i1
          %add3A_662 = arith.addi %rem3A_653, %select_n3A_652 : i32
          %select_n3A_663 = arith.select %and3A_661, %add3A_662, %rem3A_653 : i32
          %mul3A_664 = arith.constant 4096 : i32
          %mul3A_665 = arith.muli %select_n3A_663, %mul3A_664 : i32
          %add3A_666 = arith.constant 5 : i32
          %add3A_667 = arith.addi %add3A_452, %add3A_666 : i32
          %jit3A_668 = arith.constant 2 : i32
          %div3A_669 = arith.divsi %add3A_441, %jit3A_668 : i32
          %sign3A_670 = arith.constant 0 : i32
          %sign3A_671 = arith.cmpi sgt, %add3A_441, %sign3A_670 : i32
          %sign3A_672 = arith.extui %sign3A_671 : i1 to i32
          %sign3A_673 = arith.constant 0 : i32
          %sign3A_674 = arith.cmpi slt, %add3A_441, %sign3A_673 : i32
          %sign3A_675 = arith.extui %sign3A_674 : i1 to i32
          %sign3A_676 = arith.subi %sign3A_672, %sign3A_675 : i32
          %sign3A_677 = arith.constant 0 : i32
          %sign3A_678 = arith.cmpi sgt, %jit3A_668, %sign3A_677 : i32
          %sign3A_679 = arith.extui %sign3A_678 : i1 to i32
          %sign3A_680 = arith.constant 0 : i32
          %sign3A_681 = arith.cmpi slt, %jit3A_668, %sign3A_680 : i32
          %sign3A_682 = arith.extui %sign3A_681 : i1 to i32
          %sign3A_683 = arith.subi %sign3A_679, %sign3A_682 : i32
          %ne3A_684 = arith.cmpi ne, %sign3A_676, %sign3A_683 : i32
          %rem3A_685 = arith.remsi %add3A_441, %jit3A_668 : i32
          %ne3A_686 = arith.constant 0 : i32
          %ne3A_687 = arith.cmpi ne, %rem3A_685, %ne3A_686 : i32
          %and3A_688 = arith.andi %ne3A_684, %ne3A_687 : i1
          %sub3A_689 = arith.constant 1 : i32
          %sub3A_690 = arith.subi %div3A_669, %sub3A_689 : i32
          %select_n3A_691 = arith.select %and3A_688, %sub3A_690, %div3A_669 : i32
          %jit3A_692 = arith.constant 2 : i32
          %eq3A_693 = arith.constant 0 : i32
          %eq3A_694 = arith.cmpi eq, %jit3A_692, %eq3A_693 : i32
          %jit3A_695 = arith.constant 1 : i32
          %select_n3A_696 = arith.select %eq3A_694, %jit3A_695, %jit3A_692 : i32
          %rem3A_697 = arith.remsi %add3A_441, %select_n3A_696 : i32
          %ne3A_698 = arith.constant 0 : i32
          %ne3A_699 = arith.cmpi ne, %rem3A_697, %ne3A_698 : i32
          %lt3A_700 = arith.constant 0 : i32
          %lt3A_701 = arith.cmpi slt, %rem3A_697, %lt3A_700 : i32
          %lt3A_702 = arith.constant 0 : i32
          %lt3A_703 = arith.cmpi slt, %select_n3A_696, %lt3A_702 : i32
          %ne3A_704 = arith.xori %lt3A_701, %lt3A_703 : i1
          %and3A_705 = arith.andi %ne3A_704, %ne3A_699 : i1
          %add3A_706 = arith.addi %rem3A_697, %select_n3A_696 : i32
          %select_n3A_707 = arith.select %and3A_705, %add3A_706, %rem3A_697 : i32
          %mul3A_708 = arith.constant 4096 : i32
          %mul3A_709 = arith.muli %select_n3A_707, %mul3A_708 : i32
          %add3A_710 = arith.constant 6 : i32
          %add3A_711 = arith.addi %add3A_452, %add3A_710 : i32
          %jit3A_712 = arith.constant 2 : i32
          %div3A_713 = arith.divsi %add3A_441, %jit3A_712 : i32
          %sign3A_714 = arith.constant 0 : i32
          %sign3A_715 = arith.cmpi sgt, %add3A_441, %sign3A_714 : i32
          %sign3A_716 = arith.extui %sign3A_715 : i1 to i32
          %sign3A_717 = arith.constant 0 : i32
          %sign3A_718 = arith.cmpi slt, %add3A_441, %sign3A_717 : i32
          %sign3A_719 = arith.extui %sign3A_718 : i1 to i32
          %sign3A_720 = arith.subi %sign3A_716, %sign3A_719 : i32
          %sign3A_721 = arith.constant 0 : i32
          %sign3A_722 = arith.cmpi sgt, %jit3A_712, %sign3A_721 : i32
          %sign3A_723 = arith.extui %sign3A_722 : i1 to i32
          %sign3A_724 = arith.constant 0 : i32
          %sign3A_725 = arith.cmpi slt, %jit3A_712, %sign3A_724 : i32
          %sign3A_726 = arith.extui %sign3A_725 : i1 to i32
          %sign3A_727 = arith.subi %sign3A_723, %sign3A_726 : i32
          %ne3A_728 = arith.cmpi ne, %sign3A_720, %sign3A_727 : i32
          %rem3A_729 = arith.remsi %add3A_441, %jit3A_712 : i32
          %ne3A_730 = arith.constant 0 : i32
          %ne3A_731 = arith.cmpi ne, %rem3A_729, %ne3A_730 : i32
          %and3A_732 = arith.andi %ne3A_728, %ne3A_731 : i1
          %sub3A_733 = arith.constant 1 : i32
          %sub3A_734 = arith.subi %div3A_713, %sub3A_733 : i32
          %select_n3A_735 = arith.select %and3A_732, %sub3A_734, %div3A_713 : i32
          %jit3A_736 = arith.constant 2 : i32
          %eq3A_737 = arith.constant 0 : i32
          %eq3A_738 = arith.cmpi eq, %jit3A_736, %eq3A_737 : i32
          %jit3A_739 = arith.constant 1 : i32
          %select_n3A_740 = arith.select %eq3A_738, %jit3A_739, %jit3A_736 : i32
          %rem3A_741 = arith.remsi %add3A_441, %select_n3A_740 : i32
          %ne3A_742 = arith.constant 0 : i32
          %ne3A_743 = arith.cmpi ne, %rem3A_741, %ne3A_742 : i32
          %lt3A_744 = arith.constant 0 : i32
          %lt3A_745 = arith.cmpi slt, %rem3A_741, %lt3A_744 : i32
          %lt3A_746 = arith.constant 0 : i32
          %lt3A_747 = arith.cmpi slt, %select_n3A_740, %lt3A_746 : i32
          %ne3A_748 = arith.xori %lt3A_745, %lt3A_747 : i1
          %and3A_749 = arith.andi %ne3A_748, %ne3A_743 : i1
          %add3A_750 = arith.addi %rem3A_741, %select_n3A_740 : i32
          %select_n3A_751 = arith.select %and3A_749, %add3A_750, %rem3A_741 : i32
          %mul3A_752 = arith.constant 4096 : i32
          %mul3A_753 = arith.muli %select_n3A_751, %mul3A_752 : i32
          %add3A_754 = arith.constant 7 : i32
          %add3A_755 = arith.addi %add3A_452, %add3A_754 : i32
          %jit3A_756 = arith.constant 2 : i32
          %div3A_757 = arith.divsi %add3A_441, %jit3A_756 : i32
          %sign3A_758 = arith.constant 0 : i32
          %sign3A_759 = arith.cmpi sgt, %add3A_441, %sign3A_758 : i32
          %sign3A_760 = arith.extui %sign3A_759 : i1 to i32
          %sign3A_761 = arith.constant 0 : i32
          %sign3A_762 = arith.cmpi slt, %add3A_441, %sign3A_761 : i32
          %sign3A_763 = arith.extui %sign3A_762 : i1 to i32
          %sign3A_764 = arith.subi %sign3A_760, %sign3A_763 : i32
          %sign3A_765 = arith.constant 0 : i32
          %sign3A_766 = arith.cmpi sgt, %jit3A_756, %sign3A_765 : i32
          %sign3A_767 = arith.extui %sign3A_766 : i1 to i32
          %sign3A_768 = arith.constant 0 : i32
          %sign3A_769 = arith.cmpi slt, %jit3A_756, %sign3A_768 : i32
          %sign3A_770 = arith.extui %sign3A_769 : i1 to i32
          %sign3A_771 = arith.subi %sign3A_767, %sign3A_770 : i32
          %ne3A_772 = arith.cmpi ne, %sign3A_764, %sign3A_771 : i32
          %rem3A_773 = arith.remsi %add3A_441, %jit3A_756 : i32
          %ne3A_774 = arith.constant 0 : i32
          %ne3A_775 = arith.cmpi ne, %rem3A_773, %ne3A_774 : i32
          %and3A_776 = arith.andi %ne3A_772, %ne3A_775 : i1
          %sub3A_777 = arith.constant 1 : i32
          %sub3A_778 = arith.subi %div3A_757, %sub3A_777 : i32
          %select_n3A_779 = arith.select %and3A_776, %sub3A_778, %div3A_757 : i32
          %jit3A_780 = arith.constant 2 : i32
          %eq3A_781 = arith.constant 0 : i32
          %eq3A_782 = arith.cmpi eq, %jit3A_780, %eq3A_781 : i32
          %jit3A_783 = arith.constant 1 : i32
          %select_n3A_784 = arith.select %eq3A_782, %jit3A_783, %jit3A_780 : i32
          %rem3A_785 = arith.remsi %add3A_441, %select_n3A_784 : i32
          %ne3A_786 = arith.constant 0 : i32
          %ne3A_787 = arith.cmpi ne, %rem3A_785, %ne3A_786 : i32
          %lt3A_788 = arith.constant 0 : i32
          %lt3A_789 = arith.cmpi slt, %rem3A_785, %lt3A_788 : i32
          %lt3A_790 = arith.constant 0 : i32
          %lt3A_791 = arith.cmpi slt, %select_n3A_784, %lt3A_790 : i32
          %ne3A_792 = arith.xori %lt3A_789, %lt3A_791 : i1
          %and3A_793 = arith.andi %ne3A_792, %ne3A_787 : i1
          %add3A_794 = arith.addi %rem3A_785, %select_n3A_784 : i32
          %select_n3A_795 = arith.select %and3A_793, %add3A_794, %rem3A_785 : i32
          %mul3A_796 = arith.constant 4096 : i32
          %mul3A_797 = arith.muli %select_n3A_795, %mul3A_796 : i32
          %dma_start3A_798 = arith.constant 0 : i32
          %dma_start3A_799 = tpu.memref_slice %arg8[%dma_start3A_798] : memref<32768xf32, #tpu.memory_space<vmem>> -> memref<4096xf32, #tpu.memory_space<vmem>>
          %dma_start3A_800 = tpu.memref_slice %arg4[%add3A_454, %select_n3A, %mul3A_489] : memref<4096x2x8192xf32, #tpu.memory_space<hbm>> -> memref<1x1x4096xf32, #tpu.memory_space<hbm>>
          %dma_start3A_801 = tpu.memref_squeeze %dma_start3A_800 : memref<1x1x4096xf32, #tpu.memory_space<hbm>> -> memref<4096xf32, #tpu.memory_space<hbm>>
          %dma_start3A_802 = tpu.memref_slice %arg4[%add3A_454, %select_n3A, %mul3A_489] : memref<4096x2x8192xf32, #tpu.memory_space<hbm>> -> memref<1x1x4096xf32, #tpu.memory_space<hbm>>
          %dma_start3A_803 = tpu.memref_squeeze %dma_start3A_802 : memref<1x1x4096xf32, #tpu.memory_space<hbm>> -> memref<4096xf32, #tpu.memory_space<hbm>>
          %dma_start3A_804 = arith.constant 0 : i32
          %dma_start3A_805 = tpu.memref_slice %arg8[%dma_start3A_804] : memref<32768xf32, #tpu.memory_space<vmem>> -> memref<4096xf32, #tpu.memory_space<vmem>>
          tpu.enqueue_dma source(%dma_start3A_805 : memref<4096xf32, #tpu.memory_space<vmem>>) target(%dma_start3A_803 : memref<4096xf32, #tpu.memory_space<hbm>>) target_semaphore(%arg12 : memref<!tpu.dma_semaphore, #tpu.memory_space<semaphore_mem>>)
          %dma_start3A_806 = arith.constant 4096 : i32
          %dma_start3A_807 = tpu.memref_slice %arg8[%dma_start3A_806] : memref<32768xf32, #tpu.memory_space<vmem>> -> memref<4096xf32, #tpu.memory_space<vmem>>
          %dma_start3A_808 = tpu.memref_slice %arg4[%add3A_491, %select_n3A_515, %mul3A_533] : memref<4096x2x8192xf32, #tpu.memory_space<hbm>> -> memref<1x1x4096xf32, #tpu.memory_space<hbm>>
          %dma_start3A_809 = tpu.memref_squeeze %dma_start3A_808 : memref<1x1x4096xf32, #tpu.memory_space<hbm>> -> memref<4096xf32, #tpu.memory_space<hbm>>
          %dma_start3A_810 = tpu.memref_slice %arg4[%add3A_491, %select_n3A_515, %mul3A_533] : memref<4096x2x8192xf32, #tpu.memory_space<hbm>> -> memref<1x1x4096xf32, #tpu.memory_space<hbm>>
          %dma_start3A_811 = tpu.memref_squeeze %dma_start3A_810 : memref<1x1x4096xf32, #tpu.memory_space<hbm>> -> memref<4096xf32, #tpu.memory_space<hbm>>
          %dma_start3A_812 = arith.constant 4096 : i32
          %dma_start3A_813 = tpu.memref_slice %arg8[%dma_start3A_812] : memref<32768xf32, #tpu.memory_space<vmem>> -> memref<4096xf32, #tpu.memory_space<vmem>>
          tpu.enqueue_dma source(%dma_start3A_813 : memref<4096xf32, #tpu.memory_space<vmem>>) target(%dma_start3A_811 : memref<4096xf32, #tpu.memory_space<hbm>>) target_semaphore(%arg12 : memref<!tpu.dma_semaphore, #tpu.memory_space<semaphore_mem>>)
          %dma_start3A_814 = arith.constant 8192 : i32
          %dma_start3A_815 = tpu.memref_slice %arg8[%dma_start3A_814] : memref<32768xf32, #tpu.memory_space<vmem>> -> memref<4096xf32, #tpu.memory_space<vmem>>
          %dma_start3A_816 = tpu.memref_slice %arg4[%add3A_535, %select_n3A_559, %mul3A_577] : memref<4096x2x8192xf32, #tpu.memory_space<hbm>> -> memref<1x1x4096xf32, #tpu.memory_space<hbm>>
          %dma_start3A_817 = tpu.memref_squeeze %dma_start3A_816 : memref<1x1x4096xf32, #tpu.memory_space<hbm>> -> memref<4096xf32, #tpu.memory_space<hbm>>
          %dma_start3A_818 = tpu.memref_slice %arg4[%add3A_535, %select_n3A_559, %mul3A_577] : memref<4096x2x8192xf32, #tpu.memory_space<hbm>> -> memref<1x1x4096xf32, #tpu.memory_space<hbm>>
          %dma_start3A_819 = tpu.memref_squeeze %dma_start3A_818 : memref<1x1x4096xf32, #tpu.memory_space<hbm>> -> memref<4096xf32, #tpu.memory_space<hbm>>
          %dma_start3A_820 = arith.constant 8192 : i32
          %dma_start3A_821 = tpu.memref_slice %arg8[%dma_start3A_820] : memref<32768xf32, #tpu.memory_space<vmem>> -> memref<4096xf32, #tpu.memory_space<vmem>>
          tpu.enqueue_dma source(%dma_start3A_821 : memref<4096xf32, #tpu.memory_space<vmem>>) target(%dma_start3A_819 : memref<4096xf32, #tpu.memory_space<hbm>>) target_semaphore(%arg12 : memref<!tpu.dma_semaphore, #tpu.memory_space<semaphore_mem>>)
          %dma_start3A_822 = arith.constant 12288 : i32
          %dma_start3A_823 = tpu.memref_slice %arg8[%dma_start3A_822] : memref<32768xf32, #tpu.memory_space<vmem>> -> memref<4096xf32, #tpu.memory_space<vmem>>
          %dma_start3A_824 = tpu.memref_slice %arg4[%add3A_579, %select_n3A_603, %mul3A_621] : memref<4096x2x8192xf32, #tpu.memory_space<hbm>> -> memref<1x1x4096xf32, #tpu.memory_space<hbm>>
          %dma_start3A_825 = tpu.memref_squeeze %dma_start3A_824 : memref<1x1x4096xf32, #tpu.memory_space<hbm>> -> memref<4096xf32, #tpu.memory_space<hbm>>
          %dma_start3A_826 = tpu.memref_slice %arg4[%add3A_579, %select_n3A_603, %mul3A_621] : memref<4096x2x8192xf32, #tpu.memory_space<hbm>> -> memref<1x1x4096xf32, #tpu.memory_space<hbm>>
          %dma_start3A_827 = tpu.memref_squeeze %dma_start3A_826 : memref<1x1x4096xf32, #tpu.memory_space<hbm>> -> memref<4096xf32, #tpu.memory_space<hbm>>
          %dma_start3A_828 = arith.constant 12288 : i32
          %dma_start3A_829 = tpu.memref_slice %arg8[%dma_start3A_828] : memref<32768xf32, #tpu.memory_space<vmem>> -> memref<4096xf32, #tpu.memory_space<vmem>>
          tpu.enqueue_dma source(%dma_start3A_829 : memref<4096xf32, #tpu.memory_space<vmem>>) target(%dma_start3A_827 : memref<4096xf32, #tpu.memory_space<hbm>>) target_semaphore(%arg12 : memref<!tpu.dma_semaphore, #tpu.memory_space<semaphore_mem>>)
          %dma_start3A_830 = arith.constant 16384 : i32
          %dma_start3A_831 = tpu.memref_slice %arg8[%dma_start3A_830] : memref<32768xf32, #tpu.memory_space<vmem>> -> memref<4096xf32, #tpu.memory_space<vmem>>
          %dma_start3A_832 = tpu.memref_slice %arg4[%add3A_623, %select_n3A_647, %mul3A_665] : memref<4096x2x8192xf32, #tpu.memory_space<hbm>> -> memref<1x1x4096xf32, #tpu.memory_space<hbm>>
          %dma_start3A_833 = tpu.memref_squeeze %dma_start3A_832 : memref<1x1x4096xf32, #tpu.memory_space<hbm>> -> memref<4096xf32, #tpu.memory_space<hbm>>
          %dma_start3A_834 = tpu.memref_slice %arg4[%add3A_623, %select_n3A_647, %mul3A_665] : memref<4096x2x8192xf32, #tpu.memory_space<hbm>> -> memref<1x1x4096xf32, #tpu.memory_space<hbm>>
          %dma_start3A_835 = tpu.memref_squeeze %dma_start3A_834 : memref<1x1x4096xf32, #tpu.memory_space<hbm>> -> memref<4096xf32, #tpu.memory_space<hbm>>
          %dma_start3A_836 = arith.constant 16384 : i32
          %dma_start3A_837 = tpu.memref_slice %arg8[%dma_start3A_836] : memref<32768xf32, #tpu.memory_space<vmem>> -> memref<4096xf32, #tpu.memory_space<vmem>>
          tpu.enqueue_dma source(%dma_start3A_837 : memref<4096xf32, #tpu.memory_space<vmem>>) target(%dma_start3A_835 : memref<4096xf32, #tpu.memory_space<hbm>>) target_semaphore(%arg12 : memref<!tpu.dma_semaphore, #tpu.memory_space<semaphore_mem>>)
          %dma_start3A_838 = arith.constant 20480 : i32
          %dma_start3A_839 = tpu.memref_slice %arg8[%dma_start3A_838] : memref<32768xf32, #tpu.memory_space<vmem>> -> memref<4096xf32, #tpu.memory_space<vmem>>
          %dma_start3A_840 = tpu.memref_slice %arg4[%add3A_667, %select_n3A_691, %mul3A_709] : memref<4096x2x8192xf32, #tpu.memory_space<hbm>> -> memref<1x1x4096xf32, #tpu.memory_space<hbm>>
          %dma_start3A_841 = tpu.memref_squeeze %dma_start3A_840 : memref<1x1x4096xf32, #tpu.memory_space<hbm>> -> memref<4096xf32, #tpu.memory_space<hbm>>
          %dma_start3A_842 = tpu.memref_slice %arg4[%add3A_667, %select_n3A_691, %mul3A_709] : memref<4096x2x8192xf32, #tpu.memory_space<hbm>> -> memref<1x1x4096xf32, #tpu.memory_space<hbm>>
          %dma_start3A_843 = tpu.memref_squeeze %dma_start3A_842 : memref<1x1x4096xf32, #tpu.memory_space<hbm>> -> memref<4096xf32, #tpu.memory_space<hbm>>
          %dma_start3A_844 = arith.constant 20480 : i32
          %dma_start3A_845 = tpu.memref_slice %arg8[%dma_start3A_844] : memref<32768xf32, #tpu.memory_space<vmem>> -> memref<4096xf32, #tpu.memory_space<vmem>>
          tpu.enqueue_dma source(%dma_start3A_845 : memref<4096xf32, #tpu.memory_space<vmem>>) target(%dma_start3A_843 : memref<4096xf32, #tpu.memory_space<hbm>>) target_semaphore(%arg12 : memref<!tpu.dma_semaphore, #tpu.memory_space<semaphore_mem>>)
          %dma_start3A_846 = arith.constant 24576 : i32
          %dma_start3A_847 = tpu.memref_slice %arg8[%dma_start3A_846] : memref<32768xf32, #tpu.memory_space<vmem>> -> memref<4096xf32, #tpu.memory_space<vmem>>
          %dma_start3A_848 = tpu.memref_slice %arg4[%add3A_711, %select_n3A_735, %mul3A_753] : memref<4096x2x8192xf32, #tpu.memory_space<hbm>> -> memref<1x1x4096xf32, #tpu.memory_space<hbm>>
          %dma_start3A_849 = tpu.memref_squeeze %dma_start3A_848 : memref<1x1x4096xf32, #tpu.memory_space<hbm>> -> memref<4096xf32, #tpu.memory_space<hbm>>
          %dma_start3A_850 = tpu.memref_slice %arg4[%add3A_711, %select_n3A_735, %mul3A_753] : memref<4096x2x8192xf32, #tpu.memory_space<hbm>> -> memref<1x1x4096xf32, #tpu.memory_space<hbm>>
          %dma_start3A_851 = tpu.memref_squeeze %dma_start3A_850 : memref<1x1x4096xf32, #tpu.memory_space<hbm>> -> memref<4096xf32, #tpu.memory_space<hbm>>
          %dma_start3A_852 = arith.constant 24576 : i32
          %dma_start3A_853 = tpu.memref_slice %arg8[%dma_start3A_852] : memref<32768xf32, #tpu.memory_space<vmem>> -> memref<4096xf32, #tpu.memory_space<vmem>>
          tpu.enqueue_dma source(%dma_start3A_853 : memref<4096xf32, #tpu.memory_space<vmem>>) target(%dma_start3A_851 : memref<4096xf32, #tpu.memory_space<hbm>>) target_semaphore(%arg12 : memref<!tpu.dma_semaphore, #tpu.memory_space<semaphore_mem>>)
          %dma_start3A_854 = arith.constant 28672 : i32
          %dma_start3A_855 = tpu.memref_slice %arg8[%dma_start3A_854] : memref<32768xf32, #tpu.memory_space<vmem>> -> memref<4096xf32, #tpu.memory_space<vmem>>
          %dma_start3A_856 = tpu.memref_slice %arg4[%add3A_755, %select_n3A_779, %mul3A_797] : memref<4096x2x8192xf32, #tpu.memory_space<hbm>> -> memref<1x1x4096xf32, #tpu.memory_space<hbm>>
          %dma_start3A_857 = tpu.memref_squeeze %dma_start3A_856 : memref<1x1x4096xf32, #tpu.memory_space<hbm>> -> memref<4096xf32, #tpu.memory_space<hbm>>
          %dma_start3A_858 = tpu.memref_slice %arg4[%add3A_755, %select_n3A_779, %mul3A_797] : memref<4096x2x8192xf32, #tpu.memory_space<hbm>> -> memref<1x1x4096xf32, #tpu.memory_space<hbm>>
          %dma_start3A_859 = tpu.memref_squeeze %dma_start3A_858 : memref<1x1x4096xf32, #tpu.memory_space<hbm>> -> memref<4096xf32, #tpu.memory_space<hbm>>
          %dma_start3A_860 = arith.constant 28672 : i32
          %dma_start3A_861 = tpu.memref_slice %arg8[%dma_start3A_860] : memref<32768xf32, #tpu.memory_space<vmem>> -> memref<4096xf32, #tpu.memory_space<vmem>>
          tpu.enqueue_dma source(%dma_start3A_861 : memref<4096xf32, #tpu.memory_space<vmem>>) target(%dma_start3A_859 : memref<4096xf32, #tpu.memory_space<hbm>>) target_semaphore(%arg12 : memref<!tpu.dma_semaphore, #tpu.memory_space<semaphore_mem>>)
          %mul3A_862 = arith.constant 2 : i32
          %mul3A_863 = arith.muli %scan3A_437, %mul3A_862 : i32
          %add3A_864 = arith.constant 1 : i32
          %add3A_865 = arith.addi %mul3A_863, %add3A_864 : i32
          %ge3A_866 = arith.constant 1 : i32
          %ge3A_867 = arith.cmpi sge, %scan3A_317, %ge3A_866 : i32
          %ge3A_868 = arith.constant 1 : i32
          %ge3A_869 = arith.cmpi sge, %scan3A_437, %ge3A_868 : i32
          %or3A_870 = arith.ori %ge3A_867, %ge3A_869 : i1
          %convert_element_type3A_871 = arith.extui %or3A_870 : i1 to i32
          %cond3A_872 = arith.constant 0 : i32
          %cond3A_873 = arith.cmpi ne, %convert_element_type3A_871, %cond3A_872 : i32
          scf.if %cond3A_873 {
            %mul3A_1296 = arith.constant 8 : i32
            %mul3A_1297 = arith.muli %scan3A_317, %mul3A_1296 : i32
            %add3A_1298 = arith.addi %mul3A_2, %mul3A_1297 : i32
            %add3A_1299 = arith.constant 0 : i32
            %add3A_1300 = arith.addi %add3A_1298, %add3A_1299 : i32
            %jit3A_1301 = arith.constant 2 : i32
            %div3A_1302 = arith.divsi %add3A_865, %jit3A_1301 : i32
            %sign3A_1303 = arith.constant 0 : i32
            %sign3A_1304 = arith.cmpi sgt, %add3A_865, %sign3A_1303 : i32
            %sign3A_1305 = arith.extui %sign3A_1304 : i1 to i32
            %sign3A_1306 = arith.constant 0 : i32
            %sign3A_1307 = arith.cmpi slt, %add3A_865, %sign3A_1306 : i32
            %sign3A_1308 = arith.extui %sign3A_1307 : i1 to i32
            %sign3A_1309 = arith.subi %sign3A_1305, %sign3A_1308 : i32
            %sign3A_1310 = arith.constant 0 : i32
            %sign3A_1311 = arith.cmpi sgt, %jit3A_1301, %sign3A_1310 : i32
            %sign3A_1312 = arith.extui %sign3A_1311 : i1 to i32
            %sign3A_1313 = arith.constant 0 : i32
            %sign3A_1314 = arith.cmpi slt, %jit3A_1301, %sign3A_1313 : i32
            %sign3A_1315 = arith.extui %sign3A_1314 : i1 to i32
            %sign3A_1316 = arith.subi %sign3A_1312, %sign3A_1315 : i32
            %ne3A_1317 = arith.cmpi ne, %sign3A_1309, %sign3A_1316 : i32
            %rem3A_1318 = arith.remsi %add3A_865, %jit3A_1301 : i32
            %ne3A_1319 = arith.constant 0 : i32
            %ne3A_1320 = arith.cmpi ne, %rem3A_1318, %ne3A_1319 : i32
            %and3A_1321 = arith.andi %ne3A_1317, %ne3A_1320 : i1
            %sub3A_1322 = arith.constant 1 : i32
            %sub3A_1323 = arith.subi %div3A_1302, %sub3A_1322 : i32
            %select_n3A_1324 = arith.select %and3A_1321, %sub3A_1323, %div3A_1302 : i32
            %jit3A_1325 = arith.constant 2 : i32
            %eq3A_1326 = arith.constant 0 : i32
            %eq3A_1327 = arith.cmpi eq, %jit3A_1325, %eq3A_1326 : i32
            %jit3A_1328 = arith.constant 1 : i32
            %select_n3A_1329 = arith.select %eq3A_1327, %jit3A_1328, %jit3A_1325 : i32
            %rem3A_1330 = arith.remsi %add3A_865, %select_n3A_1329 : i32
            %ne3A_1331 = arith.constant 0 : i32
            %ne3A_1332 = arith.cmpi ne, %rem3A_1330, %ne3A_1331 : i32
            %lt3A_1333 = arith.constant 0 : i32
            %lt3A_1334 = arith.cmpi slt, %rem3A_1330, %lt3A_1333 : i32
            %lt3A_1335 = arith.constant 0 : i32
            %lt3A_1336 = arith.cmpi slt, %select_n3A_1329, %lt3A_1335 : i32
            %ne3A_1337 = arith.xori %lt3A_1334, %lt3A_1336 : i1
            %and3A_1338 = arith.andi %ne3A_1337, %ne3A_1332 : i1
            %add3A_1339 = arith.addi %rem3A_1330, %select_n3A_1329 : i32
            %select_n3A_1340 = arith.select %and3A_1338, %add3A_1339, %rem3A_1330 : i32
            %mul3A_1341 = arith.constant 4096 : i32
            %mul3A_1342 = arith.muli %select_n3A_1340, %mul3A_1341 : i32
            %add3A_1343 = arith.constant 1 : i32
            %add3A_1344 = arith.addi %add3A_1298, %add3A_1343 : i32
            %jit3A_1345 = arith.constant 2 : i32
            %div3A_1346 = arith.divsi %add3A_865, %jit3A_1345 : i32
            %sign3A_1347 = arith.constant 0 : i32
            %sign3A_1348 = arith.cmpi sgt, %add3A_865, %sign3A_1347 : i32
            %sign3A_1349 = arith.extui %sign3A_1348 : i1 to i32
            %sign3A_1350 = arith.constant 0 : i32
            %sign3A_1351 = arith.cmpi slt, %add3A_865, %sign3A_1350 : i32
            %sign3A_1352 = arith.extui %sign3A_1351 : i1 to i32
            %sign3A_1353 = arith.subi %sign3A_1349, %sign3A_1352 : i32
            %sign3A_1354 = arith.constant 0 : i32
            %sign3A_1355 = arith.cmpi sgt, %jit3A_1345, %sign3A_1354 : i32
            %sign3A_1356 = arith.extui %sign3A_1355 : i1 to i32
            %sign3A_1357 = arith.constant 0 : i32
            %sign3A_1358 = arith.cmpi slt, %jit3A_1345, %sign3A_1357 : i32
            %sign3A_1359 = arith.extui %sign3A_1358 : i1 to i32
            %sign3A_1360 = arith.subi %sign3A_1356, %sign3A_1359 : i32
            %ne3A_1361 = arith.cmpi ne, %sign3A_1353, %sign3A_1360 : i32
            %rem3A_1362 = arith.remsi %add3A_865, %jit3A_1345 : i32
            %ne3A_1363 = arith.constant 0 : i32
            %ne3A_1364 = arith.cmpi ne, %rem3A_1362, %ne3A_1363 : i32
            %and3A_1365 = arith.andi %ne3A_1361, %ne3A_1364 : i1
            %sub3A_1366 = arith.constant 1 : i32
            %sub3A_1367 = arith.subi %div3A_1346, %sub3A_1366 : i32
            %select_n3A_1368 = arith.select %and3A_1365, %sub3A_1367, %div3A_1346 : i32
            %jit3A_1369 = arith.constant 2 : i32
            %eq3A_1370 = arith.constant 0 : i32
            %eq3A_1371 = arith.cmpi eq, %jit3A_1369, %eq3A_1370 : i32
            %jit3A_1372 = arith.constant 1 : i32
            %select_n3A_1373 = arith.select %eq3A_1371, %jit3A_1372, %jit3A_1369 : i32
            %rem3A_1374 = arith.remsi %add3A_865, %select_n3A_1373 : i32
            %ne3A_1375 = arith.constant 0 : i32
            %ne3A_1376 = arith.cmpi ne, %rem3A_1374, %ne3A_1375 : i32
            %lt3A_1377 = arith.constant 0 : i32
            %lt3A_1378 = arith.cmpi slt, %rem3A_1374, %lt3A_1377 : i32
            %lt3A_1379 = arith.constant 0 : i32
            %lt3A_1380 = arith.cmpi slt, %select_n3A_1373, %lt3A_1379 : i32
            %ne3A_1381 = arith.xori %lt3A_1378, %lt3A_1380 : i1
            %and3A_1382 = arith.andi %ne3A_1381, %ne3A_1376 : i1
            %add3A_1383 = arith.addi %rem3A_1374, %select_n3A_1373 : i32
            %select_n3A_1384 = arith.select %and3A_1382, %add3A_1383, %rem3A_1374 : i32
            %mul3A_1385 = arith.constant 4096 : i32
            %mul3A_1386 = arith.muli %select_n3A_1384, %mul3A_1385 : i32
            %add3A_1387 = arith.constant 2 : i32
            %add3A_1388 = arith.addi %add3A_1298, %add3A_1387 : i32
            %jit3A_1389 = arith.constant 2 : i32
            %div3A_1390 = arith.divsi %add3A_865, %jit3A_1389 : i32
            %sign3A_1391 = arith.constant 0 : i32
            %sign3A_1392 = arith.cmpi sgt, %add3A_865, %sign3A_1391 : i32
            %sign3A_1393 = arith.extui %sign3A_1392 : i1 to i32
            %sign3A_1394 = arith.constant 0 : i32
            %sign3A_1395 = arith.cmpi slt, %add3A_865, %sign3A_1394 : i32
            %sign3A_1396 = arith.extui %sign3A_1395 : i1 to i32
            %sign3A_1397 = arith.subi %sign3A_1393, %sign3A_1396 : i32
            %sign3A_1398 = arith.constant 0 : i32
            %sign3A_1399 = arith.cmpi sgt, %jit3A_1389, %sign3A_1398 : i32
            %sign3A_1400 = arith.extui %sign3A_1399 : i1 to i32
            %sign3A_1401 = arith.constant 0 : i32
            %sign3A_1402 = arith.cmpi slt, %jit3A_1389, %sign3A_1401 : i32
            %sign3A_1403 = arith.extui %sign3A_1402 : i1 to i32
            %sign3A_1404 = arith.subi %sign3A_1400, %sign3A_1403 : i32
            %ne3A_1405 = arith.cmpi ne, %sign3A_1397, %sign3A_1404 : i32
            %rem3A_1406 = arith.remsi %add3A_865, %jit3A_1389 : i32
            %ne3A_1407 = arith.constant 0 : i32
            %ne3A_1408 = arith.cmpi ne, %rem3A_1406, %ne3A_1407 : i32
            %and3A_1409 = arith.andi %ne3A_1405, %ne3A_1408 : i1
            %sub3A_1410 = arith.constant 1 : i32
            %sub3A_1411 = arith.subi %div3A_1390, %sub3A_1410 : i32
            %select_n3A_1412 = arith.select %and3A_1409, %sub3A_1411, %div3A_1390 : i32
            %jit3A_1413 = arith.constant 2 : i32
            %eq3A_1414 = arith.constant 0 : i32
            %eq3A_1415 = arith.cmpi eq, %jit3A_1413, %eq3A_1414 : i32
            %jit3A_1416 = arith.constant 1 : i32
            %select_n3A_1417 = arith.select %eq3A_1415, %jit3A_1416, %jit3A_1413 : i32
            %rem3A_1418 = arith.remsi %add3A_865, %select_n3A_1417 : i32
            %ne3A_1419 = arith.constant 0 : i32
            %ne3A_1420 = arith.cmpi ne, %rem3A_1418, %ne3A_1419 : i32
            %lt3A_1421 = arith.constant 0 : i32
            %lt3A_1422 = arith.cmpi slt, %rem3A_1418, %lt3A_1421 : i32
            %lt3A_1423 = arith.constant 0 : i32
            %lt3A_1424 = arith.cmpi slt, %select_n3A_1417, %lt3A_1423 : i32
            %ne3A_1425 = arith.xori %lt3A_1422, %lt3A_1424 : i1
            %and3A_1426 = arith.andi %ne3A_1425, %ne3A_1420 : i1
            %add3A_1427 = arith.addi %rem3A_1418, %select_n3A_1417 : i32
            %select_n3A_1428 = arith.select %and3A_1426, %add3A_1427, %rem3A_1418 : i32
            %mul3A_1429 = arith.constant 4096 : i32
            %mul3A_1430 = arith.muli %select_n3A_1428, %mul3A_1429 : i32
            %add3A_1431 = arith.constant 3 : i32
            %add3A_1432 = arith.addi %add3A_1298, %add3A_1431 : i32
            %jit3A_1433 = arith.constant 2 : i32
            %div3A_1434 = arith.divsi %add3A_865, %jit3A_1433 : i32
            %sign3A_1435 = arith.constant 0 : i32
            %sign3A_1436 = arith.cmpi sgt, %add3A_865, %sign3A_1435 : i32
            %sign3A_1437 = arith.extui %sign3A_1436 : i1 to i32
            %sign3A_1438 = arith.constant 0 : i32
            %sign3A_1439 = arith.cmpi slt, %add3A_865, %sign3A_1438 : i32
            %sign3A_1440 = arith.extui %sign3A_1439 : i1 to i32
            %sign3A_1441 = arith.subi %sign3A_1437, %sign3A_1440 : i32
            %sign3A_1442 = arith.constant 0 : i32
            %sign3A_1443 = arith.cmpi sgt, %jit3A_1433, %sign3A_1442 : i32
            %sign3A_1444 = arith.extui %sign3A_1443 : i1 to i32
            %sign3A_1445 = arith.constant 0 : i32
            %sign3A_1446 = arith.cmpi slt, %jit3A_1433, %sign3A_1445 : i32
            %sign3A_1447 = arith.extui %sign3A_1446 : i1 to i32
            %sign3A_1448 = arith.subi %sign3A_1444, %sign3A_1447 : i32
            %ne3A_1449 = arith.cmpi ne, %sign3A_1441, %sign3A_1448 : i32
            %rem3A_1450 = arith.remsi %add3A_865, %jit3A_1433 : i32
            %ne3A_1451 = arith.constant 0 : i32
            %ne3A_1452 = arith.cmpi ne, %rem3A_1450, %ne3A_1451 : i32
            %and3A_1453 = arith.andi %ne3A_1449, %ne3A_1452 : i1
            %sub3A_1454 = arith.constant 1 : i32
            %sub3A_1455 = arith.subi %div3A_1434, %sub3A_1454 : i32
            %select_n3A_1456 = arith.select %and3A_1453, %sub3A_1455, %div3A_1434 : i32
            %jit3A_1457 = arith.constant 2 : i32
            %eq3A_1458 = arith.constant 0 : i32
            %eq3A_1459 = arith.cmpi eq, %jit3A_1457, %eq3A_1458 : i32
            %jit3A_1460 = arith.constant 1 : i32
            %select_n3A_1461 = arith.select %eq3A_1459, %jit3A_1460, %jit3A_1457 : i32
            %rem3A_1462 = arith.remsi %add3A_865, %select_n3A_1461 : i32
            %ne3A_1463 = arith.constant 0 : i32
            %ne3A_1464 = arith.cmpi ne, %rem3A_1462, %ne3A_1463 : i32
            %lt3A_1465 = arith.constant 0 : i32
            %lt3A_1466 = arith.cmpi slt, %rem3A_1462, %lt3A_1465 : i32
            %lt3A_1467 = arith.constant 0 : i32
            %lt3A_1468 = arith.cmpi slt, %select_n3A_1461, %lt3A_1467 : i32
            %ne3A_1469 = arith.xori %lt3A_1466, %lt3A_1468 : i1
            %and3A_1470 = arith.andi %ne3A_1469, %ne3A_1464 : i1
            %add3A_1471 = arith.addi %rem3A_1462, %select_n3A_1461 : i32
            %select_n3A_1472 = arith.select %and3A_1470, %add3A_1471, %rem3A_1462 : i32
            %mul3A_1473 = arith.constant 4096 : i32
            %mul3A_1474 = arith.muli %select_n3A_1472, %mul3A_1473 : i32
            %add3A_1475 = arith.constant 4 : i32
            %add3A_1476 = arith.addi %add3A_1298, %add3A_1475 : i32
            %jit3A_1477 = arith.constant 2 : i32
            %div3A_1478 = arith.divsi %add3A_865, %jit3A_1477 : i32
            %sign3A_1479 = arith.constant 0 : i32
            %sign3A_1480 = arith.cmpi sgt, %add3A_865, %sign3A_1479 : i32
            %sign3A_1481 = arith.extui %sign3A_1480 : i1 to i32
            %sign3A_1482 = arith.constant 0 : i32
            %sign3A_1483 = arith.cmpi slt, %add3A_865, %sign3A_1482 : i32
            %sign3A_1484 = arith.extui %sign3A_1483 : i1 to i32
            %sign3A_1485 = arith.subi %sign3A_1481, %sign3A_1484 : i32
            %sign3A_1486 = arith.constant 0 : i32
            %sign3A_1487 = arith.cmpi sgt, %jit3A_1477, %sign3A_1486 : i32
            %sign3A_1488 = arith.extui %sign3A_1487 : i1 to i32
            %sign3A_1489 = arith.constant 0 : i32
            %sign3A_1490 = arith.cmpi slt, %jit3A_1477, %sign3A_1489 : i32
            %sign3A_1491 = arith.extui %sign3A_1490 : i1 to i32
            %sign3A_1492 = arith.subi %sign3A_1488, %sign3A_1491 : i32
            %ne3A_1493 = arith.cmpi ne, %sign3A_1485, %sign3A_1492 : i32
            %rem3A_1494 = arith.remsi %add3A_865, %jit3A_1477 : i32
            %ne3A_1495 = arith.constant 0 : i32
            %ne3A_1496 = arith.cmpi ne, %rem3A_1494, %ne3A_1495 : i32
            %and3A_1497 = arith.andi %ne3A_1493, %ne3A_1496 : i1
            %sub3A_1498 = arith.constant 1 : i32
            %sub3A_1499 = arith.subi %div3A_1478, %sub3A_1498 : i32
            %select_n3A_1500 = arith.select %and3A_1497, %sub3A_1499, %div3A_1478 : i32
            %jit3A_1501 = arith.constant 2 : i32
            %eq3A_1502 = arith.constant 0 : i32
            %eq3A_1503 = arith.cmpi eq, %jit3A_1501, %eq3A_1502 : i32
            %jit3A_1504 = arith.constant 1 : i32
            %select_n3A_1505 = arith.select %eq3A_1503, %jit3A_1504, %jit3A_1501 : i32
            %rem3A_1506 = arith.remsi %add3A_865, %select_n3A_1505 : i32
            %ne3A_1507 = arith.constant 0 : i32
            %ne3A_1508 = arith.cmpi ne, %rem3A_1506, %ne3A_1507 : i32
            %lt3A_1509 = arith.constant 0 : i32
            %lt3A_1510 = arith.cmpi slt, %rem3A_1506, %lt3A_1509 : i32
            %lt3A_1511 = arith.constant 0 : i32
            %lt3A_1512 = arith.cmpi slt, %select_n3A_1505, %lt3A_1511 : i32
            %ne3A_1513 = arith.xori %lt3A_1510, %lt3A_1512 : i1
            %and3A_1514 = arith.andi %ne3A_1513, %ne3A_1508 : i1
            %add3A_1515 = arith.addi %rem3A_1506, %select_n3A_1505 : i32
            %select_n3A_1516 = arith.select %and3A_1514, %add3A_1515, %rem3A_1506 : i32
            %mul3A_1517 = arith.constant 4096 : i32
            %mul3A_1518 = arith.muli %select_n3A_1516, %mul3A_1517 : i32
            %add3A_1519 = arith.constant 5 : i32
            %add3A_1520 = arith.addi %add3A_1298, %add3A_1519 : i32
            %jit3A_1521 = arith.constant 2 : i32
            %div3A_1522 = arith.divsi %add3A_865, %jit3A_1521 : i32
            %sign3A_1523 = arith.constant 0 : i32
            %sign3A_1524 = arith.cmpi sgt, %add3A_865, %sign3A_1523 : i32
            %sign3A_1525 = arith.extui %sign3A_1524 : i1 to i32
            %sign3A_1526 = arith.constant 0 : i32
            %sign3A_1527 = arith.cmpi slt, %add3A_865, %sign3A_1526 : i32
            %sign3A_1528 = arith.extui %sign3A_1527 : i1 to i32
            %sign3A_1529 = arith.subi %sign3A_1525, %sign3A_1528 : i32
            %sign3A_1530 = arith.constant 0 : i32
            %sign3A_1531 = arith.cmpi sgt, %jit3A_1521, %sign3A_1530 : i32
            %sign3A_1532 = arith.extui %sign3A_1531 : i1 to i32
            %sign3A_1533 = arith.constant 0 : i32
            %sign3A_1534 = arith.cmpi slt, %jit3A_1521, %sign3A_1533 : i32
            %sign3A_1535 = arith.extui %sign3A_1534 : i1 to i32
            %sign3A_1536 = arith.subi %sign3A_1532, %sign3A_1535 : i32
            %ne3A_1537 = arith.cmpi ne, %sign3A_1529, %sign3A_1536 : i32
            %rem3A_1538 = arith.remsi %add3A_865, %jit3A_1521 : i32
            %ne3A_1539 = arith.constant 0 : i32
            %ne3A_1540 = arith.cmpi ne, %rem3A_1538, %ne3A_1539 : i32
            %and3A_1541 = arith.andi %ne3A_1537, %ne3A_1540 : i1
            %sub3A_1542 = arith.constant 1 : i32
            %sub3A_1543 = arith.subi %div3A_1522, %sub3A_1542 : i32
            %select_n3A_1544 = arith.select %and3A_1541, %sub3A_1543, %div3A_1522 : i32
            %jit3A_1545 = arith.constant 2 : i32
            %eq3A_1546 = arith.constant 0 : i32
            %eq3A_1547 = arith.cmpi eq, %jit3A_1545, %eq3A_1546 : i32
            %jit3A_1548 = arith.constant 1 : i32
            %select_n3A_1549 = arith.select %eq3A_1547, %jit3A_1548, %jit3A_1545 : i32
            %rem3A_1550 = arith.remsi %add3A_865, %select_n3A_1549 : i32
            %ne3A_1551 = arith.constant 0 : i32
            %ne3A_1552 = arith.cmpi ne, %rem3A_1550, %ne3A_1551 : i32
            %lt3A_1553 = arith.constant 0 : i32
            %lt3A_1554 = arith.cmpi slt, %rem3A_1550, %lt3A_1553 : i32
            %lt3A_1555 = arith.constant 0 : i32
            %lt3A_1556 = arith.cmpi slt, %select_n3A_1549, %lt3A_1555 : i32
            %ne3A_1557 = arith.xori %lt3A_1554, %lt3A_1556 : i1
            %and3A_1558 = arith.andi %ne3A_1557, %ne3A_1552 : i1
            %add3A_1559 = arith.addi %rem3A_1550, %select_n3A_1549 : i32
            %select_n3A_1560 = arith.select %and3A_1558, %add3A_1559, %rem3A_1550 : i32
            %mul3A_1561 = arith.constant 4096 : i32
            %mul3A_1562 = arith.muli %select_n3A_1560, %mul3A_1561 : i32
            %add3A_1563 = arith.constant 6 : i32
            %add3A_1564 = arith.addi %add3A_1298, %add3A_1563 : i32
            %jit3A_1565 = arith.constant 2 : i32
            %div3A_1566 = arith.divsi %add3A_865, %jit3A_1565 : i32
            %sign3A_1567 = arith.constant 0 : i32
            %sign3A_1568 = arith.cmpi sgt, %add3A_865, %sign3A_1567 : i32
            %sign3A_1569 = arith.extui %sign3A_1568 : i1 to i32
            %sign3A_1570 = arith.constant 0 : i32
            %sign3A_1571 = arith.cmpi slt, %add3A_865, %sign3A_1570 : i32
            %sign3A_1572 = arith.extui %sign3A_1571 : i1 to i32
            %sign3A_1573 = arith.subi %sign3A_1569, %sign3A_1572 : i32
            %sign3A_1574 = arith.constant 0 : i32
            %sign3A_1575 = arith.cmpi sgt, %jit3A_1565, %sign3A_1574 : i32
            %sign3A_1576 = arith.extui %sign3A_1575 : i1 to i32
            %sign3A_1577 = arith.constant 0 : i32
            %sign3A_1578 = arith.cmpi slt, %jit3A_1565, %sign3A_1577 : i32
            %sign3A_1579 = arith.extui %sign3A_1578 : i1 to i32
            %sign3A_1580 = arith.subi %sign3A_1576, %sign3A_1579 : i32
            %ne3A_1581 = arith.cmpi ne, %sign3A_1573, %sign3A_1580 : i32
            %rem3A_1582 = arith.remsi %add3A_865, %jit3A_1565 : i32
            %ne3A_1583 = arith.constant 0 : i32
            %ne3A_1584 = arith.cmpi ne, %rem3A_1582, %ne3A_1583 : i32
            %and3A_1585 = arith.andi %ne3A_1581, %ne3A_1584 : i1
            %sub3A_1586 = arith.constant 1 : i32
            %sub3A_1587 = arith.subi %div3A_1566, %sub3A_1586 : i32
            %select_n3A_1588 = arith.select %and3A_1585, %sub3A_1587, %div3A_1566 : i32
            %jit3A_1589 = arith.constant 2 : i32
            %eq3A_1590 = arith.constant 0 : i32
            %eq3A_1591 = arith.cmpi eq, %jit3A_1589, %eq3A_1590 : i32
            %jit3A_1592 = arith.constant 1 : i32
            %select_n3A_1593 = arith.select %eq3A_1591, %jit3A_1592, %jit3A_1589 : i32
            %rem3A_1594 = arith.remsi %add3A_865, %select_n3A_1593 : i32
            %ne3A_1595 = arith.constant 0 : i32
            %ne3A_1596 = arith.cmpi ne, %rem3A_1594, %ne3A_1595 : i32
            %lt3A_1597 = arith.constant 0 : i32
            %lt3A_1598 = arith.cmpi slt, %rem3A_1594, %lt3A_1597 : i32
            %lt3A_1599 = arith.constant 0 : i32
            %lt3A_1600 = arith.cmpi slt, %select_n3A_1593, %lt3A_1599 : i32
            %ne3A_1601 = arith.xori %lt3A_1598, %lt3A_1600 : i1
            %and3A_1602 = arith.andi %ne3A_1601, %ne3A_1596 : i1
            %add3A_1603 = arith.addi %rem3A_1594, %select_n3A_1593 : i32
            %select_n3A_1604 = arith.select %and3A_1602, %add3A_1603, %rem3A_1594 : i32
            %mul3A_1605 = arith.constant 4096 : i32
            %mul3A_1606 = arith.muli %select_n3A_1604, %mul3A_1605 : i32
            %add3A_1607 = arith.constant 7 : i32
            %add3A_1608 = arith.addi %add3A_1298, %add3A_1607 : i32
            %jit3A_1609 = arith.constant 2 : i32
            %div3A_1610 = arith.divsi %add3A_865, %jit3A_1609 : i32
            %sign3A_1611 = arith.constant 0 : i32
            %sign3A_1612 = arith.cmpi sgt, %add3A_865, %sign3A_1611 : i32
            %sign3A_1613 = arith.extui %sign3A_1612 : i1 to i32
            %sign3A_1614 = arith.constant 0 : i32
            %sign3A_1615 = arith.cmpi slt, %add3A_865, %sign3A_1614 : i32
            %sign3A_1616 = arith.extui %sign3A_1615 : i1 to i32
            %sign3A_1617 = arith.subi %sign3A_1613, %sign3A_1616 : i32
            %sign3A_1618 = arith.constant 0 : i32
            %sign3A_1619 = arith.cmpi sgt, %jit3A_1609, %sign3A_1618 : i32
            %sign3A_1620 = arith.extui %sign3A_1619 : i1 to i32
            %sign3A_1621 = arith.constant 0 : i32
            %sign3A_1622 = arith.cmpi slt, %jit3A_1609, %sign3A_1621 : i32
            %sign3A_1623 = arith.extui %sign3A_1622 : i1 to i32
            %sign3A_1624 = arith.subi %sign3A_1620, %sign3A_1623 : i32
            %ne3A_1625 = arith.cmpi ne, %sign3A_1617, %sign3A_1624 : i32
            %rem3A_1626 = arith.remsi %add3A_865, %jit3A_1609 : i32
            %ne3A_1627 = arith.constant 0 : i32
            %ne3A_1628 = arith.cmpi ne, %rem3A_1626, %ne3A_1627 : i32
            %and3A_1629 = arith.andi %ne3A_1625, %ne3A_1628 : i1
            %sub3A_1630 = arith.constant 1 : i32
            %sub3A_1631 = arith.subi %div3A_1610, %sub3A_1630 : i32
            %select_n3A_1632 = arith.select %and3A_1629, %sub3A_1631, %div3A_1610 : i32
            %jit3A_1633 = arith.constant 2 : i32
            %eq3A_1634 = arith.constant 0 : i32
            %eq3A_1635 = arith.cmpi eq, %jit3A_1633, %eq3A_1634 : i32
            %jit3A_1636 = arith.constant 1 : i32
            %select_n3A_1637 = arith.select %eq3A_1635, %jit3A_1636, %jit3A_1633 : i32
            %rem3A_1638 = arith.remsi %add3A_865, %select_n3A_1637 : i32
            %ne3A_1639 = arith.constant 0 : i32
            %ne3A_1640 = arith.cmpi ne, %rem3A_1638, %ne3A_1639 : i32
            %lt3A_1641 = arith.constant 0 : i32
            %lt3A_1642 = arith.cmpi slt, %rem3A_1638, %lt3A_1641 : i32
            %lt3A_1643 = arith.constant 0 : i32
            %lt3A_1644 = arith.cmpi slt, %select_n3A_1637, %lt3A_1643 : i32
            %ne3A_1645 = arith.xori %lt3A_1642, %lt3A_1644 : i1
            %and3A_1646 = arith.andi %ne3A_1645, %ne3A_1640 : i1
            %add3A_1647 = arith.addi %rem3A_1638, %select_n3A_1637 : i32
            %select_n3A_1648 = arith.select %and3A_1646, %add3A_1647, %rem3A_1638 : i32
            %mul3A_1649 = arith.constant 4096 : i32
            %mul3A_1650 = arith.muli %select_n3A_1648, %mul3A_1649 : i32
            %dma_wait3A_1651 = arith.constant 0 : i32
            %dma_wait3A_1652 = tpu.memref_slice %arg9[%dma_wait3A_1651] : memref<32768xf32, #tpu.memory_space<vmem>> -> memref<4096xf32, #tpu.memory_space<vmem>>
            %dma_wait3A_1653 = tpu.memref_slice %arg4[%add3A_1300, %select_n3A_1324, %mul3A_1342] : memref<4096x2x8192xf32, #tpu.memory_space<hbm>> -> memref<1x1x4096xf32, #tpu.memory_space<hbm>>
            %dma_wait3A_1654 = tpu.memref_squeeze %dma_wait3A_1653 : memref<1x1x4096xf32, #tpu.memory_space<hbm>> -> memref<4096xf32, #tpu.memory_space<hbm>>
            %dma_wait3A_1655 = tpu.memref_slice %arg4[%add3A_1300, %select_n3A_1324, %mul3A_1342] : memref<4096x2x8192xf32, #tpu.memory_space<hbm>> -> memref<1x1x4096xf32, #tpu.memory_space<hbm>>
            %dma_wait3A_1656 = tpu.memref_squeeze %dma_wait3A_1655 : memref<1x1x4096xf32, #tpu.memory_space<hbm>> -> memref<4096xf32, #tpu.memory_space<hbm>>
            %dma_wait3A_1657 = arith.constant 0 : i32
            %dma_wait3A_1658 = tpu.memref_slice %arg9[%dma_wait3A_1657] : memref<32768xf32, #tpu.memory_space<vmem>> -> memref<4096xf32, #tpu.memory_space<vmem>>
            tpu.wait_dma2 semaphore(%arg13 : memref<!tpu.dma_semaphore, #tpu.memory_space<semaphore_mem>>) src(%dma_wait3A_1658 : memref<4096xf32, #tpu.memory_space<vmem>>) dst(%dma_wait3A_1656 : memref<4096xf32, #tpu.memory_space<hbm>>)
            %dma_wait3A_1659 = arith.constant 4096 : i32
            %dma_wait3A_1660 = tpu.memref_slice %arg9[%dma_wait3A_1659] : memref<32768xf32, #tpu.memory_space<vmem>> -> memref<4096xf32, #tpu.memory_space<vmem>>
            %dma_wait3A_1661 = tpu.memref_slice %arg4[%add3A_1344, %select_n3A_1368, %mul3A_1386] : memref<4096x2x8192xf32, #tpu.memory_space<hbm>> -> memref<1x1x4096xf32, #tpu.memory_space<hbm>>
            %dma_wait3A_1662 = tpu.memref_squeeze %dma_wait3A_1661 : memref<1x1x4096xf32, #tpu.memory_space<hbm>> -> memref<4096xf32, #tpu.memory_space<hbm>>
            %dma_wait3A_1663 = tpu.memref_slice %arg4[%add3A_1344, %select_n3A_1368, %mul3A_1386] : memref<4096x2x8192xf32, #tpu.memory_space<hbm>> -> memref<1x1x4096xf32, #tpu.memory_space<hbm>>
            %dma_wait3A_1664 = tpu.memref_squeeze %dma_wait3A_1663 : memref<1x1x4096xf32, #tpu.memory_space<hbm>> -> memref<4096xf32, #tpu.memory_space<hbm>>
            %dma_wait3A_1665 = arith.constant 4096 : i32
            %dma_wait3A_1666 = tpu.memref_slice %arg9[%dma_wait3A_1665] : memref<32768xf32, #tpu.memory_space<vmem>> -> memref<4096xf32, #tpu.memory_space<vmem>>
            tpu.wait_dma2 semaphore(%arg13 : memref<!tpu.dma_semaphore, #tpu.memory_space<semaphore_mem>>) src(%dma_wait3A_1666 : memref<4096xf32, #tpu.memory_space<vmem>>) dst(%dma_wait3A_1664 : memref<4096xf32, #tpu.memory_space<hbm>>)
            %dma_wait3A_1667 = arith.constant 8192 : i32
            %dma_wait3A_1668 = tpu.memref_slice %arg9[%dma_wait3A_1667] : memref<32768xf32, #tpu.memory_space<vmem>> -> memref<4096xf32, #tpu.memory_space<vmem>>
            %dma_wait3A_1669 = tpu.memref_slice %arg4[%add3A_1388, %select_n3A_1412, %mul3A_1430] : memref<4096x2x8192xf32, #tpu.memory_space<hbm>> -> memref<1x1x4096xf32, #tpu.memory_space<hbm>>
            %dma_wait3A_1670 = tpu.memref_squeeze %dma_wait3A_1669 : memref<1x1x4096xf32, #tpu.memory_space<hbm>> -> memref<4096xf32, #tpu.memory_space<hbm>>
            %dma_wait3A_1671 = tpu.memref_slice %arg4[%add3A_1388, %select_n3A_1412, %mul3A_1430] : memref<4096x2x8192xf32, #tpu.memory_space<hbm>> -> memref<1x1x4096xf32, #tpu.memory_space<hbm>>
            %dma_wait3A_1672 = tpu.memref_squeeze %dma_wait3A_1671 : memref<1x1x4096xf32, #tpu.memory_space<hbm>> -> memref<4096xf32, #tpu.memory_space<hbm>>
            %dma_wait3A_1673 = arith.constant 8192 : i32
            %dma_wait3A_1674 = tpu.memref_slice %arg9[%dma_wait3A_1673] : memref<32768xf32, #tpu.memory_space<vmem>> -> memref<4096xf32, #tpu.memory_space<vmem>>
            tpu.wait_dma2 semaphore(%arg13 : memref<!tpu.dma_semaphore, #tpu.memory_space<semaphore_mem>>) src(%dma_wait3A_1674 : memref<4096xf32, #tpu.memory_space<vmem>>) dst(%dma_wait3A_1672 : memref<4096xf32, #tpu.memory_space<hbm>>)
            %dma_wait3A_1675 = arith.constant 12288 : i32
            %dma_wait3A_1676 = tpu.memref_slice %arg9[%dma_wait3A_1675] : memref<32768xf32, #tpu.memory_space<vmem>> -> memref<4096xf32, #tpu.memory_space<vmem>>
            %dma_wait3A_1677 = tpu.memref_slice %arg4[%add3A_1432, %select_n3A_1456, %mul3A_1474] : memref<4096x2x8192xf32, #tpu.memory_space<hbm>> -> memref<1x1x4096xf32, #tpu.memory_space<hbm>>
            %dma_wait3A_1678 = tpu.memref_squeeze %dma_wait3A_1677 : memref<1x1x4096xf32, #tpu.memory_space<hbm>> -> memref<4096xf32, #tpu.memory_space<hbm>>
            %dma_wait3A_1679 = tpu.memref_slice %arg4[%add3A_1432, %select_n3A_1456, %mul3A_1474] : memref<4096x2x8192xf32, #tpu.memory_space<hbm>> -> memref<1x1x4096xf32, #tpu.memory_space<hbm>>
            %dma_wait3A_1680 = tpu.memref_squeeze %dma_wait3A_1679 : memref<1x1x4096xf32, #tpu.memory_space<hbm>> -> memref<4096xf32, #tpu.memory_space<hbm>>
            %dma_wait3A_1681 = arith.constant 12288 : i32
            %dma_wait3A_1682 = tpu.memref_slice %arg9[%dma_wait3A_1681] : memref<32768xf32, #tpu.memory_space<vmem>> -> memref<4096xf32, #tpu.memory_space<vmem>>
            tpu.wait_dma2 semaphore(%arg13 : memref<!tpu.dma_semaphore, #tpu.memory_space<semaphore_mem>>) src(%dma_wait3A_1682 : memref<4096xf32, #tpu.memory_space<vmem>>) dst(%dma_wait3A_1680 : memref<4096xf32, #tpu.memory_space<hbm>>)
            %dma_wait3A_1683 = arith.constant 16384 : i32
            %dma_wait3A_1684 = tpu.memref_slice %arg9[%dma_wait3A_1683] : memref<32768xf32, #tpu.memory_space<vmem>> -> memref<4096xf32, #tpu.memory_space<vmem>>
            %dma_wait3A_1685 = tpu.memref_slice %arg4[%add3A_1476, %select_n3A_1500, %mul3A_1518] : memref<4096x2x8192xf32, #tpu.memory_space<hbm>> -> memref<1x1x4096xf32, #tpu.memory_space<hbm>>
            %dma_wait3A_1686 = tpu.memref_squeeze %dma_wait3A_1685 : memref<1x1x4096xf32, #tpu.memory_space<hbm>> -> memref<4096xf32, #tpu.memory_space<hbm>>
            %dma_wait3A_1687 = tpu.memref_slice %arg4[%add3A_1476, %select_n3A_1500, %mul3A_1518] : memref<4096x2x8192xf32, #tpu.memory_space<hbm>> -> memref<1x1x4096xf32, #tpu.memory_space<hbm>>
            %dma_wait3A_1688 = tpu.memref_squeeze %dma_wait3A_1687 : memref<1x1x4096xf32, #tpu.memory_space<hbm>> -> memref<4096xf32, #tpu.memory_space<hbm>>
            %dma_wait3A_1689 = arith.constant 16384 : i32
            %dma_wait3A_1690 = tpu.memref_slice %arg9[%dma_wait3A_1689] : memref<32768xf32, #tpu.memory_space<vmem>> -> memref<4096xf32, #tpu.memory_space<vmem>>
            tpu.wait_dma2 semaphore(%arg13 : memref<!tpu.dma_semaphore, #tpu.memory_space<semaphore_mem>>) src(%dma_wait3A_1690 : memref<4096xf32, #tpu.memory_space<vmem>>) dst(%dma_wait3A_1688 : memref<4096xf32, #tpu.memory_space<hbm>>)
            %dma_wait3A_1691 = arith.constant 20480 : i32
            %dma_wait3A_1692 = tpu.memref_slice %arg9[%dma_wait3A_1691] : memref<32768xf32, #tpu.memory_space<vmem>> -> memref<4096xf32, #tpu.memory_space<vmem>>
            %dma_wait3A_1693 = tpu.memref_slice %arg4[%add3A_1520, %select_n3A_1544, %mul3A_1562] : memref<4096x2x8192xf32, #tpu.memory_space<hbm>> -> memref<1x1x4096xf32, #tpu.memory_space<hbm>>
            %dma_wait3A_1694 = tpu.memref_squeeze %dma_wait3A_1693 : memref<1x1x4096xf32, #tpu.memory_space<hbm>> -> memref<4096xf32, #tpu.memory_space<hbm>>
            %dma_wait3A_1695 = tpu.memref_slice %arg4[%add3A_1520, %select_n3A_1544, %mul3A_1562] : memref<4096x2x8192xf32, #tpu.memory_space<hbm>> -> memref<1x1x4096xf32, #tpu.memory_space<hbm>>
            %dma_wait3A_1696 = tpu.memref_squeeze %dma_wait3A_1695 : memref<1x1x4096xf32, #tpu.memory_space<hbm>> -> memref<4096xf32, #tpu.memory_space<hbm>>
            %dma_wait3A_1697 = arith.constant 20480 : i32
            %dma_wait3A_1698 = tpu.memref_slice %arg9[%dma_wait3A_1697] : memref<32768xf32, #tpu.memory_space<vmem>> -> memref<4096xf32, #tpu.memory_space<vmem>>
            tpu.wait_dma2 semaphore(%arg13 : memref<!tpu.dma_semaphore, #tpu.memory_space<semaphore_mem>>) src(%dma_wait3A_1698 : memref<4096xf32, #tpu.memory_space<vmem>>) dst(%dma_wait3A_1696 : memref<4096xf32, #tpu.memory_space<hbm>>)
            %dma_wait3A_1699 = arith.constant 24576 : i32
            %dma_wait3A_1700 = tpu.memref_slice %arg9[%dma_wait3A_1699] : memref<32768xf32, #tpu.memory_space<vmem>> -> memref<4096xf32, #tpu.memory_space<vmem>>
            %dma_wait3A_1701 = tpu.memref_slice %arg4[%add3A_1564, %select_n3A_1588, %mul3A_1606] : memref<4096x2x8192xf32, #tpu.memory_space<hbm>> -> memref<1x1x4096xf32, #tpu.memory_space<hbm>>
            %dma_wait3A_1702 = tpu.memref_squeeze %dma_wait3A_1701 : memref<1x1x4096xf32, #tpu.memory_space<hbm>> -> memref<4096xf32, #tpu.memory_space<hbm>>
            %dma_wait3A_1703 = tpu.memref_slice %arg4[%add3A_1564, %select_n3A_1588, %mul3A_1606] : memref<4096x2x8192xf32, #tpu.memory_space<hbm>> -> memref<1x1x4096xf32, #tpu.memory_space<hbm>>
            %dma_wait3A_1704 = tpu.memref_squeeze %dma_wait3A_1703 : memref<1x1x4096xf32, #tpu.memory_space<hbm>> -> memref<4096xf32, #tpu.memory_space<hbm>>
            %dma_wait3A_1705 = arith.constant 24576 : i32
            %dma_wait3A_1706 = tpu.memref_slice %arg9[%dma_wait3A_1705] : memref<32768xf32, #tpu.memory_space<vmem>> -> memref<4096xf32, #tpu.memory_space<vmem>>
            tpu.wait_dma2 semaphore(%arg13 : memref<!tpu.dma_semaphore, #tpu.memory_space<semaphore_mem>>) src(%dma_wait3A_1706 : memref<4096xf32, #tpu.memory_space<vmem>>) dst(%dma_wait3A_1704 : memref<4096xf32, #tpu.memory_space<hbm>>)
            %dma_wait3A_1707 = arith.constant 28672 : i32
            %dma_wait3A_1708 = tpu.memref_slice %arg9[%dma_wait3A_1707] : memref<32768xf32, #tpu.memory_space<vmem>> -> memref<4096xf32, #tpu.memory_space<vmem>>
            %dma_wait3A_1709 = tpu.memref_slice %arg4[%add3A_1608, %select_n3A_1632, %mul3A_1650] : memref<4096x2x8192xf32, #tpu.memory_space<hbm>> -> memref<1x1x4096xf32, #tpu.memory_space<hbm>>
            %dma_wait3A_1710 = tpu.memref_squeeze %dma_wait3A_1709 : memref<1x1x4096xf32, #tpu.memory_space<hbm>> -> memref<4096xf32, #tpu.memory_space<hbm>>
            %dma_wait3A_1711 = tpu.memref_slice %arg4[%add3A_1608, %select_n3A_1632, %mul3A_1650] : memref<4096x2x8192xf32, #tpu.memory_space<hbm>> -> memref<1x1x4096xf32, #tpu.memory_space<hbm>>
            %dma_wait3A_1712 = tpu.memref_squeeze %dma_wait3A_1711 : memref<1x1x4096xf32, #tpu.memory_space<hbm>> -> memref<4096xf32, #tpu.memory_space<hbm>>
            %dma_wait3A_1713 = arith.constant 28672 : i32
            %dma_wait3A_1714 = tpu.memref_slice %arg9[%dma_wait3A_1713] : memref<32768xf32, #tpu.memory_space<vmem>> -> memref<4096xf32, #tpu.memory_space<vmem>>
            tpu.wait_dma2 semaphore(%arg13 : memref<!tpu.dma_semaphore, #tpu.memory_space<semaphore_mem>>) src(%dma_wait3A_1714 : memref<4096xf32, #tpu.memory_space<vmem>>) dst(%dma_wait3A_1712 : memref<4096xf32, #tpu.memory_space<hbm>>)
          } else {
          }
          %parallel_loop3A_874 = arith.constant 0 : i32
          %parallel_loop3A_875 = arith.constant 4096 : i32
          %parallel_loop3A_876 = arith.constant 16 : i32
          scf.for %parallel_loop3A_1296 = %parallel_loop3A_874 to %parallel_loop3A_875 step %parallel_loop3A_876  : i32 {
            %parallel_loop3A_1297 = arith.constant 4096 : i32
            %parallel_loop3A_1298 = arith.muli %add3A_865, %parallel_loop3A_1297 : i32
            %parallel_loop3A_1299 = arith.addi %parallel_loop3A_1298, %parallel_loop3A_1296 : i32
            %parallel_loop3A_1300 = arith.index_cast %parallel_loop3A_1299 : i32 to index
            %parallel_loop3A_1301 = tpu.vector_load %arg5[%parallel_loop3A_1300] {strides = array<i32>} : memref<16384xi32, #tpu.memory_space<vmem>>, vector<16xi32>,
            %parallel_loop3A_1302 = arith.constant 0 : i32
            %parallel_loop3A_1303 = vector.broadcast %parallel_loop3A_1302 : i32 to vector<16xi32>
            %parallel_loop3A_1304 = arith.addi %parallel_loop3A_1301, %parallel_loop3A_1303 : vector<16xi32>
            %parallel_loop3A_1305 = tpu.vector_load_idx %arg6[%parallel_loop3A_1304] : memref<16384xf32, #tpu.memory_space<vmem>>[vector<16xi32>], vector<16xf32>,
            %parallel_loop3A_1306 = arith.constant 0 : i32
            %parallel_loop3A_1307 = arith.addi %parallel_loop3A_1306, %parallel_loop3A_1296 : i32
            %parallel_loop3A_1308 = arith.index_cast %parallel_loop3A_1307 : i32 to index
            %parallel_loop3A_1309 = tpu.vector_load %arg9[%parallel_loop3A_1308] {strides = array<i32>} : memref<32768xf32, #tpu.memory_space<vmem>>, vector<16xf32>,
            tpu.vector_store %arg9[%parallel_loop3A_1308], %parallel_loop3A_1305 {strides = array<i32>} : memref<32768xf32, #tpu.memory_space<vmem>>, vector<16xf32>,
            %parallel_loop3A_1310 = arith.constant 2048 : i32
            %parallel_loop3A_1311 = vector.broadcast %parallel_loop3A_1310 : i32 to vector<16xi32>
            %parallel_loop3A_1312 = arith.addi %parallel_loop3A_1301, %parallel_loop3A_1311 : vector<16xi32>
            %parallel_loop3A_1313 = tpu.vector_load_idx %arg6[%parallel_loop3A_1312] : memref<16384xf32, #tpu.memory_space<vmem>>[vector<16xi32>], vector<16xf32>,
            %parallel_loop3A_1314 = arith.constant 4096 : i32
            %parallel_loop3A_1315 = arith.addi %parallel_loop3A_1314, %parallel_loop3A_1296 : i32
            %parallel_loop3A_1316 = arith.index_cast %parallel_loop3A_1315 : i32 to index
            %parallel_loop3A_1317 = tpu.vector_load %arg9[%parallel_loop3A_1316] {strides = array<i32>} : memref<32768xf32, #tpu.memory_space<vmem>>, vector<16xf32>,
            tpu.vector_store %arg9[%parallel_loop3A_1316], %parallel_loop3A_1313 {strides = array<i32>} : memref<32768xf32, #tpu.memory_space<vmem>>, vector<16xf32>,
            %parallel_loop3A_1318 = arith.constant 4096 : i32
            %parallel_loop3A_1319 = vector.broadcast %parallel_loop3A_1318 : i32 to vector<16xi32>
            %parallel_loop3A_1320 = arith.addi %parallel_loop3A_1301, %parallel_loop3A_1319 : vector<16xi32>
            %parallel_loop3A_1321 = tpu.vector_load_idx %arg6[%parallel_loop3A_1320] : memref<16384xf32, #tpu.memory_space<vmem>>[vector<16xi32>], vector<16xf32>,
            %parallel_loop3A_1322 = arith.constant 8192 : i32
            %parallel_loop3A_1323 = arith.addi %parallel_loop3A_1322, %parallel_loop3A_1296 : i32
            %parallel_loop3A_1324 = arith.index_cast %parallel_loop3A_1323 : i32 to index
            %parallel_loop3A_1325 = tpu.vector_load %arg9[%parallel_loop3A_1324] {strides = array<i32>} : memref<32768xf32, #tpu.memory_space<vmem>>, vector<16xf32>,
            tpu.vector_store %arg9[%parallel_loop3A_1324], %parallel_loop3A_1321 {strides = array<i32>} : memref<32768xf32, #tpu.memory_space<vmem>>, vector<16xf32>,
            %parallel_loop3A_1326 = arith.constant 6144 : i32
            %parallel_loop3A_1327 = vector.broadcast %parallel_loop3A_1326 : i32 to vector<16xi32>
            %parallel_loop3A_1328 = arith.addi %parallel_loop3A_1301, %parallel_loop3A_1327 : vector<16xi32>
            %parallel_loop3A_1329 = tpu.vector_load_idx %arg6[%parallel_loop3A_1328] : memref<16384xf32, #tpu.memory_space<vmem>>[vector<16xi32>], vector<16xf32>,
            %parallel_loop3A_1330 = arith.constant 12288 : i32
            %parallel_loop3A_1331 = arith.addi %parallel_loop3A_1330, %parallel_loop3A_1296 : i32
            %parallel_loop3A_1332 = arith.index_cast %parallel_loop3A_1331 : i32 to index
            %parallel_loop3A_1333 = tpu.vector_load %arg9[%parallel_loop3A_1332] {strides = array<i32>} : memref<32768xf32, #tpu.memory_space<vmem>>, vector<16xf32>,
            tpu.vector_store %arg9[%parallel_loop3A_1332], %parallel_loop3A_1329 {strides = array<i32>} : memref<32768xf32, #tpu.memory_space<vmem>>, vector<16xf32>,
            %parallel_loop3A_1334 = arith.constant 8192 : i32
            %parallel_loop3A_1335 = vector.broadcast %parallel_loop3A_1334 : i32 to vector<16xi32>
            %parallel_loop3A_1336 = arith.addi %parallel_loop3A_1301, %parallel_loop3A_1335 : vector<16xi32>
            %parallel_loop3A_1337 = tpu.vector_load_idx %arg6[%parallel_loop3A_1336] : memref<16384xf32, #tpu.memory_space<vmem>>[vector<16xi32>], vector<16xf32>,
            %parallel_loop3A_1338 = arith.constant 16384 : i32
            %parallel_loop3A_1339 = arith.addi %parallel_loop3A_1338, %parallel_loop3A_1296 : i32
            %parallel_loop3A_1340 = arith.index_cast %parallel_loop3A_1339 : i32 to index
            %parallel_loop3A_1341 = tpu.vector_load %arg9[%parallel_loop3A_1340] {strides = array<i32>} : memref<32768xf32, #tpu.memory_space<vmem>>, vector<16xf32>,
            tpu.vector_store %arg9[%parallel_loop3A_1340], %parallel_loop3A_1337 {strides = array<i32>} : memref<32768xf32, #tpu.memory_space<vmem>>, vector<16xf32>,
            %parallel_loop3A_1342 = arith.constant 10240 : i32
            %parallel_loop3A_1343 = vector.broadcast %parallel_loop3A_1342 : i32 to vector<16xi32>
            %parallel_loop3A_1344 = arith.addi %parallel_loop3A_1301, %parallel_loop3A_1343 : vector<16xi32>
            %parallel_loop3A_1345 = tpu.vector_load_idx %arg6[%parallel_loop3A_1344] : memref<16384xf32, #tpu.memory_space<vmem>>[vector<16xi32>], vector<16xf32>,
            %parallel_loop3A_1346 = arith.constant 20480 : i32
            %parallel_loop3A_1347 = arith.addi %parallel_loop3A_1346, %parallel_loop3A_1296 : i32
            %parallel_loop3A_1348 = arith.index_cast %parallel_loop3A_1347 : i32 to index
            %parallel_loop3A_1349 = tpu.vector_load %arg9[%parallel_loop3A_1348] {strides = array<i32>} : memref<32768xf32, #tpu.memory_space<vmem>>, vector<16xf32>,
            tpu.vector_store %arg9[%parallel_loop3A_1348], %parallel_loop3A_1345 {strides = array<i32>} : memref<32768xf32, #tpu.memory_space<vmem>>, vector<16xf32>,
            %parallel_loop3A_1350 = arith.constant 12288 : i32
            %parallel_loop3A_1351 = vector.broadcast %parallel_loop3A_1350 : i32 to vector<16xi32>
            %parallel_loop3A_1352 = arith.addi %parallel_loop3A_1301, %parallel_loop3A_1351 : vector<16xi32>
            %parallel_loop3A_1353 = tpu.vector_load_idx %arg6[%parallel_loop3A_1352] : memref<16384xf32, #tpu.memory_space<vmem>>[vector<16xi32>], vector<16xf32>,
            %parallel_loop3A_1354 = arith.constant 24576 : i32
            %parallel_loop3A_1355 = arith.addi %parallel_loop3A_1354, %parallel_loop3A_1296 : i32
            %parallel_loop3A_1356 = arith.index_cast %parallel_loop3A_1355 : i32 to index
            %parallel_loop3A_1357 = tpu.vector_load %arg9[%parallel_loop3A_1356] {strides = array<i32>} : memref<32768xf32, #tpu.memory_space<vmem>>, vector<16xf32>,
            tpu.vector_store %arg9[%parallel_loop3A_1356], %parallel_loop3A_1353 {strides = array<i32>} : memref<32768xf32, #tpu.memory_space<vmem>>, vector<16xf32>,
            %parallel_loop3A_1358 = arith.constant 14336 : i32
            %parallel_loop3A_1359 = vector.broadcast %parallel_loop3A_1358 : i32 to vector<16xi32>
            %parallel_loop3A_1360 = arith.addi %parallel_loop3A_1301, %parallel_loop3A_1359 : vector<16xi32>
            %parallel_loop3A_1361 = tpu.vector_load_idx %arg6[%parallel_loop3A_1360] : memref<16384xf32, #tpu.memory_space<vmem>>[vector<16xi32>], vector<16xf32>,
            %parallel_loop3A_1362 = arith.constant 28672 : i32
            %parallel_loop3A_1363 = arith.addi %parallel_loop3A_1362, %parallel_loop3A_1296 : i32
            %parallel_loop3A_1364 = arith.index_cast %parallel_loop3A_1363 : i32 to index
            %parallel_loop3A_1365 = tpu.vector_load %arg9[%parallel_loop3A_1364] {strides = array<i32>} : memref<32768xf32, #tpu.memory_space<vmem>>, vector<16xf32>,
            tpu.vector_store %arg9[%parallel_loop3A_1364], %parallel_loop3A_1361 {strides = array<i32>} : memref<32768xf32, #tpu.memory_space<vmem>>, vector<16xf32>,
          } {sc.loop_unroll_factor = 8 : i64, sc.parallel_access}
          %mul3A_877 = arith.constant 8 : i32
          %mul3A_878 = arith.muli %scan3A_317, %mul3A_877 : i32
          %add3A_879 = arith.addi %mul3A_2, %mul3A_878 : i32
          %add3A_880 = arith.constant 0 : i32
          %add3A_881 = arith.addi %add3A_879, %add3A_880 : i32
          %jit3A_882 = arith.constant 2 : i32
          %div3A_883 = arith.divsi %add3A_865, %jit3A_882 : i32
          %sign3A_884 = arith.constant 0 : i32
          %sign3A_885 = arith.cmpi sgt, %add3A_865, %sign3A_884 : i32
          %sign3A_886 = arith.extui %sign3A_885 : i1 to i32
          %sign3A_887 = arith.constant 0 : i32
          %sign3A_888 = arith.cmpi slt, %add3A_865, %sign3A_887 : i32
          %sign3A_889 = arith.extui %sign3A_888 : i1 to i32
          %sign3A_890 = arith.subi %sign3A_886, %sign3A_889 : i32
          %sign3A_891 = arith.constant 0 : i32
          %sign3A_892 = arith.cmpi sgt, %jit3A_882, %sign3A_891 : i32
          %sign3A_893 = arith.extui %sign3A_892 : i1 to i32
          %sign3A_894 = arith.constant 0 : i32
          %sign3A_895 = arith.cmpi slt, %jit3A_882, %sign3A_894 : i32
          %sign3A_896 = arith.extui %sign3A_895 : i1 to i32
          %sign3A_897 = arith.subi %sign3A_893, %sign3A_896 : i32
          %ne3A_898 = arith.cmpi ne, %sign3A_890, %sign3A_897 : i32
          %rem3A_899 = arith.remsi %add3A_865, %jit3A_882 : i32
          %ne3A_900 = arith.constant 0 : i32
          %ne3A_901 = arith.cmpi ne, %rem3A_899, %ne3A_900 : i32
          %and3A_902 = arith.andi %ne3A_898, %ne3A_901 : i1
          %sub3A_903 = arith.constant 1 : i32
          %sub3A_904 = arith.subi %div3A_883, %sub3A_903 : i32
          %select_n3A_905 = arith.select %and3A_902, %sub3A_904, %div3A_883 : i32
          %jit3A_906 = arith.constant 2 : i32
          %eq3A_907 = arith.constant 0 : i32
          %eq3A_908 = arith.cmpi eq, %jit3A_906, %eq3A_907 : i32
          %jit3A_909 = arith.constant 1 : i32
          %select_n3A_910 = arith.select %eq3A_908, %jit3A_909, %jit3A_906 : i32
          %rem3A_911 = arith.remsi %add3A_865, %select_n3A_910 : i32
          %ne3A_912 = arith.constant 0 : i32
          %ne3A_913 = arith.cmpi ne, %rem3A_911, %ne3A_912 : i32
          %lt3A_914 = arith.constant 0 : i32
          %lt3A_915 = arith.cmpi slt, %rem3A_911, %lt3A_914 : i32
          %lt3A_916 = arith.constant 0 : i32
          %lt3A_917 = arith.cmpi slt, %select_n3A_910, %lt3A_916 : i32
          %ne3A_918 = arith.xori %lt3A_915, %lt3A_917 : i1
          %and3A_919 = arith.andi %ne3A_918, %ne3A_913 : i1
          %add3A_920 = arith.addi %rem3A_911, %select_n3A_910 : i32
          %select_n3A_921 = arith.select %and3A_919, %add3A_920, %rem3A_911 : i32
          %mul3A_922 = arith.constant 4096 : i32
          %mul3A_923 = arith.muli %select_n3A_921, %mul3A_922 : i32
          %add3A_924 = arith.constant 1 : i32
          %add3A_925 = arith.addi %add3A_879, %add3A_924 : i32
          %jit3A_926 = arith.constant 2 : i32
          %div3A_927 = arith.divsi %add3A_865, %jit3A_926 : i32
          %sign3A_928 = arith.constant 0 : i32
          %sign3A_929 = arith.cmpi sgt, %add3A_865, %sign3A_928 : i32
          %sign3A_930 = arith.extui %sign3A_929 : i1 to i32
          %sign3A_931 = arith.constant 0 : i32
          %sign3A_932 = arith.cmpi slt, %add3A_865, %sign3A_931 : i32
          %sign3A_933 = arith.extui %sign3A_932 : i1 to i32
          %sign3A_934 = arith.subi %sign3A_930, %sign3A_933 : i32
          %sign3A_935 = arith.constant 0 : i32
          %sign3A_936 = arith.cmpi sgt, %jit3A_926, %sign3A_935 : i32
          %sign3A_937 = arith.extui %sign3A_936 : i1 to i32
          %sign3A_938 = arith.constant 0 : i32
          %sign3A_939 = arith.cmpi slt, %jit3A_926, %sign3A_938 : i32
          %sign3A_940 = arith.extui %sign3A_939 : i1 to i32
          %sign3A_941 = arith.subi %sign3A_937, %sign3A_940 : i32
          %ne3A_942 = arith.cmpi ne, %sign3A_934, %sign3A_941 : i32
          %rem3A_943 = arith.remsi %add3A_865, %jit3A_926 : i32
          %ne3A_944 = arith.constant 0 : i32
          %ne3A_945 = arith.cmpi ne, %rem3A_943, %ne3A_944 : i32
          %and3A_946 = arith.andi %ne3A_942, %ne3A_945 : i1
          %sub3A_947 = arith.constant 1 : i32
          %sub3A_948 = arith.subi %div3A_927, %sub3A_947 : i32
          %select_n3A_949 = arith.select %and3A_946, %sub3A_948, %div3A_927 : i32
          %jit3A_950 = arith.constant 2 : i32
          %eq3A_951 = arith.constant 0 : i32
          %eq3A_952 = arith.cmpi eq, %jit3A_950, %eq3A_951 : i32
          %jit3A_953 = arith.constant 1 : i32
          %select_n3A_954 = arith.select %eq3A_952, %jit3A_953, %jit3A_950 : i32
          %rem3A_955 = arith.remsi %add3A_865, %select_n3A_954 : i32
          %ne3A_956 = arith.constant 0 : i32
          %ne3A_957 = arith.cmpi ne, %rem3A_955, %ne3A_956 : i32
          %lt3A_958 = arith.constant 0 : i32
          %lt3A_959 = arith.cmpi slt, %rem3A_955, %lt3A_958 : i32
          %lt3A_960 = arith.constant 0 : i32
          %lt3A_961 = arith.cmpi slt, %select_n3A_954, %lt3A_960 : i32
          %ne3A_962 = arith.xori %lt3A_959, %lt3A_961 : i1
          %and3A_963 = arith.andi %ne3A_962, %ne3A_957 : i1
          %add3A_964 = arith.addi %rem3A_955, %select_n3A_954 : i32
          %select_n3A_965 = arith.select %and3A_963, %add3A_964, %rem3A_955 : i32
          %mul3A_966 = arith.constant 4096 : i32
          %mul3A_967 = arith.muli %select_n3A_965, %mul3A_966 : i32
          %add3A_968 = arith.constant 2 : i32
          %add3A_969 = arith.addi %add3A_879, %add3A_968 : i32
          %jit3A_970 = arith.constant 2 : i32
          %div3A_971 = arith.divsi %add3A_865, %jit3A_970 : i32
          %sign3A_972 = arith.constant 0 : i32
          %sign3A_973 = arith.cmpi sgt, %add3A_865, %sign3A_972 : i32
          %sign3A_974 = arith.extui %sign3A_973 : i1 to i32
          %sign3A_975 = arith.constant 0 : i32
          %sign3A_976 = arith.cmpi slt, %add3A_865, %sign3A_975 : i32
          %sign3A_977 = arith.extui %sign3A_976 : i1 to i32
          %sign3A_978 = arith.subi %sign3A_974, %sign3A_977 : i32
          %sign3A_979 = arith.constant 0 : i32
          %sign3A_980 = arith.cmpi sgt, %jit3A_970, %sign3A_979 : i32
          %sign3A_981 = arith.extui %sign3A_980 : i1 to i32
          %sign3A_982 = arith.constant 0 : i32
          %sign3A_983 = arith.cmpi slt, %jit3A_970, %sign3A_982 : i32
          %sign3A_984 = arith.extui %sign3A_983 : i1 to i32
          %sign3A_985 = arith.subi %sign3A_981, %sign3A_984 : i32
          %ne3A_986 = arith.cmpi ne, %sign3A_978, %sign3A_985 : i32
          %rem3A_987 = arith.remsi %add3A_865, %jit3A_970 : i32
          %ne3A_988 = arith.constant 0 : i32
          %ne3A_989 = arith.cmpi ne, %rem3A_987, %ne3A_988 : i32
          %and3A_990 = arith.andi %ne3A_986, %ne3A_989 : i1
          %sub3A_991 = arith.constant 1 : i32
          %sub3A_992 = arith.subi %div3A_971, %sub3A_991 : i32
          %select_n3A_993 = arith.select %and3A_990, %sub3A_992, %div3A_971 : i32
          %jit3A_994 = arith.constant 2 : i32
          %eq3A_995 = arith.constant 0 : i32
          %eq3A_996 = arith.cmpi eq, %jit3A_994, %eq3A_995 : i32
          %jit3A_997 = arith.constant 1 : i32
          %select_n3A_998 = arith.select %eq3A_996, %jit3A_997, %jit3A_994 : i32
          %rem3A_999 = arith.remsi %add3A_865, %select_n3A_998 : i32
          %ne3A_1000 = arith.constant 0 : i32
          %ne3A_1001 = arith.cmpi ne, %rem3A_999, %ne3A_1000 : i32
          %lt3A_1002 = arith.constant 0 : i32
          %lt3A_1003 = arith.cmpi slt, %rem3A_999, %lt3A_1002 : i32
          %lt3A_1004 = arith.constant 0 : i32
          %lt3A_1005 = arith.cmpi slt, %select_n3A_998, %lt3A_1004 : i32
          %ne3A_1006 = arith.xori %lt3A_1003, %lt3A_1005 : i1
          %and3A_1007 = arith.andi %ne3A_1006, %ne3A_1001 : i1
          %add3A_1008 = arith.addi %rem3A_999, %select_n3A_998 : i32
          %select_n3A_1009 = arith.select %and3A_1007, %add3A_1008, %rem3A_999 : i32
          %mul3A_1010 = arith.constant 4096 : i32
          %mul3A_1011 = arith.muli %select_n3A_1009, %mul3A_1010 : i32
          %add3A_1012 = arith.constant 3 : i32
          %add3A_1013 = arith.addi %add3A_879, %add3A_1012 : i32
          %jit3A_1014 = arith.constant 2 : i32
          %div3A_1015 = arith.divsi %add3A_865, %jit3A_1014 : i32
          %sign3A_1016 = arith.constant 0 : i32
          %sign3A_1017 = arith.cmpi sgt, %add3A_865, %sign3A_1016 : i32
          %sign3A_1018 = arith.extui %sign3A_1017 : i1 to i32
          %sign3A_1019 = arith.constant 0 : i32
          %sign3A_1020 = arith.cmpi slt, %add3A_865, %sign3A_1019 : i32
          %sign3A_1021 = arith.extui %sign3A_1020 : i1 to i32
          %sign3A_1022 = arith.subi %sign3A_1018, %sign3A_1021 : i32
          %sign3A_1023 = arith.constant 0 : i32
          %sign3A_1024 = arith.cmpi sgt, %jit3A_1014, %sign3A_1023 : i32
          %sign3A_1025 = arith.extui %sign3A_1024 : i1 to i32
          %sign3A_1026 = arith.constant 0 : i32
          %sign3A_1027 = arith.cmpi slt, %jit3A_1014, %sign3A_1026 : i32
          %sign3A_1028 = arith.extui %sign3A_1027 : i1 to i32
          %sign3A_1029 = arith.subi %sign3A_1025, %sign3A_1028 : i32
          %ne3A_1030 = arith.cmpi ne, %sign3A_1022, %sign3A_1029 : i32
          %rem3A_1031 = arith.remsi %add3A_865, %jit3A_1014 : i32
          %ne3A_1032 = arith.constant 0 : i32
          %ne3A_1033 = arith.cmpi ne, %rem3A_1031, %ne3A_1032 : i32
          %and3A_1034 = arith.andi %ne3A_1030, %ne3A_1033 : i1
          %sub3A_1035 = arith.constant 1 : i32
          %sub3A_1036 = arith.subi %div3A_1015, %sub3A_1035 : i32
          %select_n3A_1037 = arith.select %and3A_1034, %sub3A_1036, %div3A_1015 : i32
          %jit3A_1038 = arith.constant 2 : i32
          %eq3A_1039 = arith.constant 0 : i32
          %eq3A_1040 = arith.cmpi eq, %jit3A_1038, %eq3A_1039 : i32
          %jit3A_1041 = arith.constant 1 : i32
          %select_n3A_1042 = arith.select %eq3A_1040, %jit3A_1041, %jit3A_1038 : i32
          %rem3A_1043 = arith.remsi %add3A_865, %select_n3A_1042 : i32
          %ne3A_1044 = arith.constant 0 : i32
          %ne3A_1045 = arith.cmpi ne, %rem3A_1043, %ne3A_1044 : i32
          %lt3A_1046 = arith.constant 0 : i32
          %lt3A_1047 = arith.cmpi slt, %rem3A_1043, %lt3A_1046 : i32
          %lt3A_1048 = arith.constant 0 : i32
          %lt3A_1049 = arith.cmpi slt, %select_n3A_1042, %lt3A_1048 : i32
          %ne3A_1050 = arith.xori %lt3A_1047, %lt3A_1049 : i1
          %and3A_1051 = arith.andi %ne3A_1050, %ne3A_1045 : i1
          %add3A_1052 = arith.addi %rem3A_1043, %select_n3A_1042 : i32
          %select_n3A_1053 = arith.select %and3A_1051, %add3A_1052, %rem3A_1043 : i32
          %mul3A_1054 = arith.constant 4096 : i32
          %mul3A_1055 = arith.muli %select_n3A_1053, %mul3A_1054 : i32
          %add3A_1056 = arith.constant 4 : i32
          %add3A_1057 = arith.addi %add3A_879, %add3A_1056 : i32
          %jit3A_1058 = arith.constant 2 : i32
          %div3A_1059 = arith.divsi %add3A_865, %jit3A_1058 : i32
          %sign3A_1060 = arith.constant 0 : i32
          %sign3A_1061 = arith.cmpi sgt, %add3A_865, %sign3A_1060 : i32
          %sign3A_1062 = arith.extui %sign3A_1061 : i1 to i32
          %sign3A_1063 = arith.constant 0 : i32
          %sign3A_1064 = arith.cmpi slt, %add3A_865, %sign3A_1063 : i32
          %sign3A_1065 = arith.extui %sign3A_1064 : i1 to i32
          %sign3A_1066 = arith.subi %sign3A_1062, %sign3A_1065 : i32
          %sign3A_1067 = arith.constant 0 : i32
          %sign3A_1068 = arith.cmpi sgt, %jit3A_1058, %sign3A_1067 : i32
          %sign3A_1069 = arith.extui %sign3A_1068 : i1 to i32
          %sign3A_1070 = arith.constant 0 : i32
          %sign3A_1071 = arith.cmpi slt, %jit3A_1058, %sign3A_1070 : i32
          %sign3A_1072 = arith.extui %sign3A_1071 : i1 to i32
          %sign3A_1073 = arith.subi %sign3A_1069, %sign3A_1072 : i32
          %ne3A_1074 = arith.cmpi ne, %sign3A_1066, %sign3A_1073 : i32
          %rem3A_1075 = arith.remsi %add3A_865, %jit3A_1058 : i32
          %ne3A_1076 = arith.constant 0 : i32
          %ne3A_1077 = arith.cmpi ne, %rem3A_1075, %ne3A_1076 : i32
          %and3A_1078 = arith.andi %ne3A_1074, %ne3A_1077 : i1
          %sub3A_1079 = arith.constant 1 : i32
          %sub3A_1080 = arith.subi %div3A_1059, %sub3A_1079 : i32
          %select_n3A_1081 = arith.select %and3A_1078, %sub3A_1080, %div3A_1059 : i32
          %jit3A_1082 = arith.constant 2 : i32
          %eq3A_1083 = arith.constant 0 : i32
          %eq3A_1084 = arith.cmpi eq, %jit3A_1082, %eq3A_1083 : i32
          %jit3A_1085 = arith.constant 1 : i32
          %select_n3A_1086 = arith.select %eq3A_1084, %jit3A_1085, %jit3A_1082 : i32
          %rem3A_1087 = arith.remsi %add3A_865, %select_n3A_1086 : i32
          %ne3A_1088 = arith.constant 0 : i32
          %ne3A_1089 = arith.cmpi ne, %rem3A_1087, %ne3A_1088 : i32
          %lt3A_1090 = arith.constant 0 : i32
          %lt3A_1091 = arith.cmpi slt, %rem3A_1087, %lt3A_1090 : i32
          %lt3A_1092 = arith.constant 0 : i32
          %lt3A_1093 = arith.cmpi slt, %select_n3A_1086, %lt3A_1092 : i32
          %ne3A_1094 = arith.xori %lt3A_1091, %lt3A_1093 : i1
          %and3A_1095 = arith.andi %ne3A_1094, %ne3A_1089 : i1
          %add3A_1096 = arith.addi %rem3A_1087, %select_n3A_1086 : i32
          %select_n3A_1097 = arith.select %and3A_1095, %add3A_1096, %rem3A_1087 : i32
          %mul3A_1098 = arith.constant 4096 : i32
          %mul3A_1099 = arith.muli %select_n3A_1097, %mul3A_1098 : i32
          %add3A_1100 = arith.constant 5 : i32
          %add3A_1101 = arith.addi %add3A_879, %add3A_1100 : i32
          %jit3A_1102 = arith.constant 2 : i32
          %div3A_1103 = arith.divsi %add3A_865, %jit3A_1102 : i32
          %sign3A_1104 = arith.constant 0 : i32
          %sign3A_1105 = arith.cmpi sgt, %add3A_865, %sign3A_1104 : i32
          %sign3A_1106 = arith.extui %sign3A_1105 : i1 to i32
          %sign3A_1107 = arith.constant 0 : i32
          %sign3A_1108 = arith.cmpi slt, %add3A_865, %sign3A_1107 : i32
          %sign3A_1109 = arith.extui %sign3A_1108 : i1 to i32
          %sign3A_1110 = arith.subi %sign3A_1106, %sign3A_1109 : i32
          %sign3A_1111 = arith.constant 0 : i32
          %sign3A_1112 = arith.cmpi sgt, %jit3A_1102, %sign3A_1111 : i32
          %sign3A_1113 = arith.extui %sign3A_1112 : i1 to i32
          %sign3A_1114 = arith.constant 0 : i32
          %sign3A_1115 = arith.cmpi slt, %jit3A_1102, %sign3A_1114 : i32
          %sign3A_1116 = arith.extui %sign3A_1115 : i1 to i32
          %sign3A_1117 = arith.subi %sign3A_1113, %sign3A_1116 : i32
          %ne3A_1118 = arith.cmpi ne, %sign3A_1110, %sign3A_1117 : i32
          %rem3A_1119 = arith.remsi %add3A_865, %jit3A_1102 : i32
          %ne3A_1120 = arith.constant 0 : i32
          %ne3A_1121 = arith.cmpi ne, %rem3A_1119, %ne3A_1120 : i32
          %and3A_1122 = arith.andi %ne3A_1118, %ne3A_1121 : i1
          %sub3A_1123 = arith.constant 1 : i32
          %sub3A_1124 = arith.subi %div3A_1103, %sub3A_1123 : i32
          %select_n3A_1125 = arith.select %and3A_1122, %sub3A_1124, %div3A_1103 : i32
          %jit3A_1126 = arith.constant 2 : i32
          %eq3A_1127 = arith.constant 0 : i32
          %eq3A_1128 = arith.cmpi eq, %jit3A_1126, %eq3A_1127 : i32
          %jit3A_1129 = arith.constant 1 : i32
          %select_n3A_1130 = arith.select %eq3A_1128, %jit3A_1129, %jit3A_1126 : i32
          %rem3A_1131 = arith.remsi %add3A_865, %select_n3A_1130 : i32
          %ne3A_1132 = arith.constant 0 : i32
          %ne3A_1133 = arith.cmpi ne, %rem3A_1131, %ne3A_1132 : i32
          %lt3A_1134 = arith.constant 0 : i32
          %lt3A_1135 = arith.cmpi slt, %rem3A_1131, %lt3A_1134 : i32
          %lt3A_1136 = arith.constant 0 : i32
          %lt3A_1137 = arith.cmpi slt, %select_n3A_1130, %lt3A_1136 : i32
          %ne3A_1138 = arith.xori %lt3A_1135, %lt3A_1137 : i1
          %and3A_1139 = arith.andi %ne3A_1138, %ne3A_1133 : i1
          %add3A_1140 = arith.addi %rem3A_1131, %select_n3A_1130 : i32
          %select_n3A_1141 = arith.select %and3A_1139, %add3A_1140, %rem3A_1131 : i32
          %mul3A_1142 = arith.constant 4096 : i32
          %mul3A_1143 = arith.muli %select_n3A_1141, %mul3A_1142 : i32
          %add3A_1144 = arith.constant 6 : i32
          %add3A_1145 = arith.addi %add3A_879, %add3A_1144 : i32
          %jit3A_1146 = arith.constant 2 : i32
          %div3A_1147 = arith.divsi %add3A_865, %jit3A_1146 : i32
          %sign3A_1148 = arith.constant 0 : i32
          %sign3A_1149 = arith.cmpi sgt, %add3A_865, %sign3A_1148 : i32
          %sign3A_1150 = arith.extui %sign3A_1149 : i1 to i32
          %sign3A_1151 = arith.constant 0 : i32
          %sign3A_1152 = arith.cmpi slt, %add3A_865, %sign3A_1151 : i32
          %sign3A_1153 = arith.extui %sign3A_1152 : i1 to i32
          %sign3A_1154 = arith.subi %sign3A_1150, %sign3A_1153 : i32
          %sign3A_1155 = arith.constant 0 : i32
          %sign3A_1156 = arith.cmpi sgt, %jit3A_1146, %sign3A_1155 : i32
          %sign3A_1157 = arith.extui %sign3A_1156 : i1 to i32
          %sign3A_1158 = arith.constant 0 : i32
          %sign3A_1159 = arith.cmpi slt, %jit3A_1146, %sign3A_1158 : i32
          %sign3A_1160 = arith.extui %sign3A_1159 : i1 to i32
          %sign3A_1161 = arith.subi %sign3A_1157, %sign3A_1160 : i32
          %ne3A_1162 = arith.cmpi ne, %sign3A_1154, %sign3A_1161 : i32
          %rem3A_1163 = arith.remsi %add3A_865, %jit3A_1146 : i32
          %ne3A_1164 = arith.constant 0 : i32
          %ne3A_1165 = arith.cmpi ne, %rem3A_1163, %ne3A_1164 : i32
          %and3A_1166 = arith.andi %ne3A_1162, %ne3A_1165 : i1
          %sub3A_1167 = arith.constant 1 : i32
          %sub3A_1168 = arith.subi %div3A_1147, %sub3A_1167 : i32
          %select_n3A_1169 = arith.select %and3A_1166, %sub3A_1168, %div3A_1147 : i32
          %jit3A_1170 = arith.constant 2 : i32
          %eq3A_1171 = arith.constant 0 : i32
          %eq3A_1172 = arith.cmpi eq, %jit3A_1170, %eq3A_1171 : i32
          %jit3A_1173 = arith.constant 1 : i32
          %select_n3A_1174 = arith.select %eq3A_1172, %jit3A_1173, %jit3A_1170 : i32
          %rem3A_1175 = arith.remsi %add3A_865, %select_n3A_1174 : i32
          %ne3A_1176 = arith.constant 0 : i32
          %ne3A_1177 = arith.cmpi ne, %rem3A_1175, %ne3A_1176 : i32
          %lt3A_1178 = arith.constant 0 : i32
          %lt3A_1179 = arith.cmpi slt, %rem3A_1175, %lt3A_1178 : i32
          %lt3A_1180 = arith.constant 0 : i32
          %lt3A_1181 = arith.cmpi slt, %select_n3A_1174, %lt3A_1180 : i32
          %ne3A_1182 = arith.xori %lt3A_1179, %lt3A_1181 : i1
          %and3A_1183 = arith.andi %ne3A_1182, %ne3A_1177 : i1
          %add3A_1184 = arith.addi %rem3A_1175, %select_n3A_1174 : i32
          %select_n3A_1185 = arith.select %and3A_1183, %add3A_1184, %rem3A_1175 : i32
          %mul3A_1186 = arith.constant 4096 : i32
          %mul3A_1187 = arith.muli %select_n3A_1185, %mul3A_1186 : i32
          %add3A_1188 = arith.constant 7 : i32
          %add3A_1189 = arith.addi %add3A_879, %add3A_1188 : i32
          %jit3A_1190 = arith.constant 2 : i32
          %div3A_1191 = arith.divsi %add3A_865, %jit3A_1190 : i32
          %sign3A_1192 = arith.constant 0 : i32
          %sign3A_1193 = arith.cmpi sgt, %add3A_865, %sign3A_1192 : i32
          %sign3A_1194 = arith.extui %sign3A_1193 : i1 to i32
          %sign3A_1195 = arith.constant 0 : i32
          %sign3A_1196 = arith.cmpi slt, %add3A_865, %sign3A_1195 : i32
          %sign3A_1197 = arith.extui %sign3A_1196 : i1 to i32
          %sign3A_1198 = arith.subi %sign3A_1194, %sign3A_1197 : i32
          %sign3A_1199 = arith.constant 0 : i32
          %sign3A_1200 = arith.cmpi sgt, %jit3A_1190, %sign3A_1199 : i32
          %sign3A_1201 = arith.extui %sign3A_1200 : i1 to i32
          %sign3A_1202 = arith.constant 0 : i32
          %sign3A_1203 = arith.cmpi slt, %jit3A_1190, %sign3A_1202 : i32
          %sign3A_1204 = arith.extui %sign3A_1203 : i1 to i32
          %sign3A_1205 = arith.subi %sign3A_1201, %sign3A_1204 : i32
          %ne3A_1206 = arith.cmpi ne, %sign3A_1198, %sign3A_1205 : i32
          %rem3A_1207 = arith.remsi %add3A_865, %jit3A_1190 : i32
          %ne3A_1208 = arith.constant 0 : i32
          %ne3A_1209 = arith.cmpi ne, %rem3A_1207, %ne3A_1208 : i32
          %and3A_1210 = arith.andi %ne3A_1206, %ne3A_1209 : i1
          %sub3A_1211 = arith.constant 1 : i32
          %sub3A_1212 = arith.subi %div3A_1191, %sub3A_1211 : i32
          %select_n3A_1213 = arith.select %and3A_1210, %sub3A_1212, %div3A_1191 : i32
          %jit3A_1214 = arith.constant 2 : i32
          %eq3A_1215 = arith.constant 0 : i32
          %eq3A_1216 = arith.cmpi eq, %jit3A_1214, %eq3A_1215 : i32
          %jit3A_1217 = arith.constant 1 : i32
          %select_n3A_1218 = arith.select %eq3A_1216, %jit3A_1217, %jit3A_1214 : i32
          %rem3A_1219 = arith.remsi %add3A_865, %select_n3A_1218 : i32
          %ne3A_1220 = arith.constant 0 : i32
          %ne3A_1221 = arith.cmpi ne, %rem3A_1219, %ne3A_1220 : i32
          %lt3A_1222 = arith.constant 0 : i32
          %lt3A_1223 = arith.cmpi slt, %rem3A_1219, %lt3A_1222 : i32
          %lt3A_1224 = arith.constant 0 : i32
          %lt3A_1225 = arith.cmpi slt, %select_n3A_1218, %lt3A_1224 : i32
          %ne3A_1226 = arith.xori %lt3A_1223, %lt3A_1225 : i1
          %and3A_1227 = arith.andi %ne3A_1226, %ne3A_1221 : i1
          %add3A_1228 = arith.addi %rem3A_1219, %select_n3A_1218 : i32
          %select_n3A_1229 = arith.select %and3A_1227, %add3A_1228, %rem3A_1219 : i32
          %mul3A_1230 = arith.constant 4096 : i32
          %mul3A_1231 = arith.muli %select_n3A_1229, %mul3A_1230 : i32
          %dma_start3A_1232 = arith.constant 0 : i32
          %dma_start3A_1233 = tpu.memref_slice %arg9[%dma_start3A_1232] : memref<32768xf32, #tpu.memory_space<vmem>> -> memref<4096xf32, #tpu.memory_space<vmem>>
          %dma_start3A_1234 = tpu.memref_slice %arg4[%add3A_881, %select_n3A_905, %mul3A_923] : memref<4096x2x8192xf32, #tpu.memory_space<hbm>> -> memref<1x1x4096xf32, #tpu.memory_space<hbm>>
          %dma_start3A_1235 = tpu.memref_squeeze %dma_start3A_1234 : memref<1x1x4096xf32, #tpu.memory_space<hbm>> -> memref<4096xf32, #tpu.memory_space<hbm>>
          %dma_start3A_1236 = tpu.memref_slice %arg4[%add3A_881, %select_n3A_905, %mul3A_923] : memref<4096x2x8192xf32, #tpu.memory_space<hbm>> -> memref<1x1x4096xf32, #tpu.memory_space<hbm>>
          %dma_start3A_1237 = tpu.memref_squeeze %dma_start3A_1236 : memref<1x1x4096xf32, #tpu.memory_space<hbm>> -> memref<4096xf32, #tpu.memory_space<hbm>>
          %dma_start3A_1238 = arith.constant 0 : i32
          %dma_start3A_1239 = tpu.memref_slice %arg9[%dma_start3A_1238] : memref<32768xf32, #tpu.memory_space<vmem>> -> memref<4096xf32, #tpu.memory_space<vmem>>
          tpu.enqueue_dma source(%dma_start3A_1239 : memref<4096xf32, #tpu.memory_space<vmem>>) target(%dma_start3A_1237 : memref<4096xf32, #tpu.memory_space<hbm>>) target_semaphore(%arg13 : memref<!tpu.dma_semaphore, #tpu.memory_space<semaphore_mem>>)
          %dma_start3A_1240 = arith.constant 4096 : i32
          %dma_start3A_1241 = tpu.memref_slice %arg9[%dma_start3A_1240] : memref<32768xf32, #tpu.memory_space<vmem>> -> memref<4096xf32, #tpu.memory_space<vmem>>
          %dma_start3A_1242 = tpu.memref_slice %arg4[%add3A_925, %select_n3A_949, %mul3A_967] : memref<4096x2x8192xf32, #tpu.memory_space<hbm>> -> memref<1x1x4096xf32, #tpu.memory_space<hbm>>
          %dma_start3A_1243 = tpu.memref_squeeze %dma_start3A_1242 : memref<1x1x4096xf32, #tpu.memory_space<hbm>> -> memref<4096xf32, #tpu.memory_space<hbm>>
          %dma_start3A_1244 = tpu.memref_slice %arg4[%add3A_925, %select_n3A_949, %mul3A_967] : memref<4096x2x8192xf32, #tpu.memory_space<hbm>> -> memref<1x1x4096xf32, #tpu.memory_space<hbm>>
          %dma_start3A_1245 = tpu.memref_squeeze %dma_start3A_1244 : memref<1x1x4096xf32, #tpu.memory_space<hbm>> -> memref<4096xf32, #tpu.memory_space<hbm>>
          %dma_start3A_1246 = arith.constant 4096 : i32
          %dma_start3A_1247 = tpu.memref_slice %arg9[%dma_start3A_1246] : memref<32768xf32, #tpu.memory_space<vmem>> -> memref<4096xf32, #tpu.memory_space<vmem>>
          tpu.enqueue_dma source(%dma_start3A_1247 : memref<4096xf32, #tpu.memory_space<vmem>>) target(%dma_start3A_1245 : memref<4096xf32, #tpu.memory_space<hbm>>) target_semaphore(%arg13 : memref<!tpu.dma_semaphore, #tpu.memory_space<semaphore_mem>>)
          %dma_start3A_1248 = arith.constant 8192 : i32
          %dma_start3A_1249 = tpu.memref_slice %arg9[%dma_start3A_1248] : memref<32768xf32, #tpu.memory_space<vmem>> -> memref<4096xf32, #tpu.memory_space<vmem>>
          %dma_start3A_1250 = tpu.memref_slice %arg4[%add3A_969, %select_n3A_993, %mul3A_1011] : memref<4096x2x8192xf32, #tpu.memory_space<hbm>> -> memref<1x1x4096xf32, #tpu.memory_space<hbm>>
          %dma_start3A_1251 = tpu.memref_squeeze %dma_start3A_1250 : memref<1x1x4096xf32, #tpu.memory_space<hbm>> -> memref<4096xf32, #tpu.memory_space<hbm>>
          %dma_start3A_1252 = tpu.memref_slice %arg4[%add3A_969, %select_n3A_993, %mul3A_1011] : memref<4096x2x8192xf32, #tpu.memory_space<hbm>> -> memref<1x1x4096xf32, #tpu.memory_space<hbm>>
          %dma_start3A_1253 = tpu.memref_squeeze %dma_start3A_1252 : memref<1x1x4096xf32, #tpu.memory_space<hbm>> -> memref<4096xf32, #tpu.memory_space<hbm>>
          %dma_start3A_1254 = arith.constant 8192 : i32
          %dma_start3A_1255 = tpu.memref_slice %arg9[%dma_start3A_1254] : memref<32768xf32, #tpu.memory_space<vmem>> -> memref<4096xf32, #tpu.memory_space<vmem>>
          tpu.enqueue_dma source(%dma_start3A_1255 : memref<4096xf32, #tpu.memory_space<vmem>>) target(%dma_start3A_1253 : memref<4096xf32, #tpu.memory_space<hbm>>) target_semaphore(%arg13 : memref<!tpu.dma_semaphore, #tpu.memory_space<semaphore_mem>>)
          %dma_start3A_1256 = arith.constant 12288 : i32
          %dma_start3A_1257 = tpu.memref_slice %arg9[%dma_start3A_1256] : memref<32768xf32, #tpu.memory_space<vmem>> -> memref<4096xf32, #tpu.memory_space<vmem>>
          %dma_start3A_1258 = tpu.memref_slice %arg4[%add3A_1013, %select_n3A_1037, %mul3A_1055] : memref<4096x2x8192xf32, #tpu.memory_space<hbm>> -> memref<1x1x4096xf32, #tpu.memory_space<hbm>>
          %dma_start3A_1259 = tpu.memref_squeeze %dma_start3A_1258 : memref<1x1x4096xf32, #tpu.memory_space<hbm>> -> memref<4096xf32, #tpu.memory_space<hbm>>
          %dma_start3A_1260 = tpu.memref_slice %arg4[%add3A_1013, %select_n3A_1037, %mul3A_1055] : memref<4096x2x8192xf32, #tpu.memory_space<hbm>> -> memref<1x1x4096xf32, #tpu.memory_space<hbm>>
          %dma_start3A_1261 = tpu.memref_squeeze %dma_start3A_1260 : memref<1x1x4096xf32, #tpu.memory_space<hbm>> -> memref<4096xf32, #tpu.memory_space<hbm>>
          %dma_start3A_1262 = arith.constant 12288 : i32
          %dma_start3A_1263 = tpu.memref_slice %arg9[%dma_start3A_1262] : memref<32768xf32, #tpu.memory_space<vmem>> -> memref<4096xf32, #tpu.memory_space<vmem>>
          tpu.enqueue_dma source(%dma_start3A_1263 : memref<4096xf32, #tpu.memory_space<vmem>>) target(%dma_start3A_1261 : memref<4096xf32, #tpu.memory_space<hbm>>) target_semaphore(%arg13 : memref<!tpu.dma_semaphore, #tpu.memory_space<semaphore_mem>>)
          %dma_start3A_1264 = arith.constant 16384 : i32
          %dma_start3A_1265 = tpu.memref_slice %arg9[%dma_start3A_1264] : memref<32768xf32, #tpu.memory_space<vmem>> -> memref<4096xf32, #tpu.memory_space<vmem>>
          %dma_start3A_1266 = tpu.memref_slice %arg4[%add3A_1057, %select_n3A_1081, %mul3A_1099] : memref<4096x2x8192xf32, #tpu.memory_space<hbm>> -> memref<1x1x4096xf32, #tpu.memory_space<hbm>>
          %dma_start3A_1267 = tpu.memref_squeeze %dma_start3A_1266 : memref<1x1x4096xf32, #tpu.memory_space<hbm>> -> memref<4096xf32, #tpu.memory_space<hbm>>
          %dma_start3A_1268 = tpu.memref_slice %arg4[%add3A_1057, %select_n3A_1081, %mul3A_1099] : memref<4096x2x8192xf32, #tpu.memory_space<hbm>> -> memref<1x1x4096xf32, #tpu.memory_space<hbm>>
          %dma_start3A_1269 = tpu.memref_squeeze %dma_start3A_1268 : memref<1x1x4096xf32, #tpu.memory_space<hbm>> -> memref<4096xf32, #tpu.memory_space<hbm>>
          %dma_start3A_1270 = arith.constant 16384 : i32
          %dma_start3A_1271 = tpu.memref_slice %arg9[%dma_start3A_1270] : memref<32768xf32, #tpu.memory_space<vmem>> -> memref<4096xf32, #tpu.memory_space<vmem>>
          tpu.enqueue_dma source(%dma_start3A_1271 : memref<4096xf32, #tpu.memory_space<vmem>>) target(%dma_start3A_1269 : memref<4096xf32, #tpu.memory_space<hbm>>) target_semaphore(%arg13 : memref<!tpu.dma_semaphore, #tpu.memory_space<semaphore_mem>>)
          %dma_start3A_1272 = arith.constant 20480 : i32
          %dma_start3A_1273 = tpu.memref_slice %arg9[%dma_start3A_1272] : memref<32768xf32, #tpu.memory_space<vmem>> -> memref<4096xf32, #tpu.memory_space<vmem>>
          %dma_start3A_1274 = tpu.memref_slice %arg4[%add3A_1101, %select_n3A_1125, %mul3A_1143] : memref<4096x2x8192xf32, #tpu.memory_space<hbm>> -> memref<1x1x4096xf32, #tpu.memory_space<hbm>>
          %dma_start3A_1275 = tpu.memref_squeeze %dma_start3A_1274 : memref<1x1x4096xf32, #tpu.memory_space<hbm>> -> memref<4096xf32, #tpu.memory_space<hbm>>
          %dma_start3A_1276 = tpu.memref_slice %arg4[%add3A_1101, %select_n3A_1125, %mul3A_1143] : memref<4096x2x8192xf32, #tpu.memory_space<hbm>> -> memref<1x1x4096xf32, #tpu.memory_space<hbm>>
          %dma_start3A_1277 = tpu.memref_squeeze %dma_start3A_1276 : memref<1x1x4096xf32, #tpu.memory_space<hbm>> -> memref<4096xf32, #tpu.memory_space<hbm>>
          %dma_start3A_1278 = arith.constant 20480 : i32
          %dma_start3A_1279 = tpu.memref_slice %arg9[%dma_start3A_1278] : memref<32768xf32, #tpu.memory_space<vmem>> -> memref<4096xf32, #tpu.memory_space<vmem>>
          tpu.enqueue_dma source(%dma_start3A_1279 : memref<4096xf32, #tpu.memory_space<vmem>>) target(%dma_start3A_1277 : memref<4096xf32, #tpu.memory_space<hbm>>) target_semaphore(%arg13 : memref<!tpu.dma_semaphore, #tpu.memory_space<semaphore_mem>>)
          %dma_start3A_1280 = arith.constant 24576 : i32
          %dma_start3A_1281 = tpu.memref_slice %arg9[%dma_start3A_1280] : memref<32768xf32, #tpu.memory_space<vmem>> -> memref<4096xf32, #tpu.memory_space<vmem>>
          %dma_start3A_1282 = tpu.memref_slice %arg4[%add3A_1145, %select_n3A_1169, %mul3A_1187] : memref<4096x2x8192xf32, #tpu.memory_space<hbm>> -> memref<1x1x4096xf32, #tpu.memory_space<hbm>>
          %dma_start3A_1283 = tpu.memref_squeeze %dma_start3A_1282 : memref<1x1x4096xf32, #tpu.memory_space<hbm>> -> memref<4096xf32, #tpu.memory_space<hbm>>
          %dma_start3A_1284 = tpu.memref_slice %arg4[%add3A_1145, %select_n3A_1169, %mul3A_1187] : memref<4096x2x8192xf32, #tpu.memory_space<hbm>> -> memref<1x1x4096xf32, #tpu.memory_space<hbm>>
          %dma_start3A_1285 = tpu.memref_squeeze %dma_start3A_1284 : memref<1x1x4096xf32, #tpu.memory_space<hbm>> -> memref<4096xf32, #tpu.memory_space<hbm>>
          %dma_start3A_1286 = arith.constant 24576 : i32
          %dma_start3A_1287 = tpu.memref_slice %arg9[%dma_start3A_1286] : memref<32768xf32, #tpu.memory_space<vmem>> -> memref<4096xf32, #tpu.memory_space<vmem>>
          tpu.enqueue_dma source(%dma_start3A_1287 : memref<4096xf32, #tpu.memory_space<vmem>>) target(%dma_start3A_1285 : memref<4096xf32, #tpu.memory_space<hbm>>) target_semaphore(%arg13 : memref<!tpu.dma_semaphore, #tpu.memory_space<semaphore_mem>>)
          %dma_start3A_1288 = arith.constant 28672 : i32
          %dma_start3A_1289 = tpu.memref_slice %arg9[%dma_start3A_1288] : memref<32768xf32, #tpu.memory_space<vmem>> -> memref<4096xf32, #tpu.memory_space<vmem>>
          %dma_start3A_1290 = tpu.memref_slice %arg4[%add3A_1189, %select_n3A_1213, %mul3A_1231] : memref<4096x2x8192xf32, #tpu.memory_space<hbm>> -> memref<1x1x4096xf32, #tpu.memory_space<hbm>>
          %dma_start3A_1291 = tpu.memref_squeeze %dma_start3A_1290 : memref<1x1x4096xf32, #tpu.memory_space<hbm>> -> memref<4096xf32, #tpu.memory_space<hbm>>
          %dma_start3A_1292 = tpu.memref_slice %arg4[%add3A_1189, %select_n3A_1213, %mul3A_1231] : memref<4096x2x8192xf32, #tpu.memory_space<hbm>> -> memref<1x1x4096xf32, #tpu.memory_space<hbm>>
          %dma_start3A_1293 = tpu.memref_squeeze %dma_start3A_1292 : memref<1x1x4096xf32, #tpu.memory_space<hbm>> -> memref<4096xf32, #tpu.memory_space<hbm>>
          %dma_start3A_1294 = arith.constant 28672 : i32
          %dma_start3A_1295 = tpu.memref_slice %arg9[%dma_start3A_1294] : memref<32768xf32, #tpu.memory_space<vmem>> -> memref<4096xf32, #tpu.memory_space<vmem>>
          tpu.enqueue_dma source(%dma_start3A_1295 : memref<4096xf32, #tpu.memory_space<vmem>>) target(%dma_start3A_1293 : memref<4096xf32, #tpu.memory_space<hbm>>) target_semaphore(%arg13 : memref<!tpu.dma_semaphore, #tpu.memory_space<semaphore_mem>>)
        }
        %scan3A_436 = arith.constant 2 : i32
      } else {
      }
      %eq3A_321 = arith.constant 1 : i32
      %eq3A_322 = arith.cmpi eq, %rem3A_318, %eq3A_321 : i32
      %convert_element_type3A_323 = arith.extui %eq3A_322 : i1 to i32
      %cond3A_324 = arith.constant 0 : i32
      %cond3A_325 = arith.cmpi ne, %convert_element_type3A_323, %cond3A_324 : i32
      scf.if %cond3A_325 {
        %mul3A_326 = arith.constant 8 : i32
        %mul3A_327 = arith.muli %scan3A_317, %mul3A_326 : i32
        %add3A_328 = arith.addi %mul3A_2, %mul3A_327 : i32
        %add3A_329 = arith.constant 0 : i32
        %add3A_330 = arith.addi %add3A_328, %add3A_329 : i32
        %add3A_331 = arith.constant 1 : i32
        %add3A_332 = arith.addi %add3A_328, %add3A_331 : i32
        %add3A_333 = arith.constant 2 : i32
        %add3A_334 = arith.addi %add3A_328, %add3A_333 : i32
        %add3A_335 = arith.constant 3 : i32
        %add3A_336 = arith.addi %add3A_328, %add3A_335 : i32
        %add3A_337 = arith.constant 4 : i32
        %add3A_338 = arith.addi %add3A_328, %add3A_337 : i32
        %add3A_339 = arith.constant 5 : i32
        %add3A_340 = arith.addi %add3A_328, %add3A_339 : i32
        %add3A_341 = arith.constant 6 : i32
        %add3A_342 = arith.addi %add3A_328, %add3A_341 : i32
        %add3A_343 = arith.constant 7 : i32
        %add3A_344 = arith.addi %add3A_328, %add3A_343 : i32
        %dma_wait3A_345 = arith.constant 0 : i32
        %dma_wait3A_346 = tpu.memref_slice %arg7[%dma_wait3A_345] : memref<16384xf32, #tpu.memory_space<vmem>> -> memref<2048xf32, #tpu.memory_space<vmem>>
        %dma_wait3A_347 = arith.constant 0 : i32
        %dma_wait3A_348 = tpu.memref_slice %arg2[%add3A_330, %dma_wait3A_347] : memref<4096x2048xf32, #tpu.memory_space<hbm>> -> memref<1x2048xf32, #tpu.memory_space<hbm>>
        %dma_wait3A_349 = tpu.memref_squeeze %dma_wait3A_348 : memref<1x2048xf32, #tpu.memory_space<hbm>> -> memref<2048xf32, #tpu.memory_space<hbm>>
        %dma_wait3A_350 = arith.constant 0 : i32
        %dma_wait3A_351 = tpu.memref_slice %arg7[%dma_wait3A_350] : memref<16384xf32, #tpu.memory_space<vmem>> -> memref<2048xf32, #tpu.memory_space<vmem>>
        %dma_wait3A_352 = arith.constant 0 : i32
        %dma_wait3A_353 = tpu.memref_slice %arg2[%add3A_330, %dma_wait3A_352] : memref<4096x2048xf32, #tpu.memory_space<hbm>> -> memref<1x2048xf32, #tpu.memory_space<hbm>>
        %dma_wait3A_354 = tpu.memref_squeeze %dma_wait3A_353 : memref<1x2048xf32, #tpu.memory_space<hbm>> -> memref<2048xf32, #tpu.memory_space<hbm>>
        tpu.wait_dma2 semaphore(%arg11 : memref<!tpu.dma_semaphore, #tpu.memory_space<semaphore_mem>>) src(%dma_wait3A_354 : memref<2048xf32, #tpu.memory_space<hbm>>) dst(%dma_wait3A_351 : memref<2048xf32, #tpu.memory_space<vmem>>)
        %dma_wait3A_355 = arith.constant 2048 : i32
        %dma_wait3A_356 = tpu.memref_slice %arg7[%dma_wait3A_355] : memref<16384xf32, #tpu.memory_space<vmem>> -> memref<2048xf32, #tpu.memory_space<vmem>>
        %dma_wait3A_357 = arith.constant 0 : i32
        %dma_wait3A_358 = tpu.memref_slice %arg2[%add3A_332, %dma_wait3A_357] : memref<4096x2048xf32, #tpu.memory_space<hbm>> -> memref<1x2048xf32, #tpu.memory_space<hbm>>
        %dma_wait3A_359 = tpu.memref_squeeze %dma_wait3A_358 : memref<1x2048xf32, #tpu.memory_space<hbm>> -> memref<2048xf32, #tpu.memory_space<hbm>>
        %dma_wait3A_360 = arith.constant 2048 : i32
        %dma_wait3A_361 = tpu.memref_slice %arg7[%dma_wait3A_360] : memref<16384xf32, #tpu.memory_space<vmem>> -> memref<2048xf32, #tpu.memory_space<vmem>>
        %dma_wait3A_362 = arith.constant 0 : i32
        %dma_wait3A_363 = tpu.memref_slice %arg2[%add3A_332, %dma_wait3A_362] : memref<4096x2048xf32, #tpu.memory_space<hbm>> -> memref<1x2048xf32, #tpu.memory_space<hbm>>
        %dma_wait3A_364 = tpu.memref_squeeze %dma_wait3A_363 : memref<1x2048xf32, #tpu.memory_space<hbm>> -> memref<2048xf32, #tpu.memory_space<hbm>>
        tpu.wait_dma2 semaphore(%arg11 : memref<!tpu.dma_semaphore, #tpu.memory_space<semaphore_mem>>) src(%dma_wait3A_364 : memref<2048xf32, #tpu.memory_space<hbm>>) dst(%dma_wait3A_361 : memref<2048xf32, #tpu.memory_space<vmem>>)
        %dma_wait3A_365 = arith.constant 4096 : i32
        %dma_wait3A_366 = tpu.memref_slice %arg7[%dma_wait3A_365] : memref<16384xf32, #tpu.memory_space<vmem>> -> memref<2048xf32, #tpu.memory_space<vmem>>
        %dma_wait3A_367 = arith.constant 0 : i32
        %dma_wait3A_368 = tpu.memref_slice %arg2[%add3A_334, %dma_wait3A_367] : memref<4096x2048xf32, #tpu.memory_space<hbm>> -> memref<1x2048xf32, #tpu.memory_space<hbm>>
        %dma_wait3A_369 = tpu.memref_squeeze %dma_wait3A_368 : memref<1x2048xf32, #tpu.memory_space<hbm>> -> memref<2048xf32, #tpu.memory_space<hbm>>
        %dma_wait3A_370 = arith.constant 4096 : i32
        %dma_wait3A_371 = tpu.memref_slice %arg7[%dma_wait3A_370] : memref<16384xf32, #tpu.memory_space<vmem>> -> memref<2048xf32, #tpu.memory_space<vmem>>
        %dma_wait3A_372 = arith.constant 0 : i32
        %dma_wait3A_373 = tpu.memref_slice %arg2[%add3A_334, %dma_wait3A_372] : memref<4096x2048xf32, #tpu.memory_space<hbm>> -> memref<1x2048xf32, #tpu.memory_space<hbm>>
        %dma_wait3A_374 = tpu.memref_squeeze %dma_wait3A_373 : memref<1x2048xf32, #tpu.memory_space<hbm>> -> memref<2048xf32, #tpu.memory_space<hbm>>
        tpu.wait_dma2 semaphore(%arg11 : memref<!tpu.dma_semaphore, #tpu.memory_space<semaphore_mem>>) src(%dma_wait3A_374 : memref<2048xf32, #tpu.memory_space<hbm>>) dst(%dma_wait3A_371 : memref<2048xf32, #tpu.memory_space<vmem>>)
        %dma_wait3A_375 = arith.constant 6144 : i32
        %dma_wait3A_376 = tpu.memref_slice %arg7[%dma_wait3A_375] : memref<16384xf32, #tpu.memory_space<vmem>> -> memref<2048xf32, #tpu.memory_space<vmem>>
        %dma_wait3A_377 = arith.constant 0 : i32
        %dma_wait3A_378 = tpu.memref_slice %arg2[%add3A_336, %dma_wait3A_377] : memref<4096x2048xf32, #tpu.memory_space<hbm>> -> memref<1x2048xf32, #tpu.memory_space<hbm>>
        %dma_wait3A_379 = tpu.memref_squeeze %dma_wait3A_378 : memref<1x2048xf32, #tpu.memory_space<hbm>> -> memref<2048xf32, #tpu.memory_space<hbm>>
        %dma_wait3A_380 = arith.constant 6144 : i32
        %dma_wait3A_381 = tpu.memref_slice %arg7[%dma_wait3A_380] : memref<16384xf32, #tpu.memory_space<vmem>> -> memref<2048xf32, #tpu.memory_space<vmem>>
        %dma_wait3A_382 = arith.constant 0 : i32
        %dma_wait3A_383 = tpu.memref_slice %arg2[%add3A_336, %dma_wait3A_382] : memref<4096x2048xf32, #tpu.memory_space<hbm>> -> memref<1x2048xf32, #tpu.memory_space<hbm>>
        %dma_wait3A_384 = tpu.memref_squeeze %dma_wait3A_383 : memref<1x2048xf32, #tpu.memory_space<hbm>> -> memref<2048xf32, #tpu.memory_space<hbm>>
        tpu.wait_dma2 semaphore(%arg11 : memref<!tpu.dma_semaphore, #tpu.memory_space<semaphore_mem>>) src(%dma_wait3A_384 : memref<2048xf32, #tpu.memory_space<hbm>>) dst(%dma_wait3A_381 : memref<2048xf32, #tpu.memory_space<vmem>>)
        %dma_wait3A_385 = arith.constant 8192 : i32
        %dma_wait3A_386 = tpu.memref_slice %arg7[%dma_wait3A_385] : memref<16384xf32, #tpu.memory_space<vmem>> -> memref<2048xf32, #tpu.memory_space<vmem>>
        %dma_wait3A_387 = arith.constant 0 : i32
        %dma_wait3A_388 = tpu.memref_slice %arg2[%add3A_338, %dma_wait3A_387] : memref<4096x2048xf32, #tpu.memory_space<hbm>> -> memref<1x2048xf32, #tpu.memory_space<hbm>>
        %dma_wait3A_389 = tpu.memref_squeeze %dma_wait3A_388 : memref<1x2048xf32, #tpu.memory_space<hbm>> -> memref<2048xf32, #tpu.memory_space<hbm>>
        %dma_wait3A_390 = arith.constant 8192 : i32
        %dma_wait3A_391 = tpu.memref_slice %arg7[%dma_wait3A_390] : memref<16384xf32, #tpu.memory_space<vmem>> -> memref<2048xf32, #tpu.memory_space<vmem>>
        %dma_wait3A_392 = arith.constant 0 : i32
        %dma_wait3A_393 = tpu.memref_slice %arg2[%add3A_338, %dma_wait3A_392] : memref<4096x2048xf32, #tpu.memory_space<hbm>> -> memref<1x2048xf32, #tpu.memory_space<hbm>>
        %dma_wait3A_394 = tpu.memref_squeeze %dma_wait3A_393 : memref<1x2048xf32, #tpu.memory_space<hbm>> -> memref<2048xf32, #tpu.memory_space<hbm>>
        tpu.wait_dma2 semaphore(%arg11 : memref<!tpu.dma_semaphore, #tpu.memory_space<semaphore_mem>>) src(%dma_wait3A_394 : memref<2048xf32, #tpu.memory_space<hbm>>) dst(%dma_wait3A_391 : memref<2048xf32, #tpu.memory_space<vmem>>)
        %dma_wait3A_395 = arith.constant 10240 : i32
        %dma_wait3A_396 = tpu.memref_slice %arg7[%dma_wait3A_395] : memref<16384xf32, #tpu.memory_space<vmem>> -> memref<2048xf32, #tpu.memory_space<vmem>>
        %dma_wait3A_397 = arith.constant 0 : i32
        %dma_wait3A_398 = tpu.memref_slice %arg2[%add3A_340, %dma_wait3A_397] : memref<4096x2048xf32, #tpu.memory_space<hbm>> -> memref<1x2048xf32, #tpu.memory_space<hbm>>
        %dma_wait3A_399 = tpu.memref_squeeze %dma_wait3A_398 : memref<1x2048xf32, #tpu.memory_space<hbm>> -> memref<2048xf32, #tpu.memory_space<hbm>>
        %dma_wait3A_400 = arith.constant 10240 : i32
        %dma_wait3A_401 = tpu.memref_slice %arg7[%dma_wait3A_400] : memref<16384xf32, #tpu.memory_space<vmem>> -> memref<2048xf32, #tpu.memory_space<vmem>>
        %dma_wait3A_402 = arith.constant 0 : i32
        %dma_wait3A_403 = tpu.memref_slice %arg2[%add3A_340, %dma_wait3A_402] : memref<4096x2048xf32, #tpu.memory_space<hbm>> -> memref<1x2048xf32, #tpu.memory_space<hbm>>
        %dma_wait3A_404 = tpu.memref_squeeze %dma_wait3A_403 : memref<1x2048xf32, #tpu.memory_space<hbm>> -> memref<2048xf32, #tpu.memory_space<hbm>>
        tpu.wait_dma2 semaphore(%arg11 : memref<!tpu.dma_semaphore, #tpu.memory_space<semaphore_mem>>) src(%dma_wait3A_404 : memref<2048xf32, #tpu.memory_space<hbm>>) dst(%dma_wait3A_401 : memref<2048xf32, #tpu.memory_space<vmem>>)
        %dma_wait3A_405 = arith.constant 12288 : i32
        %dma_wait3A_406 = tpu.memref_slice %arg7[%dma_wait3A_405] : memref<16384xf32, #tpu.memory_space<vmem>> -> memref<2048xf32, #tpu.memory_space<vmem>>
        %dma_wait3A_407 = arith.constant 0 : i32
        %dma_wait3A_408 = tpu.memref_slice %arg2[%add3A_342, %dma_wait3A_407] : memref<4096x2048xf32, #tpu.memory_space<hbm>> -> memref<1x2048xf32, #tpu.memory_space<hbm>>
        %dma_wait3A_409 = tpu.memref_squeeze %dma_wait3A_408 : memref<1x2048xf32, #tpu.memory_space<hbm>> -> memref<2048xf32, #tpu.memory_space<hbm>>
        %dma_wait3A_410 = arith.constant 12288 : i32
        %dma_wait3A_411 = tpu.memref_slice %arg7[%dma_wait3A_410] : memref<16384xf32, #tpu.memory_space<vmem>> -> memref<2048xf32, #tpu.memory_space<vmem>>
        %dma_wait3A_412 = arith.constant 0 : i32
        %dma_wait3A_413 = tpu.memref_slice %arg2[%add3A_342, %dma_wait3A_412] : memref<4096x2048xf32, #tpu.memory_space<hbm>> -> memref<1x2048xf32, #tpu.memory_space<hbm>>
        %dma_wait3A_414 = tpu.memref_squeeze %dma_wait3A_413 : memref<1x2048xf32, #tpu.memory_space<hbm>> -> memref<2048xf32, #tpu.memory_space<hbm>>
        tpu.wait_dma2 semaphore(%arg11 : memref<!tpu.dma_semaphore, #tpu.memory_space<semaphore_mem>>) src(%dma_wait3A_414 : memref<2048xf32, #tpu.memory_space<hbm>>) dst(%dma_wait3A_411 : memref<2048xf32, #tpu.memory_space<vmem>>)
        %dma_wait3A_415 = arith.constant 14336 : i32
        %dma_wait3A_416 = tpu.memref_slice %arg7[%dma_wait3A_415] : memref<16384xf32, #tpu.memory_space<vmem>> -> memref<2048xf32, #tpu.memory_space<vmem>>
        %dma_wait3A_417 = arith.constant 0 : i32
        %dma_wait3A_418 = tpu.memref_slice %arg2[%add3A_344, %dma_wait3A_417] : memref<4096x2048xf32, #tpu.memory_space<hbm>> -> memref<1x2048xf32, #tpu.memory_space<hbm>>
        %dma_wait3A_419 = tpu.memref_squeeze %dma_wait3A_418 : memref<1x2048xf32, #tpu.memory_space<hbm>> -> memref<2048xf32, #tpu.memory_space<hbm>>
        %dma_wait3A_420 = arith.constant 14336 : i32
        %dma_wait3A_421 = tpu.memref_slice %arg7[%dma_wait3A_420] : memref<16384xf32, #tpu.memory_space<vmem>> -> memref<2048xf32, #tpu.memory_space<vmem>>
        %dma_wait3A_422 = arith.constant 0 : i32
        %dma_wait3A_423 = tpu.memref_slice %arg2[%add3A_344, %dma_wait3A_422] : memref<4096x2048xf32, #tpu.memory_space<hbm>> -> memref<1x2048xf32, #tpu.memory_space<hbm>>
        %dma_wait3A_424 = tpu.memref_squeeze %dma_wait3A_423 : memref<1x2048xf32, #tpu.memory_space<hbm>> -> memref<2048xf32, #tpu.memory_space<hbm>>
        tpu.wait_dma2 semaphore(%arg11 : memref<!tpu.dma_semaphore, #tpu.memory_space<semaphore_mem>>) src(%dma_wait3A_424 : memref<2048xf32, #tpu.memory_space<hbm>>) dst(%dma_wait3A_421 : memref<2048xf32, #tpu.memory_space<vmem>>)
        %add3A_425 = arith.constant 1 : i32
        %add3A_426 = arith.addi %scan3A_317, %add3A_425 : i32
        %lt3A = arith.constant 16 : i32
        %lt3A_427 = arith.cmpi slt, %add3A_426, %lt3A : i32
        %convert_element_type3A_428 = arith.extui %lt3A_427 : i1 to i32
        %cond3A_429 = arith.constant 0 : i32
        %cond3A_430 = arith.cmpi ne, %convert_element_type3A_428, %cond3A_429 : i32
        scf.if %cond3A_430 {
          %add3A_437 = arith.constant 1 : i32
          %add3A_438 = arith.addi %scan3A_317, %add3A_437 : i32
          %mul3A_439 = arith.constant 8 : i32
          %mul3A_440 = arith.muli %add3A_438, %mul3A_439 : i32
          %add3A_441 = arith.addi %mul3A_2, %mul3A_440 : i32
          %add3A_442 = arith.constant 0 : i32
          %add3A_443 = arith.addi %add3A_441, %add3A_442 : i32
          %add3A_444 = arith.constant 1 : i32
          %add3A_445 = arith.addi %add3A_441, %add3A_444 : i32
          %add3A_446 = arith.constant 2 : i32
          %add3A_447 = arith.addi %add3A_441, %add3A_446 : i32
          %add3A_448 = arith.constant 3 : i32
          %add3A_449 = arith.addi %add3A_441, %add3A_448 : i32
          %add3A_450 = arith.constant 4 : i32
          %add3A_451 = arith.addi %add3A_441, %add3A_450 : i32
          %add3A_452 = arith.constant 5 : i32
          %add3A_453 = arith.addi %add3A_441, %add3A_452 : i32
          %add3A_454 = arith.constant 6 : i32
          %add3A_455 = arith.addi %add3A_441, %add3A_454 : i32
          %add3A_456 = arith.constant 7 : i32
          %add3A_457 = arith.addi %add3A_441, %add3A_456 : i32
          %dma_start3A_458 = arith.constant 0 : i32
          %dma_start3A_459 = tpu.memref_slice %arg6[%dma_start3A_458] : memref<16384xf32, #tpu.memory_space<vmem>> -> memref<2048xf32, #tpu.memory_space<vmem>>
          %dma_start3A_460 = arith.constant 0 : i32
          %dma_start3A_461 = tpu.memref_slice %arg2[%add3A_443, %dma_start3A_460] : memref<4096x2048xf32, #tpu.memory_space<hbm>> -> memref<1x2048xf32, #tpu.memory_space<hbm>>
          %dma_start3A_462 = tpu.memref_squeeze %dma_start3A_461 : memref<1x2048xf32, #tpu.memory_space<hbm>> -> memref<2048xf32, #tpu.memory_space<hbm>>
          %dma_start3A_463 = arith.constant 0 : i32
          %dma_start3A_464 = tpu.memref_slice %arg6[%dma_start3A_463] : memref<16384xf32, #tpu.memory_space<vmem>> -> memref<2048xf32, #tpu.memory_space<vmem>>
          %dma_start3A_465 = arith.constant 0 : i32
          %dma_start3A_466 = tpu.memref_slice %arg2[%add3A_443, %dma_start3A_465] : memref<4096x2048xf32, #tpu.memory_space<hbm>> -> memref<1x2048xf32, #tpu.memory_space<hbm>>
          %dma_start3A_467 = tpu.memref_squeeze %dma_start3A_466 : memref<1x2048xf32, #tpu.memory_space<hbm>> -> memref<2048xf32, #tpu.memory_space<hbm>>
          tpu.enqueue_dma source(%dma_start3A_467 : memref<2048xf32, #tpu.memory_space<hbm>>) target(%dma_start3A_464 : memref<2048xf32, #tpu.memory_space<vmem>>) target_semaphore(%arg10 : memref<!tpu.dma_semaphore, #tpu.memory_space<semaphore_mem>>)
          %dma_start3A_468 = arith.constant 2048 : i32
          %dma_start3A_469 = tpu.memref_slice %arg6[%dma_start3A_468] : memref<16384xf32, #tpu.memory_space<vmem>> -> memref<2048xf32, #tpu.memory_space<vmem>>
          %dma_start3A_470 = arith.constant 0 : i32
          %dma_start3A_471 = tpu.memref_slice %arg2[%add3A_445, %dma_start3A_470] : memref<4096x2048xf32, #tpu.memory_space<hbm>> -> memref<1x2048xf32, #tpu.memory_space<hbm>>
          %dma_start3A_472 = tpu.memref_squeeze %dma_start3A_471 : memref<1x2048xf32, #tpu.memory_space<hbm>> -> memref<2048xf32, #tpu.memory_space<hbm>>
          %dma_start3A_473 = arith.constant 2048 : i32
          %dma_start3A_474 = tpu.memref_slice %arg6[%dma_start3A_473] : memref<16384xf32, #tpu.memory_space<vmem>> -> memref<2048xf32, #tpu.memory_space<vmem>>
          %dma_start3A_475 = arith.constant 0 : i32
          %dma_start3A_476 = tpu.memref_slice %arg2[%add3A_445, %dma_start3A_475] : memref<4096x2048xf32, #tpu.memory_space<hbm>> -> memref<1x2048xf32, #tpu.memory_space<hbm>>
          %dma_start3A_477 = tpu.memref_squeeze %dma_start3A_476 : memref<1x2048xf32, #tpu.memory_space<hbm>> -> memref<2048xf32, #tpu.memory_space<hbm>>
          tpu.enqueue_dma source(%dma_start3A_477 : memref<2048xf32, #tpu.memory_space<hbm>>) target(%dma_start3A_474 : memref<2048xf32, #tpu.memory_space<vmem>>) target_semaphore(%arg10 : memref<!tpu.dma_semaphore, #tpu.memory_space<semaphore_mem>>)
          %dma_start3A_478 = arith.constant 4096 : i32
          %dma_start3A_479 = tpu.memref_slice %arg6[%dma_start3A_478] : memref<16384xf32, #tpu.memory_space<vmem>> -> memref<2048xf32, #tpu.memory_space<vmem>>
          %dma_start3A_480 = arith.constant 0 : i32
          %dma_start3A_481 = tpu.memref_slice %arg2[%add3A_447, %dma_start3A_480] : memref<4096x2048xf32, #tpu.memory_space<hbm>> -> memref<1x2048xf32, #tpu.memory_space<hbm>>
          %dma_start3A_482 = tpu.memref_squeeze %dma_start3A_481 : memref<1x2048xf32, #tpu.memory_space<hbm>> -> memref<2048xf32, #tpu.memory_space<hbm>>
          %dma_start3A_483 = arith.constant 4096 : i32
          %dma_start3A_484 = tpu.memref_slice %arg6[%dma_start3A_483] : memref<16384xf32, #tpu.memory_space<vmem>> -> memref<2048xf32, #tpu.memory_space<vmem>>
          %dma_start3A_485 = arith.constant 0 : i32
          %dma_start3A_486 = tpu.memref_slice %arg2[%add3A_447, %dma_start3A_485] : memref<4096x2048xf32, #tpu.memory_space<hbm>> -> memref<1x2048xf32, #tpu.memory_space<hbm>>
          %dma_start3A_487 = tpu.memref_squeeze %dma_start3A_486 : memref<1x2048xf32, #tpu.memory_space<hbm>> -> memref<2048xf32, #tpu.memory_space<hbm>>
          tpu.enqueue_dma source(%dma_start3A_487 : memref<2048xf32, #tpu.memory_space<hbm>>) target(%dma_start3A_484 : memref<2048xf32, #tpu.memory_space<vmem>>) target_semaphore(%arg10 : memref<!tpu.dma_semaphore, #tpu.memory_space<semaphore_mem>>)
          %dma_start3A_488 = arith.constant 6144 : i32
          %dma_start3A_489 = tpu.memref_slice %arg6[%dma_start3A_488] : memref<16384xf32, #tpu.memory_space<vmem>> -> memref<2048xf32, #tpu.memory_space<vmem>>
          %dma_start3A_490 = arith.constant 0 : i32
          %dma_start3A_491 = tpu.memref_slice %arg2[%add3A_449, %dma_start3A_490] : memref<4096x2048xf32, #tpu.memory_space<hbm>> -> memref<1x2048xf32, #tpu.memory_space<hbm>>
          %dma_start3A_492 = tpu.memref_squeeze %dma_start3A_491 : memref<1x2048xf32, #tpu.memory_space<hbm>> -> memref<2048xf32, #tpu.memory_space<hbm>>
          %dma_start3A_493 = arith.constant 6144 : i32
          %dma_start3A_494 = tpu.memref_slice %arg6[%dma_start3A_493] : memref<16384xf32, #tpu.memory_space<vmem>> -> memref<2048xf32, #tpu.memory_space<vmem>>
          %dma_start3A_495 = arith.constant 0 : i32
          %dma_start3A_496 = tpu.memref_slice %arg2[%add3A_449, %dma_start3A_495] : memref<4096x2048xf32, #tpu.memory_space<hbm>> -> memref<1x2048xf32, #tpu.memory_space<hbm>>
          %dma_start3A_497 = tpu.memref_squeeze %dma_start3A_496 : memref<1x2048xf32, #tpu.memory_space<hbm>> -> memref<2048xf32, #tpu.memory_space<hbm>>
          tpu.enqueue_dma source(%dma_start3A_497 : memref<2048xf32, #tpu.memory_space<hbm>>) target(%dma_start3A_494 : memref<2048xf32, #tpu.memory_space<vmem>>) target_semaphore(%arg10 : memref<!tpu.dma_semaphore, #tpu.memory_space<semaphore_mem>>)
          %dma_start3A_498 = arith.constant 8192 : i32
          %dma_start3A_499 = tpu.memref_slice %arg6[%dma_start3A_498] : memref<16384xf32, #tpu.memory_space<vmem>> -> memref<2048xf32, #tpu.memory_space<vmem>>
          %dma_start3A_500 = arith.constant 0 : i32
          %dma_start3A_501 = tpu.memref_slice %arg2[%add3A_451, %dma_start3A_500] : memref<4096x2048xf32, #tpu.memory_space<hbm>> -> memref<1x2048xf32, #tpu.memory_space<hbm>>
          %dma_start3A_502 = tpu.memref_squeeze %dma_start3A_501 : memref<1x2048xf32, #tpu.memory_space<hbm>> -> memref<2048xf32, #tpu.memory_space<hbm>>
          %dma_start3A_503 = arith.constant 8192 : i32
          %dma_start3A_504 = tpu.memref_slice %arg6[%dma_start3A_503] : memref<16384xf32, #tpu.memory_space<vmem>> -> memref<2048xf32, #tpu.memory_space<vmem>>
          %dma_start3A_505 = arith.constant 0 : i32
          %dma_start3A_506 = tpu.memref_slice %arg2[%add3A_451, %dma_start3A_505] : memref<4096x2048xf32, #tpu.memory_space<hbm>> -> memref<1x2048xf32, #tpu.memory_space<hbm>>
          %dma_start3A_507 = tpu.memref_squeeze %dma_start3A_506 : memref<1x2048xf32, #tpu.memory_space<hbm>> -> memref<2048xf32, #tpu.memory_space<hbm>>
          tpu.enqueue_dma source(%dma_start3A_507 : memref<2048xf32, #tpu.memory_space<hbm>>) target(%dma_start3A_504 : memref<2048xf32, #tpu.memory_space<vmem>>) target_semaphore(%arg10 : memref<!tpu.dma_semaphore, #tpu.memory_space<semaphore_mem>>)
          %dma_start3A_508 = arith.constant 10240 : i32
          %dma_start3A_509 = tpu.memref_slice %arg6[%dma_start3A_508] : memref<16384xf32, #tpu.memory_space<vmem>> -> memref<2048xf32, #tpu.memory_space<vmem>>
          %dma_start3A_510 = arith.constant 0 : i32
          %dma_start3A_511 = tpu.memref_slice %arg2[%add3A_453, %dma_start3A_510] : memref<4096x2048xf32, #tpu.memory_space<hbm>> -> memref<1x2048xf32, #tpu.memory_space<hbm>>
          %dma_start3A_512 = tpu.memref_squeeze %dma_start3A_511 : memref<1x2048xf32, #tpu.memory_space<hbm>> -> memref<2048xf32, #tpu.memory_space<hbm>>
          %dma_start3A_513 = arith.constant 10240 : i32
          %dma_start3A_514 = tpu.memref_slice %arg6[%dma_start3A_513] : memref<16384xf32, #tpu.memory_space<vmem>> -> memref<2048xf32, #tpu.memory_space<vmem>>
          %dma_start3A_515 = arith.constant 0 : i32
          %dma_start3A_516 = tpu.memref_slice %arg2[%add3A_453, %dma_start3A_515] : memref<4096x2048xf32, #tpu.memory_space<hbm>> -> memref<1x2048xf32, #tpu.memory_space<hbm>>
          %dma_start3A_517 = tpu.memref_squeeze %dma_start3A_516 : memref<1x2048xf32, #tpu.memory_space<hbm>> -> memref<2048xf32, #tpu.memory_space<hbm>>
          tpu.enqueue_dma source(%dma_start3A_517 : memref<2048xf32, #tpu.memory_space<hbm>>) target(%dma_start3A_514 : memref<2048xf32, #tpu.memory_space<vmem>>) target_semaphore(%arg10 : memref<!tpu.dma_semaphore, #tpu.memory_space<semaphore_mem>>)
          %dma_start3A_518 = arith.constant 12288 : i32
          %dma_start3A_519 = tpu.memref_slice %arg6[%dma_start3A_518] : memref<16384xf32, #tpu.memory_space<vmem>> -> memref<2048xf32, #tpu.memory_space<vmem>>
          %dma_start3A_520 = arith.constant 0 : i32
          %dma_start3A_521 = tpu.memref_slice %arg2[%add3A_455, %dma_start3A_520] : memref<4096x2048xf32, #tpu.memory_space<hbm>> -> memref<1x2048xf32, #tpu.memory_space<hbm>>
          %dma_start3A_522 = tpu.memref_squeeze %dma_start3A_521 : memref<1x2048xf32, #tpu.memory_space<hbm>> -> memref<2048xf32, #tpu.memory_space<hbm>>
          %dma_start3A_523 = arith.constant 12288 : i32
          %dma_start3A_524 = tpu.memref_slice %arg6[%dma_start3A_523] : memref<16384xf32, #tpu.memory_space<vmem>> -> memref<2048xf32, #tpu.memory_space<vmem>>
          %dma_start3A_525 = arith.constant 0 : i32
          %dma_start3A_526 = tpu.memref_slice %arg2[%add3A_455, %dma_start3A_525] : memref<4096x2048xf32, #tpu.memory_space<hbm>> -> memref<1x2048xf32, #tpu.memory_space<hbm>>
          %dma_start3A_527 = tpu.memref_squeeze %dma_start3A_526 : memref<1x2048xf32, #tpu.memory_space<hbm>> -> memref<2048xf32, #tpu.memory_space<hbm>>
          tpu.enqueue_dma source(%dma_start3A_527 : memref<2048xf32, #tpu.memory_space<hbm>>) target(%dma_start3A_524 : memref<2048xf32, #tpu.memory_space<vmem>>) target_semaphore(%arg10 : memref<!tpu.dma_semaphore, #tpu.memory_space<semaphore_mem>>)
          %dma_start3A_528 = arith.constant 14336 : i32
          %dma_start3A_529 = tpu.memref_slice %arg6[%dma_start3A_528] : memref<16384xf32, #tpu.memory_space<vmem>> -> memref<2048xf32, #tpu.memory_space<vmem>>
          %dma_start3A_530 = arith.constant 0 : i32
          %dma_start3A_531 = tpu.memref_slice %arg2[%add3A_457, %dma_start3A_530] : memref<4096x2048xf32, #tpu.memory_space<hbm>> -> memref<1x2048xf32, #tpu.memory_space<hbm>>
          %dma_start3A_532 = tpu.memref_squeeze %dma_start3A_531 : memref<1x2048xf32, #tpu.memory_space<hbm>> -> memref<2048xf32, #tpu.memory_space<hbm>>
          %dma_start3A_533 = arith.constant 14336 : i32
          %dma_start3A_534 = tpu.memref_slice %arg6[%dma_start3A_533] : memref<16384xf32, #tpu.memory_space<vmem>> -> memref<2048xf32, #tpu.memory_space<vmem>>
          %dma_start3A_535 = arith.constant 0 : i32
          %dma_start3A_536 = tpu.memref_slice %arg2[%add3A_457, %dma_start3A_535] : memref<4096x2048xf32, #tpu.memory_space<hbm>> -> memref<1x2048xf32, #tpu.memory_space<hbm>>
          %dma_start3A_537 = tpu.memref_squeeze %dma_start3A_536 : memref<1x2048xf32, #tpu.memory_space<hbm>> -> memref<2048xf32, #tpu.memory_space<hbm>>
          tpu.enqueue_dma source(%dma_start3A_537 : memref<2048xf32, #tpu.memory_space<hbm>>) target(%dma_start3A_534 : memref<2048xf32, #tpu.memory_space<vmem>>) target_semaphore(%arg10 : memref<!tpu.dma_semaphore, #tpu.memory_space<semaphore_mem>>)
        } else {
        }
        %scan3A_431 = arith.constant 0 : i32
        %scan3A_432 = arith.constant 0 : i32
        %scan3A_433 = arith.constant 2 : i32
        %scan3A_434 = arith.addi %scan3A_432, %scan3A_433 : i32
        %scan3A_435 = arith.constant 1 : i32
        scf.for %scan3A_437 = %scan3A_432 to %scan3A_434 step %scan3A_435  : i32 {
          %mul3A_438 = arith.constant 2 : i32
          %mul3A_439 = arith.muli %scan3A_437, %mul3A_438 : i32
          %add3A_440 = arith.constant 0 : i32
          %add3A_441 = arith.addi %mul3A_439, %add3A_440 : i32
          %ge3A = arith.constant 1 : i32
          %ge3A_442 = arith.cmpi sge, %scan3A_317, %ge3A : i32
          %ge3A_443 = arith.constant 1 : i32
          %ge3A_444 = arith.cmpi sge, %scan3A_437, %ge3A_443 : i32
          %or3A = arith.ori %ge3A_442, %ge3A_444 : i1
          %convert_element_type3A_445 = arith.extui %or3A : i1 to i32
          %cond3A_446 = arith.constant 0 : i32
          %cond3A_447 = arith.cmpi ne, %convert_element_type3A_445, %cond3A_446 : i32
          scf.if %cond3A_447 {
            %mul3A_1296 = arith.constant 8 : i32
            %mul3A_1297 = arith.muli %scan3A_317, %mul3A_1296 : i32
            %add3A_1298 = arith.addi %mul3A_2, %mul3A_1297 : i32
            %add3A_1299 = arith.constant 0 : i32
            %add3A_1300 = arith.addi %add3A_1298, %add3A_1299 : i32
            %jit3A_1301 = arith.constant 2 : i32
            %div3A_1302 = arith.divsi %add3A_441, %jit3A_1301 : i32
            %sign3A_1303 = arith.constant 0 : i32
            %sign3A_1304 = arith.cmpi sgt, %add3A_441, %sign3A_1303 : i32
            %sign3A_1305 = arith.extui %sign3A_1304 : i1 to i32
            %sign3A_1306 = arith.constant 0 : i32
            %sign3A_1307 = arith.cmpi slt, %add3A_441, %sign3A_1306 : i32
            %sign3A_1308 = arith.extui %sign3A_1307 : i1 to i32
            %sign3A_1309 = arith.subi %sign3A_1305, %sign3A_1308 : i32
            %sign3A_1310 = arith.constant 0 : i32
            %sign3A_1311 = arith.cmpi sgt, %jit3A_1301, %sign3A_1310 : i32
            %sign3A_1312 = arith.extui %sign3A_1311 : i1 to i32
            %sign3A_1313 = arith.constant 0 : i32
            %sign3A_1314 = arith.cmpi slt, %jit3A_1301, %sign3A_1313 : i32
            %sign3A_1315 = arith.extui %sign3A_1314 : i1 to i32
            %sign3A_1316 = arith.subi %sign3A_1312, %sign3A_1315 : i32
            %ne3A_1317 = arith.cmpi ne, %sign3A_1309, %sign3A_1316 : i32
            %rem3A_1318 = arith.remsi %add3A_441, %jit3A_1301 : i32
            %ne3A_1319 = arith.constant 0 : i32
            %ne3A_1320 = arith.cmpi ne, %rem3A_1318, %ne3A_1319 : i32
            %and3A_1321 = arith.andi %ne3A_1317, %ne3A_1320 : i1
            %sub3A_1322 = arith.constant 1 : i32
            %sub3A_1323 = arith.subi %div3A_1302, %sub3A_1322 : i32
            %select_n3A_1324 = arith.select %and3A_1321, %sub3A_1323, %div3A_1302 : i32
            %jit3A_1325 = arith.constant 2 : i32
            %eq3A_1326 = arith.constant 0 : i32
            %eq3A_1327 = arith.cmpi eq, %jit3A_1325, %eq3A_1326 : i32
            %jit3A_1328 = arith.constant 1 : i32
            %select_n3A_1329 = arith.select %eq3A_1327, %jit3A_1328, %jit3A_1325 : i32
            %rem3A_1330 = arith.remsi %add3A_441, %select_n3A_1329 : i32
            %ne3A_1331 = arith.constant 0 : i32
            %ne3A_1332 = arith.cmpi ne, %rem3A_1330, %ne3A_1331 : i32
            %lt3A_1333 = arith.constant 0 : i32
            %lt3A_1334 = arith.cmpi slt, %rem3A_1330, %lt3A_1333 : i32
            %lt3A_1335 = arith.constant 0 : i32
            %lt3A_1336 = arith.cmpi slt, %select_n3A_1329, %lt3A_1335 : i32
            %ne3A_1337 = arith.xori %lt3A_1334, %lt3A_1336 : i1
            %and3A_1338 = arith.andi %ne3A_1337, %ne3A_1332 : i1
            %add3A_1339 = arith.addi %rem3A_1330, %select_n3A_1329 : i32
            %select_n3A_1340 = arith.select %and3A_1338, %add3A_1339, %rem3A_1330 : i32
            %mul3A_1341 = arith.constant 4096 : i32
            %mul3A_1342 = arith.muli %select_n3A_1340, %mul3A_1341 : i32
            %add3A_1343 = arith.constant 1 : i32
            %add3A_1344 = arith.addi %add3A_1298, %add3A_1343 : i32
            %jit3A_1345 = arith.constant 2 : i32
            %div3A_1346 = arith.divsi %add3A_441, %jit3A_1345 : i32
            %sign3A_1347 = arith.constant 0 : i32
            %sign3A_1348 = arith.cmpi sgt, %add3A_441, %sign3A_1347 : i32
            %sign3A_1349 = arith.extui %sign3A_1348 : i1 to i32
            %sign3A_1350 = arith.constant 0 : i32
            %sign3A_1351 = arith.cmpi slt, %add3A_441, %sign3A_1350 : i32
            %sign3A_1352 = arith.extui %sign3A_1351 : i1 to i32
            %sign3A_1353 = arith.subi %sign3A_1349, %sign3A_1352 : i32
            %sign3A_1354 = arith.constant 0 : i32
            %sign3A_1355 = arith.cmpi sgt, %jit3A_1345, %sign3A_1354 : i32
            %sign3A_1356 = arith.extui %sign3A_1355 : i1 to i32
            %sign3A_1357 = arith.constant 0 : i32
            %sign3A_1358 = arith.cmpi slt, %jit3A_1345, %sign3A_1357 : i32
            %sign3A_1359 = arith.extui %sign3A_1358 : i1 to i32
            %sign3A_1360 = arith.subi %sign3A_1356, %sign3A_1359 : i32
            %ne3A_1361 = arith.cmpi ne, %sign3A_1353, %sign3A_1360 : i32
            %rem3A_1362 = arith.remsi %add3A_441, %jit3A_1345 : i32
            %ne3A_1363 = arith.constant 0 : i32
            %ne3A_1364 = arith.cmpi ne, %rem3A_1362, %ne3A_1363 : i32
            %and3A_1365 = arith.andi %ne3A_1361, %ne3A_1364 : i1
            %sub3A_1366 = arith.constant 1 : i32
            %sub3A_1367 = arith.subi %div3A_1346, %sub3A_1366 : i32
            %select_n3A_1368 = arith.select %and3A_1365, %sub3A_1367, %div3A_1346 : i32
            %jit3A_1369 = arith.constant 2 : i32
            %eq3A_1370 = arith.constant 0 : i32
            %eq3A_1371 = arith.cmpi eq, %jit3A_1369, %eq3A_1370 : i32
            %jit3A_1372 = arith.constant 1 : i32
            %select_n3A_1373 = arith.select %eq3A_1371, %jit3A_1372, %jit3A_1369 : i32
            %rem3A_1374 = arith.remsi %add3A_441, %select_n3A_1373 : i32
            %ne3A_1375 = arith.constant 0 : i32
            %ne3A_1376 = arith.cmpi ne, %rem3A_1374, %ne3A_1375 : i32
            %lt3A_1377 = arith.constant 0 : i32
            %lt3A_1378 = arith.cmpi slt, %rem3A_1374, %lt3A_1377 : i32
            %lt3A_1379 = arith.constant 0 : i32
            %lt3A_1380 = arith.cmpi slt, %select_n3A_1373, %lt3A_1379 : i32
            %ne3A_1381 = arith.xori %lt3A_1378, %lt3A_1380 : i1
            %and3A_1382 = arith.andi %ne3A_1381, %ne3A_1376 : i1
            %add3A_1383 = arith.addi %rem3A_1374, %select_n3A_1373 : i32
            %select_n3A_1384 = arith.select %and3A_1382, %add3A_1383, %rem3A_1374 : i32
            %mul3A_1385 = arith.constant 4096 : i32
            %mul3A_1386 = arith.muli %select_n3A_1384, %mul3A_1385 : i32
            %add3A_1387 = arith.constant 2 : i32
            %add3A_1388 = arith.addi %add3A_1298, %add3A_1387 : i32
            %jit3A_1389 = arith.constant 2 : i32
            %div3A_1390 = arith.divsi %add3A_441, %jit3A_1389 : i32
            %sign3A_1391 = arith.constant 0 : i32
            %sign3A_1392 = arith.cmpi sgt, %add3A_441, %sign3A_1391 : i32
            %sign3A_1393 = arith.extui %sign3A_1392 : i1 to i32
            %sign3A_1394 = arith.constant 0 : i32
            %sign3A_1395 = arith.cmpi slt, %add3A_441, %sign3A_1394 : i32
            %sign3A_1396 = arith.extui %sign3A_1395 : i1 to i32
            %sign3A_1397 = arith.subi %sign3A_1393, %sign3A_1396 : i32
            %sign3A_1398 = arith.constant 0 : i32
            %sign3A_1399 = arith.cmpi sgt, %jit3A_1389, %sign3A_1398 : i32
            %sign3A_1400 = arith.extui %sign3A_1399 : i1 to i32
            %sign3A_1401 = arith.constant 0 : i32
            %sign3A_1402 = arith.cmpi slt, %jit3A_1389, %sign3A_1401 : i32
            %sign3A_1403 = arith.extui %sign3A_1402 : i1 to i32
            %sign3A_1404 = arith.subi %sign3A_1400, %sign3A_1403 : i32
            %ne3A_1405 = arith.cmpi ne, %sign3A_1397, %sign3A_1404 : i32
            %rem3A_1406 = arith.remsi %add3A_441, %jit3A_1389 : i32
            %ne3A_1407 = arith.constant 0 : i32
            %ne3A_1408 = arith.cmpi ne, %rem3A_1406, %ne3A_1407 : i32
            %and3A_1409 = arith.andi %ne3A_1405, %ne3A_1408 : i1
            %sub3A_1410 = arith.constant 1 : i32
            %sub3A_1411 = arith.subi %div3A_1390, %sub3A_1410 : i32
            %select_n3A_1412 = arith.select %and3A_1409, %sub3A_1411, %div3A_1390 : i32
            %jit3A_1413 = arith.constant 2 : i32
            %eq3A_1414 = arith.constant 0 : i32
            %eq3A_1415 = arith.cmpi eq, %jit3A_1413, %eq3A_1414 : i32
            %jit3A_1416 = arith.constant 1 : i32
            %select_n3A_1417 = arith.select %eq3A_1415, %jit3A_1416, %jit3A_1413 : i32
            %rem3A_1418 = arith.remsi %add3A_441, %select_n3A_1417 : i32
            %ne3A_1419 = arith.constant 0 : i32
            %ne3A_1420 = arith.cmpi ne, %rem3A_1418, %ne3A_1419 : i32
            %lt3A_1421 = arith.constant 0 : i32
            %lt3A_1422 = arith.cmpi slt, %rem3A_1418, %lt3A_1421 : i32
            %lt3A_1423 = arith.constant 0 : i32
            %lt3A_1424 = arith.cmpi slt, %select_n3A_1417, %lt3A_1423 : i32
            %ne3A_1425 = arith.xori %lt3A_1422, %lt3A_1424 : i1
            %and3A_1426 = arith.andi %ne3A_1425, %ne3A_1420 : i1
            %add3A_1427 = arith.addi %rem3A_1418, %select_n3A_1417 : i32
            %select_n3A_1428 = arith.select %and3A_1426, %add3A_1427, %rem3A_1418 : i32
            %mul3A_1429 = arith.constant 4096 : i32
            %mul3A_1430 = arith.muli %select_n3A_1428, %mul3A_1429 : i32
            %add3A_1431 = arith.constant 3 : i32
            %add3A_1432 = arith.addi %add3A_1298, %add3A_1431 : i32
            %jit3A_1433 = arith.constant 2 : i32
            %div3A_1434 = arith.divsi %add3A_441, %jit3A_1433 : i32
            %sign3A_1435 = arith.constant 0 : i32
            %sign3A_1436 = arith.cmpi sgt, %add3A_441, %sign3A_1435 : i32
            %sign3A_1437 = arith.extui %sign3A_1436 : i1 to i32
            %sign3A_1438 = arith.constant 0 : i32
            %sign3A_1439 = arith.cmpi slt, %add3A_441, %sign3A_1438 : i32
            %sign3A_1440 = arith.extui %sign3A_1439 : i1 to i32
            %sign3A_1441 = arith.subi %sign3A_1437, %sign3A_1440 : i32
            %sign3A_1442 = arith.constant 0 : i32
            %sign3A_1443 = arith.cmpi sgt, %jit3A_1433, %sign3A_1442 : i32
            %sign3A_1444 = arith.extui %sign3A_1443 : i1 to i32
            %sign3A_1445 = arith.constant 0 : i32
            %sign3A_1446 = arith.cmpi slt, %jit3A_1433, %sign3A_1445 : i32
            %sign3A_1447 = arith.extui %sign3A_1446 : i1 to i32
            %sign3A_1448 = arith.subi %sign3A_1444, %sign3A_1447 : i32
            %ne3A_1449 = arith.cmpi ne, %sign3A_1441, %sign3A_1448 : i32
            %rem3A_1450 = arith.remsi %add3A_441, %jit3A_1433 : i32
            %ne3A_1451 = arith.constant 0 : i32
            %ne3A_1452 = arith.cmpi ne, %rem3A_1450, %ne3A_1451 : i32
            %and3A_1453 = arith.andi %ne3A_1449, %ne3A_1452 : i1
            %sub3A_1454 = arith.constant 1 : i32
            %sub3A_1455 = arith.subi %div3A_1434, %sub3A_1454 : i32
            %select_n3A_1456 = arith.select %and3A_1453, %sub3A_1455, %div3A_1434 : i32
            %jit3A_1457 = arith.constant 2 : i32
            %eq3A_1458 = arith.constant 0 : i32
            %eq3A_1459 = arith.cmpi eq, %jit3A_1457, %eq3A_1458 : i32
            %jit3A_1460 = arith.constant 1 : i32
            %select_n3A_1461 = arith.select %eq3A_1459, %jit3A_1460, %jit3A_1457 : i32
            %rem3A_1462 = arith.remsi %add3A_441, %select_n3A_1461 : i32
            %ne3A_1463 = arith.constant 0 : i32
            %ne3A_1464 = arith.cmpi ne, %rem3A_1462, %ne3A_1463 : i32
            %lt3A_1465 = arith.constant 0 : i32
            %lt3A_1466 = arith.cmpi slt, %rem3A_1462, %lt3A_1465 : i32
            %lt3A_1467 = arith.constant 0 : i32
            %lt3A_1468 = arith.cmpi slt, %select_n3A_1461, %lt3A_1467 : i32
            %ne3A_1469 = arith.xori %lt3A_1466, %lt3A_1468 : i1
            %and3A_1470 = arith.andi %ne3A_1469, %ne3A_1464 : i1
            %add3A_1471 = arith.addi %rem3A_1462, %select_n3A_1461 : i32
            %select_n3A_1472 = arith.select %and3A_1470, %add3A_1471, %rem3A_1462 : i32
            %mul3A_1473 = arith.constant 4096 : i32
            %mul3A_1474 = arith.muli %select_n3A_1472, %mul3A_1473 : i32
            %add3A_1475 = arith.constant 4 : i32
            %add3A_1476 = arith.addi %add3A_1298, %add3A_1475 : i32
            %jit3A_1477 = arith.constant 2 : i32
            %div3A_1478 = arith.divsi %add3A_441, %jit3A_1477 : i32
            %sign3A_1479 = arith.constant 0 : i32
            %sign3A_1480 = arith.cmpi sgt, %add3A_441, %sign3A_1479 : i32
            %sign3A_1481 = arith.extui %sign3A_1480 : i1 to i32
            %sign3A_1482 = arith.constant 0 : i32
            %sign3A_1483 = arith.cmpi slt, %add3A_441, %sign3A_1482 : i32
            %sign3A_1484 = arith.extui %sign3A_1483 : i1 to i32
            %sign3A_1485 = arith.subi %sign3A_1481, %sign3A_1484 : i32
            %sign3A_1486 = arith.constant 0 : i32
            %sign3A_1487 = arith.cmpi sgt, %jit3A_1477, %sign3A_1486 : i32
            %sign3A_1488 = arith.extui %sign3A_1487 : i1 to i32
            %sign3A_1489 = arith.constant 0 : i32
            %sign3A_1490 = arith.cmpi slt, %jit3A_1477, %sign3A_1489 : i32
            %sign3A_1491 = arith.extui %sign3A_1490 : i1 to i32
            %sign3A_1492 = arith.subi %sign3A_1488, %sign3A_1491 : i32
            %ne3A_1493 = arith.cmpi ne, %sign3A_1485, %sign3A_1492 : i32
            %rem3A_1494 = arith.remsi %add3A_441, %jit3A_1477 : i32
            %ne3A_1495 = arith.constant 0 : i32
            %ne3A_1496 = arith.cmpi ne, %rem3A_1494, %ne3A_1495 : i32
            %and3A_1497 = arith.andi %ne3A_1493, %ne3A_1496 : i1
            %sub3A_1498 = arith.constant 1 : i32
            %sub3A_1499 = arith.subi %div3A_1478, %sub3A_1498 : i32
            %select_n3A_1500 = arith.select %and3A_1497, %sub3A_1499, %div3A_1478 : i32
            %jit3A_1501 = arith.constant 2 : i32
            %eq3A_1502 = arith.constant 0 : i32
            %eq3A_1503 = arith.cmpi eq, %jit3A_1501, %eq3A_1502 : i32
            %jit3A_1504 = arith.constant 1 : i32
            %select_n3A_1505 = arith.select %eq3A_1503, %jit3A_1504, %jit3A_1501 : i32
            %rem3A_1506 = arith.remsi %add3A_441, %select_n3A_1505 : i32
            %ne3A_1507 = arith.constant 0 : i32
            %ne3A_1508 = arith.cmpi ne, %rem3A_1506, %ne3A_1507 : i32
            %lt3A_1509 = arith.constant 0 : i32
            %lt3A_1510 = arith.cmpi slt, %rem3A_1506, %lt3A_1509 : i32
            %lt3A_1511 = arith.constant 0 : i32
            %lt3A_1512 = arith.cmpi slt, %select_n3A_1505, %lt3A_1511 : i32
            %ne3A_1513 = arith.xori %lt3A_1510, %lt3A_1512 : i1
            %and3A_1514 = arith.andi %ne3A_1513, %ne3A_1508 : i1
            %add3A_1515 = arith.addi %rem3A_1506, %select_n3A_1505 : i32
            %select_n3A_1516 = arith.select %and3A_1514, %add3A_1515, %rem3A_1506 : i32
            %mul3A_1517 = arith.constant 4096 : i32
            %mul3A_1518 = arith.muli %select_n3A_1516, %mul3A_1517 : i32
            %add3A_1519 = arith.constant 5 : i32
            %add3A_1520 = arith.addi %add3A_1298, %add3A_1519 : i32
            %jit3A_1521 = arith.constant 2 : i32
            %div3A_1522 = arith.divsi %add3A_441, %jit3A_1521 : i32
            %sign3A_1523 = arith.constant 0 : i32
            %sign3A_1524 = arith.cmpi sgt, %add3A_441, %sign3A_1523 : i32
            %sign3A_1525 = arith.extui %sign3A_1524 : i1 to i32
            %sign3A_1526 = arith.constant 0 : i32
            %sign3A_1527 = arith.cmpi slt, %add3A_441, %sign3A_1526 : i32
            %sign3A_1528 = arith.extui %sign3A_1527 : i1 to i32
            %sign3A_1529 = arith.subi %sign3A_1525, %sign3A_1528 : i32
            %sign3A_1530 = arith.constant 0 : i32
            %sign3A_1531 = arith.cmpi sgt, %jit3A_1521, %sign3A_1530 : i32
            %sign3A_1532 = arith.extui %sign3A_1531 : i1 to i32
            %sign3A_1533 = arith.constant 0 : i32
            %sign3A_1534 = arith.cmpi slt, %jit3A_1521, %sign3A_1533 : i32
            %sign3A_1535 = arith.extui %sign3A_1534 : i1 to i32
            %sign3A_1536 = arith.subi %sign3A_1532, %sign3A_1535 : i32
            %ne3A_1537 = arith.cmpi ne, %sign3A_1529, %sign3A_1536 : i32
            %rem3A_1538 = arith.remsi %add3A_441, %jit3A_1521 : i32
            %ne3A_1539 = arith.constant 0 : i32
            %ne3A_1540 = arith.cmpi ne, %rem3A_1538, %ne3A_1539 : i32
            %and3A_1541 = arith.andi %ne3A_1537, %ne3A_1540 : i1
            %sub3A_1542 = arith.constant 1 : i32
            %sub3A_1543 = arith.subi %div3A_1522, %sub3A_1542 : i32
            %select_n3A_1544 = arith.select %and3A_1541, %sub3A_1543, %div3A_1522 : i32
            %jit3A_1545 = arith.constant 2 : i32
            %eq3A_1546 = arith.constant 0 : i32
            %eq3A_1547 = arith.cmpi eq, %jit3A_1545, %eq3A_1546 : i32
            %jit3A_1548 = arith.constant 1 : i32
            %select_n3A_1549 = arith.select %eq3A_1547, %jit3A_1548, %jit3A_1545 : i32
            %rem3A_1550 = arith.remsi %add3A_441, %select_n3A_1549 : i32
            %ne3A_1551 = arith.constant 0 : i32
            %ne3A_1552 = arith.cmpi ne, %rem3A_1550, %ne3A_1551 : i32
            %lt3A_1553 = arith.constant 0 : i32
            %lt3A_1554 = arith.cmpi slt, %rem3A_1550, %lt3A_1553 : i32
            %lt3A_1555 = arith.constant 0 : i32
            %lt3A_1556 = arith.cmpi slt, %select_n3A_1549, %lt3A_1555 : i32
            %ne3A_1557 = arith.xori %lt3A_1554, %lt3A_1556 : i1
            %and3A_1558 = arith.andi %ne3A_1557, %ne3A_1552 : i1
            %add3A_1559 = arith.addi %rem3A_1550, %select_n3A_1549 : i32
            %select_n3A_1560 = arith.select %and3A_1558, %add3A_1559, %rem3A_1550 : i32
            %mul3A_1561 = arith.constant 4096 : i32
            %mul3A_1562 = arith.muli %select_n3A_1560, %mul3A_1561 : i32
            %add3A_1563 = arith.constant 6 : i32
            %add3A_1564 = arith.addi %add3A_1298, %add3A_1563 : i32
            %jit3A_1565 = arith.constant 2 : i32
            %div3A_1566 = arith.divsi %add3A_441, %jit3A_1565 : i32
            %sign3A_1567 = arith.constant 0 : i32
            %sign3A_1568 = arith.cmpi sgt, %add3A_441, %sign3A_1567 : i32
            %sign3A_1569 = arith.extui %sign3A_1568 : i1 to i32
            %sign3A_1570 = arith.constant 0 : i32
            %sign3A_1571 = arith.cmpi slt, %add3A_441, %sign3A_1570 : i32
            %sign3A_1572 = arith.extui %sign3A_1571 : i1 to i32
            %sign3A_1573 = arith.subi %sign3A_1569, %sign3A_1572 : i32
            %sign3A_1574 = arith.constant 0 : i32
            %sign3A_1575 = arith.cmpi sgt, %jit3A_1565, %sign3A_1574 : i32
            %sign3A_1576 = arith.extui %sign3A_1575 : i1 to i32
            %sign3A_1577 = arith.constant 0 : i32
            %sign3A_1578 = arith.cmpi slt, %jit3A_1565, %sign3A_1577 : i32
            %sign3A_1579 = arith.extui %sign3A_1578 : i1 to i32
            %sign3A_1580 = arith.subi %sign3A_1576, %sign3A_1579 : i32
            %ne3A_1581 = arith.cmpi ne, %sign3A_1573, %sign3A_1580 : i32
            %rem3A_1582 = arith.remsi %add3A_441, %jit3A_1565 : i32
            %ne3A_1583 = arith.constant 0 : i32
            %ne3A_1584 = arith.cmpi ne, %rem3A_1582, %ne3A_1583 : i32
            %and3A_1585 = arith.andi %ne3A_1581, %ne3A_1584 : i1
            %sub3A_1586 = arith.constant 1 : i32
            %sub3A_1587 = arith.subi %div3A_1566, %sub3A_1586 : i32
            %select_n3A_1588 = arith.select %and3A_1585, %sub3A_1587, %div3A_1566 : i32
            %jit3A_1589 = arith.constant 2 : i32
            %eq3A_1590 = arith.constant 0 : i32
            %eq3A_1591 = arith.cmpi eq, %jit3A_1589, %eq3A_1590 : i32
            %jit3A_1592 = arith.constant 1 : i32
            %select_n3A_1593 = arith.select %eq3A_1591, %jit3A_1592, %jit3A_1589 : i32
            %rem3A_1594 = arith.remsi %add3A_441, %select_n3A_1593 : i32
            %ne3A_1595 = arith.constant 0 : i32
            %ne3A_1596 = arith.cmpi ne, %rem3A_1594, %ne3A_1595 : i32
            %lt3A_1597 = arith.constant 0 : i32
            %lt3A_1598 = arith.cmpi slt, %rem3A_1594, %lt3A_1597 : i32
            %lt3A_1599 = arith.constant 0 : i32
            %lt3A_1600 = arith.cmpi slt, %select_n3A_1593, %lt3A_1599 : i32
            %ne3A_1601 = arith.xori %lt3A_1598, %lt3A_1600 : i1
            %and3A_1602 = arith.andi %ne3A_1601, %ne3A_1596 : i1
            %add3A_1603 = arith.addi %rem3A_1594, %select_n3A_1593 : i32
            %select_n3A_1604 = arith.select %and3A_1602, %add3A_1603, %rem3A_1594 : i32
            %mul3A_1605 = arith.constant 4096 : i32
            %mul3A_1606 = arith.muli %select_n3A_1604, %mul3A_1605 : i32
            %add3A_1607 = arith.constant 7 : i32
            %add3A_1608 = arith.addi %add3A_1298, %add3A_1607 : i32
            %jit3A_1609 = arith.constant 2 : i32
            %div3A_1610 = arith.divsi %add3A_441, %jit3A_1609 : i32
            %sign3A_1611 = arith.constant 0 : i32
            %sign3A_1612 = arith.cmpi sgt, %add3A_441, %sign3A_1611 : i32
            %sign3A_1613 = arith.extui %sign3A_1612 : i1 to i32
            %sign3A_1614 = arith.constant 0 : i32
            %sign3A_1615 = arith.cmpi slt, %add3A_441, %sign3A_1614 : i32
            %sign3A_1616 = arith.extui %sign3A_1615 : i1 to i32
            %sign3A_1617 = arith.subi %sign3A_1613, %sign3A_1616 : i32
            %sign3A_1618 = arith.constant 0 : i32
            %sign3A_1619 = arith.cmpi sgt, %jit3A_1609, %sign3A_1618 : i32
            %sign3A_1620 = arith.extui %sign3A_1619 : i1 to i32
            %sign3A_1621 = arith.constant 0 : i32
            %sign3A_1622 = arith.cmpi slt, %jit3A_1609, %sign3A_1621 : i32
            %sign3A_1623 = arith.extui %sign3A_1622 : i1 to i32
            %sign3A_1624 = arith.subi %sign3A_1620, %sign3A_1623 : i32
            %ne3A_1625 = arith.cmpi ne, %sign3A_1617, %sign3A_1624 : i32
            %rem3A_1626 = arith.remsi %add3A_441, %jit3A_1609 : i32
            %ne3A_1627 = arith.constant 0 : i32
            %ne3A_1628 = arith.cmpi ne, %rem3A_1626, %ne3A_1627 : i32
            %and3A_1629 = arith.andi %ne3A_1625, %ne3A_1628 : i1
            %sub3A_1630 = arith.constant 1 : i32
            %sub3A_1631 = arith.subi %div3A_1610, %sub3A_1630 : i32
            %select_n3A_1632 = arith.select %and3A_1629, %sub3A_1631, %div3A_1610 : i32
            %jit3A_1633 = arith.constant 2 : i32
            %eq3A_1634 = arith.constant 0 : i32
            %eq3A_1635 = arith.cmpi eq, %jit3A_1633, %eq3A_1634 : i32
            %jit3A_1636 = arith.constant 1 : i32
            %select_n3A_1637 = arith.select %eq3A_1635, %jit3A_1636, %jit3A_1633 : i32
            %rem3A_1638 = arith.remsi %add3A_441, %select_n3A_1637 : i32
            %ne3A_1639 = arith.constant 0 : i32
            %ne3A_1640 = arith.cmpi ne, %rem3A_1638, %ne3A_1639 : i32
            %lt3A_1641 = arith.constant 0 : i32
            %lt3A_1642 = arith.cmpi slt, %rem3A_1638, %lt3A_1641 : i32
            %lt3A_1643 = arith.constant 0 : i32
            %lt3A_1644 = arith.cmpi slt, %select_n3A_1637, %lt3A_1643 : i32
            %ne3A_1645 = arith.xori %lt3A_1642, %lt3A_1644 : i1
            %and3A_1646 = arith.andi %ne3A_1645, %ne3A_1640 : i1
            %add3A_1647 = arith.addi %rem3A_1638, %select_n3A_1637 : i32
            %select_n3A_1648 = arith.select %and3A_1646, %add3A_1647, %rem3A_1638 : i32
            %mul3A_1649 = arith.constant 4096 : i32
            %mul3A_1650 = arith.muli %select_n3A_1648, %mul3A_1649 : i32
            %dma_wait3A_1651 = arith.constant 0 : i32
            %dma_wait3A_1652 = tpu.memref_slice %arg8[%dma_wait3A_1651] : memref<32768xf32, #tpu.memory_space<vmem>> -> memref<4096xf32, #tpu.memory_space<vmem>>
            %dma_wait3A_1653 = tpu.memref_slice %arg4[%add3A_1300, %select_n3A_1324, %mul3A_1342] : memref<4096x2x8192xf32, #tpu.memory_space<hbm>> -> memref<1x1x4096xf32, #tpu.memory_space<hbm>>
            %dma_wait3A_1654 = tpu.memref_squeeze %dma_wait3A_1653 : memref<1x1x4096xf32, #tpu.memory_space<hbm>> -> memref<4096xf32, #tpu.memory_space<hbm>>
            %dma_wait3A_1655 = tpu.memref_slice %arg4[%add3A_1300, %select_n3A_1324, %mul3A_1342] : memref<4096x2x8192xf32, #tpu.memory_space<hbm>> -> memref<1x1x4096xf32, #tpu.memory_space<hbm>>
            %dma_wait3A_1656 = tpu.memref_squeeze %dma_wait3A_1655 : memref<1x1x4096xf32, #tpu.memory_space<hbm>> -> memref<4096xf32, #tpu.memory_space<hbm>>
            %dma_wait3A_1657 = arith.constant 0 : i32
            %dma_wait3A_1658 = tpu.memref_slice %arg8[%dma_wait3A_1657] : memref<32768xf32, #tpu.memory_space<vmem>> -> memref<4096xf32, #tpu.memory_space<vmem>>
            tpu.wait_dma2 semaphore(%arg12 : memref<!tpu.dma_semaphore, #tpu.memory_space<semaphore_mem>>) src(%dma_wait3A_1658 : memref<4096xf32, #tpu.memory_space<vmem>>) dst(%dma_wait3A_1656 : memref<4096xf32, #tpu.memory_space<hbm>>)
            %dma_wait3A_1659 = arith.constant 4096 : i32
            %dma_wait3A_1660 = tpu.memref_slice %arg8[%dma_wait3A_1659] : memref<32768xf32, #tpu.memory_space<vmem>> -> memref<4096xf32, #tpu.memory_space<vmem>>
            %dma_wait3A_1661 = tpu.memref_slice %arg4[%add3A_1344, %select_n3A_1368, %mul3A_1386] : memref<4096x2x8192xf32, #tpu.memory_space<hbm>> -> memref<1x1x4096xf32, #tpu.memory_space<hbm>>
            %dma_wait3A_1662 = tpu.memref_squeeze %dma_wait3A_1661 : memref<1x1x4096xf32, #tpu.memory_space<hbm>> -> memref<4096xf32, #tpu.memory_space<hbm>>
            %dma_wait3A_1663 = tpu.memref_slice %arg4[%add3A_1344, %select_n3A_1368, %mul3A_1386] : memref<4096x2x8192xf32, #tpu.memory_space<hbm>> -> memref<1x1x4096xf32, #tpu.memory_space<hbm>>
            %dma_wait3A_1664 = tpu.memref_squeeze %dma_wait3A_1663 : memref<1x1x4096xf32, #tpu.memory_space<hbm>> -> memref<4096xf32, #tpu.memory_space<hbm>>
            %dma_wait3A_1665 = arith.constant 4096 : i32
            %dma_wait3A_1666 = tpu.memref_slice %arg8[%dma_wait3A_1665] : memref<32768xf32, #tpu.memory_space<vmem>> -> memref<4096xf32, #tpu.memory_space<vmem>>
            tpu.wait_dma2 semaphore(%arg12 : memref<!tpu.dma_semaphore, #tpu.memory_space<semaphore_mem>>) src(%dma_wait3A_1666 : memref<4096xf32, #tpu.memory_space<vmem>>) dst(%dma_wait3A_1664 : memref<4096xf32, #tpu.memory_space<hbm>>)
            %dma_wait3A_1667 = arith.constant 8192 : i32
            %dma_wait3A_1668 = tpu.memref_slice %arg8[%dma_wait3A_1667] : memref<32768xf32, #tpu.memory_space<vmem>> -> memref<4096xf32, #tpu.memory_space<vmem>>
            %dma_wait3A_1669 = tpu.memref_slice %arg4[%add3A_1388, %select_n3A_1412, %mul3A_1430] : memref<4096x2x8192xf32, #tpu.memory_space<hbm>> -> memref<1x1x4096xf32, #tpu.memory_space<hbm>>
            %dma_wait3A_1670 = tpu.memref_squeeze %dma_wait3A_1669 : memref<1x1x4096xf32, #tpu.memory_space<hbm>> -> memref<4096xf32, #tpu.memory_space<hbm>>
            %dma_wait3A_1671 = tpu.memref_slice %arg4[%add3A_1388, %select_n3A_1412, %mul3A_1430] : memref<4096x2x8192xf32, #tpu.memory_space<hbm>> -> memref<1x1x4096xf32, #tpu.memory_space<hbm>>
            %dma_wait3A_1672 = tpu.memref_squeeze %dma_wait3A_1671 : memref<1x1x4096xf32, #tpu.memory_space<hbm>> -> memref<4096xf32, #tpu.memory_space<hbm>>
            %dma_wait3A_1673 = arith.constant 8192 : i32
            %dma_wait3A_1674 = tpu.memref_slice %arg8[%dma_wait3A_1673] : memref<32768xf32, #tpu.memory_space<vmem>> -> memref<4096xf32, #tpu.memory_space<vmem>>
            tpu.wait_dma2 semaphore(%arg12 : memref<!tpu.dma_semaphore, #tpu.memory_space<semaphore_mem>>) src(%dma_wait3A_1674 : memref<4096xf32, #tpu.memory_space<vmem>>) dst(%dma_wait3A_1672 : memref<4096xf32, #tpu.memory_space<hbm>>)
            %dma_wait3A_1675 = arith.constant 12288 : i32
            %dma_wait3A_1676 = tpu.memref_slice %arg8[%dma_wait3A_1675] : memref<32768xf32, #tpu.memory_space<vmem>> -> memref<4096xf32, #tpu.memory_space<vmem>>
            %dma_wait3A_1677 = tpu.memref_slice %arg4[%add3A_1432, %select_n3A_1456, %mul3A_1474] : memref<4096x2x8192xf32, #tpu.memory_space<hbm>> -> memref<1x1x4096xf32, #tpu.memory_space<hbm>>
            %dma_wait3A_1678 = tpu.memref_squeeze %dma_wait3A_1677 : memref<1x1x4096xf32, #tpu.memory_space<hbm>> -> memref<4096xf32, #tpu.memory_space<hbm>>
            %dma_wait3A_1679 = tpu.memref_slice %arg4[%add3A_1432, %select_n3A_1456, %mul3A_1474] : memref<4096x2x8192xf32, #tpu.memory_space<hbm>> -> memref<1x1x4096xf32, #tpu.memory_space<hbm>>
            %dma_wait3A_1680 = tpu.memref_squeeze %dma_wait3A_1679 : memref<1x1x4096xf32, #tpu.memory_space<hbm>> -> memref<4096xf32, #tpu.memory_space<hbm>>
            %dma_wait3A_1681 = arith.constant 12288 : i32
            %dma_wait3A_1682 = tpu.memref_slice %arg8[%dma_wait3A_1681] : memref<32768xf32, #tpu.memory_space<vmem>> -> memref<4096xf32, #tpu.memory_space<vmem>>
            tpu.wait_dma2 semaphore(%arg12 : memref<!tpu.dma_semaphore, #tpu.memory_space<semaphore_mem>>) src(%dma_wait3A_1682 : memref<4096xf32, #tpu.memory_space<vmem>>) dst(%dma_wait3A_1680 : memref<4096xf32, #tpu.memory_space<hbm>>)
            %dma_wait3A_1683 = arith.constant 16384 : i32
            %dma_wait3A_1684 = tpu.memref_slice %arg8[%dma_wait3A_1683] : memref<32768xf32, #tpu.memory_space<vmem>> -> memref<4096xf32, #tpu.memory_space<vmem>>
            %dma_wait3A_1685 = tpu.memref_slice %arg4[%add3A_1476, %select_n3A_1500, %mul3A_1518] : memref<4096x2x8192xf32, #tpu.memory_space<hbm>> -> memref<1x1x4096xf32, #tpu.memory_space<hbm>>
            %dma_wait3A_1686 = tpu.memref_squeeze %dma_wait3A_1685 : memref<1x1x4096xf32, #tpu.memory_space<hbm>> -> memref<4096xf32, #tpu.memory_space<hbm>>
            %dma_wait3A_1687 = tpu.memref_slice %arg4[%add3A_1476, %select_n3A_1500, %mul3A_1518] : memref<4096x2x8192xf32, #tpu.memory_space<hbm>> -> memref<1x1x4096xf32, #tpu.memory_space<hbm>>
            %dma_wait3A_1688 = tpu.memref_squeeze %dma_wait3A_1687 : memref<1x1x4096xf32, #tpu.memory_space<hbm>> -> memref<4096xf32, #tpu.memory_space<hbm>>
            %dma_wait3A_1689 = arith.constant 16384 : i32
            %dma_wait3A_1690 = tpu.memref_slice %arg8[%dma_wait3A_1689] : memref<32768xf32, #tpu.memory_space<vmem>> -> memref<4096xf32, #tpu.memory_space<vmem>>
            tpu.wait_dma2 semaphore(%arg12 : memref<!tpu.dma_semaphore, #tpu.memory_space<semaphore_mem>>) src(%dma_wait3A_1690 : memref<4096xf32, #tpu.memory_space<vmem>>) dst(%dma_wait3A_1688 : memref<4096xf32, #tpu.memory_space<hbm>>)
            %dma_wait3A_1691 = arith.constant 20480 : i32
            %dma_wait3A_1692 = tpu.memref_slice %arg8[%dma_wait3A_1691] : memref<32768xf32, #tpu.memory_space<vmem>> -> memref<4096xf32, #tpu.memory_space<vmem>>
            %dma_wait3A_1693 = tpu.memref_slice %arg4[%add3A_1520, %select_n3A_1544, %mul3A_1562] : memref<4096x2x8192xf32, #tpu.memory_space<hbm>> -> memref<1x1x4096xf32, #tpu.memory_space<hbm>>
            %dma_wait3A_1694 = tpu.memref_squeeze %dma_wait3A_1693 : memref<1x1x4096xf32, #tpu.memory_space<hbm>> -> memref<4096xf32, #tpu.memory_space<hbm>>
            %dma_wait3A_1695 = tpu.memref_slice %arg4[%add3A_1520, %select_n3A_1544, %mul3A_1562] : memref<4096x2x8192xf32, #tpu.memory_space<hbm>> -> memref<1x1x4096xf32, #tpu.memory_space<hbm>>
            %dma_wait3A_1696 = tpu.memref_squeeze %dma_wait3A_1695 : memref<1x1x4096xf32, #tpu.memory_space<hbm>> -> memref<4096xf32, #tpu.memory_space<hbm>>
            %dma_wait3A_1697 = arith.constant 20480 : i32
            %dma_wait3A_1698 = tpu.memref_slice %arg8[%dma_wait3A_1697] : memref<32768xf32, #tpu.memory_space<vmem>> -> memref<4096xf32, #tpu.memory_space<vmem>>
            tpu.wait_dma2 semaphore(%arg12 : memref<!tpu.dma_semaphore, #tpu.memory_space<semaphore_mem>>) src(%dma_wait3A_1698 : memref<4096xf32, #tpu.memory_space<vmem>>) dst(%dma_wait3A_1696 : memref<4096xf32, #tpu.memory_space<hbm>>)
            %dma_wait3A_1699 = arith.constant 24576 : i32
            %dma_wait3A_1700 = tpu.memref_slice %arg8[%dma_wait3A_1699] : memref<32768xf32, #tpu.memory_space<vmem>> -> memref<4096xf32, #tpu.memory_space<vmem>>
            %dma_wait3A_1701 = tpu.memref_slice %arg4[%add3A_1564, %select_n3A_1588, %mul3A_1606] : memref<4096x2x8192xf32, #tpu.memory_space<hbm>> -> memref<1x1x4096xf32, #tpu.memory_space<hbm>>
            %dma_wait3A_1702 = tpu.memref_squeeze %dma_wait3A_1701 : memref<1x1x4096xf32, #tpu.memory_space<hbm>> -> memref<4096xf32, #tpu.memory_space<hbm>>
            %dma_wait3A_1703 = tpu.memref_slice %arg4[%add3A_1564, %select_n3A_1588, %mul3A_1606] : memref<4096x2x8192xf32, #tpu.memory_space<hbm>> -> memref<1x1x4096xf32, #tpu.memory_space<hbm>>
            %dma_wait3A_1704 = tpu.memref_squeeze %dma_wait3A_1703 : memref<1x1x4096xf32, #tpu.memory_space<hbm>> -> memref<4096xf32, #tpu.memory_space<hbm>>
            %dma_wait3A_1705 = arith.constant 24576 : i32
            %dma_wait3A_1706 = tpu.memref_slice %arg8[%dma_wait3A_1705] : memref<32768xf32, #tpu.memory_space<vmem>> -> memref<4096xf32, #tpu.memory_space<vmem>>
            tpu.wait_dma2 semaphore(%arg12 : memref<!tpu.dma_semaphore, #tpu.memory_space<semaphore_mem>>) src(%dma_wait3A_1706 : memref<4096xf32, #tpu.memory_space<vmem>>) dst(%dma_wait3A_1704 : memref<4096xf32, #tpu.memory_space<hbm>>)
            %dma_wait3A_1707 = arith.constant 28672 : i32
            %dma_wait3A_1708 = tpu.memref_slice %arg8[%dma_wait3A_1707] : memref<32768xf32, #tpu.memory_space<vmem>> -> memref<4096xf32, #tpu.memory_space<vmem>>
            %dma_wait3A_1709 = tpu.memref_slice %arg4[%add3A_1608, %select_n3A_1632, %mul3A_1650] : memref<4096x2x8192xf32, #tpu.memory_space<hbm>> -> memref<1x1x4096xf32, #tpu.memory_space<hbm>>
            %dma_wait3A_1710 = tpu.memref_squeeze %dma_wait3A_1709 : memref<1x1x4096xf32, #tpu.memory_space<hbm>> -> memref<4096xf32, #tpu.memory_space<hbm>>
            %dma_wait3A_1711 = tpu.memref_slice %arg4[%add3A_1608, %select_n3A_1632, %mul3A_1650] : memref<4096x2x8192xf32, #tpu.memory_space<hbm>> -> memref<1x1x4096xf32, #tpu.memory_space<hbm>>
            %dma_wait3A_1712 = tpu.memref_squeeze %dma_wait3A_1711 : memref<1x1x4096xf32, #tpu.memory_space<hbm>> -> memref<4096xf32, #tpu.memory_space<hbm>>
            %dma_wait3A_1713 = arith.constant 28672 : i32
            %dma_wait3A_1714 = tpu.memref_slice %arg8[%dma_wait3A_1713] : memref<32768xf32, #tpu.memory_space<vmem>> -> memref<4096xf32, #tpu.memory_space<vmem>>
            tpu.wait_dma2 semaphore(%arg12 : memref<!tpu.dma_semaphore, #tpu.memory_space<semaphore_mem>>) src(%dma_wait3A_1714 : memref<4096xf32, #tpu.memory_space<vmem>>) dst(%dma_wait3A_1712 : memref<4096xf32, #tpu.memory_space<hbm>>)
          } else {
          }
          %parallel_loop3A = arith.constant 0 : i32
          %parallel_loop3A_448 = arith.constant 4096 : i32
          %parallel_loop3A_449 = arith.constant 16 : i32
          scf.for %parallel_loop3A_1296 = %parallel_loop3A to %parallel_loop3A_448 step %parallel_loop3A_449  : i32 {
            %parallel_loop3A_1297 = arith.constant 4096 : i32
            %parallel_loop3A_1298 = arith.muli %add3A_441, %parallel_loop3A_1297 : i32
            %parallel_loop3A_1299 = arith.addi %parallel_loop3A_1298, %parallel_loop3A_1296 : i32
            %parallel_loop3A_1300 = arith.index_cast %parallel_loop3A_1299 : i32 to index
            %parallel_loop3A_1301 = tpu.vector_load %arg5[%parallel_loop3A_1300] {strides = array<i32>} : memref<16384xi32, #tpu.memory_space<vmem>>, vector<16xi32>,
            %parallel_loop3A_1302 = arith.constant 0 : i32
            %parallel_loop3A_1303 = vector.broadcast %parallel_loop3A_1302 : i32 to vector<16xi32>
            %parallel_loop3A_1304 = arith.addi %parallel_loop3A_1301, %parallel_loop3A_1303 : vector<16xi32>
            %parallel_loop3A_1305 = tpu.vector_load_idx %arg7[%parallel_loop3A_1304] : memref<16384xf32, #tpu.memory_space<vmem>>[vector<16xi32>], vector<16xf32>,
            %parallel_loop3A_1306 = arith.constant 0 : i32
            %parallel_loop3A_1307 = arith.addi %parallel_loop3A_1306, %parallel_loop3A_1296 : i32
            %parallel_loop3A_1308 = arith.index_cast %parallel_loop3A_1307 : i32 to index
            %parallel_loop3A_1309 = tpu.vector_load %arg8[%parallel_loop3A_1308] {strides = array<i32>} : memref<32768xf32, #tpu.memory_space<vmem>>, vector<16xf32>,
            tpu.vector_store %arg8[%parallel_loop3A_1308], %parallel_loop3A_1305 {strides = array<i32>} : memref<32768xf32, #tpu.memory_space<vmem>>, vector<16xf32>,
            %parallel_loop3A_1310 = arith.constant 2048 : i32
            %parallel_loop3A_1311 = vector.broadcast %parallel_loop3A_1310 : i32 to vector<16xi32>
            %parallel_loop3A_1312 = arith.addi %parallel_loop3A_1301, %parallel_loop3A_1311 : vector<16xi32>
            %parallel_loop3A_1313 = tpu.vector_load_idx %arg7[%parallel_loop3A_1312] : memref<16384xf32, #tpu.memory_space<vmem>>[vector<16xi32>], vector<16xf32>,
            %parallel_loop3A_1314 = arith.constant 4096 : i32
            %parallel_loop3A_1315 = arith.addi %parallel_loop3A_1314, %parallel_loop3A_1296 : i32
            %parallel_loop3A_1316 = arith.index_cast %parallel_loop3A_1315 : i32 to index
            %parallel_loop3A_1317 = tpu.vector_load %arg8[%parallel_loop3A_1316] {strides = array<i32>} : memref<32768xf32, #tpu.memory_space<vmem>>, vector<16xf32>,
            tpu.vector_store %arg8[%parallel_loop3A_1316], %parallel_loop3A_1313 {strides = array<i32>} : memref<32768xf32, #tpu.memory_space<vmem>>, vector<16xf32>,
            %parallel_loop3A_1318 = arith.constant 4096 : i32
            %parallel_loop3A_1319 = vector.broadcast %parallel_loop3A_1318 : i32 to vector<16xi32>
            %parallel_loop3A_1320 = arith.addi %parallel_loop3A_1301, %parallel_loop3A_1319 : vector<16xi32>
            %parallel_loop3A_1321 = tpu.vector_load_idx %arg7[%parallel_loop3A_1320] : memref<16384xf32, #tpu.memory_space<vmem>>[vector<16xi32>], vector<16xf32>,
            %parallel_loop3A_1322 = arith.constant 8192 : i32
            %parallel_loop3A_1323 = arith.addi %parallel_loop3A_1322, %parallel_loop3A_1296 : i32
            %parallel_loop3A_1324 = arith.index_cast %parallel_loop3A_1323 : i32 to index
            %parallel_loop3A_1325 = tpu.vector_load %arg8[%parallel_loop3A_1324] {strides = array<i32>} : memref<32768xf32, #tpu.memory_space<vmem>>, vector<16xf32>,
            tpu.vector_store %arg8[%parallel_loop3A_1324], %parallel_loop3A_1321 {strides = array<i32>} : memref<32768xf32, #tpu.memory_space<vmem>>, vector<16xf32>,
            %parallel_loop3A_1326 = arith.constant 6144 : i32
            %parallel_loop3A_1327 = vector.broadcast %parallel_loop3A_1326 : i32 to vector<16xi32>
            %parallel_loop3A_1328 = arith.addi %parallel_loop3A_1301, %parallel_loop3A_1327 : vector<16xi32>
            %parallel_loop3A_1329 = tpu.vector_load_idx %arg7[%parallel_loop3A_1328] : memref<16384xf32, #tpu.memory_space<vmem>>[vector<16xi32>], vector<16xf32>,
            %parallel_loop3A_1330 = arith.constant 12288 : i32
            %parallel_loop3A_1331 = arith.addi %parallel_loop3A_1330, %parallel_loop3A_1296 : i32
            %parallel_loop3A_1332 = arith.index_cast %parallel_loop3A_1331 : i32 to index
            %parallel_loop3A_1333 = tpu.vector_load %arg8[%parallel_loop3A_1332] {strides = array<i32>} : memref<32768xf32, #tpu.memory_space<vmem>>, vector<16xf32>,
            tpu.vector_store %arg8[%parallel_loop3A_1332], %parallel_loop3A_1329 {strides = array<i32>} : memref<32768xf32, #tpu.memory_space<vmem>>, vector<16xf32>,
            %parallel_loop3A_1334 = arith.constant 8192 : i32
            %parallel_loop3A_1335 = vector.broadcast %parallel_loop3A_1334 : i32 to vector<16xi32>
            %parallel_loop3A_1336 = arith.addi %parallel_loop3A_1301, %parallel_loop3A_1335 : vector<16xi32>
            %parallel_loop3A_1337 = tpu.vector_load_idx %arg7[%parallel_loop3A_1336] : memref<16384xf32, #tpu.memory_space<vmem>>[vector<16xi32>], vector<16xf32>,
            %parallel_loop3A_1338 = arith.constant 16384 : i32
            %parallel_loop3A_1339 = arith.addi %parallel_loop3A_1338, %parallel_loop3A_1296 : i32
            %parallel_loop3A_1340 = arith.index_cast %parallel_loop3A_1339 : i32 to index
            %parallel_loop3A_1341 = tpu.vector_load %arg8[%parallel_loop3A_1340] {strides = array<i32>} : memref<32768xf32, #tpu.memory_space<vmem>>, vector<16xf32>,
            tpu.vector_store %arg8[%parallel_loop3A_1340], %parallel_loop3A_1337 {strides = array<i32>} : memref<32768xf32, #tpu.memory_space<vmem>>, vector<16xf32>,
            %parallel_loop3A_1342 = arith.constant 10240 : i32
            %parallel_loop3A_1343 = vector.broadcast %parallel_loop3A_1342 : i32 to vector<16xi32>
            %parallel_loop3A_1344 = arith.addi %parallel_loop3A_1301, %parallel_loop3A_1343 : vector<16xi32>
            %parallel_loop3A_1345 = tpu.vector_load_idx %arg7[%parallel_loop3A_1344] : memref<16384xf32, #tpu.memory_space<vmem>>[vector<16xi32>], vector<16xf32>,
            %parallel_loop3A_1346 = arith.constant 20480 : i32
            %parallel_loop3A_1347 = arith.addi %parallel_loop3A_1346, %parallel_loop3A_1296 : i32
            %parallel_loop3A_1348 = arith.index_cast %parallel_loop3A_1347 : i32 to index
            %parallel_loop3A_1349 = tpu.vector_load %arg8[%parallel_loop3A_1348] {strides = array<i32>} : memref<32768xf32, #tpu.memory_space<vmem>>, vector<16xf32>,
            tpu.vector_store %arg8[%parallel_loop3A_1348], %parallel_loop3A_1345 {strides = array<i32>} : memref<32768xf32, #tpu.memory_space<vmem>>, vector<16xf32>,
            %parallel_loop3A_1350 = arith.constant 12288 : i32
            %parallel_loop3A_1351 = vector.broadcast %parallel_loop3A_1350 : i32 to vector<16xi32>
            %parallel_loop3A_1352 = arith.addi %parallel_loop3A_1301, %parallel_loop3A_1351 : vector<16xi32>
            %parallel_loop3A_1353 = tpu.vector_load_idx %arg7[%parallel_loop3A_1352] : memref<16384xf32, #tpu.memory_space<vmem>>[vector<16xi32>], vector<16xf32>,
            %parallel_loop3A_1354 = arith.constant 24576 : i32
            %parallel_loop3A_1355 = arith.addi %parallel_loop3A_1354, %parallel_loop3A_1296 : i32
            %parallel_loop3A_1356 = arith.index_cast %parallel_loop3A_1355 : i32 to index
            %parallel_loop3A_1357 = tpu.vector_load %arg8[%parallel_loop3A_1356] {strides = array<i32>} : memref<32768xf32, #tpu.memory_space<vmem>>, vector<16xf32>,
            tpu.vector_store %arg8[%parallel_loop3A_1356], %parallel_loop3A_1353 {strides = array<i32>} : memref<32768xf32, #tpu.memory_space<vmem>>, vector<16xf32>,
            %parallel_loop3A_1358 = arith.constant 14336 : i32
            %parallel_loop3A_1359 = vector.broadcast %parallel_loop3A_1358 : i32 to vector<16xi32>
            %parallel_loop3A_1360 = arith.addi %parallel_loop3A_1301, %parallel_loop3A_1359 : vector<16xi32>
            %parallel_loop3A_1361 = tpu.vector_load_idx %arg7[%parallel_loop3A_1360] : memref<16384xf32, #tpu.memory_space<vmem>>[vector<16xi32>], vector<16xf32>,
            %parallel_loop3A_1362 = arith.constant 28672 : i32
            %parallel_loop3A_1363 = arith.addi %parallel_loop3A_1362, %parallel_loop3A_1296 : i32
            %parallel_loop3A_1364 = arith.index_cast %parallel_loop3A_1363 : i32 to index
            %parallel_loop3A_1365 = tpu.vector_load %arg8[%parallel_loop3A_1364] {strides = array<i32>} : memref<32768xf32, #tpu.memory_space<vmem>>, vector<16xf32>,
            tpu.vector_store %arg8[%parallel_loop3A_1364], %parallel_loop3A_1361 {strides = array<i32>} : memref<32768xf32, #tpu.memory_space<vmem>>, vector<16xf32>,
          } {sc.loop_unroll_factor = 8 : i64, sc.parallel_access}
          %mul3A_450 = arith.constant 8 : i32
          %mul3A_451 = arith.muli %scan3A_317, %mul3A_450 : i32
          %add3A_452 = arith.addi %mul3A_2, %mul3A_451 : i32
          %add3A_453 = arith.constant 0 : i32
          %add3A_454 = arith.addi %add3A_452, %add3A_453 : i32
          %jit3A = arith.constant 2 : i32
          %div3A = arith.divsi %add3A_441, %jit3A : i32
          %sign3A = arith.constant 0 : i32
          %sign3A_455 = arith.cmpi sgt, %add3A_441, %sign3A : i32
          %sign3A_456 = arith.extui %sign3A_455 : i1 to i32
          %sign3A_457 = arith.constant 0 : i32
          %sign3A_458 = arith.cmpi slt, %add3A_441, %sign3A_457 : i32
          %sign3A_459 = arith.extui %sign3A_458 : i1 to i32
          %sign3A_460 = arith.subi %sign3A_456, %sign3A_459 : i32
          %sign3A_461 = arith.constant 0 : i32
          %sign3A_462 = arith.cmpi sgt, %jit3A, %sign3A_461 : i32
          %sign3A_463 = arith.extui %sign3A_462 : i1 to i32
          %sign3A_464 = arith.constant 0 : i32
          %sign3A_465 = arith.cmpi slt, %jit3A, %sign3A_464 : i32
          %sign3A_466 = arith.extui %sign3A_465 : i1 to i32
          %sign3A_467 = arith.subi %sign3A_463, %sign3A_466 : i32
          %ne3A = arith.cmpi ne, %sign3A_460, %sign3A_467 : i32
          %rem3A_468 = arith.remsi %add3A_441, %jit3A : i32
          %ne3A_469 = arith.constant 0 : i32
          %ne3A_470 = arith.cmpi ne, %rem3A_468, %ne3A_469 : i32
          %and3A = arith.andi %ne3A, %ne3A_470 : i1
          %sub3A = arith.constant 1 : i32
          %sub3A_471 = arith.subi %div3A, %sub3A : i32
          %select_n3A = arith.select %and3A, %sub3A_471, %div3A : i32
          %jit3A_472 = arith.constant 2 : i32
          %eq3A_473 = arith.constant 0 : i32
          %eq3A_474 = arith.cmpi eq, %jit3A_472, %eq3A_473 : i32
          %jit3A_475 = arith.constant 1 : i32
          %select_n3A_476 = arith.select %eq3A_474, %jit3A_475, %jit3A_472 : i32
          %rem3A_477 = arith.remsi %add3A_441, %select_n3A_476 : i32
          %ne3A_478 = arith.constant 0 : i32
          %ne3A_479 = arith.cmpi ne, %rem3A_477, %ne3A_478 : i32
          %lt3A_480 = arith.constant 0 : i32
          %lt3A_481 = arith.cmpi slt, %rem3A_477, %lt3A_480 : i32
          %lt3A_482 = arith.constant 0 : i32
          %lt3A_483 = arith.cmpi slt, %select_n3A_476, %lt3A_482 : i32
          %ne3A_484 = arith.xori %lt3A_481, %lt3A_483 : i1
          %and3A_485 = arith.andi %ne3A_484, %ne3A_479 : i1
          %add3A_486 = arith.addi %rem3A_477, %select_n3A_476 : i32
          %select_n3A_487 = arith.select %and3A_485, %add3A_486, %rem3A_477 : i32
          %mul3A_488 = arith.constant 4096 : i32
          %mul3A_489 = arith.muli %select_n3A_487, %mul3A_488 : i32
          %add3A_490 = arith.constant 1 : i32
          %add3A_491 = arith.addi %add3A_452, %add3A_490 : i32
          %jit3A_492 = arith.constant 2 : i32
          %div3A_493 = arith.divsi %add3A_441, %jit3A_492 : i32
          %sign3A_494 = arith.constant 0 : i32
          %sign3A_495 = arith.cmpi sgt, %add3A_441, %sign3A_494 : i32
          %sign3A_496 = arith.extui %sign3A_495 : i1 to i32
          %sign3A_497 = arith.constant 0 : i32
          %sign3A_498 = arith.cmpi slt, %add3A_441, %sign3A_497 : i32
          %sign3A_499 = arith.extui %sign3A_498 : i1 to i32
          %sign3A_500 = arith.subi %sign3A_496, %sign3A_499 : i32
          %sign3A_501 = arith.constant 0 : i32
          %sign3A_502 = arith.cmpi sgt, %jit3A_492, %sign3A_501 : i32
          %sign3A_503 = arith.extui %sign3A_502 : i1 to i32
          %sign3A_504 = arith.constant 0 : i32
          %sign3A_505 = arith.cmpi slt, %jit3A_492, %sign3A_504 : i32
          %sign3A_506 = arith.extui %sign3A_505 : i1 to i32
          %sign3A_507 = arith.subi %sign3A_503, %sign3A_506 : i32
          %ne3A_508 = arith.cmpi ne, %sign3A_500, %sign3A_507 : i32
          %rem3A_509 = arith.remsi %add3A_441, %jit3A_492 : i32
          %ne3A_510 = arith.constant 0 : i32
          %ne3A_511 = arith.cmpi ne, %rem3A_509, %ne3A_510 : i32
          %and3A_512 = arith.andi %ne3A_508, %ne3A_511 : i1
          %sub3A_513 = arith.constant 1 : i32
          %sub3A_514 = arith.subi %div3A_493, %sub3A_513 : i32
          %select_n3A_515 = arith.select %and3A_512, %sub3A_514, %div3A_493 : i32
          %jit3A_516 = arith.constant 2 : i32
          %eq3A_517 = arith.constant 0 : i32
          %eq3A_518 = arith.cmpi eq, %jit3A_516, %eq3A_517 : i32
          %jit3A_519 = arith.constant 1 : i32
          %select_n3A_520 = arith.select %eq3A_518, %jit3A_519, %jit3A_516 : i32
          %rem3A_521 = arith.remsi %add3A_441, %select_n3A_520 : i32
          %ne3A_522 = arith.constant 0 : i32
          %ne3A_523 = arith.cmpi ne, %rem3A_521, %ne3A_522 : i32
          %lt3A_524 = arith.constant 0 : i32
          %lt3A_525 = arith.cmpi slt, %rem3A_521, %lt3A_524 : i32
          %lt3A_526 = arith.constant 0 : i32
          %lt3A_527 = arith.cmpi slt, %select_n3A_520, %lt3A_526 : i32
          %ne3A_528 = arith.xori %lt3A_525, %lt3A_527 : i1
          %and3A_529 = arith.andi %ne3A_528, %ne3A_523 : i1
          %add3A_530 = arith.addi %rem3A_521, %select_n3A_520 : i32
          %select_n3A_531 = arith.select %and3A_529, %add3A_530, %rem3A_521 : i32
          %mul3A_532 = arith.constant 4096 : i32
          %mul3A_533 = arith.muli %select_n3A_531, %mul3A_532 : i32
          %add3A_534 = arith.constant 2 : i32
          %add3A_535 = arith.addi %add3A_452, %add3A_534 : i32
          %jit3A_536 = arith.constant 2 : i32
          %div3A_537 = arith.divsi %add3A_441, %jit3A_536 : i32
          %sign3A_538 = arith.constant 0 : i32
          %sign3A_539 = arith.cmpi sgt, %add3A_441, %sign3A_538 : i32
          %sign3A_540 = arith.extui %sign3A_539 : i1 to i32
          %sign3A_541 = arith.constant 0 : i32
          %sign3A_542 = arith.cmpi slt, %add3A_441, %sign3A_541 : i32
          %sign3A_543 = arith.extui %sign3A_542 : i1 to i32
          %sign3A_544 = arith.subi %sign3A_540, %sign3A_543 : i32
          %sign3A_545 = arith.constant 0 : i32
          %sign3A_546 = arith.cmpi sgt, %jit3A_536, %sign3A_545 : i32
          %sign3A_547 = arith.extui %sign3A_546 : i1 to i32
          %sign3A_548 = arith.constant 0 : i32
          %sign3A_549 = arith.cmpi slt, %jit3A_536, %sign3A_548 : i32
          %sign3A_550 = arith.extui %sign3A_549 : i1 to i32
          %sign3A_551 = arith.subi %sign3A_547, %sign3A_550 : i32
          %ne3A_552 = arith.cmpi ne, %sign3A_544, %sign3A_551 : i32
          %rem3A_553 = arith.remsi %add3A_441, %jit3A_536 : i32
          %ne3A_554 = arith.constant 0 : i32
          %ne3A_555 = arith.cmpi ne, %rem3A_553, %ne3A_554 : i32
          %and3A_556 = arith.andi %ne3A_552, %ne3A_555 : i1
          %sub3A_557 = arith.constant 1 : i32
          %sub3A_558 = arith.subi %div3A_537, %sub3A_557 : i32
          %select_n3A_559 = arith.select %and3A_556, %sub3A_558, %div3A_537 : i32
          %jit3A_560 = arith.constant 2 : i32
          %eq3A_561 = arith.constant 0 : i32
          %eq3A_562 = arith.cmpi eq, %jit3A_560, %eq3A_561 : i32
          %jit3A_563 = arith.constant 1 : i32
          %select_n3A_564 = arith.select %eq3A_562, %jit3A_563, %jit3A_560 : i32
          %rem3A_565 = arith.remsi %add3A_441, %select_n3A_564 : i32
          %ne3A_566 = arith.constant 0 : i32
          %ne3A_567 = arith.cmpi ne, %rem3A_565, %ne3A_566 : i32
          %lt3A_568 = arith.constant 0 : i32
          %lt3A_569 = arith.cmpi slt, %rem3A_565, %lt3A_568 : i32
          %lt3A_570 = arith.constant 0 : i32
          %lt3A_571 = arith.cmpi slt, %select_n3A_564, %lt3A_570 : i32
          %ne3A_572 = arith.xori %lt3A_569, %lt3A_571 : i1
          %and3A_573 = arith.andi %ne3A_572, %ne3A_567 : i1
          %add3A_574 = arith.addi %rem3A_565, %select_n3A_564 : i32
          %select_n3A_575 = arith.select %and3A_573, %add3A_574, %rem3A_565 : i32
          %mul3A_576 = arith.constant 4096 : i32
          %mul3A_577 = arith.muli %select_n3A_575, %mul3A_576 : i32
          %add3A_578 = arith.constant 3 : i32
          %add3A_579 = arith.addi %add3A_452, %add3A_578 : i32
          %jit3A_580 = arith.constant 2 : i32
          %div3A_581 = arith.divsi %add3A_441, %jit3A_580 : i32
          %sign3A_582 = arith.constant 0 : i32
          %sign3A_583 = arith.cmpi sgt, %add3A_441, %sign3A_582 : i32
          %sign3A_584 = arith.extui %sign3A_583 : i1 to i32
          %sign3A_585 = arith.constant 0 : i32
          %sign3A_586 = arith.cmpi slt, %add3A_441, %sign3A_585 : i32
          %sign3A_587 = arith.extui %sign3A_586 : i1 to i32
          %sign3A_588 = arith.subi %sign3A_584, %sign3A_587 : i32
          %sign3A_589 = arith.constant 0 : i32
          %sign3A_590 = arith.cmpi sgt, %jit3A_580, %sign3A_589 : i32
          %sign3A_591 = arith.extui %sign3A_590 : i1 to i32
          %sign3A_592 = arith.constant 0 : i32
          %sign3A_593 = arith.cmpi slt, %jit3A_580, %sign3A_592 : i32
          %sign3A_594 = arith.extui %sign3A_593 : i1 to i32
          %sign3A_595 = arith.subi %sign3A_591, %sign3A_594 : i32
          %ne3A_596 = arith.cmpi ne, %sign3A_588, %sign3A_595 : i32
          %rem3A_597 = arith.remsi %add3A_441, %jit3A_580 : i32
          %ne3A_598 = arith.constant 0 : i32
          %ne3A_599 = arith.cmpi ne, %rem3A_597, %ne3A_598 : i32
          %and3A_600 = arith.andi %ne3A_596, %ne3A_599 : i1
          %sub3A_601 = arith.constant 1 : i32
          %sub3A_602 = arith.subi %div3A_581, %sub3A_601 : i32
          %select_n3A_603 = arith.select %and3A_600, %sub3A_602, %div3A_581 : i32
          %jit3A_604 = arith.constant 2 : i32
          %eq3A_605 = arith.constant 0 : i32
          %eq3A_606 = arith.cmpi eq, %jit3A_604, %eq3A_605 : i32
          %jit3A_607 = arith.constant 1 : i32
          %select_n3A_608 = arith.select %eq3A_606, %jit3A_607, %jit3A_604 : i32
          %rem3A_609 = arith.remsi %add3A_441, %select_n3A_608 : i32
          %ne3A_610 = arith.constant 0 : i32
          %ne3A_611 = arith.cmpi ne, %rem3A_609, %ne3A_610 : i32
          %lt3A_612 = arith.constant 0 : i32
          %lt3A_613 = arith.cmpi slt, %rem3A_609, %lt3A_612 : i32
          %lt3A_614 = arith.constant 0 : i32
          %lt3A_615 = arith.cmpi slt, %select_n3A_608, %lt3A_614 : i32
          %ne3A_616 = arith.xori %lt3A_613, %lt3A_615 : i1
          %and3A_617 = arith.andi %ne3A_616, %ne3A_611 : i1
          %add3A_618 = arith.addi %rem3A_609, %select_n3A_608 : i32
          %select_n3A_619 = arith.select %and3A_617, %add3A_618, %rem3A_609 : i32
          %mul3A_620 = arith.constant 4096 : i32
          %mul3A_621 = arith.muli %select_n3A_619, %mul3A_620 : i32
          %add3A_622 = arith.constant 4 : i32
          %add3A_623 = arith.addi %add3A_452, %add3A_622 : i32
          %jit3A_624 = arith.constant 2 : i32
          %div3A_625 = arith.divsi %add3A_441, %jit3A_624 : i32
          %sign3A_626 = arith.constant 0 : i32
          %sign3A_627 = arith.cmpi sgt, %add3A_441, %sign3A_626 : i32
          %sign3A_628 = arith.extui %sign3A_627 : i1 to i32
          %sign3A_629 = arith.constant 0 : i32
          %sign3A_630 = arith.cmpi slt, %add3A_441, %sign3A_629 : i32
          %sign3A_631 = arith.extui %sign3A_630 : i1 to i32
          %sign3A_632 = arith.subi %sign3A_628, %sign3A_631 : i32
          %sign3A_633 = arith.constant 0 : i32
          %sign3A_634 = arith.cmpi sgt, %jit3A_624, %sign3A_633 : i32
          %sign3A_635 = arith.extui %sign3A_634 : i1 to i32
          %sign3A_636 = arith.constant 0 : i32
          %sign3A_637 = arith.cmpi slt, %jit3A_624, %sign3A_636 : i32
          %sign3A_638 = arith.extui %sign3A_637 : i1 to i32
          %sign3A_639 = arith.subi %sign3A_635, %sign3A_638 : i32
          %ne3A_640 = arith.cmpi ne, %sign3A_632, %sign3A_639 : i32
          %rem3A_641 = arith.remsi %add3A_441, %jit3A_624 : i32
          %ne3A_642 = arith.constant 0 : i32
          %ne3A_643 = arith.cmpi ne, %rem3A_641, %ne3A_642 : i32
          %and3A_644 = arith.andi %ne3A_640, %ne3A_643 : i1
          %sub3A_645 = arith.constant 1 : i32
          %sub3A_646 = arith.subi %div3A_625, %sub3A_645 : i32
          %select_n3A_647 = arith.select %and3A_644, %sub3A_646, %div3A_625 : i32
          %jit3A_648 = arith.constant 2 : i32
          %eq3A_649 = arith.constant 0 : i32
          %eq3A_650 = arith.cmpi eq, %jit3A_648, %eq3A_649 : i32
          %jit3A_651 = arith.constant 1 : i32
          %select_n3A_652 = arith.select %eq3A_650, %jit3A_651, %jit3A_648 : i32
          %rem3A_653 = arith.remsi %add3A_441, %select_n3A_652 : i32
          %ne3A_654 = arith.constant 0 : i32
          %ne3A_655 = arith.cmpi ne, %rem3A_653, %ne3A_654 : i32
          %lt3A_656 = arith.constant 0 : i32
          %lt3A_657 = arith.cmpi slt, %rem3A_653, %lt3A_656 : i32
          %lt3A_658 = arith.constant 0 : i32
          %lt3A_659 = arith.cmpi slt, %select_n3A_652, %lt3A_658 : i32
          %ne3A_660 = arith.xori %lt3A_657, %lt3A_659 : i1
          %and3A_661 = arith.andi %ne3A_660, %ne3A_655 : i1
          %add3A_662 = arith.addi %rem3A_653, %select_n3A_652 : i32
          %select_n3A_663 = arith.select %and3A_661, %add3A_662, %rem3A_653 : i32
          %mul3A_664 = arith.constant 4096 : i32
          %mul3A_665 = arith.muli %select_n3A_663, %mul3A_664 : i32
          %add3A_666 = arith.constant 5 : i32
          %add3A_667 = arith.addi %add3A_452, %add3A_666 : i32
          %jit3A_668 = arith.constant 2 : i32
          %div3A_669 = arith.divsi %add3A_441, %jit3A_668 : i32
          %sign3A_670 = arith.constant 0 : i32
          %sign3A_671 = arith.cmpi sgt, %add3A_441, %sign3A_670 : i32
          %sign3A_672 = arith.extui %sign3A_671 : i1 to i32
          %sign3A_673 = arith.constant 0 : i32
          %sign3A_674 = arith.cmpi slt, %add3A_441, %sign3A_673 : i32
          %sign3A_675 = arith.extui %sign3A_674 : i1 to i32
          %sign3A_676 = arith.subi %sign3A_672, %sign3A_675 : i32
          %sign3A_677 = arith.constant 0 : i32
          %sign3A_678 = arith.cmpi sgt, %jit3A_668, %sign3A_677 : i32
          %sign3A_679 = arith.extui %sign3A_678 : i1 to i32
          %sign3A_680 = arith.constant 0 : i32
          %sign3A_681 = arith.cmpi slt, %jit3A_668, %sign3A_680 : i32
          %sign3A_682 = arith.extui %sign3A_681 : i1 to i32
          %sign3A_683 = arith.subi %sign3A_679, %sign3A_682 : i32
          %ne3A_684 = arith.cmpi ne, %sign3A_676, %sign3A_683 : i32
          %rem3A_685 = arith.remsi %add3A_441, %jit3A_668 : i32
          %ne3A_686 = arith.constant 0 : i32
          %ne3A_687 = arith.cmpi ne, %rem3A_685, %ne3A_686 : i32
          %and3A_688 = arith.andi %ne3A_684, %ne3A_687 : i1
          %sub3A_689 = arith.constant 1 : i32
          %sub3A_690 = arith.subi %div3A_669, %sub3A_689 : i32
          %select_n3A_691 = arith.select %and3A_688, %sub3A_690, %div3A_669 : i32
          %jit3A_692 = arith.constant 2 : i32
          %eq3A_693 = arith.constant 0 : i32
          %eq3A_694 = arith.cmpi eq, %jit3A_692, %eq3A_693 : i32
          %jit3A_695 = arith.constant 1 : i32
          %select_n3A_696 = arith.select %eq3A_694, %jit3A_695, %jit3A_692 : i32
          %rem3A_697 = arith.remsi %add3A_441, %select_n3A_696 : i32
          %ne3A_698 = arith.constant 0 : i32
          %ne3A_699 = arith.cmpi ne, %rem3A_697, %ne3A_698 : i32
          %lt3A_700 = arith.constant 0 : i32
          %lt3A_701 = arith.cmpi slt, %rem3A_697, %lt3A_700 : i32
          %lt3A_702 = arith.constant 0 : i32
          %lt3A_703 = arith.cmpi slt, %select_n3A_696, %lt3A_702 : i32
          %ne3A_704 = arith.xori %lt3A_701, %lt3A_703 : i1
          %and3A_705 = arith.andi %ne3A_704, %ne3A_699 : i1
          %add3A_706 = arith.addi %rem3A_697, %select_n3A_696 : i32
          %select_n3A_707 = arith.select %and3A_705, %add3A_706, %rem3A_697 : i32
          %mul3A_708 = arith.constant 4096 : i32
          %mul3A_709 = arith.muli %select_n3A_707, %mul3A_708 : i32
          %add3A_710 = arith.constant 6 : i32
          %add3A_711 = arith.addi %add3A_452, %add3A_710 : i32
          %jit3A_712 = arith.constant 2 : i32
          %div3A_713 = arith.divsi %add3A_441, %jit3A_712 : i32
          %sign3A_714 = arith.constant 0 : i32
          %sign3A_715 = arith.cmpi sgt, %add3A_441, %sign3A_714 : i32
          %sign3A_716 = arith.extui %sign3A_715 : i1 to i32
          %sign3A_717 = arith.constant 0 : i32
          %sign3A_718 = arith.cmpi slt, %add3A_441, %sign3A_717 : i32
          %sign3A_719 = arith.extui %sign3A_718 : i1 to i32
          %sign3A_720 = arith.subi %sign3A_716, %sign3A_719 : i32
          %sign3A_721 = arith.constant 0 : i32
          %sign3A_722 = arith.cmpi sgt, %jit3A_712, %sign3A_721 : i32
          %sign3A_723 = arith.extui %sign3A_722 : i1 to i32
          %sign3A_724 = arith.constant 0 : i32
          %sign3A_725 = arith.cmpi slt, %jit3A_712, %sign3A_724 : i32
          %sign3A_726 = arith.extui %sign3A_725 : i1 to i32
          %sign3A_727 = arith.subi %sign3A_723, %sign3A_726 : i32
          %ne3A_728 = arith.cmpi ne, %sign3A_720, %sign3A_727 : i32
          %rem3A_729 = arith.remsi %add3A_441, %jit3A_712 : i32
          %ne3A_730 = arith.constant 0 : i32
          %ne3A_731 = arith.cmpi ne, %rem3A_729, %ne3A_730 : i32
          %and3A_732 = arith.andi %ne3A_728, %ne3A_731 : i1
          %sub3A_733 = arith.constant 1 : i32
          %sub3A_734 = arith.subi %div3A_713, %sub3A_733 : i32
          %select_n3A_735 = arith.select %and3A_732, %sub3A_734, %div3A_713 : i32
          %jit3A_736 = arith.constant 2 : i32
          %eq3A_737 = arith.constant 0 : i32
          %eq3A_738 = arith.cmpi eq, %jit3A_736, %eq3A_737 : i32
          %jit3A_739 = arith.constant 1 : i32
          %select_n3A_740 = arith.select %eq3A_738, %jit3A_739, %jit3A_736 : i32
          %rem3A_741 = arith.remsi %add3A_441, %select_n3A_740 : i32
          %ne3A_742 = arith.constant 0 : i32
          %ne3A_743 = arith.cmpi ne, %rem3A_741, %ne3A_742 : i32
          %lt3A_744 = arith.constant 0 : i32
          %lt3A_745 = arith.cmpi slt, %rem3A_741, %lt3A_744 : i32
          %lt3A_746 = arith.constant 0 : i32
          %lt3A_747 = arith.cmpi slt, %select_n3A_740, %lt3A_746 : i32
          %ne3A_748 = arith.xori %lt3A_745, %lt3A_747 : i1
          %and3A_749 = arith.andi %ne3A_748, %ne3A_743 : i1
          %add3A_750 = arith.addi %rem3A_741, %select_n3A_740 : i32
          %select_n3A_751 = arith.select %and3A_749, %add3A_750, %rem3A_741 : i32
          %mul3A_752 = arith.constant 4096 : i32
          %mul3A_753 = arith.muli %select_n3A_751, %mul3A_752 : i32
          %add3A_754 = arith.constant 7 : i32
          %add3A_755 = arith.addi %add3A_452, %add3A_754 : i32
          %jit3A_756 = arith.constant 2 : i32
          %div3A_757 = arith.divsi %add3A_441, %jit3A_756 : i32
          %sign3A_758 = arith.constant 0 : i32
          %sign3A_759 = arith.cmpi sgt, %add3A_441, %sign3A_758 : i32
          %sign3A_760 = arith.extui %sign3A_759 : i1 to i32
          %sign3A_761 = arith.constant 0 : i32
          %sign3A_762 = arith.cmpi slt, %add3A_441, %sign3A_761 : i32
          %sign3A_763 = arith.extui %sign3A_762 : i1 to i32
          %sign3A_764 = arith.subi %sign3A_760, %sign3A_763 : i32
          %sign3A_765 = arith.constant 0 : i32
          %sign3A_766 = arith.cmpi sgt, %jit3A_756, %sign3A_765 : i32
          %sign3A_767 = arith.extui %sign3A_766 : i1 to i32
          %sign3A_768 = arith.constant 0 : i32
          %sign3A_769 = arith.cmpi slt, %jit3A_756, %sign3A_768 : i32
          %sign3A_770 = arith.extui %sign3A_769 : i1 to i32
          %sign3A_771 = arith.subi %sign3A_767, %sign3A_770 : i32
          %ne3A_772 = arith.cmpi ne, %sign3A_764, %sign3A_771 : i32
          %rem3A_773 = arith.remsi %add3A_441, %jit3A_756 : i32
          %ne3A_774 = arith.constant 0 : i32
          %ne3A_775 = arith.cmpi ne, %rem3A_773, %ne3A_774 : i32
          %and3A_776 = arith.andi %ne3A_772, %ne3A_775 : i1
          %sub3A_777 = arith.constant 1 : i32
          %sub3A_778 = arith.subi %div3A_757, %sub3A_777 : i32
          %select_n3A_779 = arith.select %and3A_776, %sub3A_778, %div3A_757 : i32
          %jit3A_780 = arith.constant 2 : i32
          %eq3A_781 = arith.constant 0 : i32
          %eq3A_782 = arith.cmpi eq, %jit3A_780, %eq3A_781 : i32
          %jit3A_783 = arith.constant 1 : i32
          %select_n3A_784 = arith.select %eq3A_782, %jit3A_783, %jit3A_780 : i32
          %rem3A_785 = arith.remsi %add3A_441, %select_n3A_784 : i32
          %ne3A_786 = arith.constant 0 : i32
          %ne3A_787 = arith.cmpi ne, %rem3A_785, %ne3A_786 : i32
          %lt3A_788 = arith.constant 0 : i32
          %lt3A_789 = arith.cmpi slt, %rem3A_785, %lt3A_788 : i32
          %lt3A_790 = arith.constant 0 : i32
          %lt3A_791 = arith.cmpi slt, %select_n3A_784, %lt3A_790 : i32
          %ne3A_792 = arith.xori %lt3A_789, %lt3A_791 : i1
          %and3A_793 = arith.andi %ne3A_792, %ne3A_787 : i1
          %add3A_794 = arith.addi %rem3A_785, %select_n3A_784 : i32
          %select_n3A_795 = arith.select %and3A_793, %add3A_794, %rem3A_785 : i32
          %mul3A_796 = arith.constant 4096 : i32
          %mul3A_797 = arith.muli %select_n3A_795, %mul3A_796 : i32
          %dma_start3A_798 = arith.constant 0 : i32
          %dma_start3A_799 = tpu.memref_slice %arg8[%dma_start3A_798] : memref<32768xf32, #tpu.memory_space<vmem>> -> memref<4096xf32, #tpu.memory_space<vmem>>
          %dma_start3A_800 = tpu.memref_slice %arg4[%add3A_454, %select_n3A, %mul3A_489] : memref<4096x2x8192xf32, #tpu.memory_space<hbm>> -> memref<1x1x4096xf32, #tpu.memory_space<hbm>>
          %dma_start3A_801 = tpu.memref_squeeze %dma_start3A_800 : memref<1x1x4096xf32, #tpu.memory_space<hbm>> -> memref<4096xf32, #tpu.memory_space<hbm>>
          %dma_start3A_802 = tpu.memref_slice %arg4[%add3A_454, %select_n3A, %mul3A_489] : memref<4096x2x8192xf32, #tpu.memory_space<hbm>> -> memref<1x1x4096xf32, #tpu.memory_space<hbm>>
          %dma_start3A_803 = tpu.memref_squeeze %dma_start3A_802 : memref<1x1x4096xf32, #tpu.memory_space<hbm>> -> memref<4096xf32, #tpu.memory_space<hbm>>
          %dma_start3A_804 = arith.constant 0 : i32
          %dma_start3A_805 = tpu.memref_slice %arg8[%dma_start3A_804] : memref<32768xf32, #tpu.memory_space<vmem>> -> memref<4096xf32, #tpu.memory_space<vmem>>
          tpu.enqueue_dma source(%dma_start3A_805 : memref<4096xf32, #tpu.memory_space<vmem>>) target(%dma_start3A_803 : memref<4096xf32, #tpu.memory_space<hbm>>) target_semaphore(%arg12 : memref<!tpu.dma_semaphore, #tpu.memory_space<semaphore_mem>>)
          %dma_start3A_806 = arith.constant 4096 : i32
          %dma_start3A_807 = tpu.memref_slice %arg8[%dma_start3A_806] : memref<32768xf32, #tpu.memory_space<vmem>> -> memref<4096xf32, #tpu.memory_space<vmem>>
          %dma_start3A_808 = tpu.memref_slice %arg4[%add3A_491, %select_n3A_515, %mul3A_533] : memref<4096x2x8192xf32, #tpu.memory_space<hbm>> -> memref<1x1x4096xf32, #tpu.memory_space<hbm>>
          %dma_start3A_809 = tpu.memref_squeeze %dma_start3A_808 : memref<1x1x4096xf32, #tpu.memory_space<hbm>> -> memref<4096xf32, #tpu.memory_space<hbm>>
          %dma_start3A_810 = tpu.memref_slice %arg4[%add3A_491, %select_n3A_515, %mul3A_533] : memref<4096x2x8192xf32, #tpu.memory_space<hbm>> -> memref<1x1x4096xf32, #tpu.memory_space<hbm>>
          %dma_start3A_811 = tpu.memref_squeeze %dma_start3A_810 : memref<1x1x4096xf32, #tpu.memory_space<hbm>> -> memref<4096xf32, #tpu.memory_space<hbm>>
          %dma_start3A_812 = arith.constant 4096 : i32
          %dma_start3A_813 = tpu.memref_slice %arg8[%dma_start3A_812] : memref<32768xf32, #tpu.memory_space<vmem>> -> memref<4096xf32, #tpu.memory_space<vmem>>
          tpu.enqueue_dma source(%dma_start3A_813 : memref<4096xf32, #tpu.memory_space<vmem>>) target(%dma_start3A_811 : memref<4096xf32, #tpu.memory_space<hbm>>) target_semaphore(%arg12 : memref<!tpu.dma_semaphore, #tpu.memory_space<semaphore_mem>>)
          %dma_start3A_814 = arith.constant 8192 : i32
          %dma_start3A_815 = tpu.memref_slice %arg8[%dma_start3A_814] : memref<32768xf32, #tpu.memory_space<vmem>> -> memref<4096xf32, #tpu.memory_space<vmem>>
          %dma_start3A_816 = tpu.memref_slice %arg4[%add3A_535, %select_n3A_559, %mul3A_577] : memref<4096x2x8192xf32, #tpu.memory_space<hbm>> -> memref<1x1x4096xf32, #tpu.memory_space<hbm>>
          %dma_start3A_817 = tpu.memref_squeeze %dma_start3A_816 : memref<1x1x4096xf32, #tpu.memory_space<hbm>> -> memref<4096xf32, #tpu.memory_space<hbm>>
          %dma_start3A_818 = tpu.memref_slice %arg4[%add3A_535, %select_n3A_559, %mul3A_577] : memref<4096x2x8192xf32, #tpu.memory_space<hbm>> -> memref<1x1x4096xf32, #tpu.memory_space<hbm>>
          %dma_start3A_819 = tpu.memref_squeeze %dma_start3A_818 : memref<1x1x4096xf32, #tpu.memory_space<hbm>> -> memref<4096xf32, #tpu.memory_space<hbm>>
          %dma_start3A_820 = arith.constant 8192 : i32
          %dma_start3A_821 = tpu.memref_slice %arg8[%dma_start3A_820] : memref<32768xf32, #tpu.memory_space<vmem>> -> memref<4096xf32, #tpu.memory_space<vmem>>
          tpu.enqueue_dma source(%dma_start3A_821 : memref<4096xf32, #tpu.memory_space<vmem>>) target(%dma_start3A_819 : memref<4096xf32, #tpu.memory_space<hbm>>) target_semaphore(%arg12 : memref<!tpu.dma_semaphore, #tpu.memory_space<semaphore_mem>>)
          %dma_start3A_822 = arith.constant 12288 : i32
          %dma_start3A_823 = tpu.memref_slice %arg8[%dma_start3A_822] : memref<32768xf32, #tpu.memory_space<vmem>> -> memref<4096xf32, #tpu.memory_space<vmem>>
          %dma_start3A_824 = tpu.memref_slice %arg4[%add3A_579, %select_n3A_603, %mul3A_621] : memref<4096x2x8192xf32, #tpu.memory_space<hbm>> -> memref<1x1x4096xf32, #tpu.memory_space<hbm>>
          %dma_start3A_825 = tpu.memref_squeeze %dma_start3A_824 : memref<1x1x4096xf32, #tpu.memory_space<hbm>> -> memref<4096xf32, #tpu.memory_space<hbm>>
          %dma_start3A_826 = tpu.memref_slice %arg4[%add3A_579, %select_n3A_603, %mul3A_621] : memref<4096x2x8192xf32, #tpu.memory_space<hbm>> -> memref<1x1x4096xf32, #tpu.memory_space<hbm>>
          %dma_start3A_827 = tpu.memref_squeeze %dma_start3A_826 : memref<1x1x4096xf32, #tpu.memory_space<hbm>> -> memref<4096xf32, #tpu.memory_space<hbm>>
          %dma_start3A_828 = arith.constant 12288 : i32
          %dma_start3A_829 = tpu.memref_slice %arg8[%dma_start3A_828] : memref<32768xf32, #tpu.memory_space<vmem>> -> memref<4096xf32, #tpu.memory_space<vmem>>
          tpu.enqueue_dma source(%dma_start3A_829 : memref<4096xf32, #tpu.memory_space<vmem>>) target(%dma_start3A_827 : memref<4096xf32, #tpu.memory_space<hbm>>) target_semaphore(%arg12 : memref<!tpu.dma_semaphore, #tpu.memory_space<semaphore_mem>>)
          %dma_start3A_830 = arith.constant 16384 : i32
          %dma_start3A_831 = tpu.memref_slice %arg8[%dma_start3A_830] : memref<32768xf32, #tpu.memory_space<vmem>> -> memref<4096xf32, #tpu.memory_space<vmem>>
          %dma_start3A_832 = tpu.memref_slice %arg4[%add3A_623, %select_n3A_647, %mul3A_665] : memref<4096x2x8192xf32, #tpu.memory_space<hbm>> -> memref<1x1x4096xf32, #tpu.memory_space<hbm>>
          %dma_start3A_833 = tpu.memref_squeeze %dma_start3A_832 : memref<1x1x4096xf32, #tpu.memory_space<hbm>> -> memref<4096xf32, #tpu.memory_space<hbm>>
          %dma_start3A_834 = tpu.memref_slice %arg4[%add3A_623, %select_n3A_647, %mul3A_665] : memref<4096x2x8192xf32, #tpu.memory_space<hbm>> -> memref<1x1x4096xf32, #tpu.memory_space<hbm>>
          %dma_start3A_835 = tpu.memref_squeeze %dma_start3A_834 : memref<1x1x4096xf32, #tpu.memory_space<hbm>> -> memref<4096xf32, #tpu.memory_space<hbm>>
          %dma_start3A_836 = arith.constant 16384 : i32
          %dma_start3A_837 = tpu.memref_slice %arg8[%dma_start3A_836] : memref<32768xf32, #tpu.memory_space<vmem>> -> memref<4096xf32, #tpu.memory_space<vmem>>
          tpu.enqueue_dma source(%dma_start3A_837 : memref<4096xf32, #tpu.memory_space<vmem>>) target(%dma_start3A_835 : memref<4096xf32, #tpu.memory_space<hbm>>) target_semaphore(%arg12 : memref<!tpu.dma_semaphore, #tpu.memory_space<semaphore_mem>>)
          %dma_start3A_838 = arith.constant 20480 : i32
          %dma_start3A_839 = tpu.memref_slice %arg8[%dma_start3A_838] : memref<32768xf32, #tpu.memory_space<vmem>> -> memref<4096xf32, #tpu.memory_space<vmem>>
          %dma_start3A_840 = tpu.memref_slice %arg4[%add3A_667, %select_n3A_691, %mul3A_709] : memref<4096x2x8192xf32, #tpu.memory_space<hbm>> -> memref<1x1x4096xf32, #tpu.memory_space<hbm>>
          %dma_start3A_841 = tpu.memref_squeeze %dma_start3A_840 : memref<1x1x4096xf32, #tpu.memory_space<hbm>> -> memref<4096xf32, #tpu.memory_space<hbm>>
          %dma_start3A_842 = tpu.memref_slice %arg4[%add3A_667, %select_n3A_691, %mul3A_709] : memref<4096x2x8192xf32, #tpu.memory_space<hbm>> -> memref<1x1x4096xf32, #tpu.memory_space<hbm>>
          %dma_start3A_843 = tpu.memref_squeeze %dma_start3A_842 : memref<1x1x4096xf32, #tpu.memory_space<hbm>> -> memref<4096xf32, #tpu.memory_space<hbm>>
          %dma_start3A_844 = arith.constant 20480 : i32
          %dma_start3A_845 = tpu.memref_slice %arg8[%dma_start3A_844] : memref<32768xf32, #tpu.memory_space<vmem>> -> memref<4096xf32, #tpu.memory_space<vmem>>
          tpu.enqueue_dma source(%dma_start3A_845 : memref<4096xf32, #tpu.memory_space<vmem>>) target(%dma_start3A_843 : memref<4096xf32, #tpu.memory_space<hbm>>) target_semaphore(%arg12 : memref<!tpu.dma_semaphore, #tpu.memory_space<semaphore_mem>>)
          %dma_start3A_846 = arith.constant 24576 : i32
          %dma_start3A_847 = tpu.memref_slice %arg8[%dma_start3A_846] : memref<32768xf32, #tpu.memory_space<vmem>> -> memref<4096xf32, #tpu.memory_space<vmem>>
          %dma_start3A_848 = tpu.memref_slice %arg4[%add3A_711, %select_n3A_735, %mul3A_753] : memref<4096x2x8192xf32, #tpu.memory_space<hbm>> -> memref<1x1x4096xf32, #tpu.memory_space<hbm>>
          %dma_start3A_849 = tpu.memref_squeeze %dma_start3A_848 : memref<1x1x4096xf32, #tpu.memory_space<hbm>> -> memref<4096xf32, #tpu.memory_space<hbm>>
          %dma_start3A_850 = tpu.memref_slice %arg4[%add3A_711, %select_n3A_735, %mul3A_753] : memref<4096x2x8192xf32, #tpu.memory_space<hbm>> -> memref<1x1x4096xf32, #tpu.memory_space<hbm>>
          %dma_start3A_851 = tpu.memref_squeeze %dma_start3A_850 : memref<1x1x4096xf32, #tpu.memory_space<hbm>> -> memref<4096xf32, #tpu.memory_space<hbm>>
          %dma_start3A_852 = arith.constant 24576 : i32
          %dma_start3A_853 = tpu.memref_slice %arg8[%dma_start3A_852] : memref<32768xf32, #tpu.memory_space<vmem>> -> memref<4096xf32, #tpu.memory_space<vmem>>
          tpu.enqueue_dma source(%dma_start3A_853 : memref<4096xf32, #tpu.memory_space<vmem>>) target(%dma_start3A_851 : memref<4096xf32, #tpu.memory_space<hbm>>) target_semaphore(%arg12 : memref<!tpu.dma_semaphore, #tpu.memory_space<semaphore_mem>>)
          %dma_start3A_854 = arith.constant 28672 : i32
          %dma_start3A_855 = tpu.memref_slice %arg8[%dma_start3A_854] : memref<32768xf32, #tpu.memory_space<vmem>> -> memref<4096xf32, #tpu.memory_space<vmem>>
          %dma_start3A_856 = tpu.memref_slice %arg4[%add3A_755, %select_n3A_779, %mul3A_797] : memref<4096x2x8192xf32, #tpu.memory_space<hbm>> -> memref<1x1x4096xf32, #tpu.memory_space<hbm>>
          %dma_start3A_857 = tpu.memref_squeeze %dma_start3A_856 : memref<1x1x4096xf32, #tpu.memory_space<hbm>> -> memref<4096xf32, #tpu.memory_space<hbm>>
          %dma_start3A_858 = tpu.memref_slice %arg4[%add3A_755, %select_n3A_779, %mul3A_797] : memref<4096x2x8192xf32, #tpu.memory_space<hbm>> -> memref<1x1x4096xf32, #tpu.memory_space<hbm>>
          %dma_start3A_859 = tpu.memref_squeeze %dma_start3A_858 : memref<1x1x4096xf32, #tpu.memory_space<hbm>> -> memref<4096xf32, #tpu.memory_space<hbm>>
          %dma_start3A_860 = arith.constant 28672 : i32
          %dma_start3A_861 = tpu.memref_slice %arg8[%dma_start3A_860] : memref<32768xf32, #tpu.memory_space<vmem>> -> memref<4096xf32, #tpu.memory_space<vmem>>
          tpu.enqueue_dma source(%dma_start3A_861 : memref<4096xf32, #tpu.memory_space<vmem>>) target(%dma_start3A_859 : memref<4096xf32, #tpu.memory_space<hbm>>) target_semaphore(%arg12 : memref<!tpu.dma_semaphore, #tpu.memory_space<semaphore_mem>>)
          %mul3A_862 = arith.constant 2 : i32
          %mul3A_863 = arith.muli %scan3A_437, %mul3A_862 : i32
          %add3A_864 = arith.constant 1 : i32
          %add3A_865 = arith.addi %mul3A_863, %add3A_864 : i32
          %ge3A_866 = arith.constant 1 : i32
          %ge3A_867 = arith.cmpi sge, %scan3A_317, %ge3A_866 : i32
          %ge3A_868 = arith.constant 1 : i32
          %ge3A_869 = arith.cmpi sge, %scan3A_437, %ge3A_868 : i32
          %or3A_870 = arith.ori %ge3A_867, %ge3A_869 : i1
          %convert_element_type3A_871 = arith.extui %or3A_870 : i1 to i32
          %cond3A_872 = arith.constant 0 : i32
          %cond3A_873 = arith.cmpi ne, %convert_element_type3A_871, %cond3A_872 : i32
          scf.if %cond3A_873 {
            %mul3A_1296 = arith.constant 8 : i32
            %mul3A_1297 = arith.muli %scan3A_317, %mul3A_1296 : i32
            %add3A_1298 = arith.addi %mul3A_2, %mul3A_1297 : i32
            %add3A_1299 = arith.constant 0 : i32
            %add3A_1300 = arith.addi %add3A_1298, %add3A_1299 : i32
            %jit3A_1301 = arith.constant 2 : i32
            %div3A_1302 = arith.divsi %add3A_865, %jit3A_1301 : i32
            %sign3A_1303 = arith.constant 0 : i32
            %sign3A_1304 = arith.cmpi sgt, %add3A_865, %sign3A_1303 : i32
            %sign3A_1305 = arith.extui %sign3A_1304 : i1 to i32
            %sign3A_1306 = arith.constant 0 : i32
            %sign3A_1307 = arith.cmpi slt, %add3A_865, %sign3A_1306 : i32
            %sign3A_1308 = arith.extui %sign3A_1307 : i1 to i32
            %sign3A_1309 = arith.subi %sign3A_1305, %sign3A_1308 : i32
            %sign3A_1310 = arith.constant 0 : i32
            %sign3A_1311 = arith.cmpi sgt, %jit3A_1301, %sign3A_1310 : i32
            %sign3A_1312 = arith.extui %sign3A_1311 : i1 to i32
            %sign3A_1313 = arith.constant 0 : i32
            %sign3A_1314 = arith.cmpi slt, %jit3A_1301, %sign3A_1313 : i32
            %sign3A_1315 = arith.extui %sign3A_1314 : i1 to i32
            %sign3A_1316 = arith.subi %sign3A_1312, %sign3A_1315 : i32
            %ne3A_1317 = arith.cmpi ne, %sign3A_1309, %sign3A_1316 : i32
            %rem3A_1318 = arith.remsi %add3A_865, %jit3A_1301 : i32
            %ne3A_1319 = arith.constant 0 : i32
            %ne3A_1320 = arith.cmpi ne, %rem3A_1318, %ne3A_1319 : i32
            %and3A_1321 = arith.andi %ne3A_1317, %ne3A_1320 : i1
            %sub3A_1322 = arith.constant 1 : i32
            %sub3A_1323 = arith.subi %div3A_1302, %sub3A_1322 : i32
            %select_n3A_1324 = arith.select %and3A_1321, %sub3A_1323, %div3A_1302 : i32
            %jit3A_1325 = arith.constant 2 : i32
            %eq3A_1326 = arith.constant 0 : i32
            %eq3A_1327 = arith.cmpi eq, %jit3A_1325, %eq3A_1326 : i32
            %jit3A_1328 = arith.constant 1 : i32
            %select_n3A_1329 = arith.select %eq3A_1327, %jit3A_1328, %jit3A_1325 : i32
            %rem3A_1330 = arith.remsi %add3A_865, %select_n3A_1329 : i32
            %ne3A_1331 = arith.constant 0 : i32
            %ne3A_1332 = arith.cmpi ne, %rem3A_1330, %ne3A_1331 : i32
            %lt3A_1333 = arith.constant 0 : i32
            %lt3A_1334 = arith.cmpi slt, %rem3A_1330, %lt3A_1333 : i32
            %lt3A_1335 = arith.constant 0 : i32
            %lt3A_1336 = arith.cmpi slt, %select_n3A_1329, %lt3A_1335 : i32
            %ne3A_1337 = arith.xori %lt3A_1334, %lt3A_1336 : i1
            %and3A_1338 = arith.andi %ne3A_1337, %ne3A_1332 : i1
            %add3A_1339 = arith.addi %rem3A_1330, %select_n3A_1329 : i32
            %select_n3A_1340 = arith.select %and3A_1338, %add3A_1339, %rem3A_1330 : i32
            %mul3A_1341 = arith.constant 4096 : i32
            %mul3A_1342 = arith.muli %select_n3A_1340, %mul3A_1341 : i32
            %add3A_1343 = arith.constant 1 : i32
            %add3A_1344 = arith.addi %add3A_1298, %add3A_1343 : i32
            %jit3A_1345 = arith.constant 2 : i32
            %div3A_1346 = arith.divsi %add3A_865, %jit3A_1345 : i32
            %sign3A_1347 = arith.constant 0 : i32
            %sign3A_1348 = arith.cmpi sgt, %add3A_865, %sign3A_1347 : i32
            %sign3A_1349 = arith.extui %sign3A_1348 : i1 to i32
            %sign3A_1350 = arith.constant 0 : i32
            %sign3A_1351 = arith.cmpi slt, %add3A_865, %sign3A_1350 : i32
            %sign3A_1352 = arith.extui %sign3A_1351 : i1 to i32
            %sign3A_1353 = arith.subi %sign3A_1349, %sign3A_1352 : i32
            %sign3A_1354 = arith.constant 0 : i32
            %sign3A_1355 = arith.cmpi sgt, %jit3A_1345, %sign3A_1354 : i32
            %sign3A_1356 = arith.extui %sign3A_1355 : i1 to i32
            %sign3A_1357 = arith.constant 0 : i32
            %sign3A_1358 = arith.cmpi slt, %jit3A_1345, %sign3A_1357 : i32
            %sign3A_1359 = arith.extui %sign3A_1358 : i1 to i32
            %sign3A_1360 = arith.subi %sign3A_1356, %sign3A_1359 : i32
            %ne3A_1361 = arith.cmpi ne, %sign3A_1353, %sign3A_1360 : i32
            %rem3A_1362 = arith.remsi %add3A_865, %jit3A_1345 : i32
            %ne3A_1363 = arith.constant 0 : i32
            %ne3A_1364 = arith.cmpi ne, %rem3A_1362, %ne3A_1363 : i32
            %and3A_1365 = arith.andi %ne3A_1361, %ne3A_1364 : i1
            %sub3A_1366 = arith.constant 1 : i32
            %sub3A_1367 = arith.subi %div3A_1346, %sub3A_1366 : i32
            %select_n3A_1368 = arith.select %and3A_1365, %sub3A_1367, %div3A_1346 : i32
            %jit3A_1369 = arith.constant 2 : i32
            %eq3A_1370 = arith.constant 0 : i32
            %eq3A_1371 = arith.cmpi eq, %jit3A_1369, %eq3A_1370 : i32
            %jit3A_1372 = arith.constant 1 : i32
            %select_n3A_1373 = arith.select %eq3A_1371, %jit3A_1372, %jit3A_1369 : i32
            %rem3A_1374 = arith.remsi %add3A_865, %select_n3A_1373 : i32
            %ne3A_1375 = arith.constant 0 : i32
            %ne3A_1376 = arith.cmpi ne, %rem3A_1374, %ne3A_1375 : i32
            %lt3A_1377 = arith.constant 0 : i32
            %lt3A_1378 = arith.cmpi slt, %rem3A_1374, %lt3A_1377 : i32
            %lt3A_1379 = arith.constant 0 : i32
            %lt3A_1380 = arith.cmpi slt, %select_n3A_1373, %lt3A_1379 : i32
            %ne3A_1381 = arith.xori %lt3A_1378, %lt3A_1380 : i1
            %and3A_1382 = arith.andi %ne3A_1381, %ne3A_1376 : i1
            %add3A_1383 = arith.addi %rem3A_1374, %select_n3A_1373 : i32
            %select_n3A_1384 = arith.select %and3A_1382, %add3A_1383, %rem3A_1374 : i32
            %mul3A_1385 = arith.constant 4096 : i32
            %mul3A_1386 = arith.muli %select_n3A_1384, %mul3A_1385 : i32
            %add3A_1387 = arith.constant 2 : i32
            %add3A_1388 = arith.addi %add3A_1298, %add3A_1387 : i32
            %jit3A_1389 = arith.constant 2 : i32
            %div3A_1390 = arith.divsi %add3A_865, %jit3A_1389 : i32
            %sign3A_1391 = arith.constant 0 : i32
            %sign3A_1392 = arith.cmpi sgt, %add3A_865, %sign3A_1391 : i32
            %sign3A_1393 = arith.extui %sign3A_1392 : i1 to i32
            %sign3A_1394 = arith.constant 0 : i32
            %sign3A_1395 = arith.cmpi slt, %add3A_865, %sign3A_1394 : i32
            %sign3A_1396 = arith.extui %sign3A_1395 : i1 to i32
            %sign3A_1397 = arith.subi %sign3A_1393, %sign3A_1396 : i32
            %sign3A_1398 = arith.constant 0 : i32
            %sign3A_1399 = arith.cmpi sgt, %jit3A_1389, %sign3A_1398 : i32
            %sign3A_1400 = arith.extui %sign3A_1399 : i1 to i32
            %sign3A_1401 = arith.constant 0 : i32
            %sign3A_1402 = arith.cmpi slt, %jit3A_1389, %sign3A_1401 : i32
            %sign3A_1403 = arith.extui %sign3A_1402 : i1 to i32
            %sign3A_1404 = arith.subi %sign3A_1400, %sign3A_1403 : i32
            %ne3A_1405 = arith.cmpi ne, %sign3A_1397, %sign3A_1404 : i32
            %rem3A_1406 = arith.remsi %add3A_865, %jit3A_1389 : i32
            %ne3A_1407 = arith.constant 0 : i32
            %ne3A_1408 = arith.cmpi ne, %rem3A_1406, %ne3A_1407 : i32
            %and3A_1409 = arith.andi %ne3A_1405, %ne3A_1408 : i1
            %sub3A_1410 = arith.constant 1 : i32
            %sub3A_1411 = arith.subi %div3A_1390, %sub3A_1410 : i32
            %select_n3A_1412 = arith.select %and3A_1409, %sub3A_1411, %div3A_1390 : i32
            %jit3A_1413 = arith.constant 2 : i32
            %eq3A_1414 = arith.constant 0 : i32
            %eq3A_1415 = arith.cmpi eq, %jit3A_1413, %eq3A_1414 : i32
            %jit3A_1416 = arith.constant 1 : i32
            %select_n3A_1417 = arith.select %eq3A_1415, %jit3A_1416, %jit3A_1413 : i32
            %rem3A_1418 = arith.remsi %add3A_865, %select_n3A_1417 : i32
            %ne3A_1419 = arith.constant 0 : i32
            %ne3A_1420 = arith.cmpi ne, %rem3A_1418, %ne3A_1419 : i32
            %lt3A_1421 = arith.constant 0 : i32
            %lt3A_1422 = arith.cmpi slt, %rem3A_1418, %lt3A_1421 : i32
            %lt3A_1423 = arith.constant 0 : i32
            %lt3A_1424 = arith.cmpi slt, %select_n3A_1417, %lt3A_1423 : i32
            %ne3A_1425 = arith.xori %lt3A_1422, %lt3A_1424 : i1
            %and3A_1426 = arith.andi %ne3A_1425, %ne3A_1420 : i1
            %add3A_1427 = arith.addi %rem3A_1418, %select_n3A_1417 : i32
            %select_n3A_1428 = arith.select %and3A_1426, %add3A_1427, %rem3A_1418 : i32
            %mul3A_1429 = arith.constant 4096 : i32
            %mul3A_1430 = arith.muli %select_n3A_1428, %mul3A_1429 : i32
            %add3A_1431 = arith.constant 3 : i32
            %add3A_1432 = arith.addi %add3A_1298, %add3A_1431 : i32
            %jit3A_1433 = arith.constant 2 : i32
            %div3A_1434 = arith.divsi %add3A_865, %jit3A_1433 : i32
            %sign3A_1435 = arith.constant 0 : i32
            %sign3A_1436 = arith.cmpi sgt, %add3A_865, %sign3A_1435 : i32
            %sign3A_1437 = arith.extui %sign3A_1436 : i1 to i32
            %sign3A_1438 = arith.constant 0 : i32
            %sign3A_1439 = arith.cmpi slt, %add3A_865, %sign3A_1438 : i32
            %sign3A_1440 = arith.extui %sign3A_1439 : i1 to i32
            %sign3A_1441 = arith.subi %sign3A_1437, %sign3A_1440 : i32
            %sign3A_1442 = arith.constant 0 : i32
            %sign3A_1443 = arith.cmpi sgt, %jit3A_1433, %sign3A_1442 : i32
            %sign3A_1444 = arith.extui %sign3A_1443 : i1 to i32
            %sign3A_1445 = arith.constant 0 : i32
            %sign3A_1446 = arith.cmpi slt, %jit3A_1433, %sign3A_1445 : i32
            %sign3A_1447 = arith.extui %sign3A_1446 : i1 to i32
            %sign3A_1448 = arith.subi %sign3A_1444, %sign3A_1447 : i32
            %ne3A_1449 = arith.cmpi ne, %sign3A_1441, %sign3A_1448 : i32
            %rem3A_1450 = arith.remsi %add3A_865, %jit3A_1433 : i32
            %ne3A_1451 = arith.constant 0 : i32
            %ne3A_1452 = arith.cmpi ne, %rem3A_1450, %ne3A_1451 : i32
            %and3A_1453 = arith.andi %ne3A_1449, %ne3A_1452 : i1
            %sub3A_1454 = arith.constant 1 : i32
            %sub3A_1455 = arith.subi %div3A_1434, %sub3A_1454 : i32
            %select_n3A_1456 = arith.select %and3A_1453, %sub3A_1455, %div3A_1434 : i32
            %jit3A_1457 = arith.constant 2 : i32
            %eq3A_1458 = arith.constant 0 : i32
            %eq3A_1459 = arith.cmpi eq, %jit3A_1457, %eq3A_1458 : i32
            %jit3A_1460 = arith.constant 1 : i32
            %select_n3A_1461 = arith.select %eq3A_1459, %jit3A_1460, %jit3A_1457 : i32
            %rem3A_1462 = arith.remsi %add3A_865, %select_n3A_1461 : i32
            %ne3A_1463 = arith.constant 0 : i32
            %ne3A_1464 = arith.cmpi ne, %rem3A_1462, %ne3A_1463 : i32
            %lt3A_1465 = arith.constant 0 : i32
            %lt3A_1466 = arith.cmpi slt, %rem3A_1462, %lt3A_1465 : i32
            %lt3A_1467 = arith.constant 0 : i32
            %lt3A_1468 = arith.cmpi slt, %select_n3A_1461, %lt3A_1467 : i32
            %ne3A_1469 = arith.xori %lt3A_1466, %lt3A_1468 : i1
            %and3A_1470 = arith.andi %ne3A_1469, %ne3A_1464 : i1
            %add3A_1471 = arith.addi %rem3A_1462, %select_n3A_1461 : i32
            %select_n3A_1472 = arith.select %and3A_1470, %add3A_1471, %rem3A_1462 : i32
            %mul3A_1473 = arith.constant 4096 : i32
            %mul3A_1474 = arith.muli %select_n3A_1472, %mul3A_1473 : i32
            %add3A_1475 = arith.constant 4 : i32
            %add3A_1476 = arith.addi %add3A_1298, %add3A_1475 : i32
            %jit3A_1477 = arith.constant 2 : i32
            %div3A_1478 = arith.divsi %add3A_865, %jit3A_1477 : i32
            %sign3A_1479 = arith.constant 0 : i32
            %sign3A_1480 = arith.cmpi sgt, %add3A_865, %sign3A_1479 : i32
            %sign3A_1481 = arith.extui %sign3A_1480 : i1 to i32
            %sign3A_1482 = arith.constant 0 : i32
            %sign3A_1483 = arith.cmpi slt, %add3A_865, %sign3A_1482 : i32
            %sign3A_1484 = arith.extui %sign3A_1483 : i1 to i32
            %sign3A_1485 = arith.subi %sign3A_1481, %sign3A_1484 : i32
            %sign3A_1486 = arith.constant 0 : i32
            %sign3A_1487 = arith.cmpi sgt, %jit3A_1477, %sign3A_1486 : i32
            %sign3A_1488 = arith.extui %sign3A_1487 : i1 to i32
            %sign3A_1489 = arith.constant 0 : i32
            %sign3A_1490 = arith.cmpi slt, %jit3A_1477, %sign3A_1489 : i32
            %sign3A_1491 = arith.extui %sign3A_1490 : i1 to i32
            %sign3A_1492 = arith.subi %sign3A_1488, %sign3A_1491 : i32
            %ne3A_1493 = arith.cmpi ne, %sign3A_1485, %sign3A_1492 : i32
            %rem3A_1494 = arith.remsi %add3A_865, %jit3A_1477 : i32
            %ne3A_1495 = arith.constant 0 : i32
            %ne3A_1496 = arith.cmpi ne, %rem3A_1494, %ne3A_1495 : i32
            %and3A_1497 = arith.andi %ne3A_1493, %ne3A_1496 : i1
            %sub3A_1498 = arith.constant 1 : i32
            %sub3A_1499 = arith.subi %div3A_1478, %sub3A_1498 : i32
            %select_n3A_1500 = arith.select %and3A_1497, %sub3A_1499, %div3A_1478 : i32
            %jit3A_1501 = arith.constant 2 : i32
            %eq3A_1502 = arith.constant 0 : i32
            %eq3A_1503 = arith.cmpi eq, %jit3A_1501, %eq3A_1502 : i32
            %jit3A_1504 = arith.constant 1 : i32
            %select_n3A_1505 = arith.select %eq3A_1503, %jit3A_1504, %jit3A_1501 : i32
            %rem3A_1506 = arith.remsi %add3A_865, %select_n3A_1505 : i32
            %ne3A_1507 = arith.constant 0 : i32
            %ne3A_1508 = arith.cmpi ne, %rem3A_1506, %ne3A_1507 : i32
            %lt3A_1509 = arith.constant 0 : i32
            %lt3A_1510 = arith.cmpi slt, %rem3A_1506, %lt3A_1509 : i32
            %lt3A_1511 = arith.constant 0 : i32
            %lt3A_1512 = arith.cmpi slt, %select_n3A_1505, %lt3A_1511 : i32
            %ne3A_1513 = arith.xori %lt3A_1510, %lt3A_1512 : i1
            %and3A_1514 = arith.andi %ne3A_1513, %ne3A_1508 : i1
            %add3A_1515 = arith.addi %rem3A_1506, %select_n3A_1505 : i32
            %select_n3A_1516 = arith.select %and3A_1514, %add3A_1515, %rem3A_1506 : i32
            %mul3A_1517 = arith.constant 4096 : i32
            %mul3A_1518 = arith.muli %select_n3A_1516, %mul3A_1517 : i32
            %add3A_1519 = arith.constant 5 : i32
            %add3A_1520 = arith.addi %add3A_1298, %add3A_1519 : i32
            %jit3A_1521 = arith.constant 2 : i32
            %div3A_1522 = arith.divsi %add3A_865, %jit3A_1521 : i32
            %sign3A_1523 = arith.constant 0 : i32
            %sign3A_1524 = arith.cmpi sgt, %add3A_865, %sign3A_1523 : i32
            %sign3A_1525 = arith.extui %sign3A_1524 : i1 to i32
            %sign3A_1526 = arith.constant 0 : i32
            %sign3A_1527 = arith.cmpi slt, %add3A_865, %sign3A_1526 : i32
            %sign3A_1528 = arith.extui %sign3A_1527 : i1 to i32
            %sign3A_1529 = arith.subi %sign3A_1525, %sign3A_1528 : i32
            %sign3A_1530 = arith.constant 0 : i32
            %sign3A_1531 = arith.cmpi sgt, %jit3A_1521, %sign3A_1530 : i32
            %sign3A_1532 = arith.extui %sign3A_1531 : i1 to i32
            %sign3A_1533 = arith.constant 0 : i32
            %sign3A_1534 = arith.cmpi slt, %jit3A_1521, %sign3A_1533 : i32
            %sign3A_1535 = arith.extui %sign3A_1534 : i1 to i32
            %sign3A_1536 = arith.subi %sign3A_1532, %sign3A_1535 : i32
            %ne3A_1537 = arith.cmpi ne, %sign3A_1529, %sign3A_1536 : i32
            %rem3A_1538 = arith.remsi %add3A_865, %jit3A_1521 : i32
            %ne3A_1539 = arith.constant 0 : i32
            %ne3A_1540 = arith.cmpi ne, %rem3A_1538, %ne3A_1539 : i32
            %and3A_1541 = arith.andi %ne3A_1537, %ne3A_1540 : i1
            %sub3A_1542 = arith.constant 1 : i32
            %sub3A_1543 = arith.subi %div3A_1522, %sub3A_1542 : i32
            %select_n3A_1544 = arith.select %and3A_1541, %sub3A_1543, %div3A_1522 : i32
            %jit3A_1545 = arith.constant 2 : i32
            %eq3A_1546 = arith.constant 0 : i32
            %eq3A_1547 = arith.cmpi eq, %jit3A_1545, %eq3A_1546 : i32
            %jit3A_1548 = arith.constant 1 : i32
            %select_n3A_1549 = arith.select %eq3A_1547, %jit3A_1548, %jit3A_1545 : i32
            %rem3A_1550 = arith.remsi %add3A_865, %select_n3A_1549 : i32
            %ne3A_1551 = arith.constant 0 : i32
            %ne3A_1552 = arith.cmpi ne, %rem3A_1550, %ne3A_1551 : i32
            %lt3A_1553 = arith.constant 0 : i32
            %lt3A_1554 = arith.cmpi slt, %rem3A_1550, %lt3A_1553 : i32
            %lt3A_1555 = arith.constant 0 : i32
            %lt3A_1556 = arith.cmpi slt, %select_n3A_1549, %lt3A_1555 : i32
            %ne3A_1557 = arith.xori %lt3A_1554, %lt3A_1556 : i1
            %and3A_1558 = arith.andi %ne3A_1557, %ne3A_1552 : i1
            %add3A_1559 = arith.addi %rem3A_1550, %select_n3A_1549 : i32
            %select_n3A_1560 = arith.select %and3A_1558, %add3A_1559, %rem3A_1550 : i32
            %mul3A_1561 = arith.constant 4096 : i32
            %mul3A_1562 = arith.muli %select_n3A_1560, %mul3A_1561 : i32
            %add3A_1563 = arith.constant 6 : i32
            %add3A_1564 = arith.addi %add3A_1298, %add3A_1563 : i32
            %jit3A_1565 = arith.constant 2 : i32
            %div3A_1566 = arith.divsi %add3A_865, %jit3A_1565 : i32
            %sign3A_1567 = arith.constant 0 : i32
            %sign3A_1568 = arith.cmpi sgt, %add3A_865, %sign3A_1567 : i32
            %sign3A_1569 = arith.extui %sign3A_1568 : i1 to i32
            %sign3A_1570 = arith.constant 0 : i32
            %sign3A_1571 = arith.cmpi slt, %add3A_865, %sign3A_1570 : i32
            %sign3A_1572 = arith.extui %sign3A_1571 : i1 to i32
            %sign3A_1573 = arith.subi %sign3A_1569, %sign3A_1572 : i32
            %sign3A_1574 = arith.constant 0 : i32
            %sign3A_1575 = arith.cmpi sgt, %jit3A_1565, %sign3A_1574 : i32
            %sign3A_1576 = arith.extui %sign3A_1575 : i1 to i32
            %sign3A_1577 = arith.constant 0 : i32
            %sign3A_1578 = arith.cmpi slt, %jit3A_1565, %sign3A_1577 : i32
            %sign3A_1579 = arith.extui %sign3A_1578 : i1 to i32
            %sign3A_1580 = arith.subi %sign3A_1576, %sign3A_1579 : i32
            %ne3A_1581 = arith.cmpi ne, %sign3A_1573, %sign3A_1580 : i32
            %rem3A_1582 = arith.remsi %add3A_865, %jit3A_1565 : i32
            %ne3A_1583 = arith.constant 0 : i32
            %ne3A_1584 = arith.cmpi ne, %rem3A_1582, %ne3A_1583 : i32
            %and3A_1585 = arith.andi %ne3A_1581, %ne3A_1584 : i1
            %sub3A_1586 = arith.constant 1 : i32
            %sub3A_1587 = arith.subi %div3A_1566, %sub3A_1586 : i32
            %select_n3A_1588 = arith.select %and3A_1585, %sub3A_1587, %div3A_1566 : i32
            %jit3A_1589 = arith.constant 2 : i32
            %eq3A_1590 = arith.constant 0 : i32
            %eq3A_1591 = arith.cmpi eq, %jit3A_1589, %eq3A_1590 : i32
            %jit3A_1592 = arith.constant 1 : i32
            %select_n3A_1593 = arith.select %eq3A_1591, %jit3A_1592, %jit3A_1589 : i32
            %rem3A_1594 = arith.remsi %add3A_865, %select_n3A_1593 : i32
            %ne3A_1595 = arith.constant 0 : i32
            %ne3A_1596 = arith.cmpi ne, %rem3A_1594, %ne3A_1595 : i32
            %lt3A_1597 = arith.constant 0 : i32
            %lt3A_1598 = arith.cmpi slt, %rem3A_1594, %lt3A_1597 : i32
            %lt3A_1599 = arith.constant 0 : i32
            %lt3A_1600 = arith.cmpi slt, %select_n3A_1593, %lt3A_1599 : i32
            %ne3A_1601 = arith.xori %lt3A_1598, %lt3A_1600 : i1
            %and3A_1602 = arith.andi %ne3A_1601, %ne3A_1596 : i1
            %add3A_1603 = arith.addi %rem3A_1594, %select_n3A_1593 : i32
            %select_n3A_1604 = arith.select %and3A_1602, %add3A_1603, %rem3A_1594 : i32
            %mul3A_1605 = arith.constant 4096 : i32
            %mul3A_1606 = arith.muli %select_n3A_1604, %mul3A_1605 : i32
            %add3A_1607 = arith.constant 7 : i32
            %add3A_1608 = arith.addi %add3A_1298, %add3A_1607 : i32
            %jit3A_1609 = arith.constant 2 : i32
            %div3A_1610 = arith.divsi %add3A_865, %jit3A_1609 : i32
            %sign3A_1611 = arith.constant 0 : i32
            %sign3A_1612 = arith.cmpi sgt, %add3A_865, %sign3A_1611 : i32
            %sign3A_1613 = arith.extui %sign3A_1612 : i1 to i32
            %sign3A_1614 = arith.constant 0 : i32
            %sign3A_1615 = arith.cmpi slt, %add3A_865, %sign3A_1614 : i32
            %sign3A_1616 = arith.extui %sign3A_1615 : i1 to i32
            %sign3A_1617 = arith.subi %sign3A_1613, %sign3A_1616 : i32
            %sign3A_1618 = arith.constant 0 : i32
            %sign3A_1619 = arith.cmpi sgt, %jit3A_1609, %sign3A_1618 : i32
            %sign3A_1620 = arith.extui %sign3A_1619 : i1 to i32
            %sign3A_1621 = arith.constant 0 : i32
            %sign3A_1622 = arith.cmpi slt, %jit3A_1609, %sign3A_1621 : i32
            %sign3A_1623 = arith.extui %sign3A_1622 : i1 to i32
            %sign3A_1624 = arith.subi %sign3A_1620, %sign3A_1623 : i32
            %ne3A_1625 = arith.cmpi ne, %sign3A_1617, %sign3A_1624 : i32
            %rem3A_1626 = arith.remsi %add3A_865, %jit3A_1609 : i32
            %ne3A_1627 = arith.constant 0 : i32
            %ne3A_1628 = arith.cmpi ne, %rem3A_1626, %ne3A_1627 : i32
            %and3A_1629 = arith.andi %ne3A_1625, %ne3A_1628 : i1
            %sub3A_1630 = arith.constant 1 : i32
            %sub3A_1631 = arith.subi %div3A_1610, %sub3A_1630 : i32
            %select_n3A_1632 = arith.select %and3A_1629, %sub3A_1631, %div3A_1610 : i32
            %jit3A_1633 = arith.constant 2 : i32
            %eq3A_1634 = arith.constant 0 : i32
            %eq3A_1635 = arith.cmpi eq, %jit3A_1633, %eq3A_1634 : i32
            %jit3A_1636 = arith.constant 1 : i32
            %select_n3A_1637 = arith.select %eq3A_1635, %jit3A_1636, %jit3A_1633 : i32
            %rem3A_1638 = arith.remsi %add3A_865, %select_n3A_1637 : i32
            %ne3A_1639 = arith.constant 0 : i32
            %ne3A_1640 = arith.cmpi ne, %rem3A_1638, %ne3A_1639 : i32
            %lt3A_1641 = arith.constant 0 : i32
            %lt3A_1642 = arith.cmpi slt, %rem3A_1638, %lt3A_1641 : i32
            %lt3A_1643 = arith.constant 0 : i32
            %lt3A_1644 = arith.cmpi slt, %select_n3A_1637, %lt3A_1643 : i32
            %ne3A_1645 = arith.xori %lt3A_1642, %lt3A_1644 : i1
            %and3A_1646 = arith.andi %ne3A_1645, %ne3A_1640 : i1
            %add3A_1647 = arith.addi %rem3A_1638, %select_n3A_1637 : i32
            %select_n3A_1648 = arith.select %and3A_1646, %add3A_1647, %rem3A_1638 : i32
            %mul3A_1649 = arith.constant 4096 : i32
            %mul3A_1650 = arith.muli %select_n3A_1648, %mul3A_1649 : i32
            %dma_wait3A_1651 = arith.constant 0 : i32
            %dma_wait3A_1652 = tpu.memref_slice %arg9[%dma_wait3A_1651] : memref<32768xf32, #tpu.memory_space<vmem>> -> memref<4096xf32, #tpu.memory_space<vmem>>
            %dma_wait3A_1653 = tpu.memref_slice %arg4[%add3A_1300, %select_n3A_1324, %mul3A_1342] : memref<4096x2x8192xf32, #tpu.memory_space<hbm>> -> memref<1x1x4096xf32, #tpu.memory_space<hbm>>
            %dma_wait3A_1654 = tpu.memref_squeeze %dma_wait3A_1653 : memref<1x1x4096xf32, #tpu.memory_space<hbm>> -> memref<4096xf32, #tpu.memory_space<hbm>>
            %dma_wait3A_1655 = tpu.memref_slice %arg4[%add3A_1300, %select_n3A_1324, %mul3A_1342] : memref<4096x2x8192xf32, #tpu.memory_space<hbm>> -> memref<1x1x4096xf32, #tpu.memory_space<hbm>>
            %dma_wait3A_1656 = tpu.memref_squeeze %dma_wait3A_1655 : memref<1x1x4096xf32, #tpu.memory_space<hbm>> -> memref<4096xf32, #tpu.memory_space<hbm>>
            %dma_wait3A_1657 = arith.constant 0 : i32
            %dma_wait3A_1658 = tpu.memref_slice %arg9[%dma_wait3A_1657] : memref<32768xf32, #tpu.memory_space<vmem>> -> memref<4096xf32, #tpu.memory_space<vmem>>
            tpu.wait_dma2 semaphore(%arg13 : memref<!tpu.dma_semaphore, #tpu.memory_space<semaphore_mem>>) src(%dma_wait3A_1658 : memref<4096xf32, #tpu.memory_space<vmem>>) dst(%dma_wait3A_1656 : memref<4096xf32, #tpu.memory_space<hbm>>)
            %dma_wait3A_1659 = arith.constant 4096 : i32
            %dma_wait3A_1660 = tpu.memref_slice %arg9[%dma_wait3A_1659] : memref<32768xf32, #tpu.memory_space<vmem>> -> memref<4096xf32, #tpu.memory_space<vmem>>
            %dma_wait3A_1661 = tpu.memref_slice %arg4[%add3A_1344, %select_n3A_1368, %mul3A_1386] : memref<4096x2x8192xf32, #tpu.memory_space<hbm>> -> memref<1x1x4096xf32, #tpu.memory_space<hbm>>
            %dma_wait3A_1662 = tpu.memref_squeeze %dma_wait3A_1661 : memref<1x1x4096xf32, #tpu.memory_space<hbm>> -> memref<4096xf32, #tpu.memory_space<hbm>>
            %dma_wait3A_1663 = tpu.memref_slice %arg4[%add3A_1344, %select_n3A_1368, %mul3A_1386] : memref<4096x2x8192xf32, #tpu.memory_space<hbm>> -> memref<1x1x4096xf32, #tpu.memory_space<hbm>>
            %dma_wait3A_1664 = tpu.memref_squeeze %dma_wait3A_1663 : memref<1x1x4096xf32, #tpu.memory_space<hbm>> -> memref<4096xf32, #tpu.memory_space<hbm>>
            %dma_wait3A_1665 = arith.constant 4096 : i32
            %dma_wait3A_1666 = tpu.memref_slice %arg9[%dma_wait3A_1665] : memref<32768xf32, #tpu.memory_space<vmem>> -> memref<4096xf32, #tpu.memory_space<vmem>>
            tpu.wait_dma2 semaphore(%arg13 : memref<!tpu.dma_semaphore, #tpu.memory_space<semaphore_mem>>) src(%dma_wait3A_1666 : memref<4096xf32, #tpu.memory_space<vmem>>) dst(%dma_wait3A_1664 : memref<4096xf32, #tpu.memory_space<hbm>>)
            %dma_wait3A_1667 = arith.constant 8192 : i32
            %dma_wait3A_1668 = tpu.memref_slice %arg9[%dma_wait3A_1667] : memref<32768xf32, #tpu.memory_space<vmem>> -> memref<4096xf32, #tpu.memory_space<vmem>>
            %dma_wait3A_1669 = tpu.memref_slice %arg4[%add3A_1388, %select_n3A_1412, %mul3A_1430] : memref<4096x2x8192xf32, #tpu.memory_space<hbm>> -> memref<1x1x4096xf32, #tpu.memory_space<hbm>>
            %dma_wait3A_1670 = tpu.memref_squeeze %dma_wait3A_1669 : memref<1x1x4096xf32, #tpu.memory_space<hbm>> -> memref<4096xf32, #tpu.memory_space<hbm>>
            %dma_wait3A_1671 = tpu.memref_slice %arg4[%add3A_1388, %select_n3A_1412, %mul3A_1430] : memref<4096x2x8192xf32, #tpu.memory_space<hbm>> -> memref<1x1x4096xf32, #tpu.memory_space<hbm>>
            %dma_wait3A_1672 = tpu.memref_squeeze %dma_wait3A_1671 : memref<1x1x4096xf32, #tpu.memory_space<hbm>> -> memref<4096xf32, #tpu.memory_space<hbm>>
            %dma_wait3A_1673 = arith.constant 8192 : i32
            %dma_wait3A_1674 = tpu.memref_slice %arg9[%dma_wait3A_1673] : memref<32768xf32, #tpu.memory_space<vmem>> -> memref<4096xf32, #tpu.memory_space<vmem>>
            tpu.wait_dma2 semaphore(%arg13 : memref<!tpu.dma_semaphore, #tpu.memory_space<semaphore_mem>>) src(%dma_wait3A_1674 : memref<4096xf32, #tpu.memory_space<vmem>>) dst(%dma_wait3A_1672 : memref<4096xf32, #tpu.memory_space<hbm>>)
            %dma_wait3A_1675 = arith.constant 12288 : i32
            %dma_wait3A_1676 = tpu.memref_slice %arg9[%dma_wait3A_1675] : memref<32768xf32, #tpu.memory_space<vmem>> -> memref<4096xf32, #tpu.memory_space<vmem>>
            %dma_wait3A_1677 = tpu.memref_slice %arg4[%add3A_1432, %select_n3A_1456, %mul3A_1474] : memref<4096x2x8192xf32, #tpu.memory_space<hbm>> -> memref<1x1x4096xf32, #tpu.memory_space<hbm>>
            %dma_wait3A_1678 = tpu.memref_squeeze %dma_wait3A_1677 : memref<1x1x4096xf32, #tpu.memory_space<hbm>> -> memref<4096xf32, #tpu.memory_space<hbm>>
            %dma_wait3A_1679 = tpu.memref_slice %arg4[%add3A_1432, %select_n3A_1456, %mul3A_1474] : memref<4096x2x8192xf32, #tpu.memory_space<hbm>> -> memref<1x1x4096xf32, #tpu.memory_space<hbm>>
            %dma_wait3A_1680 = tpu.memref_squeeze %dma_wait3A_1679 : memref<1x1x4096xf32, #tpu.memory_space<hbm>> -> memref<4096xf32, #tpu.memory_space<hbm>>
            %dma_wait3A_1681 = arith.constant 12288 : i32
            %dma_wait3A_1682 = tpu.memref_slice %arg9[%dma_wait3A_1681] : memref<32768xf32, #tpu.memory_space<vmem>> -> memref<4096xf32, #tpu.memory_space<vmem>>
            tpu.wait_dma2 semaphore(%arg13 : memref<!tpu.dma_semaphore, #tpu.memory_space<semaphore_mem>>) src(%dma_wait3A_1682 : memref<4096xf32, #tpu.memory_space<vmem>>) dst(%dma_wait3A_1680 : memref<4096xf32, #tpu.memory_space<hbm>>)
            %dma_wait3A_1683 = arith.constant 16384 : i32
            %dma_wait3A_1684 = tpu.memref_slice %arg9[%dma_wait3A_1683] : memref<32768xf32, #tpu.memory_space<vmem>> -> memref<4096xf32, #tpu.memory_space<vmem>>
            %dma_wait3A_1685 = tpu.memref_slice %arg4[%add3A_1476, %select_n3A_1500, %mul3A_1518] : memref<4096x2x8192xf32, #tpu.memory_space<hbm>> -> memref<1x1x4096xf32, #tpu.memory_space<hbm>>
            %dma_wait3A_1686 = tpu.memref_squeeze %dma_wait3A_1685 : memref<1x1x4096xf32, #tpu.memory_space<hbm>> -> memref<4096xf32, #tpu.memory_space<hbm>>
            %dma_wait3A_1687 = tpu.memref_slice %arg4[%add3A_1476, %select_n3A_1500, %mul3A_1518] : memref<4096x2x8192xf32, #tpu.memory_space<hbm>> -> memref<1x1x4096xf32, #tpu.memory_space<hbm>>
            %dma_wait3A_1688 = tpu.memref_squeeze %dma_wait3A_1687 : memref<1x1x4096xf32, #tpu.memory_space<hbm>> -> memref<4096xf32, #tpu.memory_space<hbm>>
            %dma_wait3A_1689 = arith.constant 16384 : i32
            %dma_wait3A_1690 = tpu.memref_slice %arg9[%dma_wait3A_1689] : memref<32768xf32, #tpu.memory_space<vmem>> -> memref<4096xf32, #tpu.memory_space<vmem>>
            tpu.wait_dma2 semaphore(%arg13 : memref<!tpu.dma_semaphore, #tpu.memory_space<semaphore_mem>>) src(%dma_wait3A_1690 : memref<4096xf32, #tpu.memory_space<vmem>>) dst(%dma_wait3A_1688 : memref<4096xf32, #tpu.memory_space<hbm>>)
            %dma_wait3A_1691 = arith.constant 20480 : i32
            %dma_wait3A_1692 = tpu.memref_slice %arg9[%dma_wait3A_1691] : memref<32768xf32, #tpu.memory_space<vmem>> -> memref<4096xf32, #tpu.memory_space<vmem>>
            %dma_wait3A_1693 = tpu.memref_slice %arg4[%add3A_1520, %select_n3A_1544, %mul3A_1562] : memref<4096x2x8192xf32, #tpu.memory_space<hbm>> -> memref<1x1x4096xf32, #tpu.memory_space<hbm>>
            %dma_wait3A_1694 = tpu.memref_squeeze %dma_wait3A_1693 : memref<1x1x4096xf32, #tpu.memory_space<hbm>> -> memref<4096xf32, #tpu.memory_space<hbm>>
            %dma_wait3A_1695 = tpu.memref_slice %arg4[%add3A_1520, %select_n3A_1544, %mul3A_1562] : memref<4096x2x8192xf32, #tpu.memory_space<hbm>> -> memref<1x1x4096xf32, #tpu.memory_space<hbm>>
            %dma_wait3A_1696 = tpu.memref_squeeze %dma_wait3A_1695 : memref<1x1x4096xf32, #tpu.memory_space<hbm>> -> memref<4096xf32, #tpu.memory_space<hbm>>
            %dma_wait3A_1697 = arith.constant 20480 : i32
            %dma_wait3A_1698 = tpu.memref_slice %arg9[%dma_wait3A_1697] : memref<32768xf32, #tpu.memory_space<vmem>> -> memref<4096xf32, #tpu.memory_space<vmem>>
            tpu.wait_dma2 semaphore(%arg13 : memref<!tpu.dma_semaphore, #tpu.memory_space<semaphore_mem>>) src(%dma_wait3A_1698 : memref<4096xf32, #tpu.memory_space<vmem>>) dst(%dma_wait3A_1696 : memref<4096xf32, #tpu.memory_space<hbm>>)
            %dma_wait3A_1699 = arith.constant 24576 : i32
            %dma_wait3A_1700 = tpu.memref_slice %arg9[%dma_wait3A_1699] : memref<32768xf32, #tpu.memory_space<vmem>> -> memref<4096xf32, #tpu.memory_space<vmem>>
            %dma_wait3A_1701 = tpu.memref_slice %arg4[%add3A_1564, %select_n3A_1588, %mul3A_1606] : memref<4096x2x8192xf32, #tpu.memory_space<hbm>> -> memref<1x1x4096xf32, #tpu.memory_space<hbm>>
            %dma_wait3A_1702 = tpu.memref_squeeze %dma_wait3A_1701 : memref<1x1x4096xf32, #tpu.memory_space<hbm>> -> memref<4096xf32, #tpu.memory_space<hbm>>
            %dma_wait3A_1703 = tpu.memref_slice %arg4[%add3A_1564, %select_n3A_1588, %mul3A_1606] : memref<4096x2x8192xf32, #tpu.memory_space<hbm>> -> memref<1x1x4096xf32, #tpu.memory_space<hbm>>
            %dma_wait3A_1704 = tpu.memref_squeeze %dma_wait3A_1703 : memref<1x1x4096xf32, #tpu.memory_space<hbm>> -> memref<4096xf32, #tpu.memory_space<hbm>>
            %dma_wait3A_1705 = arith.constant 24576 : i32
            %dma_wait3A_1706 = tpu.memref_slice %arg9[%dma_wait3A_1705] : memref<32768xf32, #tpu.memory_space<vmem>> -> memref<4096xf32, #tpu.memory_space<vmem>>
            tpu.wait_dma2 semaphore(%arg13 : memref<!tpu.dma_semaphore, #tpu.memory_space<semaphore_mem>>) src(%dma_wait3A_1706 : memref<4096xf32, #tpu.memory_space<vmem>>) dst(%dma_wait3A_1704 : memref<4096xf32, #tpu.memory_space<hbm>>)
            %dma_wait3A_1707 = arith.constant 28672 : i32
            %dma_wait3A_1708 = tpu.memref_slice %arg9[%dma_wait3A_1707] : memref<32768xf32, #tpu.memory_space<vmem>> -> memref<4096xf32, #tpu.memory_space<vmem>>
            %dma_wait3A_1709 = tpu.memref_slice %arg4[%add3A_1608, %select_n3A_1632, %mul3A_1650] : memref<4096x2x8192xf32, #tpu.memory_space<hbm>> -> memref<1x1x4096xf32, #tpu.memory_space<hbm>>
            %dma_wait3A_1710 = tpu.memref_squeeze %dma_wait3A_1709 : memref<1x1x4096xf32, #tpu.memory_space<hbm>> -> memref<4096xf32, #tpu.memory_space<hbm>>
            %dma_wait3A_1711 = tpu.memref_slice %arg4[%add3A_1608, %select_n3A_1632, %mul3A_1650] : memref<4096x2x8192xf32, #tpu.memory_space<hbm>> -> memref<1x1x4096xf32, #tpu.memory_space<hbm>>
            %dma_wait3A_1712 = tpu.memref_squeeze %dma_wait3A_1711 : memref<1x1x4096xf32, #tpu.memory_space<hbm>> -> memref<4096xf32, #tpu.memory_space<hbm>>
            %dma_wait3A_1713 = arith.constant 28672 : i32
            %dma_wait3A_1714 = tpu.memref_slice %arg9[%dma_wait3A_1713] : memref<32768xf32, #tpu.memory_space<vmem>> -> memref<4096xf32, #tpu.memory_space<vmem>>
            tpu.wait_dma2 semaphore(%arg13 : memref<!tpu.dma_semaphore, #tpu.memory_space<semaphore_mem>>) src(%dma_wait3A_1714 : memref<4096xf32, #tpu.memory_space<vmem>>) dst(%dma_wait3A_1712 : memref<4096xf32, #tpu.memory_space<hbm>>)
          } else {
          }
          %parallel_loop3A_874 = arith.constant 0 : i32
          %parallel_loop3A_875 = arith.constant 4096 : i32
          %parallel_loop3A_876 = arith.constant 16 : i32
          scf.for %parallel_loop3A_1296 = %parallel_loop3A_874 to %parallel_loop3A_875 step %parallel_loop3A_876  : i32 {
            %parallel_loop3A_1297 = arith.constant 4096 : i32
            %parallel_loop3A_1298 = arith.muli %add3A_865, %parallel_loop3A_1297 : i32
            %parallel_loop3A_1299 = arith.addi %parallel_loop3A_1298, %parallel_loop3A_1296 : i32
            %parallel_loop3A_1300 = arith.index_cast %parallel_loop3A_1299 : i32 to index
            %parallel_loop3A_1301 = tpu.vector_load %arg5[%parallel_loop3A_1300] {strides = array<i32>} : memref<16384xi32, #tpu.memory_space<vmem>>, vector<16xi32>,
            %parallel_loop3A_1302 = arith.constant 0 : i32
            %parallel_loop3A_1303 = vector.broadcast %parallel_loop3A_1302 : i32 to vector<16xi32>
            %parallel_loop3A_1304 = arith.addi %parallel_loop3A_1301, %parallel_loop3A_1303 : vector<16xi32>
            %parallel_loop3A_1305 = tpu.vector_load_idx %arg7[%parallel_loop3A_1304] : memref<16384xf32, #tpu.memory_space<vmem>>[vector<16xi32>], vector<16xf32>,
            %parallel_loop3A_1306 = arith.constant 0 : i32
            %parallel_loop3A_1307 = arith.addi %parallel_loop3A_1306, %parallel_loop3A_1296 : i32
            %parallel_loop3A_1308 = arith.index_cast %parallel_loop3A_1307 : i32 to index
            %parallel_loop3A_1309 = tpu.vector_load %arg9[%parallel_loop3A_1308] {strides = array<i32>} : memref<32768xf32, #tpu.memory_space<vmem>>, vector<16xf32>,
            tpu.vector_store %arg9[%parallel_loop3A_1308], %parallel_loop3A_1305 {strides = array<i32>} : memref<32768xf32, #tpu.memory_space<vmem>>, vector<16xf32>,
            %parallel_loop3A_1310 = arith.constant 2048 : i32
            %parallel_loop3A_1311 = vector.broadcast %parallel_loop3A_1310 : i32 to vector<16xi32>
            %parallel_loop3A_1312 = arith.addi %parallel_loop3A_1301, %parallel_loop3A_1311 : vector<16xi32>
            %parallel_loop3A_1313 = tpu.vector_load_idx %arg7[%parallel_loop3A_1312] : memref<16384xf32, #tpu.memory_space<vmem>>[vector<16xi32>], vector<16xf32>,
            %parallel_loop3A_1314 = arith.constant 4096 : i32
            %parallel_loop3A_1315 = arith.addi %parallel_loop3A_1314, %parallel_loop3A_1296 : i32
            %parallel_loop3A_1316 = arith.index_cast %parallel_loop3A_1315 : i32 to index
            %parallel_loop3A_1317 = tpu.vector_load %arg9[%parallel_loop3A_1316] {strides = array<i32>} : memref<32768xf32, #tpu.memory_space<vmem>>, vector<16xf32>,
            tpu.vector_store %arg9[%parallel_loop3A_1316], %parallel_loop3A_1313 {strides = array<i32>} : memref<32768xf32, #tpu.memory_space<vmem>>, vector<16xf32>,
            %parallel_loop3A_1318 = arith.constant 4096 : i32
            %parallel_loop3A_1319 = vector.broadcast %parallel_loop3A_1318 : i32 to vector<16xi32>
            %parallel_loop3A_1320 = arith.addi %parallel_loop3A_1301, %parallel_loop3A_1319 : vector<16xi32>
            %parallel_loop3A_1321 = tpu.vector_load_idx %arg7[%parallel_loop3A_1320] : memref<16384xf32, #tpu.memory_space<vmem>>[vector<16xi32>], vector<16xf32>,
            %parallel_loop3A_1322 = arith.constant 8192 : i32
            %parallel_loop3A_1323 = arith.addi %parallel_loop3A_1322, %parallel_loop3A_1296 : i32
            %parallel_loop3A_1324 = arith.index_cast %parallel_loop3A_1323 : i32 to index
            %parallel_loop3A_1325 = tpu.vector_load %arg9[%parallel_loop3A_1324] {strides = array<i32>} : memref<32768xf32, #tpu.memory_space<vmem>>, vector<16xf32>,
            tpu.vector_store %arg9[%parallel_loop3A_1324], %parallel_loop3A_1321 {strides = array<i32>} : memref<32768xf32, #tpu.memory_space<vmem>>, vector<16xf32>,
            %parallel_loop3A_1326 = arith.constant 6144 : i32
            %parallel_loop3A_1327 = vector.broadcast %parallel_loop3A_1326 : i32 to vector<16xi32>
            %parallel_loop3A_1328 = arith.addi %parallel_loop3A_1301, %parallel_loop3A_1327 : vector<16xi32>
            %parallel_loop3A_1329 = tpu.vector_load_idx %arg7[%parallel_loop3A_1328] : memref<16384xf32, #tpu.memory_space<vmem>>[vector<16xi32>], vector<16xf32>,
            %parallel_loop3A_1330 = arith.constant 12288 : i32
            %parallel_loop3A_1331 = arith.addi %parallel_loop3A_1330, %parallel_loop3A_1296 : i32
            %parallel_loop3A_1332 = arith.index_cast %parallel_loop3A_1331 : i32 to index
            %parallel_loop3A_1333 = tpu.vector_load %arg9[%parallel_loop3A_1332] {strides = array<i32>} : memref<32768xf32, #tpu.memory_space<vmem>>, vector<16xf32>,
            tpu.vector_store %arg9[%parallel_loop3A_1332], %parallel_loop3A_1329 {strides = array<i32>} : memref<32768xf32, #tpu.memory_space<vmem>>, vector<16xf32>,
            %parallel_loop3A_1334 = arith.constant 8192 : i32
            %parallel_loop3A_1335 = vector.broadcast %parallel_loop3A_1334 : i32 to vector<16xi32>
            %parallel_loop3A_1336 = arith.addi %parallel_loop3A_1301, %parallel_loop3A_1335 : vector<16xi32>
            %parallel_loop3A_1337 = tpu.vector_load_idx %arg7[%parallel_loop3A_1336] : memref<16384xf32, #tpu.memory_space<vmem>>[vector<16xi32>], vector<16xf32>,
            %parallel_loop3A_1338 = arith.constant 16384 : i32
            %parallel_loop3A_1339 = arith.addi %parallel_loop3A_1338, %parallel_loop3A_1296 : i32
            %parallel_loop3A_1340 = arith.index_cast %parallel_loop3A_1339 : i32 to index
            %parallel_loop3A_1341 = tpu.vector_load %arg9[%parallel_loop3A_1340] {strides = array<i32>} : memref<32768xf32, #tpu.memory_space<vmem>>, vector<16xf32>,
            tpu.vector_store %arg9[%parallel_loop3A_1340], %parallel_loop3A_1337 {strides = array<i32>} : memref<32768xf32, #tpu.memory_space<vmem>>, vector<16xf32>,
            %parallel_loop3A_1342 = arith.constant 10240 : i32
            %parallel_loop3A_1343 = vector.broadcast %parallel_loop3A_1342 : i32 to vector<16xi32>
            %parallel_loop3A_1344 = arith.addi %parallel_loop3A_1301, %parallel_loop3A_1343 : vector<16xi32>
            %parallel_loop3A_1345 = tpu.vector_load_idx %arg7[%parallel_loop3A_1344] : memref<16384xf32, #tpu.memory_space<vmem>>[vector<16xi32>], vector<16xf32>,
            %parallel_loop3A_1346 = arith.constant 20480 : i32
            %parallel_loop3A_1347 = arith.addi %parallel_loop3A_1346, %parallel_loop3A_1296 : i32
            %parallel_loop3A_1348 = arith.index_cast %parallel_loop3A_1347 : i32 to index
            %parallel_loop3A_1349 = tpu.vector_load %arg9[%parallel_loop3A_1348] {strides = array<i32>} : memref<32768xf32, #tpu.memory_space<vmem>>, vector<16xf32>,
            tpu.vector_store %arg9[%parallel_loop3A_1348], %parallel_loop3A_1345 {strides = array<i32>} : memref<32768xf32, #tpu.memory_space<vmem>>, vector<16xf32>,
            %parallel_loop3A_1350 = arith.constant 12288 : i32
            %parallel_loop3A_1351 = vector.broadcast %parallel_loop3A_1350 : i32 to vector<16xi32>
            %parallel_loop3A_1352 = arith.addi %parallel_loop3A_1301, %parallel_loop3A_1351 : vector<16xi32>
            %parallel_loop3A_1353 = tpu.vector_load_idx %arg7[%parallel_loop3A_1352] : memref<16384xf32, #tpu.memory_space<vmem>>[vector<16xi32>], vector<16xf32>,
            %parallel_loop3A_1354 = arith.constant 24576 : i32
            %parallel_loop3A_1355 = arith.addi %parallel_loop3A_1354, %parallel_loop3A_1296 : i32
            %parallel_loop3A_1356 = arith.index_cast %parallel_loop3A_1355 : i32 to index
            %parallel_loop3A_1357 = tpu.vector_load %arg9[%parallel_loop3A_1356] {strides = array<i32>} : memref<32768xf32, #tpu.memory_space<vmem>>, vector<16xf32>,
            tpu.vector_store %arg9[%parallel_loop3A_1356], %parallel_loop3A_1353 {strides = array<i32>} : memref<32768xf32, #tpu.memory_space<vmem>>, vector<16xf32>,
            %parallel_loop3A_1358 = arith.constant 14336 : i32
            %parallel_loop3A_1359 = vector.broadcast %parallel_loop3A_1358 : i32 to vector<16xi32>
            %parallel_loop3A_1360 = arith.addi %parallel_loop3A_1301, %parallel_loop3A_1359 : vector<16xi32>
            %parallel_loop3A_1361 = tpu.vector_load_idx %arg7[%parallel_loop3A_1360] : memref<16384xf32, #tpu.memory_space<vmem>>[vector<16xi32>], vector<16xf32>,
            %parallel_loop3A_1362 = arith.constant 28672 : i32
            %parallel_loop3A_1363 = arith.addi %parallel_loop3A_1362, %parallel_loop3A_1296 : i32
            %parallel_loop3A_1364 = arith.index_cast %parallel_loop3A_1363 : i32 to index
            %parallel_loop3A_1365 = tpu.vector_load %arg9[%parallel_loop3A_1364] {strides = array<i32>} : memref<32768xf32, #tpu.memory_space<vmem>>, vector<16xf32>,
            tpu.vector_store %arg9[%parallel_loop3A_1364], %parallel_loop3A_1361 {strides = array<i32>} : memref<32768xf32, #tpu.memory_space<vmem>>, vector<16xf32>,
          } {sc.loop_unroll_factor = 8 : i64, sc.parallel_access}
          %mul3A_877 = arith.constant 8 : i32
          %mul3A_878 = arith.muli %scan3A_317, %mul3A_877 : i32
          %add3A_879 = arith.addi %mul3A_2, %mul3A_878 : i32
          %add3A_880 = arith.constant 0 : i32
          %add3A_881 = arith.addi %add3A_879, %add3A_880 : i32
          %jit3A_882 = arith.constant 2 : i32
          %div3A_883 = arith.divsi %add3A_865, %jit3A_882 : i32
          %sign3A_884 = arith.constant 0 : i32
          %sign3A_885 = arith.cmpi sgt, %add3A_865, %sign3A_884 : i32
          %sign3A_886 = arith.extui %sign3A_885 : i1 to i32
          %sign3A_887 = arith.constant 0 : i32
          %sign3A_888 = arith.cmpi slt, %add3A_865, %sign3A_887 : i32
          %sign3A_889 = arith.extui %sign3A_888 : i1 to i32
          %sign3A_890 = arith.subi %sign3A_886, %sign3A_889 : i32
          %sign3A_891 = arith.constant 0 : i32
          %sign3A_892 = arith.cmpi sgt, %jit3A_882, %sign3A_891 : i32
          %sign3A_893 = arith.extui %sign3A_892 : i1 to i32
          %sign3A_894 = arith.constant 0 : i32
          %sign3A_895 = arith.cmpi slt, %jit3A_882, %sign3A_894 : i32
          %sign3A_896 = arith.extui %sign3A_895 : i1 to i32
          %sign3A_897 = arith.subi %sign3A_893, %sign3A_896 : i32
          %ne3A_898 = arith.cmpi ne, %sign3A_890, %sign3A_897 : i32
          %rem3A_899 = arith.remsi %add3A_865, %jit3A_882 : i32
          %ne3A_900 = arith.constant 0 : i32
          %ne3A_901 = arith.cmpi ne, %rem3A_899, %ne3A_900 : i32
          %and3A_902 = arith.andi %ne3A_898, %ne3A_901 : i1
          %sub3A_903 = arith.constant 1 : i32
          %sub3A_904 = arith.subi %div3A_883, %sub3A_903 : i32
          %select_n3A_905 = arith.select %and3A_902, %sub3A_904, %div3A_883 : i32
          %jit3A_906 = arith.constant 2 : i32
          %eq3A_907 = arith.constant 0 : i32
          %eq3A_908 = arith.cmpi eq, %jit3A_906, %eq3A_907 : i32
          %jit3A_909 = arith.constant 1 : i32
          %select_n3A_910 = arith.select %eq3A_908, %jit3A_909, %jit3A_906 : i32
          %rem3A_911 = arith.remsi %add3A_865, %select_n3A_910 : i32
          %ne3A_912 = arith.constant 0 : i32
          %ne3A_913 = arith.cmpi ne, %rem3A_911, %ne3A_912 : i32
          %lt3A_914 = arith.constant 0 : i32
          %lt3A_915 = arith.cmpi slt, %rem3A_911, %lt3A_914 : i32
          %lt3A_916 = arith.constant 0 : i32
          %lt3A_917 = arith.cmpi slt, %select_n3A_910, %lt3A_916 : i32
          %ne3A_918 = arith.xori %lt3A_915, %lt3A_917 : i1
          %and3A_919 = arith.andi %ne3A_918, %ne3A_913 : i1
          %add3A_920 = arith.addi %rem3A_911, %select_n3A_910 : i32
          %select_n3A_921 = arith.select %and3A_919, %add3A_920, %rem3A_911 : i32
          %mul3A_922 = arith.constant 4096 : i32
          %mul3A_923 = arith.muli %select_n3A_921, %mul3A_922 : i32
          %add3A_924 = arith.constant 1 : i32
          %add3A_925 = arith.addi %add3A_879, %add3A_924 : i32
          %jit3A_926 = arith.constant 2 : i32
          %div3A_927 = arith.divsi %add3A_865, %jit3A_926 : i32
          %sign3A_928 = arith.constant 0 : i32
          %sign3A_929 = arith.cmpi sgt, %add3A_865, %sign3A_928 : i32
          %sign3A_930 = arith.extui %sign3A_929 : i1 to i32
          %sign3A_931 = arith.constant 0 : i32
          %sign3A_932 = arith.cmpi slt, %add3A_865, %sign3A_931 : i32
          %sign3A_933 = arith.extui %sign3A_932 : i1 to i32
          %sign3A_934 = arith.subi %sign3A_930, %sign3A_933 : i32
          %sign3A_935 = arith.constant 0 : i32
          %sign3A_936 = arith.cmpi sgt, %jit3A_926, %sign3A_935 : i32
          %sign3A_937 = arith.extui %sign3A_936 : i1 to i32
          %sign3A_938 = arith.constant 0 : i32
          %sign3A_939 = arith.cmpi slt, %jit3A_926, %sign3A_938 : i32
          %sign3A_940 = arith.extui %sign3A_939 : i1 to i32
          %sign3A_941 = arith.subi %sign3A_937, %sign3A_940 : i32
          %ne3A_942 = arith.cmpi ne, %sign3A_934, %sign3A_941 : i32
          %rem3A_943 = arith.remsi %add3A_865, %jit3A_926 : i32
          %ne3A_944 = arith.constant 0 : i32
          %ne3A_945 = arith.cmpi ne, %rem3A_943, %ne3A_944 : i32
          %and3A_946 = arith.andi %ne3A_942, %ne3A_945 : i1
          %sub3A_947 = arith.constant 1 : i32
          %sub3A_948 = arith.subi %div3A_927, %sub3A_947 : i32
          %select_n3A_949 = arith.select %and3A_946, %sub3A_948, %div3A_927 : i32
          %jit3A_950 = arith.constant 2 : i32
          %eq3A_951 = arith.constant 0 : i32
          %eq3A_952 = arith.cmpi eq, %jit3A_950, %eq3A_951 : i32
          %jit3A_953 = arith.constant 1 : i32
          %select_n3A_954 = arith.select %eq3A_952, %jit3A_953, %jit3A_950 : i32
          %rem3A_955 = arith.remsi %add3A_865, %select_n3A_954 : i32
          %ne3A_956 = arith.constant 0 : i32
          %ne3A_957 = arith.cmpi ne, %rem3A_955, %ne3A_956 : i32
          %lt3A_958 = arith.constant 0 : i32
          %lt3A_959 = arith.cmpi slt, %rem3A_955, %lt3A_958 : i32
          %lt3A_960 = arith.constant 0 : i32
          %lt3A_961 = arith.cmpi slt, %select_n3A_954, %lt3A_960 : i32
          %ne3A_962 = arith.xori %lt3A_959, %lt3A_961 : i1
          %and3A_963 = arith.andi %ne3A_962, %ne3A_957 : i1
          %add3A_964 = arith.addi %rem3A_955, %select_n3A_954 : i32
          %select_n3A_965 = arith.select %and3A_963, %add3A_964, %rem3A_955 : i32
          %mul3A_966 = arith.constant 4096 : i32
          %mul3A_967 = arith.muli %select_n3A_965, %mul3A_966 : i32
          %add3A_968 = arith.constant 2 : i32
          %add3A_969 = arith.addi %add3A_879, %add3A_968 : i32
          %jit3A_970 = arith.constant 2 : i32
          %div3A_971 = arith.divsi %add3A_865, %jit3A_970 : i32
          %sign3A_972 = arith.constant 0 : i32
          %sign3A_973 = arith.cmpi sgt, %add3A_865, %sign3A_972 : i32
          %sign3A_974 = arith.extui %sign3A_973 : i1 to i32
          %sign3A_975 = arith.constant 0 : i32
          %sign3A_976 = arith.cmpi slt, %add3A_865, %sign3A_975 : i32
          %sign3A_977 = arith.extui %sign3A_976 : i1 to i32
          %sign3A_978 = arith.subi %sign3A_974, %sign3A_977 : i32
          %sign3A_979 = arith.constant 0 : i32
          %sign3A_980 = arith.cmpi sgt, %jit3A_970, %sign3A_979 : i32
          %sign3A_981 = arith.extui %sign3A_980 : i1 to i32
          %sign3A_982 = arith.constant 0 : i32
          %sign3A_983 = arith.cmpi slt, %jit3A_970, %sign3A_982 : i32
          %sign3A_984 = arith.extui %sign3A_983 : i1 to i32
          %sign3A_985 = arith.subi %sign3A_981, %sign3A_984 : i32
          %ne3A_986 = arith.cmpi ne, %sign3A_978, %sign3A_985 : i32
          %rem3A_987 = arith.remsi %add3A_865, %jit3A_970 : i32
          %ne3A_988 = arith.constant 0 : i32
          %ne3A_989 = arith.cmpi ne, %rem3A_987, %ne3A_988 : i32
          %and3A_990 = arith.andi %ne3A_986, %ne3A_989 : i1
          %sub3A_991 = arith.constant 1 : i32
          %sub3A_992 = arith.subi %div3A_971, %sub3A_991 : i32
          %select_n3A_993 = arith.select %and3A_990, %sub3A_992, %div3A_971 : i32
          %jit3A_994 = arith.constant 2 : i32
          %eq3A_995 = arith.constant 0 : i32
          %eq3A_996 = arith.cmpi eq, %jit3A_994, %eq3A_995 : i32
          %jit3A_997 = arith.constant 1 : i32
          %select_n3A_998 = arith.select %eq3A_996, %jit3A_997, %jit3A_994 : i32
          %rem3A_999 = arith.remsi %add3A_865, %select_n3A_998 : i32
          %ne3A_1000 = arith.constant 0 : i32
          %ne3A_1001 = arith.cmpi ne, %rem3A_999, %ne3A_1000 : i32
          %lt3A_1002 = arith.constant 0 : i32
          %lt3A_1003 = arith.cmpi slt, %rem3A_999, %lt3A_1002 : i32
          %lt3A_1004 = arith.constant 0 : i32
          %lt3A_1005 = arith.cmpi slt, %select_n3A_998, %lt3A_1004 : i32
          %ne3A_1006 = arith.xori %lt3A_1003, %lt3A_1005 : i1
          %and3A_1007 = arith.andi %ne3A_1006, %ne3A_1001 : i1
          %add3A_1008 = arith.addi %rem3A_999, %select_n3A_998 : i32
          %select_n3A_1009 = arith.select %and3A_1007, %add3A_1008, %rem3A_999 : i32
          %mul3A_1010 = arith.constant 4096 : i32
          %mul3A_1011 = arith.muli %select_n3A_1009, %mul3A_1010 : i32
          %add3A_1012 = arith.constant 3 : i32
          %add3A_1013 = arith.addi %add3A_879, %add3A_1012 : i32
          %jit3A_1014 = arith.constant 2 : i32
          %div3A_1015 = arith.divsi %add3A_865, %jit3A_1014 : i32
          %sign3A_1016 = arith.constant 0 : i32
          %sign3A_1017 = arith.cmpi sgt, %add3A_865, %sign3A_1016 : i32
          %sign3A_1018 = arith.extui %sign3A_1017 : i1 to i32
          %sign3A_1019 = arith.constant 0 : i32
          %sign3A_1020 = arith.cmpi slt, %add3A_865, %sign3A_1019 : i32
          %sign3A_1021 = arith.extui %sign3A_1020 : i1 to i32
          %sign3A_1022 = arith.subi %sign3A_1018, %sign3A_1021 : i32
          %sign3A_1023 = arith.constant 0 : i32
          %sign3A_1024 = arith.cmpi sgt, %jit3A_1014, %sign3A_1023 : i32
          %sign3A_1025 = arith.extui %sign3A_1024 : i1 to i32
          %sign3A_1026 = arith.constant 0 : i32
          %sign3A_1027 = arith.cmpi slt, %jit3A_1014, %sign3A_1026 : i32
          %sign3A_1028 = arith.extui %sign3A_1027 : i1 to i32
          %sign3A_1029 = arith.subi %sign3A_1025, %sign3A_1028 : i32
          %ne3A_1030 = arith.cmpi ne, %sign3A_1022, %sign3A_1029 : i32
          %rem3A_1031 = arith.remsi %add3A_865, %jit3A_1014 : i32
          %ne3A_1032 = arith.constant 0 : i32
          %ne3A_1033 = arith.cmpi ne, %rem3A_1031, %ne3A_1032 : i32
          %and3A_1034 = arith.andi %ne3A_1030, %ne3A_1033 : i1
          %sub3A_1035 = arith.constant 1 : i32
          %sub3A_1036 = arith.subi %div3A_1015, %sub3A_1035 : i32
          %select_n3A_1037 = arith.select %and3A_1034, %sub3A_1036, %div3A_1015 : i32
          %jit3A_1038 = arith.constant 2 : i32
          %eq3A_1039 = arith.constant 0 : i32
          %eq3A_1040 = arith.cmpi eq, %jit3A_1038, %eq3A_1039 : i32
          %jit3A_1041 = arith.constant 1 : i32
          %select_n3A_1042 = arith.select %eq3A_1040, %jit3A_1041, %jit3A_1038 : i32
          %rem3A_1043 = arith.remsi %add3A_865, %select_n3A_1042 : i32
          %ne3A_1044 = arith.constant 0 : i32
          %ne3A_1045 = arith.cmpi ne, %rem3A_1043, %ne3A_1044 : i32
          %lt3A_1046 = arith.constant 0 : i32
          %lt3A_1047 = arith.cmpi slt, %rem3A_1043, %lt3A_1046 : i32
          %lt3A_1048 = arith.constant 0 : i32
          %lt3A_1049 = arith.cmpi slt, %select_n3A_1042, %lt3A_1048 : i32
          %ne3A_1050 = arith.xori %lt3A_1047, %lt3A_1049 : i1
          %and3A_1051 = arith.andi %ne3A_1050, %ne3A_1045 : i1
          %add3A_1052 = arith.addi %rem3A_1043, %select_n3A_1042 : i32
          %select_n3A_1053 = arith.select %and3A_1051, %add3A_1052, %rem3A_1043 : i32
          %mul3A_1054 = arith.constant 4096 : i32
          %mul3A_1055 = arith.muli %select_n3A_1053, %mul3A_1054 : i32
          %add3A_1056 = arith.constant 4 : i32
          %add3A_1057 = arith.addi %add3A_879, %add3A_1056 : i32
          %jit3A_1058 = arith.constant 2 : i32
          %div3A_1059 = arith.divsi %add3A_865, %jit3A_1058 : i32
          %sign3A_1060 = arith.constant 0 : i32
          %sign3A_1061 = arith.cmpi sgt, %add3A_865, %sign3A_1060 : i32
          %sign3A_1062 = arith.extui %sign3A_1061 : i1 to i32
          %sign3A_1063 = arith.constant 0 : i32
          %sign3A_1064 = arith.cmpi slt, %add3A_865, %sign3A_1063 : i32
          %sign3A_1065 = arith.extui %sign3A_1064 : i1 to i32
          %sign3A_1066 = arith.subi %sign3A_1062, %sign3A_1065 : i32
          %sign3A_1067 = arith.constant 0 : i32
          %sign3A_1068 = arith.cmpi sgt, %jit3A_1058, %sign3A_1067 : i32
          %sign3A_1069 = arith.extui %sign3A_1068 : i1 to i32
          %sign3A_1070 = arith.constant 0 : i32
          %sign3A_1071 = arith.cmpi slt, %jit3A_1058, %sign3A_1070 : i32
          %sign3A_1072 = arith.extui %sign3A_1071 : i1 to i32
          %sign3A_1073 = arith.subi %sign3A_1069, %sign3A_1072 : i32
          %ne3A_1074 = arith.cmpi ne, %sign3A_1066, %sign3A_1073 : i32
          %rem3A_1075 = arith.remsi %add3A_865, %jit3A_1058 : i32
          %ne3A_1076 = arith.constant 0 : i32
          %ne3A_1077 = arith.cmpi ne, %rem3A_1075, %ne3A_1076 : i32
          %and3A_1078 = arith.andi %ne3A_1074, %ne3A_1077 : i1
          %sub3A_1079 = arith.constant 1 : i32
          %sub3A_1080 = arith.subi %div3A_1059, %sub3A_1079 : i32
          %select_n3A_1081 = arith.select %and3A_1078, %sub3A_1080, %div3A_1059 : i32
          %jit3A_1082 = arith.constant 2 : i32
          %eq3A_1083 = arith.constant 0 : i32
          %eq3A_1084 = arith.cmpi eq, %jit3A_1082, %eq3A_1083 : i32
          %jit3A_1085 = arith.constant 1 : i32
          %select_n3A_1086 = arith.select %eq3A_1084, %jit3A_1085, %jit3A_1082 : i32
          %rem3A_1087 = arith.remsi %add3A_865, %select_n3A_1086 : i32
          %ne3A_1088 = arith.constant 0 : i32
          %ne3A_1089 = arith.cmpi ne, %rem3A_1087, %ne3A_1088 : i32
          %lt3A_1090 = arith.constant 0 : i32
          %lt3A_1091 = arith.cmpi slt, %rem3A_1087, %lt3A_1090 : i32
          %lt3A_1092 = arith.constant 0 : i32
          %lt3A_1093 = arith.cmpi slt, %select_n3A_1086, %lt3A_1092 : i32
          %ne3A_1094 = arith.xori %lt3A_1091, %lt3A_1093 : i1
          %and3A_1095 = arith.andi %ne3A_1094, %ne3A_1089 : i1
          %add3A_1096 = arith.addi %rem3A_1087, %select_n3A_1086 : i32
          %select_n3A_1097 = arith.select %and3A_1095, %add3A_1096, %rem3A_1087 : i32
          %mul3A_1098 = arith.constant 4096 : i32
          %mul3A_1099 = arith.muli %select_n3A_1097, %mul3A_1098 : i32
          %add3A_1100 = arith.constant 5 : i32
          %add3A_1101 = arith.addi %add3A_879, %add3A_1100 : i32
          %jit3A_1102 = arith.constant 2 : i32
          %div3A_1103 = arith.divsi %add3A_865, %jit3A_1102 : i32
          %sign3A_1104 = arith.constant 0 : i32
          %sign3A_1105 = arith.cmpi sgt, %add3A_865, %sign3A_1104 : i32
          %sign3A_1106 = arith.extui %sign3A_1105 : i1 to i32
          %sign3A_1107 = arith.constant 0 : i32
          %sign3A_1108 = arith.cmpi slt, %add3A_865, %sign3A_1107 : i32
          %sign3A_1109 = arith.extui %sign3A_1108 : i1 to i32
          %sign3A_1110 = arith.subi %sign3A_1106, %sign3A_1109 : i32
          %sign3A_1111 = arith.constant 0 : i32
          %sign3A_1112 = arith.cmpi sgt, %jit3A_1102, %sign3A_1111 : i32
          %sign3A_1113 = arith.extui %sign3A_1112 : i1 to i32
          %sign3A_1114 = arith.constant 0 : i32
          %sign3A_1115 = arith.cmpi slt, %jit3A_1102, %sign3A_1114 : i32
          %sign3A_1116 = arith.extui %sign3A_1115 : i1 to i32
          %sign3A_1117 = arith.subi %sign3A_1113, %sign3A_1116 : i32
          %ne3A_1118 = arith.cmpi ne, %sign3A_1110, %sign3A_1117 : i32
          %rem3A_1119 = arith.remsi %add3A_865, %jit3A_1102 : i32
          %ne3A_1120 = arith.constant 0 : i32
          %ne3A_1121 = arith.cmpi ne, %rem3A_1119, %ne3A_1120 : i32
          %and3A_1122 = arith.andi %ne3A_1118, %ne3A_1121 : i1
          %sub3A_1123 = arith.constant 1 : i32
          %sub3A_1124 = arith.subi %div3A_1103, %sub3A_1123 : i32
          %select_n3A_1125 = arith.select %and3A_1122, %sub3A_1124, %div3A_1103 : i32
          %jit3A_1126 = arith.constant 2 : i32
          %eq3A_1127 = arith.constant 0 : i32
          %eq3A_1128 = arith.cmpi eq, %jit3A_1126, %eq3A_1127 : i32
          %jit3A_1129 = arith.constant 1 : i32
          %select_n3A_1130 = arith.select %eq3A_1128, %jit3A_1129, %jit3A_1126 : i32
          %rem3A_1131 = arith.remsi %add3A_865, %select_n3A_1130 : i32
          %ne3A_1132 = arith.constant 0 : i32
          %ne3A_1133 = arith.cmpi ne, %rem3A_1131, %ne3A_1132 : i32
          %lt3A_1134 = arith.constant 0 : i32
          %lt3A_1135 = arith.cmpi slt, %rem3A_1131, %lt3A_1134 : i32
          %lt3A_1136 = arith.constant 0 : i32
          %lt3A_1137 = arith.cmpi slt, %select_n3A_1130, %lt3A_1136 : i32
          %ne3A_1138 = arith.xori %lt3A_1135, %lt3A_1137 : i1
          %and3A_1139 = arith.andi %ne3A_1138, %ne3A_1133 : i1
          %add3A_1140 = arith.addi %rem3A_1131, %select_n3A_1130 : i32
          %select_n3A_1141 = arith.select %and3A_1139, %add3A_1140, %rem3A_1131 : i32
          %mul3A_1142 = arith.constant 4096 : i32
          %mul3A_1143 = arith.muli %select_n3A_1141, %mul3A_1142 : i32
          %add3A_1144 = arith.constant 6 : i32
          %add3A_1145 = arith.addi %add3A_879, %add3A_1144 : i32
          %jit3A_1146 = arith.constant 2 : i32
          %div3A_1147 = arith.divsi %add3A_865, %jit3A_1146 : i32
          %sign3A_1148 = arith.constant 0 : i32
          %sign3A_1149 = arith.cmpi sgt, %add3A_865, %sign3A_1148 : i32
          %sign3A_1150 = arith.extui %sign3A_1149 : i1 to i32
          %sign3A_1151 = arith.constant 0 : i32
          %sign3A_1152 = arith.cmpi slt, %add3A_865, %sign3A_1151 : i32
          %sign3A_1153 = arith.extui %sign3A_1152 : i1 to i32
          %sign3A_1154 = arith.subi %sign3A_1150, %sign3A_1153 : i32
          %sign3A_1155 = arith.constant 0 : i32
          %sign3A_1156 = arith.cmpi sgt, %jit3A_1146, %sign3A_1155 : i32
          %sign3A_1157 = arith.extui %sign3A_1156 : i1 to i32
          %sign3A_1158 = arith.constant 0 : i32
          %sign3A_1159 = arith.cmpi slt, %jit3A_1146, %sign3A_1158 : i32
          %sign3A_1160 = arith.extui %sign3A_1159 : i1 to i32
          %sign3A_1161 = arith.subi %sign3A_1157, %sign3A_1160 : i32
          %ne3A_1162 = arith.cmpi ne, %sign3A_1154, %sign3A_1161 : i32
          %rem3A_1163 = arith.remsi %add3A_865, %jit3A_1146 : i32
          %ne3A_1164 = arith.constant 0 : i32
          %ne3A_1165 = arith.cmpi ne, %rem3A_1163, %ne3A_1164 : i32
          %and3A_1166 = arith.andi %ne3A_1162, %ne3A_1165 : i1
          %sub3A_1167 = arith.constant 1 : i32
          %sub3A_1168 = arith.subi %div3A_1147, %sub3A_1167 : i32
          %select_n3A_1169 = arith.select %and3A_1166, %sub3A_1168, %div3A_1147 : i32
          %jit3A_1170 = arith.constant 2 : i32
          %eq3A_1171 = arith.constant 0 : i32
          %eq3A_1172 = arith.cmpi eq, %jit3A_1170, %eq3A_1171 : i32
          %jit3A_1173 = arith.constant 1 : i32
          %select_n3A_1174 = arith.select %eq3A_1172, %jit3A_1173, %jit3A_1170 : i32
          %rem3A_1175 = arith.remsi %add3A_865, %select_n3A_1174 : i32
          %ne3A_1176 = arith.constant 0 : i32
          %ne3A_1177 = arith.cmpi ne, %rem3A_1175, %ne3A_1176 : i32
          %lt3A_1178 = arith.constant 0 : i32
          %lt3A_1179 = arith.cmpi slt, %rem3A_1175, %lt3A_1178 : i32
          %lt3A_1180 = arith.constant 0 : i32
          %lt3A_1181 = arith.cmpi slt, %select_n3A_1174, %lt3A_1180 : i32
          %ne3A_1182 = arith.xori %lt3A_1179, %lt3A_1181 : i1
          %and3A_1183 = arith.andi %ne3A_1182, %ne3A_1177 : i1
          %add3A_1184 = arith.addi %rem3A_1175, %select_n3A_1174 : i32
          %select_n3A_1185 = arith.select %and3A_1183, %add3A_1184, %rem3A_1175 : i32
          %mul3A_1186 = arith.constant 4096 : i32
          %mul3A_1187 = arith.muli %select_n3A_1185, %mul3A_1186 : i32
          %add3A_1188 = arith.constant 7 : i32
          %add3A_1189 = arith.addi %add3A_879, %add3A_1188 : i32
          %jit3A_1190 = arith.constant 2 : i32
          %div3A_1191 = arith.divsi %add3A_865, %jit3A_1190 : i32
          %sign3A_1192 = arith.constant 0 : i32
          %sign3A_1193 = arith.cmpi sgt, %add3A_865, %sign3A_1192 : i32
          %sign3A_1194 = arith.extui %sign3A_1193 : i1 to i32
          %sign3A_1195 = arith.constant 0 : i32
          %sign3A_1196 = arith.cmpi slt, %add3A_865, %sign3A_1195 : i32
          %sign3A_1197 = arith.extui %sign3A_1196 : i1 to i32
          %sign3A_1198 = arith.subi %sign3A_1194, %sign3A_1197 : i32
          %sign3A_1199 = arith.constant 0 : i32
          %sign3A_1200 = arith.cmpi sgt, %jit3A_1190, %sign3A_1199 : i32
          %sign3A_1201 = arith.extui %sign3A_1200 : i1 to i32
          %sign3A_1202 = arith.constant 0 : i32
          %sign3A_1203 = arith.cmpi slt, %jit3A_1190, %sign3A_1202 : i32
          %sign3A_1204 = arith.extui %sign3A_1203 : i1 to i32
          %sign3A_1205 = arith.subi %sign3A_1201, %sign3A_1204 : i32
          %ne3A_1206 = arith.cmpi ne, %sign3A_1198, %sign3A_1205 : i32
          %rem3A_1207 = arith.remsi %add3A_865, %jit3A_1190 : i32
          %ne3A_1208 = arith.constant 0 : i32
          %ne3A_1209 = arith.cmpi ne, %rem3A_1207, %ne3A_1208 : i32
          %and3A_1210 = arith.andi %ne3A_1206, %ne3A_1209 : i1
          %sub3A_1211 = arith.constant 1 : i32
          %sub3A_1212 = arith.subi %div3A_1191, %sub3A_1211 : i32
          %select_n3A_1213 = arith.select %and3A_1210, %sub3A_1212, %div3A_1191 : i32
          %jit3A_1214 = arith.constant 2 : i32
          %eq3A_1215 = arith.constant 0 : i32
          %eq3A_1216 = arith.cmpi eq, %jit3A_1214, %eq3A_1215 : i32
          %jit3A_1217 = arith.constant 1 : i32
          %select_n3A_1218 = arith.select %eq3A_1216, %jit3A_1217, %jit3A_1214 : i32
          %rem3A_1219 = arith.remsi %add3A_865, %select_n3A_1218 : i32
          %ne3A_1220 = arith.constant 0 : i32
          %ne3A_1221 = arith.cmpi ne, %rem3A_1219, %ne3A_1220 : i32
          %lt3A_1222 = arith.constant 0 : i32
          %lt3A_1223 = arith.cmpi slt, %rem3A_1219, %lt3A_1222 : i32
          %lt3A_1224 = arith.constant 0 : i32
          %lt3A_1225 = arith.cmpi slt, %select_n3A_1218, %lt3A_1224 : i32
          %ne3A_1226 = arith.xori %lt3A_1223, %lt3A_1225 : i1
          %and3A_1227 = arith.andi %ne3A_1226, %ne3A_1221 : i1
          %add3A_1228 = arith.addi %rem3A_1219, %select_n3A_1218 : i32
          %select_n3A_1229 = arith.select %and3A_1227, %add3A_1228, %rem3A_1219 : i32
          %mul3A_1230 = arith.constant 4096 : i32
          %mul3A_1231 = arith.muli %select_n3A_1229, %mul3A_1230 : i32
          %dma_start3A_1232 = arith.constant 0 : i32
          %dma_start3A_1233 = tpu.memref_slice %arg9[%dma_start3A_1232] : memref<32768xf32, #tpu.memory_space<vmem>> -> memref<4096xf32, #tpu.memory_space<vmem>>
          %dma_start3A_1234 = tpu.memref_slice %arg4[%add3A_881, %select_n3A_905, %mul3A_923] : memref<4096x2x8192xf32, #tpu.memory_space<hbm>> -> memref<1x1x4096xf32, #tpu.memory_space<hbm>>
          %dma_start3A_1235 = tpu.memref_squeeze %dma_start3A_1234 : memref<1x1x4096xf32, #tpu.memory_space<hbm>> -> memref<4096xf32, #tpu.memory_space<hbm>>
          %dma_start3A_1236 = tpu.memref_slice %arg4[%add3A_881, %select_n3A_905, %mul3A_923] : memref<4096x2x8192xf32, #tpu.memory_space<hbm>> -> memref<1x1x4096xf32, #tpu.memory_space<hbm>>
          %dma_start3A_1237 = tpu.memref_squeeze %dma_start3A_1236 : memref<1x1x4096xf32, #tpu.memory_space<hbm>> -> memref<4096xf32, #tpu.memory_space<hbm>>
          %dma_start3A_1238 = arith.constant 0 : i32
          %dma_start3A_1239 = tpu.memref_slice %arg9[%dma_start3A_1238] : memref<32768xf32, #tpu.memory_space<vmem>> -> memref<4096xf32, #tpu.memory_space<vmem>>
          tpu.enqueue_dma source(%dma_start3A_1239 : memref<4096xf32, #tpu.memory_space<vmem>>) target(%dma_start3A_1237 : memref<4096xf32, #tpu.memory_space<hbm>>) target_semaphore(%arg13 : memref<!tpu.dma_semaphore, #tpu.memory_space<semaphore_mem>>)
          %dma_start3A_1240 = arith.constant 4096 : i32
          %dma_start3A_1241 = tpu.memref_slice %arg9[%dma_start3A_1240] : memref<32768xf32, #tpu.memory_space<vmem>> -> memref<4096xf32, #tpu.memory_space<vmem>>
          %dma_start3A_1242 = tpu.memref_slice %arg4[%add3A_925, %select_n3A_949, %mul3A_967] : memref<4096x2x8192xf32, #tpu.memory_space<hbm>> -> memref<1x1x4096xf32, #tpu.memory_space<hbm>>
          %dma_start3A_1243 = tpu.memref_squeeze %dma_start3A_1242 : memref<1x1x4096xf32, #tpu.memory_space<hbm>> -> memref<4096xf32, #tpu.memory_space<hbm>>
          %dma_start3A_1244 = tpu.memref_slice %arg4[%add3A_925, %select_n3A_949, %mul3A_967] : memref<4096x2x8192xf32, #tpu.memory_space<hbm>> -> memref<1x1x4096xf32, #tpu.memory_space<hbm>>
          %dma_start3A_1245 = tpu.memref_squeeze %dma_start3A_1244 : memref<1x1x4096xf32, #tpu.memory_space<hbm>> -> memref<4096xf32, #tpu.memory_space<hbm>>
          %dma_start3A_1246 = arith.constant 4096 : i32
          %dma_start3A_1247 = tpu.memref_slice %arg9[%dma_start3A_1246] : memref<32768xf32, #tpu.memory_space<vmem>> -> memref<4096xf32, #tpu.memory_space<vmem>>
          tpu.enqueue_dma source(%dma_start3A_1247 : memref<4096xf32, #tpu.memory_space<vmem>>) target(%dma_start3A_1245 : memref<4096xf32, #tpu.memory_space<hbm>>) target_semaphore(%arg13 : memref<!tpu.dma_semaphore, #tpu.memory_space<semaphore_mem>>)
          %dma_start3A_1248 = arith.constant 8192 : i32
          %dma_start3A_1249 = tpu.memref_slice %arg9[%dma_start3A_1248] : memref<32768xf32, #tpu.memory_space<vmem>> -> memref<4096xf32, #tpu.memory_space<vmem>>
          %dma_start3A_1250 = tpu.memref_slice %arg4[%add3A_969, %select_n3A_993, %mul3A_1011] : memref<4096x2x8192xf32, #tpu.memory_space<hbm>> -> memref<1x1x4096xf32, #tpu.memory_space<hbm>>
          %dma_start3A_1251 = tpu.memref_squeeze %dma_start3A_1250 : memref<1x1x4096xf32, #tpu.memory_space<hbm>> -> memref<4096xf32, #tpu.memory_space<hbm>>
          %dma_start3A_1252 = tpu.memref_slice %arg4[%add3A_969, %select_n3A_993, %mul3A_1011] : memref<4096x2x8192xf32, #tpu.memory_space<hbm>> -> memref<1x1x4096xf32, #tpu.memory_space<hbm>>
          %dma_start3A_1253 = tpu.memref_squeeze %dma_start3A_1252 : memref<1x1x4096xf32, #tpu.memory_space<hbm>> -> memref<4096xf32, #tpu.memory_space<hbm>>
          %dma_start3A_1254 = arith.constant 8192 : i32
          %dma_start3A_1255 = tpu.memref_slice %arg9[%dma_start3A_1254] : memref<32768xf32, #tpu.memory_space<vmem>> -> memref<4096xf32, #tpu.memory_space<vmem>>
          tpu.enqueue_dma source(%dma_start3A_1255 : memref<4096xf32, #tpu.memory_space<vmem>>) target(%dma_start3A_1253 : memref<4096xf32, #tpu.memory_space<hbm>>) target_semaphore(%arg13 : memref<!tpu.dma_semaphore, #tpu.memory_space<semaphore_mem>>)
          %dma_start3A_1256 = arith.constant 12288 : i32
          %dma_start3A_1257 = tpu.memref_slice %arg9[%dma_start3A_1256] : memref<32768xf32, #tpu.memory_space<vmem>> -> memref<4096xf32, #tpu.memory_space<vmem>>
          %dma_start3A_1258 = tpu.memref_slice %arg4[%add3A_1013, %select_n3A_1037, %mul3A_1055] : memref<4096x2x8192xf32, #tpu.memory_space<hbm>> -> memref<1x1x4096xf32, #tpu.memory_space<hbm>>
          %dma_start3A_1259 = tpu.memref_squeeze %dma_start3A_1258 : memref<1x1x4096xf32, #tpu.memory_space<hbm>> -> memref<4096xf32, #tpu.memory_space<hbm>>
          %dma_start3A_1260 = tpu.memref_slice %arg4[%add3A_1013, %select_n3A_1037, %mul3A_1055] : memref<4096x2x8192xf32, #tpu.memory_space<hbm>> -> memref<1x1x4096xf32, #tpu.memory_space<hbm>>
          %dma_start3A_1261 = tpu.memref_squeeze %dma_start3A_1260 : memref<1x1x4096xf32, #tpu.memory_space<hbm>> -> memref<4096xf32, #tpu.memory_space<hbm>>
          %dma_start3A_1262 = arith.constant 12288 : i32
          %dma_start3A_1263 = tpu.memref_slice %arg9[%dma_start3A_1262] : memref<32768xf32, #tpu.memory_space<vmem>> -> memref<4096xf32, #tpu.memory_space<vmem>>
          tpu.enqueue_dma source(%dma_start3A_1263 : memref<4096xf32, #tpu.memory_space<vmem>>) target(%dma_start3A_1261 : memref<4096xf32, #tpu.memory_space<hbm>>) target_semaphore(%arg13 : memref<!tpu.dma_semaphore, #tpu.memory_space<semaphore_mem>>)
          %dma_start3A_1264 = arith.constant 16384 : i32
          %dma_start3A_1265 = tpu.memref_slice %arg9[%dma_start3A_1264] : memref<32768xf32, #tpu.memory_space<vmem>> -> memref<4096xf32, #tpu.memory_space<vmem>>
          %dma_start3A_1266 = tpu.memref_slice %arg4[%add3A_1057, %select_n3A_1081, %mul3A_1099] : memref<4096x2x8192xf32, #tpu.memory_space<hbm>> -> memref<1x1x4096xf32, #tpu.memory_space<hbm>>
          %dma_start3A_1267 = tpu.memref_squeeze %dma_start3A_1266 : memref<1x1x4096xf32, #tpu.memory_space<hbm>> -> memref<4096xf32, #tpu.memory_space<hbm>>
          %dma_start3A_1268 = tpu.memref_slice %arg4[%add3A_1057, %select_n3A_1081, %mul3A_1099] : memref<4096x2x8192xf32, #tpu.memory_space<hbm>> -> memref<1x1x4096xf32, #tpu.memory_space<hbm>>
          %dma_start3A_1269 = tpu.memref_squeeze %dma_start3A_1268 : memref<1x1x4096xf32, #tpu.memory_space<hbm>> -> memref<4096xf32, #tpu.memory_space<hbm>>
          %dma_start3A_1270 = arith.constant 16384 : i32
          %dma_start3A_1271 = tpu.memref_slice %arg9[%dma_start3A_1270] : memref<32768xf32, #tpu.memory_space<vmem>> -> memref<4096xf32, #tpu.memory_space<vmem>>
          tpu.enqueue_dma source(%dma_start3A_1271 : memref<4096xf32, #tpu.memory_space<vmem>>) target(%dma_start3A_1269 : memref<4096xf32, #tpu.memory_space<hbm>>) target_semaphore(%arg13 : memref<!tpu.dma_semaphore, #tpu.memory_space<semaphore_mem>>)
          %dma_start3A_1272 = arith.constant 20480 : i32
          %dma_start3A_1273 = tpu.memref_slice %arg9[%dma_start3A_1272] : memref<32768xf32, #tpu.memory_space<vmem>> -> memref<4096xf32, #tpu.memory_space<vmem>>
          %dma_start3A_1274 = tpu.memref_slice %arg4[%add3A_1101, %select_n3A_1125, %mul3A_1143] : memref<4096x2x8192xf32, #tpu.memory_space<hbm>> -> memref<1x1x4096xf32, #tpu.memory_space<hbm>>
          %dma_start3A_1275 = tpu.memref_squeeze %dma_start3A_1274 : memref<1x1x4096xf32, #tpu.memory_space<hbm>> -> memref<4096xf32, #tpu.memory_space<hbm>>
          %dma_start3A_1276 = tpu.memref_slice %arg4[%add3A_1101, %select_n3A_1125, %mul3A_1143] : memref<4096x2x8192xf32, #tpu.memory_space<hbm>> -> memref<1x1x4096xf32, #tpu.memory_space<hbm>>
          %dma_start3A_1277 = tpu.memref_squeeze %dma_start3A_1276 : memref<1x1x4096xf32, #tpu.memory_space<hbm>> -> memref<4096xf32, #tpu.memory_space<hbm>>
          %dma_start3A_1278 = arith.constant 20480 : i32
          %dma_start3A_1279 = tpu.memref_slice %arg9[%dma_start3A_1278] : memref<32768xf32, #tpu.memory_space<vmem>> -> memref<4096xf32, #tpu.memory_space<vmem>>
          tpu.enqueue_dma source(%dma_start3A_1279 : memref<4096xf32, #tpu.memory_space<vmem>>) target(%dma_start3A_1277 : memref<4096xf32, #tpu.memory_space<hbm>>) target_semaphore(%arg13 : memref<!tpu.dma_semaphore, #tpu.memory_space<semaphore_mem>>)
          %dma_start3A_1280 = arith.constant 24576 : i32
          %dma_start3A_1281 = tpu.memref_slice %arg9[%dma_start3A_1280] : memref<32768xf32, #tpu.memory_space<vmem>> -> memref<4096xf32, #tpu.memory_space<vmem>>
          %dma_start3A_1282 = tpu.memref_slice %arg4[%add3A_1145, %select_n3A_1169, %mul3A_1187] : memref<4096x2x8192xf32, #tpu.memory_space<hbm>> -> memref<1x1x4096xf32, #tpu.memory_space<hbm>>
          %dma_start3A_1283 = tpu.memref_squeeze %dma_start3A_1282 : memref<1x1x4096xf32, #tpu.memory_space<hbm>> -> memref<4096xf32, #tpu.memory_space<hbm>>
          %dma_start3A_1284 = tpu.memref_slice %arg4[%add3A_1145, %select_n3A_1169, %mul3A_1187] : memref<4096x2x8192xf32, #tpu.memory_space<hbm>> -> memref<1x1x4096xf32, #tpu.memory_space<hbm>>
          %dma_start3A_1285 = tpu.memref_squeeze %dma_start3A_1284 : memref<1x1x4096xf32, #tpu.memory_space<hbm>> -> memref<4096xf32, #tpu.memory_space<hbm>>
          %dma_start3A_1286 = arith.constant 24576 : i32
          %dma_start3A_1287 = tpu.memref_slice %arg9[%dma_start3A_1286] : memref<32768xf32, #tpu.memory_space<vmem>> -> memref<4096xf32, #tpu.memory_space<vmem>>
          tpu.enqueue_dma source(%dma_start3A_1287 : memref<4096xf32, #tpu.memory_space<vmem>>) target(%dma_start3A_1285 : memref<4096xf32, #tpu.memory_space<hbm>>) target_semaphore(%arg13 : memref<!tpu.dma_semaphore, #tpu.memory_space<semaphore_mem>>)
          %dma_start3A_1288 = arith.constant 28672 : i32
          %dma_start3A_1289 = tpu.memref_slice %arg9[%dma_start3A_1288] : memref<32768xf32, #tpu.memory_space<vmem>> -> memref<4096xf32, #tpu.memory_space<vmem>>
          %dma_start3A_1290 = tpu.memref_slice %arg4[%add3A_1189, %select_n3A_1213, %mul3A_1231] : memref<4096x2x8192xf32, #tpu.memory_space<hbm>> -> memref<1x1x4096xf32, #tpu.memory_space<hbm>>
          %dma_start3A_1291 = tpu.memref_squeeze %dma_start3A_1290 : memref<1x1x4096xf32, #tpu.memory_space<hbm>> -> memref<4096xf32, #tpu.memory_space<hbm>>
          %dma_start3A_1292 = tpu.memref_slice %arg4[%add3A_1189, %select_n3A_1213, %mul3A_1231] : memref<4096x2x8192xf32, #tpu.memory_space<hbm>> -> memref<1x1x4096xf32, #tpu.memory_space<hbm>>
          %dma_start3A_1293 = tpu.memref_squeeze %dma_start3A_1292 : memref<1x1x4096xf32, #tpu.memory_space<hbm>> -> memref<4096xf32, #tpu.memory_space<hbm>>
          %dma_start3A_1294 = arith.constant 28672 : i32
          %dma_start3A_1295 = tpu.memref_slice %arg9[%dma_start3A_1294] : memref<32768xf32, #tpu.memory_space<vmem>> -> memref<4096xf32, #tpu.memory_space<vmem>>
          tpu.enqueue_dma source(%dma_start3A_1295 : memref<4096xf32, #tpu.memory_space<vmem>>) target(%dma_start3A_1293 : memref<4096xf32, #tpu.memory_space<hbm>>) target_semaphore(%arg13 : memref<!tpu.dma_semaphore, #tpu.memory_space<semaphore_mem>>)
        }
        %scan3A_436 = arith.constant 2 : i32
      } else {
      }
    }
    %scan3A_105 = arith.constant 16 : i32
    %add3A_106 = arith.constant 120 : i32
    %add3A_107 = arith.addi %mul3A_2, %add3A_106 : i32
    %add3A_108 = arith.constant 0 : i32
    %add3A_109 = arith.addi %add3A_107, %add3A_108 : i32
    %add3A_110 = arith.constant 1 : i32
    %add3A_111 = arith.addi %add3A_107, %add3A_110 : i32
    %add3A_112 = arith.constant 2 : i32
    %add3A_113 = arith.addi %add3A_107, %add3A_112 : i32
    %add3A_114 = arith.constant 3 : i32
    %add3A_115 = arith.addi %add3A_107, %add3A_114 : i32
    %add3A_116 = arith.constant 4 : i32
    %add3A_117 = arith.addi %add3A_107, %add3A_116 : i32
    %add3A_118 = arith.constant 5 : i32
    %add3A_119 = arith.addi %add3A_107, %add3A_118 : i32
    %add3A_120 = arith.constant 6 : i32
    %add3A_121 = arith.addi %add3A_107, %add3A_120 : i32
    %add3A_122 = arith.constant 7 : i32
    %add3A_123 = arith.addi %add3A_107, %add3A_122 : i32
    %dma_wait3A = arith.constant 1 : i32
    %dma_wait3A_124 = arith.constant 0 : i32
    %dma_wait3A_125 = tpu.memref_slice %arg8[%dma_wait3A_124] : memref<32768xf32, #tpu.memory_space<vmem>> -> memref<4096xf32, #tpu.memory_space<vmem>>
    %dma_wait3A_126 = arith.constant 0 : i32
    %dma_wait3A_127 = tpu.memref_slice %arg4[%add3A_109, %dma_wait3A, %dma_wait3A_126] : memref<4096x2x8192xf32, #tpu.memory_space<hbm>> -> memref<1x1x4096xf32, #tpu.memory_space<hbm>>
    %dma_wait3A_128 = tpu.memref_squeeze %dma_wait3A_127 : memref<1x1x4096xf32, #tpu.memory_space<hbm>> -> memref<4096xf32, #tpu.memory_space<hbm>>
    %dma_wait3A_129 = arith.constant 0 : i32
    %dma_wait3A_130 = tpu.memref_slice %arg4[%add3A_109, %dma_wait3A, %dma_wait3A_129] : memref<4096x2x8192xf32, #tpu.memory_space<hbm>> -> memref<1x1x4096xf32, #tpu.memory_space<hbm>>
    %dma_wait3A_131 = tpu.memref_squeeze %dma_wait3A_130 : memref<1x1x4096xf32, #tpu.memory_space<hbm>> -> memref<4096xf32, #tpu.memory_space<hbm>>
    %dma_wait3A_132 = arith.constant 0 : i32
    %dma_wait3A_133 = tpu.memref_slice %arg8[%dma_wait3A_132] : memref<32768xf32, #tpu.memory_space<vmem>> -> memref<4096xf32, #tpu.memory_space<vmem>>
    tpu.wait_dma2 semaphore(%arg12 : memref<!tpu.dma_semaphore, #tpu.memory_space<semaphore_mem>>) src(%dma_wait3A_133 : memref<4096xf32, #tpu.memory_space<vmem>>) dst(%dma_wait3A_131 : memref<4096xf32, #tpu.memory_space<hbm>>)
    %dma_wait3A_134 = arith.constant 1 : i32
    %dma_wait3A_135 = arith.constant 4096 : i32
    %dma_wait3A_136 = tpu.memref_slice %arg8[%dma_wait3A_135] : memref<32768xf32, #tpu.memory_space<vmem>> -> memref<4096xf32, #tpu.memory_space<vmem>>
    %dma_wait3A_137 = arith.constant 0 : i32
    %dma_wait3A_138 = tpu.memref_slice %arg4[%add3A_111, %dma_wait3A_134, %dma_wait3A_137] : memref<4096x2x8192xf32, #tpu.memory_space<hbm>> -> memref<1x1x4096xf32, #tpu.memory_space<hbm>>
    %dma_wait3A_139 = tpu.memref_squeeze %dma_wait3A_138 : memref<1x1x4096xf32, #tpu.memory_space<hbm>> -> memref<4096xf32, #tpu.memory_space<hbm>>
    %dma_wait3A_140 = arith.constant 0 : i32
    %dma_wait3A_141 = tpu.memref_slice %arg4[%add3A_111, %dma_wait3A_134, %dma_wait3A_140] : memref<4096x2x8192xf32, #tpu.memory_space<hbm>> -> memref<1x1x4096xf32, #tpu.memory_space<hbm>>
    %dma_wait3A_142 = tpu.memref_squeeze %dma_wait3A_141 : memref<1x1x4096xf32, #tpu.memory_space<hbm>> -> memref<4096xf32, #tpu.memory_space<hbm>>
    %dma_wait3A_143 = arith.constant 4096 : i32
    %dma_wait3A_144 = tpu.memref_slice %arg8[%dma_wait3A_143] : memref<32768xf32, #tpu.memory_space<vmem>> -> memref<4096xf32, #tpu.memory_space<vmem>>
    tpu.wait_dma2 semaphore(%arg12 : memref<!tpu.dma_semaphore, #tpu.memory_space<semaphore_mem>>) src(%dma_wait3A_144 : memref<4096xf32, #tpu.memory_space<vmem>>) dst(%dma_wait3A_142 : memref<4096xf32, #tpu.memory_space<hbm>>)
    %dma_wait3A_145 = arith.constant 1 : i32
    %dma_wait3A_146 = arith.constant 8192 : i32
    %dma_wait3A_147 = tpu.memref_slice %arg8[%dma_wait3A_146] : memref<32768xf32, #tpu.memory_space<vmem>> -> memref<4096xf32, #tpu.memory_space<vmem>>
    %dma_wait3A_148 = arith.constant 0 : i32
    %dma_wait3A_149 = tpu.memref_slice %arg4[%add3A_113, %dma_wait3A_145, %dma_wait3A_148] : memref<4096x2x8192xf32, #tpu.memory_space<hbm>> -> memref<1x1x4096xf32, #tpu.memory_space<hbm>>
    %dma_wait3A_150 = tpu.memref_squeeze %dma_wait3A_149 : memref<1x1x4096xf32, #tpu.memory_space<hbm>> -> memref<4096xf32, #tpu.memory_space<hbm>>
    %dma_wait3A_151 = arith.constant 0 : i32
    %dma_wait3A_152 = tpu.memref_slice %arg4[%add3A_113, %dma_wait3A_145, %dma_wait3A_151] : memref<4096x2x8192xf32, #tpu.memory_space<hbm>> -> memref<1x1x4096xf32, #tpu.memory_space<hbm>>
    %dma_wait3A_153 = tpu.memref_squeeze %dma_wait3A_152 : memref<1x1x4096xf32, #tpu.memory_space<hbm>> -> memref<4096xf32, #tpu.memory_space<hbm>>
    %dma_wait3A_154 = arith.constant 8192 : i32
    %dma_wait3A_155 = tpu.memref_slice %arg8[%dma_wait3A_154] : memref<32768xf32, #tpu.memory_space<vmem>> -> memref<4096xf32, #tpu.memory_space<vmem>>
    tpu.wait_dma2 semaphore(%arg12 : memref<!tpu.dma_semaphore, #tpu.memory_space<semaphore_mem>>) src(%dma_wait3A_155 : memref<4096xf32, #tpu.memory_space<vmem>>) dst(%dma_wait3A_153 : memref<4096xf32, #tpu.memory_space<hbm>>)
    %dma_wait3A_156 = arith.constant 1 : i32
    %dma_wait3A_157 = arith.constant 12288 : i32
    %dma_wait3A_158 = tpu.memref_slice %arg8[%dma_wait3A_157] : memref<32768xf32, #tpu.memory_space<vmem>> -> memref<4096xf32, #tpu.memory_space<vmem>>
    %dma_wait3A_159 = arith.constant 0 : i32
    %dma_wait3A_160 = tpu.memref_slice %arg4[%add3A_115, %dma_wait3A_156, %dma_wait3A_159] : memref<4096x2x8192xf32, #tpu.memory_space<hbm>> -> memref<1x1x4096xf32, #tpu.memory_space<hbm>>
    %dma_wait3A_161 = tpu.memref_squeeze %dma_wait3A_160 : memref<1x1x4096xf32, #tpu.memory_space<hbm>> -> memref<4096xf32, #tpu.memory_space<hbm>>
    %dma_wait3A_162 = arith.constant 0 : i32
    %dma_wait3A_163 = tpu.memref_slice %arg4[%add3A_115, %dma_wait3A_156, %dma_wait3A_162] : memref<4096x2x8192xf32, #tpu.memory_space<hbm>> -> memref<1x1x4096xf32, #tpu.memory_space<hbm>>
    %dma_wait3A_164 = tpu.memref_squeeze %dma_wait3A_163 : memref<1x1x4096xf32, #tpu.memory_space<hbm>> -> memref<4096xf32, #tpu.memory_space<hbm>>
    %dma_wait3A_165 = arith.constant 12288 : i32
    %dma_wait3A_166 = tpu.memref_slice %arg8[%dma_wait3A_165] : memref<32768xf32, #tpu.memory_space<vmem>> -> memref<4096xf32, #tpu.memory_space<vmem>>
    tpu.wait_dma2 semaphore(%arg12 : memref<!tpu.dma_semaphore, #tpu.memory_space<semaphore_mem>>) src(%dma_wait3A_166 : memref<4096xf32, #tpu.memory_space<vmem>>) dst(%dma_wait3A_164 : memref<4096xf32, #tpu.memory_space<hbm>>)
    %dma_wait3A_167 = arith.constant 1 : i32
    %dma_wait3A_168 = arith.constant 16384 : i32
    %dma_wait3A_169 = tpu.memref_slice %arg8[%dma_wait3A_168] : memref<32768xf32, #tpu.memory_space<vmem>> -> memref<4096xf32, #tpu.memory_space<vmem>>
    %dma_wait3A_170 = arith.constant 0 : i32
    %dma_wait3A_171 = tpu.memref_slice %arg4[%add3A_117, %dma_wait3A_167, %dma_wait3A_170] : memref<4096x2x8192xf32, #tpu.memory_space<hbm>> -> memref<1x1x4096xf32, #tpu.memory_space<hbm>>
    %dma_wait3A_172 = tpu.memref_squeeze %dma_wait3A_171 : memref<1x1x4096xf32, #tpu.memory_space<hbm>> -> memref<4096xf32, #tpu.memory_space<hbm>>
    %dma_wait3A_173 = arith.constant 0 : i32
    %dma_wait3A_174 = tpu.memref_slice %arg4[%add3A_117, %dma_wait3A_167, %dma_wait3A_173] : memref<4096x2x8192xf32, #tpu.memory_space<hbm>> -> memref<1x1x4096xf32, #tpu.memory_space<hbm>>
    %dma_wait3A_175 = tpu.memref_squeeze %dma_wait3A_174 : memref<1x1x4096xf32, #tpu.memory_space<hbm>> -> memref<4096xf32, #tpu.memory_space<hbm>>
    %dma_wait3A_176 = arith.constant 16384 : i32
    %dma_wait3A_177 = tpu.memref_slice %arg8[%dma_wait3A_176] : memref<32768xf32, #tpu.memory_space<vmem>> -> memref<4096xf32, #tpu.memory_space<vmem>>
    tpu.wait_dma2 semaphore(%arg12 : memref<!tpu.dma_semaphore, #tpu.memory_space<semaphore_mem>>) src(%dma_wait3A_177 : memref<4096xf32, #tpu.memory_space<vmem>>) dst(%dma_wait3A_175 : memref<4096xf32, #tpu.memory_space<hbm>>)
    %dma_wait3A_178 = arith.constant 1 : i32
    %dma_wait3A_179 = arith.constant 20480 : i32
    %dma_wait3A_180 = tpu.memref_slice %arg8[%dma_wait3A_179] : memref<32768xf32, #tpu.memory_space<vmem>> -> memref<4096xf32, #tpu.memory_space<vmem>>
    %dma_wait3A_181 = arith.constant 0 : i32
    %dma_wait3A_182 = tpu.memref_slice %arg4[%add3A_119, %dma_wait3A_178, %dma_wait3A_181] : memref<4096x2x8192xf32, #tpu.memory_space<hbm>> -> memref<1x1x4096xf32, #tpu.memory_space<hbm>>
    %dma_wait3A_183 = tpu.memref_squeeze %dma_wait3A_182 : memref<1x1x4096xf32, #tpu.memory_space<hbm>> -> memref<4096xf32, #tpu.memory_space<hbm>>
    %dma_wait3A_184 = arith.constant 0 : i32
    %dma_wait3A_185 = tpu.memref_slice %arg4[%add3A_119, %dma_wait3A_178, %dma_wait3A_184] : memref<4096x2x8192xf32, #tpu.memory_space<hbm>> -> memref<1x1x4096xf32, #tpu.memory_space<hbm>>
    %dma_wait3A_186 = tpu.memref_squeeze %dma_wait3A_185 : memref<1x1x4096xf32, #tpu.memory_space<hbm>> -> memref<4096xf32, #tpu.memory_space<hbm>>
    %dma_wait3A_187 = arith.constant 20480 : i32
    %dma_wait3A_188 = tpu.memref_slice %arg8[%dma_wait3A_187] : memref<32768xf32, #tpu.memory_space<vmem>> -> memref<4096xf32, #tpu.memory_space<vmem>>
    tpu.wait_dma2 semaphore(%arg12 : memref<!tpu.dma_semaphore, #tpu.memory_space<semaphore_mem>>) src(%dma_wait3A_188 : memref<4096xf32, #tpu.memory_space<vmem>>) dst(%dma_wait3A_186 : memref<4096xf32, #tpu.memory_space<hbm>>)
    %dma_wait3A_189 = arith.constant 1 : i32
    %dma_wait3A_190 = arith.constant 24576 : i32
    %dma_wait3A_191 = tpu.memref_slice %arg8[%dma_wait3A_190] : memref<32768xf32, #tpu.memory_space<vmem>> -> memref<4096xf32, #tpu.memory_space<vmem>>
    %dma_wait3A_192 = arith.constant 0 : i32
    %dma_wait3A_193 = tpu.memref_slice %arg4[%add3A_121, %dma_wait3A_189, %dma_wait3A_192] : memref<4096x2x8192xf32, #tpu.memory_space<hbm>> -> memref<1x1x4096xf32, #tpu.memory_space<hbm>>
    %dma_wait3A_194 = tpu.memref_squeeze %dma_wait3A_193 : memref<1x1x4096xf32, #tpu.memory_space<hbm>> -> memref<4096xf32, #tpu.memory_space<hbm>>
    %dma_wait3A_195 = arith.constant 0 : i32
    %dma_wait3A_196 = tpu.memref_slice %arg4[%add3A_121, %dma_wait3A_189, %dma_wait3A_195] : memref<4096x2x8192xf32, #tpu.memory_space<hbm>> -> memref<1x1x4096xf32, #tpu.memory_space<hbm>>
    %dma_wait3A_197 = tpu.memref_squeeze %dma_wait3A_196 : memref<1x1x4096xf32, #tpu.memory_space<hbm>> -> memref<4096xf32, #tpu.memory_space<hbm>>
    %dma_wait3A_198 = arith.constant 24576 : i32
    %dma_wait3A_199 = tpu.memref_slice %arg8[%dma_wait3A_198] : memref<32768xf32, #tpu.memory_space<vmem>> -> memref<4096xf32, #tpu.memory_space<vmem>>
    tpu.wait_dma2 semaphore(%arg12 : memref<!tpu.dma_semaphore, #tpu.memory_space<semaphore_mem>>) src(%dma_wait3A_199 : memref<4096xf32, #tpu.memory_space<vmem>>) dst(%dma_wait3A_197 : memref<4096xf32, #tpu.memory_space<hbm>>)
    %dma_wait3A_200 = arith.constant 1 : i32
    %dma_wait3A_201 = arith.constant 28672 : i32
    %dma_wait3A_202 = tpu.memref_slice %arg8[%dma_wait3A_201] : memref<32768xf32, #tpu.memory_space<vmem>> -> memref<4096xf32, #tpu.memory_space<vmem>>
    %dma_wait3A_203 = arith.constant 0 : i32
    %dma_wait3A_204 = tpu.memref_slice %arg4[%add3A_123, %dma_wait3A_200, %dma_wait3A_203] : memref<4096x2x8192xf32, #tpu.memory_space<hbm>> -> memref<1x1x4096xf32, #tpu.memory_space<hbm>>
    %dma_wait3A_205 = tpu.memref_squeeze %dma_wait3A_204 : memref<1x1x4096xf32, #tpu.memory_space<hbm>> -> memref<4096xf32, #tpu.memory_space<hbm>>
    %dma_wait3A_206 = arith.constant 0 : i32
    %dma_wait3A_207 = tpu.memref_slice %arg4[%add3A_123, %dma_wait3A_200, %dma_wait3A_206] : memref<4096x2x8192xf32, #tpu.memory_space<hbm>> -> memref<1x1x4096xf32, #tpu.memory_space<hbm>>
    %dma_wait3A_208 = tpu.memref_squeeze %dma_wait3A_207 : memref<1x1x4096xf32, #tpu.memory_space<hbm>> -> memref<4096xf32, #tpu.memory_space<hbm>>
    %dma_wait3A_209 = arith.constant 28672 : i32
    %dma_wait3A_210 = tpu.memref_slice %arg8[%dma_wait3A_209] : memref<32768xf32, #tpu.memory_space<vmem>> -> memref<4096xf32, #tpu.memory_space<vmem>>
    tpu.wait_dma2 semaphore(%arg12 : memref<!tpu.dma_semaphore, #tpu.memory_space<semaphore_mem>>) src(%dma_wait3A_210 : memref<4096xf32, #tpu.memory_space<vmem>>) dst(%dma_wait3A_208 : memref<4096xf32, #tpu.memory_space<hbm>>)
    %add3A_211 = arith.constant 120 : i32
    %add3A_212 = arith.addi %mul3A_2, %add3A_211 : i32
    %add3A_213 = arith.constant 0 : i32
    %add3A_214 = arith.addi %add3A_212, %add3A_213 : i32
    %add3A_215 = arith.constant 1 : i32
    %add3A_216 = arith.addi %add3A_212, %add3A_215 : i32
    %add3A_217 = arith.constant 2 : i32
    %add3A_218 = arith.addi %add3A_212, %add3A_217 : i32
    %add3A_219 = arith.constant 3 : i32
    %add3A_220 = arith.addi %add3A_212, %add3A_219 : i32
    %add3A_221 = arith.constant 4 : i32
    %add3A_222 = arith.addi %add3A_212, %add3A_221 : i32
    %add3A_223 = arith.constant 5 : i32
    %add3A_224 = arith.addi %add3A_212, %add3A_223 : i32
    %add3A_225 = arith.constant 6 : i32
    %add3A_226 = arith.addi %add3A_212, %add3A_225 : i32
    %add3A_227 = arith.constant 7 : i32
    %add3A_228 = arith.addi %add3A_212, %add3A_227 : i32
    %dma_wait3A_229 = arith.constant 1 : i32
    %dma_wait3A_230 = arith.constant 0 : i32
    %dma_wait3A_231 = tpu.memref_slice %arg9[%dma_wait3A_230] : memref<32768xf32, #tpu.memory_space<vmem>> -> memref<4096xf32, #tpu.memory_space<vmem>>
    %dma_wait3A_232 = arith.constant 4096 : i32
    %dma_wait3A_233 = tpu.memref_slice %arg4[%add3A_214, %dma_wait3A_229, %dma_wait3A_232] : memref<4096x2x8192xf32, #tpu.memory_space<hbm>> -> memref<1x1x4096xf32, #tpu.memory_space<hbm>>
    %dma_wait3A_234 = tpu.memref_squeeze %dma_wait3A_233 : memref<1x1x4096xf32, #tpu.memory_space<hbm>> -> memref<4096xf32, #tpu.memory_space<hbm>>
    %dma_wait3A_235 = arith.constant 4096 : i32
    %dma_wait3A_236 = tpu.memref_slice %arg4[%add3A_214, %dma_wait3A_229, %dma_wait3A_235] : memref<4096x2x8192xf32, #tpu.memory_space<hbm>> -> memref<1x1x4096xf32, #tpu.memory_space<hbm>>
    %dma_wait3A_237 = tpu.memref_squeeze %dma_wait3A_236 : memref<1x1x4096xf32, #tpu.memory_space<hbm>> -> memref<4096xf32, #tpu.memory_space<hbm>>
    %dma_wait3A_238 = arith.constant 0 : i32
    %dma_wait3A_239 = tpu.memref_slice %arg9[%dma_wait3A_238] : memref<32768xf32, #tpu.memory_space<vmem>> -> memref<4096xf32, #tpu.memory_space<vmem>>
    tpu.wait_dma2 semaphore(%arg13 : memref<!tpu.dma_semaphore, #tpu.memory_space<semaphore_mem>>) src(%dma_wait3A_239 : memref<4096xf32, #tpu.memory_space<vmem>>) dst(%dma_wait3A_237 : memref<4096xf32, #tpu.memory_space<hbm>>)
    %dma_wait3A_240 = arith.constant 1 : i32
    %dma_wait3A_241 = arith.constant 4096 : i32
    %dma_wait3A_242 = tpu.memref_slice %arg9[%dma_wait3A_241] : memref<32768xf32, #tpu.memory_space<vmem>> -> memref<4096xf32, #tpu.memory_space<vmem>>
    %dma_wait3A_243 = arith.constant 4096 : i32
    %dma_wait3A_244 = tpu.memref_slice %arg4[%add3A_216, %dma_wait3A_240, %dma_wait3A_243] : memref<4096x2x8192xf32, #tpu.memory_space<hbm>> -> memref<1x1x4096xf32, #tpu.memory_space<hbm>>
    %dma_wait3A_245 = tpu.memref_squeeze %dma_wait3A_244 : memref<1x1x4096xf32, #tpu.memory_space<hbm>> -> memref<4096xf32, #tpu.memory_space<hbm>>
    %dma_wait3A_246 = arith.constant 4096 : i32
    %dma_wait3A_247 = tpu.memref_slice %arg4[%add3A_216, %dma_wait3A_240, %dma_wait3A_246] : memref<4096x2x8192xf32, #tpu.memory_space<hbm>> -> memref<1x1x4096xf32, #tpu.memory_space<hbm>>
    %dma_wait3A_248 = tpu.memref_squeeze %dma_wait3A_247 : memref<1x1x4096xf32, #tpu.memory_space<hbm>> -> memref<4096xf32, #tpu.memory_space<hbm>>
    %dma_wait3A_249 = arith.constant 4096 : i32
    %dma_wait3A_250 = tpu.memref_slice %arg9[%dma_wait3A_249] : memref<32768xf32, #tpu.memory_space<vmem>> -> memref<4096xf32, #tpu.memory_space<vmem>>
    tpu.wait_dma2 semaphore(%arg13 : memref<!tpu.dma_semaphore, #tpu.memory_space<semaphore_mem>>) src(%dma_wait3A_250 : memref<4096xf32, #tpu.memory_space<vmem>>) dst(%dma_wait3A_248 : memref<4096xf32, #tpu.memory_space<hbm>>)
    %dma_wait3A_251 = arith.constant 1 : i32
    %dma_wait3A_252 = arith.constant 8192 : i32
    %dma_wait3A_253 = tpu.memref_slice %arg9[%dma_wait3A_252] : memref<32768xf32, #tpu.memory_space<vmem>> -> memref<4096xf32, #tpu.memory_space<vmem>>
    %dma_wait3A_254 = arith.constant 4096 : i32
    %dma_wait3A_255 = tpu.memref_slice %arg4[%add3A_218, %dma_wait3A_251, %dma_wait3A_254] : memref<4096x2x8192xf32, #tpu.memory_space<hbm>> -> memref<1x1x4096xf32, #tpu.memory_space<hbm>>
    %dma_wait3A_256 = tpu.memref_squeeze %dma_wait3A_255 : memref<1x1x4096xf32, #tpu.memory_space<hbm>> -> memref<4096xf32, #tpu.memory_space<hbm>>
    %dma_wait3A_257 = arith.constant 4096 : i32
    %dma_wait3A_258 = tpu.memref_slice %arg4[%add3A_218, %dma_wait3A_251, %dma_wait3A_257] : memref<4096x2x8192xf32, #tpu.memory_space<hbm>> -> memref<1x1x4096xf32, #tpu.memory_space<hbm>>
    %dma_wait3A_259 = tpu.memref_squeeze %dma_wait3A_258 : memref<1x1x4096xf32, #tpu.memory_space<hbm>> -> memref<4096xf32, #tpu.memory_space<hbm>>
    %dma_wait3A_260 = arith.constant 8192 : i32
    %dma_wait3A_261 = tpu.memref_slice %arg9[%dma_wait3A_260] : memref<32768xf32, #tpu.memory_space<vmem>> -> memref<4096xf32, #tpu.memory_space<vmem>>
    tpu.wait_dma2 semaphore(%arg13 : memref<!tpu.dma_semaphore, #tpu.memory_space<semaphore_mem>>) src(%dma_wait3A_261 : memref<4096xf32, #tpu.memory_space<vmem>>) dst(%dma_wait3A_259 : memref<4096xf32, #tpu.memory_space<hbm>>)
    %dma_wait3A_262 = arith.constant 1 : i32
    %dma_wait3A_263 = arith.constant 12288 : i32
    %dma_wait3A_264 = tpu.memref_slice %arg9[%dma_wait3A_263] : memref<32768xf32, #tpu.memory_space<vmem>> -> memref<4096xf32, #tpu.memory_space<vmem>>
    %dma_wait3A_265 = arith.constant 4096 : i32
    %dma_wait3A_266 = tpu.memref_slice %arg4[%add3A_220, %dma_wait3A_262, %dma_wait3A_265] : memref<4096x2x8192xf32, #tpu.memory_space<hbm>> -> memref<1x1x4096xf32, #tpu.memory_space<hbm>>
    %dma_wait3A_267 = tpu.memref_squeeze %dma_wait3A_266 : memref<1x1x4096xf32, #tpu.memory_space<hbm>> -> memref<4096xf32, #tpu.memory_space<hbm>>
    %dma_wait3A_268 = arith.constant 4096 : i32
    %dma_wait3A_269 = tpu.memref_slice %arg4[%add3A_220, %dma_wait3A_262, %dma_wait3A_268] : memref<4096x2x8192xf32, #tpu.memory_space<hbm>> -> memref<1x1x4096xf32, #tpu.memory_space<hbm>>
    %dma_wait3A_270 = tpu.memref_squeeze %dma_wait3A_269 : memref<1x1x4096xf32, #tpu.memory_space<hbm>> -> memref<4096xf32, #tpu.memory_space<hbm>>
    %dma_wait3A_271 = arith.constant 12288 : i32
    %dma_wait3A_272 = tpu.memref_slice %arg9[%dma_wait3A_271] : memref<32768xf32, #tpu.memory_space<vmem>> -> memref<4096xf32, #tpu.memory_space<vmem>>
    tpu.wait_dma2 semaphore(%arg13 : memref<!tpu.dma_semaphore, #tpu.memory_space<semaphore_mem>>) src(%dma_wait3A_272 : memref<4096xf32, #tpu.memory_space<vmem>>) dst(%dma_wait3A_270 : memref<4096xf32, #tpu.memory_space<hbm>>)
    %dma_wait3A_273 = arith.constant 1 : i32
    %dma_wait3A_274 = arith.constant 16384 : i32
    %dma_wait3A_275 = tpu.memref_slice %arg9[%dma_wait3A_274] : memref<32768xf32, #tpu.memory_space<vmem>> -> memref<4096xf32, #tpu.memory_space<vmem>>
    %dma_wait3A_276 = arith.constant 4096 : i32
    %dma_wait3A_277 = tpu.memref_slice %arg4[%add3A_222, %dma_wait3A_273, %dma_wait3A_276] : memref<4096x2x8192xf32, #tpu.memory_space<hbm>> -> memref<1x1x4096xf32, #tpu.memory_space<hbm>>
    %dma_wait3A_278 = tpu.memref_squeeze %dma_wait3A_277 : memref<1x1x4096xf32, #tpu.memory_space<hbm>> -> memref<4096xf32, #tpu.memory_space<hbm>>
    %dma_wait3A_279 = arith.constant 4096 : i32
    %dma_wait3A_280 = tpu.memref_slice %arg4[%add3A_222, %dma_wait3A_273, %dma_wait3A_279] : memref<4096x2x8192xf32, #tpu.memory_space<hbm>> -> memref<1x1x4096xf32, #tpu.memory_space<hbm>>
    %dma_wait3A_281 = tpu.memref_squeeze %dma_wait3A_280 : memref<1x1x4096xf32, #tpu.memory_space<hbm>> -> memref<4096xf32, #tpu.memory_space<hbm>>
    %dma_wait3A_282 = arith.constant 16384 : i32
    %dma_wait3A_283 = tpu.memref_slice %arg9[%dma_wait3A_282] : memref<32768xf32, #tpu.memory_space<vmem>> -> memref<4096xf32, #tpu.memory_space<vmem>>
    tpu.wait_dma2 semaphore(%arg13 : memref<!tpu.dma_semaphore, #tpu.memory_space<semaphore_mem>>) src(%dma_wait3A_283 : memref<4096xf32, #tpu.memory_space<vmem>>) dst(%dma_wait3A_281 : memref<4096xf32, #tpu.memory_space<hbm>>)
    %dma_wait3A_284 = arith.constant 1 : i32
    %dma_wait3A_285 = arith.constant 20480 : i32
    %dma_wait3A_286 = tpu.memref_slice %arg9[%dma_wait3A_285] : memref<32768xf32, #tpu.memory_space<vmem>> -> memref<4096xf32, #tpu.memory_space<vmem>>
    %dma_wait3A_287 = arith.constant 4096 : i32
    %dma_wait3A_288 = tpu.memref_slice %arg4[%add3A_224, %dma_wait3A_284, %dma_wait3A_287] : memref<4096x2x8192xf32, #tpu.memory_space<hbm>> -> memref<1x1x4096xf32, #tpu.memory_space<hbm>>
    %dma_wait3A_289 = tpu.memref_squeeze %dma_wait3A_288 : memref<1x1x4096xf32, #tpu.memory_space<hbm>> -> memref<4096xf32, #tpu.memory_space<hbm>>
    %dma_wait3A_290 = arith.constant 4096 : i32
    %dma_wait3A_291 = tpu.memref_slice %arg4[%add3A_224, %dma_wait3A_284, %dma_wait3A_290] : memref<4096x2x8192xf32, #tpu.memory_space<hbm>> -> memref<1x1x4096xf32, #tpu.memory_space<hbm>>
    %dma_wait3A_292 = tpu.memref_squeeze %dma_wait3A_291 : memref<1x1x4096xf32, #tpu.memory_space<hbm>> -> memref<4096xf32, #tpu.memory_space<hbm>>
    %dma_wait3A_293 = arith.constant 20480 : i32
    %dma_wait3A_294 = tpu.memref_slice %arg9[%dma_wait3A_293] : memref<32768xf32, #tpu.memory_space<vmem>> -> memref<4096xf32, #tpu.memory_space<vmem>>
    tpu.wait_dma2 semaphore(%arg13 : memref<!tpu.dma_semaphore, #tpu.memory_space<semaphore_mem>>) src(%dma_wait3A_294 : memref<4096xf32, #tpu.memory_space<vmem>>) dst(%dma_wait3A_292 : memref<4096xf32, #tpu.memory_space<hbm>>)
    %dma_wait3A_295 = arith.constant 1 : i32
    %dma_wait3A_296 = arith.constant 24576 : i32
    %dma_wait3A_297 = tpu.memref_slice %arg9[%dma_wait3A_296] : memref<32768xf32, #tpu.memory_space<vmem>> -> memref<4096xf32, #tpu.memory_space<vmem>>
    %dma_wait3A_298 = arith.constant 4096 : i32
    %dma_wait3A_299 = tpu.memref_slice %arg4[%add3A_226, %dma_wait3A_295, %dma_wait3A_298] : memref<4096x2x8192xf32, #tpu.memory_space<hbm>> -> memref<1x1x4096xf32, #tpu.memory_space<hbm>>
    %dma_wait3A_300 = tpu.memref_squeeze %dma_wait3A_299 : memref<1x1x4096xf32, #tpu.memory_space<hbm>> -> memref<4096xf32, #tpu.memory_space<hbm>>
    %dma_wait3A_301 = arith.constant 4096 : i32
    %dma_wait3A_302 = tpu.memref_slice %arg4[%add3A_226, %dma_wait3A_295, %dma_wait3A_301] : memref<4096x2x8192xf32, #tpu.memory_space<hbm>> -> memref<1x1x4096xf32, #tpu.memory_space<hbm>>
    %dma_wait3A_303 = tpu.memref_squeeze %dma_wait3A_302 : memref<1x1x4096xf32, #tpu.memory_space<hbm>> -> memref<4096xf32, #tpu.memory_space<hbm>>
    %dma_wait3A_304 = arith.constant 24576 : i32
    %dma_wait3A_305 = tpu.memref_slice %arg9[%dma_wait3A_304] : memref<32768xf32, #tpu.memory_space<vmem>> -> memref<4096xf32, #tpu.memory_space<vmem>>
    tpu.wait_dma2 semaphore(%arg13 : memref<!tpu.dma_semaphore, #tpu.memory_space<semaphore_mem>>) src(%dma_wait3A_305 : memref<4096xf32, #tpu.memory_space<vmem>>) dst(%dma_wait3A_303 : memref<4096xf32, #tpu.memory_space<hbm>>)
    %dma_wait3A_306 = arith.constant 1 : i32
    %dma_wait3A_307 = arith.constant 28672 : i32
    %dma_wait3A_308 = tpu.memref_slice %arg9[%dma_wait3A_307] : memref<32768xf32, #tpu.memory_space<vmem>> -> memref<4096xf32, #tpu.memory_space<vmem>>
    %dma_wait3A_309 = arith.constant 4096 : i32
    %dma_wait3A_310 = tpu.memref_slice %arg4[%add3A_228, %dma_wait3A_306, %dma_wait3A_309] : memref<4096x2x8192xf32, #tpu.memory_space<hbm>> -> memref<1x1x4096xf32, #tpu.memory_space<hbm>>
    %dma_wait3A_311 = tpu.memref_squeeze %dma_wait3A_310 : memref<1x1x4096xf32, #tpu.memory_space<hbm>> -> memref<4096xf32, #tpu.memory_space<hbm>>
    %dma_wait3A_312 = arith.constant 4096 : i32
    %dma_wait3A_313 = tpu.memref_slice %arg4[%add3A_228, %dma_wait3A_306, %dma_wait3A_312] : memref<4096x2x8192xf32, #tpu.memory_space<hbm>> -> memref<1x1x4096xf32, #tpu.memory_space<hbm>>
    %dma_wait3A_314 = tpu.memref_squeeze %dma_wait3A_313 : memref<1x1x4096xf32, #tpu.memory_space<hbm>> -> memref<4096xf32, #tpu.memory_space<hbm>>
    %dma_wait3A_315 = arith.constant 28672 : i32
    %dma_wait3A_316 = tpu.memref_slice %arg9[%dma_wait3A_315] : memref<32768xf32, #tpu.memory_space<vmem>> -> memref<4096xf32, #tpu.memory_space<vmem>>
    tpu.wait_dma2 semaphore(%arg13 : memref<!tpu.dma_semaphore, #tpu.memory_space<semaphore_mem>>) src(%dma_wait3A_316 : memref<4096xf32, #tpu.memory_space<vmem>>) dst(%dma_wait3A_314 : memref<4096xf32, #tpu.memory_space<hbm>>)
    return
  }
}

</mosaic_0001>

<sc_bundles>
// kernel: kernel.3.cloned.1.call-start
scs
__scs_entry_jumppad:
0x0: {  	(pc) =	sbr.rel $0x88, $3  }
0x1: {  	(tag) =	ssettag $0x0;
	lr =	simm.s32 $0x1  }
0x2: {  	[smem:$0x3F9F] =	sst lr;
	_ =	strace $0xD0000000  }
0x3: {  	_ = 	snop  }
0x4: {  	_ = 	snop  }
0x5: {  	_ = 	snop  }
0x6: {  	_ = 	snop  }
0x7: {  	_ = 	snop  }
__scs_overlays_trampoline_lowered:
0x8: {  	[smem:$0x3FAE] =	sst s0  }
0x9: {  	[smem:$0x3FAF] =	sst s1  }
0xa: {  	[smem:$0x3FB0] =	sst s2  }
0xb: {  	[smem:$0x3FB1] =	sst s3  }
0xc: {  	[smem:$0x3FB2] =	sst s4  }
0xd: {  	[smem:$0x3FB3] =	sst s5  }
0xe: {  	[smem:$0x3FB4] =	sst s6  }
0xf: {  	[smem:$0x3FB5] =	sst s7  }
0x10: {  	[smem:$0x3FB6] =	sst s8  }
0x11: {  	[smem:$0x3FB7] =	sst s9;
	s0 =	simm.s32 @!p0 $0x0  }
0x12: {  	s1 =	sld [smem:$0x3F9D];
	s0 =	simm.s32 @p0 $0x1  }
0x13: {  	[smem:$0x3FB8] =	sst s0;
	s0 =	simm.s32 @!p1 $0x0  }
0x14: {  	s2 =	sld [smem:$0x3F9C];
	s0 =	simm.s32 @p1 $0x1  }
0x15: {  	[smem:$0x3FB9] =	sst s0;
	s0 =	simm.s32 @!p2 $0x0  }
0x16: {  	s3 =	sld [smem:$0x3FDB];
	s0 =	simm.s32 @p2 $0x1  }
0x17: {  	s4 =	simm.s32 $0x1BF5;
	[smem:$0x3FBB] =	sst s0  }
0x18: {  	s0 =	sld [smem:$0x3F9E];
	_ =	swait.ge [sflag:s4], $0x0  }
0x19: {  	s7 =	sld [smem:$0x3F9F]  }
0x1a: {  	s8 =	sadd.s32 $0xFFFFE003, lr  }
0x1b: {  	s9 =	sadd.s32 $0xFFFFFEF7, lr;
	s5 =	simm.s32 $0xFFFFFFFF;
	p2 =	slt.u32 s8, $0xFFFFF086  }
0x1c: {  	p1 =	slt.u32 s9, $0xF7A;
	s5 =	simm.s32 @!p2 $0x0  }
0x1d: {  	s5 =	simm.s32 @p1 $0x1;
	p0 =	seq.s32 s7, s2  }
0x1e: {  	s7 =	smul.u32 @!p0 $0xF7A, s2;
	p2 =	seq.s32 @!p0 s5, $0x0  }
0x1f: {  	s9 =	smul.u32 $0xF7A, s1;
	s8 =	simm.s32 @!p0 $0x1BF5;
	p2 =	por !p2, p0  }
0x20: {  	[sflag:s8] =	ssyncset.s32 @!p0 $0xFFFFF086;
	s6 =	sadd.s32 @!p0 s3, s7;
	s7 =	simm.s32 @!p0 $0x108  }
0x21: {  	s3 =	sadd.s32 s3, s9;
	s6 =	sadd.s32 @!p0 $0x88, s6;
	s7 =	simm.s32 @p2 $0x1082  }
0x22: {  	[simem:s7], [sflag:s8] =	dma.local @!p0 [hbm:s6], $0xF7A  }
0x23: {  	s9 =	sor.u32 $0xD0000000, s2;
	s6 =	simm.s32 $0x108;
	_ =	swait.ge @!p0 [sflag:s8], $0x0  }
0x24: {  	s3 =	sadd.s32 $0x88, s3;
	s6 =	simm.s32 @!p1 $0x1082;
	[sflag:s4] =	ssyncset.s32 $0xFFFFF086  }
0x25: {  	[simem:s6], [sflag:s4] =	dma.local [hbm:s3], $0xF7A  }
0x26: {  	[smem:$0x3F9F] =	sst s1;
	(tag) =	ssettag s2;
	_ =	strace s9  }
0x27: {  	s1 =	sld [smem:$0x3FAF]  }
0x28: {  	s2 =	sld [smem:$0x3FB0]  }
0x29: {  	s4 =	sld [smem:$0x3FB2]  }
0x2a: {  	p0 =	seq.s32 s5, $0x0;
	s5 =	sld [smem:$0x3FB3]  }
0x2b: {  	s6 =	sld [smem:$0x3FB4]  }
0x2c: {  	s7 =	sld [smem:$0x3FB5]  }
0x2d: {  	s3 =	simm.s32 $0x108;
	s8 =	sld [smem:$0x3FB6]  }
0x2e: {  	s3 =	simm.s32 @!p0 $0x1082;
	s9 =	sld [smem:$0x3FB7]  }
0x2f: {  	lr =	sadd.s32 s0, s3;
	s0 =	sld [smem:$0x3FAE]  }
0x30: {  	s3 =	sld [smem:$0x3FB1]  }
0x31: {  	[smem:$0x3FBA] =	sst s10  }
0x32: {  	s10 =	sld [smem:$0x3FB8];
	_ =	sdelay $0x3  }
0x33: {  	p0 =	seq.s32 s10, $0x1;
	s10 =	sld [smem:$0x3FBA];
	_ =	sdelay $0x3  }
0x34: {  	[smem:$0x3FBA] =	sst s10  }
0x35: {  	s10 =	sld [smem:$0x3FB9];
	_ =	sdelay $0x3  }
0x36: {  	p1 =	seq.s32 s10, $0x1;
	s10 =	sld [smem:$0x3FBA];
	_ =	sdelay $0x3  }
0x37: {  	[smem:$0x3FBA] =	sst s10  }
0x38: {  	s10 =	sld [smem:$0x3FBB]  }
0x39: {  	_ = 	snop;
	(pc) =	sbr.ind lr, $3  }
0x3a: {  	_ = 	snop  }
0x3b: {  	_ = 	snop  }
0x3c: {  	p2 =	seq.s32 s10, $0x1;
	s10 =	sld [smem:$0x3FBA]  }
0x3d: {  	_ =	shalt  }
0x3e: {  	_ =	shalt  }
0x3f: {  	_ =	shalt  }
0x40: {  	_ =	shalt  }
0x41: {  	_ =	shalt  }
0x42: {  	_ =	shalt  }
0x43: {  	_ =	shalt  }
0x44: {  	_ =	shalt  }
0x45: {  	_ =	shalt  }
0x46: {  	_ =	shalt  }
0x47: {  	_ =	shalt  }
0x48: {  	_ =	shalt  }
0x49: {  	_ =	shalt  }
0x4a: {  	_ =	shalt  }
0x4b: {  	_ =	shalt  }
0x4c: {  	_ =	shalt  }
0x4d: {  	_ =	shalt  }
0x4e: {  	_ =	shalt  }
0x4f: {  	_ =	shalt  }
0x50: {  	_ =	shalt  }
0x51: {  	_ =	shalt  }
0x52: {  	_ =	shalt  }
0x53: {  	_ =	shalt  }
0x54: {  	_ =	shalt  }
0x55: {  	_ =	shalt  }
0x56: {  	_ =	shalt  }
0x57: {  	_ =	shalt  }
0x58: {  	_ =	shalt  }
0x59: {  	_ =	shalt  }
0x5a: {  	_ =	shalt  }
0x5b: {  	_ =	shalt  }
0x5c: {  	_ =	shalt  }
0x5d: {  	_ =	shalt  }
0x5e: {  	_ =	shalt  }
0x5f: {  	_ =	shalt  }
0x60: {  	_ =	shalt  }
0x61: {  	_ =	shalt  }
0x62: {  	_ =	shalt  }
0x63: {  	_ =	shalt  }
0x64: {  	_ =	shalt  }
0x65: {  	_ =	shalt  }
0x66: {  	_ =	shalt  }
0x67: {  	_ =	shalt  }
0x68: {  	_ =	shalt  }
0x69: {  	_ =	shalt  }
0x6a: {  	_ =	shalt  }
0x6b: {  	_ =	shalt  }
0x6c: {  	_ =	shalt  }
0x6d: {  	_ =	shalt  }
0x6e: {  	_ =	shalt  }
0x6f: {  	_ =	shalt  }
0x70: {  	_ =	shalt  }
0x71: {  	_ =	shalt  }
0x72: {  	_ =	shalt  }
0x73: {  	_ =	shalt  }
0x74: {  	_ =	shalt  }
0x75: {  	_ =	shalt  }
0x76: {  	_ =	shalt  }
0x77: {  	_ =	shalt  }
0x78: {  	_ =	shalt  }
0x79: {  	_ =	shalt  }
0x7a: {  	_ =	shalt  }
0x7b: {  	_ =	shalt  }
0x7c: {  	_ =	shalt  }
0x7d: {  	_ =	shalt  }
0x7e: {  	_ =	shalt  }
0x7f: {  	_ =	shalt  }
0x80: {  	_ =	shalt  }
0x81: {  	_ =	shalt  }
0x82: {  	_ =	shalt  }
0x83: {  	_ =	shalt  }
0x84: {  	_ =	shalt  }
0x85: {  	_ =	shalt  }
0x86: {  	_ =	shalt  }
0x87: {  	_ =	shalt  }
.Lfunc_end0:
.L_simem_size_0:
called_computation_lowered:
.L_overlay_start_0:
0x88: {  	s2 =	sld [smem:$0x3FD9]  }
0x89: {  	s3 =	sld [smem:$0x3FFE];
	_ =	sdelay $0x1  }
0x8a: {  	s1 =	srdreg.scid  }
0x8b: {  	s0 =	sand.u32 $0x1, s1  }
0x8c: {  	s18 =	sshll.u32 s0, $0xA;
	s2 =	sadd.s32 s3, s2  }
0x8d: {  	s2 =	sadd.s32 s2, s18  }
0x8e: {  	[smem:$0x3FC6] =	sst s2  }
0x8f: {  	_ = 	snop  }
0x90: {  	s2 =	sld [smem:$0x3FC9]  }
0x91: {  	s19 =	sld [smem:$0x3FC8]  }
0x92: {  	s4 =	sld [smem:$0x3FD0];
	(tm) =	ssettm $0x1  }
0x93: {  	s5 =	sld [smem:$0x3FFB];
	_ =	sdelay $0x3  }
0x94: {  	_ =	strace s5  }
0x95: {  	s5 =	sld [smem:$0x3FFC];
	_ =	sdelay $0x3  }
0x96: {  	_ =	strace s5  }
0x97: {  	s5 =	sld [smem:$0x3FFD];
	_ =	sdelay $0x3  }
0x98: {  	_ =	strace s5  }
0x99: {  	_ =	strace $0x8FFFFFFF  }
0x9a: {  	s20 =	sld [smem:$0x3FDB];
	_ =	sdelay $0x1  }
0x9b: {  	s6 =	simm.s32 $_scs_section_size  }
0x9c: {  	s7 =	simm.s32 $_size__tile_overlayer_lowered;
	s8 =	simm.s32 $_tile_overlayer_lowered  }
0x9d: {  	s23 =	simm.s32 $0x1BFF;
	s22 =	sshll.u32 s8, $0x1;
	s5 =	sadd.s32 s6, s20  }
0x9e: {  	s9 =	simm.s32 $0x0;
	s21 =	sshll.u32 s7, $0x1;
	s7 =	sadd.s32 s22, s5  }
0x9f: {  	[timem:s9], [sflag:s23] =	dma.local [hbm:s7], s21  }
0xa0: {  	_ =	swait.ge [sflag:s23], s21  }
0xa1: {  	s6 =	ssub.s32 $0x0, s21;
	[sflag:s23] =	ssyncset.done $0x0  }
0xa2: {  	[sflag:s23] =	ssyncadd.s32 s6;
	_ =	sdelay $0x1  }
0xa3: {  	s24 =	simm.s32 $0x1B8B  }
0xa4: {  	_ =	swait.ge [sflag:s24], $0x1  }
0xa5: {  	[sflag:s24] =	ssyncset.done $0x0  }
0xa6: {  	s25 =	simm.s32 $0x1B8E;
	[sflag:s24] =	ssyncadd.s32 $0xFFFFFFFF  }
0xa7: {  	s26 =	simm.s32 $execute0_lowered;
	[smem:$0x3FD2] =	sst s25  }
0xa8: {  	s6 =	sshll.u32 s26, $0x1;
	_ =	strace $0x80000046;
	[dreg:$0x1] =	wrdreg $0xFFFFFFFF  }
0xa9: {  	s28 =	simm.s32 $_size_execute0_lowered;
	s5 =	sadd.s32 s5, s6;
	[dreg:$0x0] =	wrdreg $0x0  }
0xaa: {  	s6 =	sshll.u32 s28, $0x1;
	[dreg:$0x2] =	wrdreg s5  }
0xab: {  	[dreg:$0x3] =	wrdreg s6  }
0xac: {  	[dreg:$0x4] =	wrdreg $0xC0  }
0xad: {  	_ =	task [dreg:s9], $0x5FFFF  }
0xae: {  	[dreg:$0x1] =	wrdreg $0xFFFFFFFF  }
0xaf: {  	[dreg:$0x0] =	wrdreg $0x60  }
0xb0: {  	[dreg:$0x2] =	wrdreg s2  }
0xb1: {  	[dreg:$0x3] =	wrdreg s19  }
0xb2: {  	[dreg:$0x4] =	wrdreg s4  }
0xb3: {  	[dreg:$0x5] =	wrdreg $0x9  }
0xb4: {  	_ =	task.clear_ibuf [dreg:s9], $0x6FFFF;
	_ =	strace $0x90000046  }
0xb5: {  	s29 =	simm.s32 $0x9;
	_ =	strace $0x80000048  }
0xb6: {  	_ =	swait.ge [sflag:s29], $0x1  }
0xb7: {  	[sflag:s29] =	ssyncadd.s32 $0xFFFFFFFF  }
0xb8: {  	_ =	strace $0x90000048  }
0xb9: {  	_ =	sfence  }
0xba: {  	s30 =	sld [smem:$0x0];
	_ =	sdelay $0x2  }
0xbb: {  	s31 =	sshll.u32 s1, $0xD;
	s1 =	sshrl.u32 s1, $0x2  }
0xbc: {  	s3 =	sand.u32 $0x4000, s31;
	s1 =	sadd.s32 s1, s30  }
0xbd: {  	s0 =	sor.u32 s3, s0;
	s1 =	sshll.u32 s1, $0x11  }
0xbe: {  	s0 =	sor.u32 s1, s0  }
0xbf: {  	s0 =	sadd.s32 $0x8F2B, s0  }
0xc0: {  	[sflag:s0] =	ssyncadd.remote.s32 $0x1  }
0xc1: {  	_ =	sfence.sel $0xFFFF  }
0xc2: {  	[dreg:$0x0] =	wrdreg $0xFFFFFFFF;
	(pc) =	sbr.abs _section_cstart, $3  }
0xc3: {  	[dreg:$0x1] =	wrdreg $0xFFFFFFFF  }
0xc4: {  	_ =	task.clear_ibuf [dreg:s9], $0x2FFFF;
	_ =	strace $0x9FFFFFFF  }
0xc5: {  	(tm) =	ssettm $0x7FFFFFFF  }
tec
execute0_lowered:
.L_overlay_start_1:
0x0: {  	(tag) =	ssettag $0x1  }
0x1: {  	s5 =	rddreg [dreg:$0x0]  }
0x2: {  	s6 =	rddreg [dreg:$0x1]  }
0x3: {  	s3 =	rddreg [dreg:$0x2]  }
0x4: {  	s1 =	simm.s32 $0x0;
	s0 =	srdreg.scid;
	s2 =	stileid.u32  }
0x5: {  	s29 =	simm.s32 $0x4000;
	s31 =	simm.s32 $0x3;
	s8 =	simm.s32 $0xD000  }
0x6: {  	s9 =	simm.s32 $0xE000;
	s11 =	simm.s32 $0xF000;
	s14 =	simm.s32 $0x10000  }
0x7: {  	s15 =	simm.s32 $0x11000;
	s30 =	simm.s32 $0x16000;
	s10 =	simm.s32 $0x1B000  }
0x8: {  	s12 =	simm.s32 $0x0;
	[smem:$0x7FF] =	sst s1;
	s19 =	sadd.s32 $0x10, s5  }
0x9: {  	s20 =	sadd.s32 $0x20, s5;
	_ =	strace $0x80000047;
	[dreg:$0x5] =	wrdreg s19  }
0xa: {  	s0 =	sand.u32 $0x1, s0;
	s21 =	sadd.s32 $0x30, s5;
	[dreg:$0x8] =	wrdreg s20  }
0xb: {  	s2 =	sshll.u32 s2, $0x8;
	s22 =	sadd.s32 $0x40, s5;
	[dreg:$0xa] =	wrdreg s21  }
0xc: {  	s24 =	sadd.s32 $0x50, s5;
	s25 =	sadd.s32 $0x60, s5;
	[dreg:$0xb] =	wrdreg s22  }
0xd: {  	s26 =	sadd.s32 $0x10, s6;
	s6 =	simm.s32 $0x19000;
	[dreg:$0xe] =	wrdreg s24  }
0xe: {  	s16 =	ssub.s32 $0x2, s0;
	s0 =	sshll.u32 s0, $0x7;
	[dreg:$0x10] =	wrdreg s25  }
0xf: {  	[dreg:$0x14] =	wrdreg s26;
	s4 =	sshrl.u32 s16, $0x1;
	s2 =	sor.u32 s0, s2  }
0x10: {  	s26 =	simm.s32 $0x80;
	s17 =	ssub.s32 s16, s4;
	s18 =	sshll.u32 s2, $0x8  }
0x11: {  	[dreg:$0x4] =	wrdreg s2;
	s28 =	sor.u32 $0x8, s2;
	s2 =	simm.s32 $0x8000  }
0x12: {  	s7 =	sadd.s32 s5, s18;
	s4 =	sadd.s32 s18, s19;
	[dreg:$0x15] =	wrdreg s28  }
0x13: {  	s23 =	sadd.s32 s18, s22;
	s5 =	sadd.s32 $0x70, s5;
	[dreg:$0x6] =	wrdreg s7  }
0x14: {  	s0 =	smax.u32 s17, $0x1;
	s17 =	simm.s32 $0x12000;
	[dreg:$0x7] =	wrdreg s4  }
0x15: {  	s22 =	simm.s32 $0x14000;
	s4 =	sadd.s32 s18, s20;
	[dreg:$0xd] =	wrdreg s23  }
0x16: {  	[dreg:$0x11] =	wrdreg s5;
	s1 =	sadd.s32 s18, s5;
	s23 =	sadd.s32 $0x400, s3  }
0x17: {  	[dreg:$0x16] =	wrdreg s0;
	s5 =	simm.s32 $0xC000;
	s20 =	simm.s32 $0x13000  }
.Ltmp0:
0x18: {  	s7 =	simm.s32 $0x1A000;
	[dreg:$0x9] =	wrdreg s4;
	(pc) =	sbr.rel .LBB2_1-.Ltmp0, $4  }
0x19: {  	s4 =	sadd.s32 s18, s21;
	[dreg:$0x13] =	wrdreg s1;
	s21 =	simm.s32 $0x4  }
0x1a: {  	s1 =	simm.s32 $0x17000;
	[dreg:$0xc] =	wrdreg s4;
	s4 =	sadd.s32 s18, s24  }
0x1b: {  	s24 =	simm.s32 $0x18000;
	[dreg:$0xf] =	wrdreg s4;
	s4 =	sadd.s32 s18, s25  }
0x1c: {  	s25 =	simm.s32 $0x15000;
	[dreg:$0x12] =	wrdreg s4;
	s4 =	simm.s32 $0x100  }
.LBB2_16:
0x1d: {  	_ =	swait.ge [sflag:s31], $0x1000  }
0x1e: {  	[sflag:s31] =	ssyncset.done $0x0  }
0x1f: {  	[sflag:s31] =	ssyncadd.s32 $0xFFFFF000  }
0x20: {  	_ =	swait.ge [sflag:s31], $0x1000  }
0x21: {  	[sflag:s31] =	ssyncset.done $0x0  }
0x22: {  	[sflag:s31] =	ssyncadd.s32 $0xFFFFF000  }
0x23: {  	_ =	swait.ge [sflag:s31], $0x1000  }
0x24: {  	[sflag:s31] =	ssyncset.done $0x0  }
0x25: {  	[sflag:s31] =	ssyncadd.s32 $0xFFFFF000  }
0x26: {  	_ =	swait.ge [sflag:s31], $0x1000  }
0x27: {  	[sflag:s31] =	ssyncset.done $0x0  }
0x28: {  	[sflag:s31] =	ssyncadd.s32 $0xFFFFF000  }
0x29: {  	_ =	swait.ge [sflag:s31], $0x1000  }
0x2a: {  	[sflag:s31] =	ssyncset.done $0x0  }
0x2b: {  	[sflag:s31] =	ssyncadd.s32 $0xFFFFF000  }
0x2c: {  	_ =	swait.ge [sflag:s31], $0x1000  }
0x2d: {  	[sflag:s31] =	ssyncset.done $0x0  }
0x2e: {  	[sflag:s31] =	ssyncadd.s32 $0xFFFFF000  }
0x2f: {  	_ =	swait.ge [sflag:s31], $0x1000  }
0x30: {  	[sflag:s31] =	ssyncset.done $0x0  }
0x31: {  	[sflag:s31] =	ssyncadd.s32 $0xFFFFF000  }
0x32: {  	_ =	swait.ge [sflag:s31], $0x1000  }
0x33: {  	[sflag:s31] =	ssyncset.done $0x0  }
0x34: {  	[sflag:s31] =	ssyncadd.s32 $0xFFFFF000  }
0x35: {  	_ =	swait.ge [sflag:s21], $0x1000  }
0x36: {  	[sflag:s21] =	ssyncset.done $0x0  }
0x37: {  	[sflag:s21] =	ssyncadd.s32 $0xFFFFF000  }
0x38: {  	_ =	swait.ge [sflag:s21], $0x1000  }
0x39: {  	[sflag:s21] =	ssyncset.done $0x0  }
0x3a: {  	[sflag:s21] =	ssyncadd.s32 $0xFFFFF000  }
0x3b: {  	_ =	swait.ge [sflag:s21], $0x1000  }
0x3c: {  	[sflag:s21] =	ssyncset.done $0x0  }
0x3d: {  	[sflag:s21] =	ssyncadd.s32 $0xFFFFF000  }
0x3e: {  	_ =	swait.ge [sflag:s21], $0x1000  }
0x3f: {  	[sflag:s21] =	ssyncset.done $0x0  }
0x40: {  	[sflag:s21] =	ssyncadd.s32 $0xFFFFF000  }
0x41: {  	_ =	swait.ge [sflag:s21], $0x1000  }
0x42: {  	[sflag:s21] =	ssyncset.done $0x0  }
0x43: {  	[sflag:s21] =	ssyncadd.s32 $0xFFFFF000  }
0x44: {  	_ =	swait.ge [sflag:s21], $0x1000  }
0x45: {  	[sflag:s21] =	ssyncset.done $0x0  }
0x46: {  	[sflag:s21] =	ssyncadd.s32 $0xFFFFF000  }
0x47: {  	_ =	swait.ge [sflag:s21], $0x1000  }
0x48: {  	[sflag:s21] =	ssyncset.done $0x0  }
0x49: {  	[sflag:s21] =	ssyncadd.s32 $0xFFFFF000  }
0x4a: {  	_ =	swait.ge [sflag:s21], $0x1000  }
0x4b: {  	s12 =	rddreg [dreg:$0x17]  }
0x4c: {  	s0 =	rddreg [dreg:$0x16];
	s12 =	sadd.s32 $0x1, s12  }
0x4d: {  	p0 =	sne.s32 s12, s0  }
.Ltmp1:
0x4e: {  	_ = 	snop;
	(pc) =	sbr.rel @!p0 .LBB2_17-.Ltmp1, $3  }
0x4f: {  	_ =	sdelay $0x1  }
0x50: {  	[sflag:s21] =	ssyncset.done $0x0  }
0x51: {  	[sflag:s21] =	ssyncadd.s32 $0xFFFFF000  }
.LBB2_1:
0x52: {  	[dreg:$0x17] =	wrdreg s12  }
0x53: {  	s0 =	rddreg [dreg:$0x6];
	s12 =	simm.s32 $0x400  }
0x54: {  	[tilespmem:s29], [sflag:$0x1] =	stream.strided.gather [hbm4b:s0+s26], $0x800, s12, s26, $0x38;
	[tilespmem:$0x1C000] =	vst v63  }
0x55: {  	s28 =	rddreg [dreg:$0x7];
	s13 =	simm.s32 $0x4800  }
0x56: {  	[tilespmem:s13], [sflag:$0x1] =	stream.strided.gather [hbm4b:s28+s26], $0x800, s12, s26, $0x38;
	[tilespmem:$0x1C000] =	vst v63  }
0x57: {  	s16 =	rddreg [dreg:$0x9];
	s18 =	simm.s32 $0x5000  }
0x58: {  	[tilespmem:s18], [sflag:$0x1] =	stream.strided.gather [hbm4b:s16+s26], $0x800, s12, s26, $0x38;
	[tilespmem:$0x1C000] =	vst v63  }
0x59: {  	s19 =	rddreg [dreg:$0xc];
	s28 =	simm.s32 $0x5800  }
0x5a: {  	[tilespmem:s28], [sflag:$0x1] =	stream.strided.gather [hbm4b:s19+s26], $0x800, s12, s26, $0x38;
	[tilespmem:$0x1C000] =	vst v63  }
0x5b: {  	s16 =	rddreg [dreg:$0xd];
	s18 =	simm.s32 $0x6000  }
0x5c: {  	[tilespmem:s18], [sflag:$0x1] =	stream.strided.gather [hbm4b:s16+s26], $0x800, s12, s26, $0x38;
	[tilespmem:$0x1C000] =	vst v63  }
0x5d: {  	s19 =	rddreg [dreg:$0xf];
	s28 =	simm.s32 $0x6800  }
0x5e: {  	[tilespmem:s28], [sflag:$0x1] =	stream.strided.gather [hbm4b:s19+s26], $0x800, s12, s26, $0x38;
	[tilespmem:$0x1C000] =	vst v63  }
0x5f: {  	s16 =	rddreg [dreg:$0x12];
	s18 =	simm.s32 $0x7000  }
0x60: {  	[tilespmem:s18], [sflag:$0x1] =	stream.strided.gather [hbm4b:s16+s26], $0x800, s12, s26, $0x38;
	[tilespmem:$0x1C000] =	vst v63  }
0x61: {  	s19 =	rddreg [dreg:$0x13];
	s28 =	simm.s32 $0x7800  }
0x62: {  	[tilespmem:s28], [sflag:$0x1] =	stream.strided.gather [hbm4b:s19+s26], $0x800, s12, s26, $0x38;
	[tilespmem:$0x1C000] =	vst v63  }
0x63: {  	s13 =	rddreg [dreg:$0x1];
	s16 =	simm.s32 $0x0;
	s18 =	simm.s32 $0x5  }
0x64: {  	[tilespmem:s16], [sflag:$0x5] =	stream.strided.gather [hbm4b:s13+s26], $0x2000, s4, s26, $0x38;
	[tilespmem:$0x1C000] =	vst v63  }
0x65: {  	_ =	swait.ge [sflag:s18], $0x2000  }
0x66: {  	s28 =	simm.s32 $0x2000;
	[sflag:s18] =	ssyncset.done $0x0  }
.Ltmp2:
0x67: {  	s19 =	rddreg [dreg:$0x14];
	[sflag:s18] =	ssyncadd.s32 $0xFFFFE000;
	(pc) =	sbr.rel .LBB2_2-.Ltmp2, $4  }
0x68: {  	[tilespmem:s28], [sflag:$0x5] =	stream.strided.gather [hbm4b:s19+s26], $0x2000, s4, s26, $0x38;
	[tilespmem:$0x1C000] =	vst v63  }
0x69: {  	_ =	swait.ge [sflag:s18], $0x2000  }
0x6a: {  	[sflag:s18] =	ssyncset.done $0x0  }
0x6b: {  	s19 =	simm.s32 $0x0;
	[sflag:s18] =	ssyncadd.s32 $0xFFFFE000  }
.LBB2_15:
0x6c: {  	s19 =	rddreg [dreg:$0x18]  }
0x6d: {  	s19 =	sadd.s32 $0x1, s19  }
0x6e: {  	p0 =	sne.s32 s19, $0x10  }
.Ltmp3:
0x6f: {  	_ = 	snop;
	(pc) =	sbr.rel @!p0 .LBB2_16-.Ltmp3, $1  }
0x70: {  	_ =	sdelay $0x3  }
.LBB2_2:
0x71: {  	s0 =	sand.u32 $0x1, s19  }
0x72: {  	p0 =	seq.s32 s0, $0x1  }
.Ltmp4:
0x73: {  	_ = 	snop;
	(pc) =	sbr.rel @!p0 .LBB2_3-.Ltmp4, $3  }
0x74: {  	_ =	sdelay $0x1  }
0x75: {  	s12 =	sshll.u32 s19, $0x3;
	s28 =	rddreg [dreg:$0x4]  }
0x76: {  	[dreg:$0x18] =	wrdreg s19;
	s0 =	sor.u32 s28, s12  }
0x77: {  	s16 =	simm.s32 $0x2  }
0x78: {  	_ =	swait.ge [sflag:s16], $0x800  }
0x79: {  	[sflag:s16] =	ssyncset.done $0x0  }
0x7a: {  	[sflag:s16] =	ssyncadd.s32 $0xFFFFF800  }
0x7b: {  	_ =	swait.ge [sflag:s16], $0x800  }
0x7c: {  	[sflag:s16] =	ssyncset.done $0x0  }
0x7d: {  	[sflag:s16] =	ssyncadd.s32 $0xFFFFF800  }
0x7e: {  	_ =	swait.ge [sflag:s16], $0x800  }
0x7f: {  	[sflag:s16] =	ssyncset.done $0x0  }
0x80: {  	[sflag:s16] =	ssyncadd.s32 $0xFFFFF800  }
0x81: {  	_ =	swait.ge [sflag:s16], $0x800  }
0x82: {  	[sflag:s16] =	ssyncset.done $0x0  }
0x83: {  	[sflag:s16] =	ssyncadd.s32 $0xFFFFF800  }
0x84: {  	_ =	swait.ge [sflag:s16], $0x800  }
0x85: {  	[sflag:s16] =	ssyncset.done $0x0  }
0x86: {  	[sflag:s16] =	ssyncadd.s32 $0xFFFFF800  }
0x87: {  	_ =	swait.ge [sflag:s16], $0x800  }
0x88: {  	[sflag:s16] =	ssyncset.done $0x0  }
0x89: {  	[sflag:s16] =	ssyncadd.s32 $0xFFFFF800  }
0x8a: {  	_ =	swait.ge [sflag:s16], $0x800  }
0x8b: {  	[sflag:s16] =	ssyncset.done $0x0  }
0x8c: {  	[sflag:s16] =	ssyncadd.s32 $0xFFFFF800  }
0x8d: {  	_ =	swait.ge [sflag:s16], $0x800  }
0x8e: {  	p0 =	seq.s32 s19, $0xF;
	s13 =	rddreg [dreg:$0x15];
	[sflag:s16] =	ssyncset.done $0x0  }
0x8f: {  	s12 =	sadd.s32 @!p0 s12, s13;
	[sflag:s16] =	ssyncadd.s32 $0xFFFFF800  }
0x90: {  	s18 =	simm.s32 @!p0 $0x400;
	s12 =	sshll.u32 @!p0 s12, $0x8;
	s13 =	rddreg [dreg:$0x0]  }
0x91: {  	s19 =	simm.s32 @!p0 $0x4000;
	s16 =	simm.s32 @!p0 $0x80;
	s13 =	sadd.s32 @!p0 s13, s12  }
0x92: {  	[tilespmem:s19], [sflag:$0x1] =	stream.strided.gather @!p0 [hbm4b:s13+s16], $0x800, s18, s16, $0x38;
	[tilespmem:$0x1C000] =	vst v63  }
0x93: {  	s13 =	rddreg [dreg:$0x5]  }
0x94: {  	s19 =	simm.s32 @!p0 $0x4800;
	s13 =	sadd.s32 @!p0 s12, s13  }
0x95: {  	[tilespmem:s19], [sflag:$0x1] =	stream.strided.gather @!p0 [hbm4b:s13+s16], $0x800, s18, s16, $0x38;
	[tilespmem:$0x1C000] =	vst v63  }
0x96: {  	s13 =	rddreg [dreg:$0x8]  }
0x97: {  	s19 =	simm.s32 @!p0 $0x5000;
	s13 =	sadd.s32 @!p0 s12, s13  }
0x98: {  	[tilespmem:s19], [sflag:$0x1] =	stream.strided.gather @!p0 [hbm4b:s13+s16], $0x800, s18, s16, $0x38;
	[tilespmem:$0x1C000] =	vst v63  }
0x99: {  	s13 =	rddreg [dreg:$0xa]  }
0x9a: {  	s19 =	simm.s32 @!p0 $0x5800;
	s13 =	sadd.s32 @!p0 s12, s13  }
0x9b: {  	[tilespmem:s19], [sflag:$0x1] =	stream.strided.gather @!p0 [hbm4b:s13+s16], $0x800, s18, s16, $0x38;
	[tilespmem:$0x1C000] =	vst v63  }
0x9c: {  	s13 =	rddreg [dreg:$0xb]  }
0x9d: {  	s19 =	simm.s32 @!p0 $0x6000;
	s13 =	sadd.s32 @!p0 s12, s13  }
0x9e: {  	[tilespmem:s19], [sflag:$0x1] =	stream.strided.gather @!p0 [hbm4b:s13+s16], $0x800, s18, s16, $0x38;
	[tilespmem:$0x1C000] =	vst v63  }
0x9f: {  	s13 =	rddreg [dreg:$0xe]  }
0xa0: {  	s19 =	simm.s32 @!p0 $0x6800;
	s13 =	sadd.s32 @!p0 s12, s13  }
0xa1: {  	[tilespmem:s19], [sflag:$0x1] =	stream.strided.gather @!p0 [hbm4b:s13+s16], $0x800, s18, s16, $0x38;
	[tilespmem:$0x1C000] =	vst v63  }
0xa2: {  	s13 =	rddreg [dreg:$0x10]  }
0xa3: {  	s19 =	simm.s32 @!p0 $0x7000;
	s13 =	sadd.s32 @!p0 s12, s13  }
0xa4: {  	[tilespmem:s19], [sflag:$0x1] =	stream.strided.gather @!p0 [hbm4b:s13+s16], $0x800, s18, s16, $0x38;
	[tilespmem:$0x1C000] =	vst v63  }
0xa5: {  	s13 =	rddreg [dreg:$0x11]  }
0xa6: {  	s12 =	sadd.s32 @!p0 s12, s13;
	s13 =	simm.s32 @!p0 $0x7800  }
0xa7: {  	[tilespmem:s13], [sflag:$0x1] =	stream.strided.gather @!p0 [hbm4b:s12+s16], $0x800, s18, s16, $0x38;
	[tilespmem:$0x1C000] =	vst v63  }
0xa8: {  	p1 =	por $0x1, $0x1;
	s16 =	sshll.u32 s0, $0xE;
	s18 =	simm.s32 $0x0  }
.LBB2_10:
0xa9: {  	_ =	swait.ge [sflag:s31], $0x1000  }
0xaa: {  	[sflag:s31] =	ssyncset.done $0x0  }
0xab: {  	[sflag:s31] =	ssyncadd.s32 $0xFFFFF000  }
0xac: {  	_ =	swait.ge [sflag:s31], $0x1000  }
0xad: {  	[sflag:s31] =	ssyncset.done $0x0  }
0xae: {  	[sflag:s31] =	ssyncadd.s32 $0xFFFFF000  }
0xaf: {  	_ =	swait.ge [sflag:s31], $0x1000  }
0xb0: {  	[sflag:s31] =	ssyncset.done $0x0  }
0xb1: {  	[sflag:s31] =	ssyncadd.s32 $0xFFFFF000  }
0xb2: {  	_ =	swait.ge [sflag:s31], $0x1000  }
0xb3: {  	[sflag:s31] =	ssyncset.done $0x0  }
0xb4: {  	[sflag:s31] =	ssyncadd.s32 $0xFFFFF000  }
0xb5: {  	_ =	swait.ge [sflag:s31], $0x1000  }
0xb6: {  	[sflag:s31] =	ssyncset.done $0x0  }
0xb7: {  	[sflag:s31] =	ssyncadd.s32 $0xFFFFF000  }
0xb8: {  	_ =	swait.ge [sflag:s31], $0x1000  }
0xb9: {  	s0 =	sshll.u32 s18, $0xF;
	[sflag:s31] =	ssyncset.done $0x0  }
0xba: {  	s19 =	sshrl.u32 s0, $0x2;
	[sflag:s31] =	ssyncadd.s32 $0xFFFFF000  }
0xbb: {  	s0 =	sor.u32 $0x70, s19;
	_ =	swait.ge [sflag:s31], $0x1000  }
0xbc: {  	v0 =	vmov s0;
	[sflag:s31] =	ssyncset.done $0x0  }
0xbd: {  	[sflag:s31] =	ssyncadd.s32 $0xFFFFF000  }
0xbe: {  	_ =	swait.ge [sflag:s31], $0x1000  }
0xbf: {  	[sflag:s31] =	ssyncset.done $0x0  }
0xc0: {  	s28 =	simm.s32 $0x0;
	[sflag:s31] =	ssyncadd.s32 $0xFFFFF000  }
0xc1: {  	v8 =	vld.idx.msk [tilespmem:v0+s28+$0x0 ss:$0x1], $0xffff  }
0xc2: {  	v7 =	vld.idx.msk [tilespmem:v0+s28+$0xFFFFFF90 ss:$0x1], $0xffff  }
0xc3: {  	v6 =	vld.idx.msk [tilespmem:v0+s28+$0xFFFFFFA0 ss:$0x1], $0xffff  }
0xc4: {  	v5 =	vld.idx.msk [tilespmem:v0+s28+$0xFFFFFFB0 ss:$0x1], $0xffff  }
0xc5: {  	v4 =	vld.idx.msk [tilespmem:v0+s28+$0xFFFFFFC0 ss:$0x1], $0xffff  }
0xc6: {  	v3 =	vld.idx.msk [tilespmem:v0+s28+$0xFFFFFFD0 ss:$0x1], $0xffff  }
0xc7: {  	v2 =	vld.idx.msk [tilespmem:v0+s28+$0xFFFFFFE0 ss:$0x1], $0xffff  }
0xc8: {  	v1 =	vld.idx.msk [tilespmem:v0+s28+$0xFFFFFFF0 ss:$0x1], $0xffff  }
0xc9: {  	v9 =	vld.idx.msk [tilespmem:v8+s2+$0x0], $0xffff  }
0xca: {  	v10 =	vld.idx.msk [tilespmem:v7+s2+$0x0], $0xffff  }
0xcb: {  	v11 =	vld.idx.msk [tilespmem:v6+s2+$0x0], $0xffff  }
0xcc: {  	v12 =	vadd.s32 $0x800, v8;
	v13 =	vld.idx.msk [tilespmem:v5+s2+$0x0], $0xffff  }
0xcd: {  	v14 =	vadd.s32 $0x800, v7;
	v15 =	vld.idx.msk [tilespmem:v4+s2+$0x0], $0xffff  }
0xce: {  	v16 =	vadd.s32 $0x800, v6;
	v17 =	vld.idx.msk [tilespmem:v3+s2+$0x0], $0xffff  }
0xcf: {  	v18 =	vadd.s32 $0x800, v5;
	v19 =	vld.idx.msk [tilespmem:v2+s2+$0x0], $0xffff;
	[tilespmem:s28+$0xC070] =	vst v9  }
0xd0: {  	v62 =	vadd.s32 $0x800, v3;
	[tilespmem:s28+$0xC010] =	vst v11;
	v11 =	vld.idx.msk [tilespmem:v1+s2+$0x0], $0xffff  }
0xd1: {  	v20 =	vadd.s32 $0x800, v2;
	[tilespmem:s28+$0xC000] =	vst v10;
	v10 =	vld.idx.msk [tilespmem:v12+s2+$0x0], $0xffff  }
0xd2: {  	v9 =	vadd.s32 $0x800, v4;
	[tilespmem:s28+$0xC020] =	vst v13;
	v14 =	vld.idx.msk [tilespmem:v14+s2+$0x0], $0xffff  }
0xd3: {  	v23 =	vadd.s32 $0x800, v1;
	[tilespmem:s28+$0xC030] =	vst v15;
	v16 =	vld.idx.msk [tilespmem:v16+s2+$0x0], $0xffff  }
0xd4: {  	v63 =	vadd.s32 $0x1000, v8;
	[tilespmem:s28+$0xC040] =	vst v17;
	v18 =	vld.idx.msk [tilespmem:v18+s2+$0x0], $0xffff  }
0xd5: {  	v24 =	vadd.s32 $0x1000, v7;
	[tilespmem:s28+$0xC050] =	vst v19;
	v12 =	vld.idx.msk [tilespmem:v62+s2+$0x0], $0xffff  }
0xd6: {  	v25 =	vadd.s32 $0x1000, v6;
	v27 =	vld.idx.msk [tilespmem:v20+s2+$0x0], $0xffff;
	[tilespmem:s28+$0xC060] =	vst v11  }
0xd7: {  	v29 =	vadd.s32 $0x1000, v3;
	v9 =	vld.idx.msk [tilespmem:v9+s2+$0x0], $0xffff;
	[tilespmem:s28+$0xD070] =	vst v10  }
0xd8: {  	v30 =	vadd.s32 $0x1000, v2;
	[tilespmem:s28+$0xD000] =	vst v14;
	v15 =	vld.idx.msk [tilespmem:v23+s2+$0x0], $0xffff  }
0xd9: {  	v10 =	vadd.s32 $0x1000, v5;
	[tilespmem:s28+$0xD010] =	vst v16;
	v11 =	vld.idx.msk [tilespmem:v63+s2+$0x0], $0xffff  }
0xda: {  	v26 =	vadd.s32 $0x1000, v4;
	[tilespmem:s28+$0xD020] =	vst v18;
	v17 =	vld.idx.msk [tilespmem:v24+s2+$0x0], $0xffff  }
0xdb: {  	v28 =	vadd.s32 $0x1800, v8;
	[tilespmem:s28+$0xD040] =	vst v12;
	v19 =	vld.idx.msk [tilespmem:v25+s2+$0x0], $0xffff  }
0xdc: {  	v31 =	vadd.s32 $0x1800, v7;
	[tilespmem:s28+$0xD050] =	vst v27;
	v20 =	vld.idx.msk [tilespmem:v29+s2+$0x0], $0xffff  }
0xdd: {  	v37 =	vadd.s32 $0x1800, v3;
	v34 =	vld.idx.msk [tilespmem:v30+s2+$0x0], $0xffff;
	[tilespmem:s28+$0xD030] =	vst v9  }
0xde: {  	v9 =	vadd.s32 $0x1000, v1;
	v10 =	vld.idx.msk [tilespmem:v10+s2+$0x0], $0xffff;
	[tilespmem:s28+$0xD060] =	vst v15  }
0xdf: {  	v13 =	vld.idx.msk [tilespmem:v26+s2+$0x0], $0xffff;
	[tilespmem:s28+$0xE070] =	vst v11;
	v11 =	vadd.s32 $0x1800, v6  }
0xe0: {  	v33 =	vadd.s32 $0x1800, v5;
	[tilespmem:s28+$0xE000] =	vst v17;
	v32 =	vld.idx.msk [tilespmem:v28+s2+$0x0], $0xffff  }
0xe1: {  	v36 =	vadd.s32 $0x1800, v4;
	[tilespmem:s28+$0xE040] =	vst v20;
	v12 =	vld.idx.msk [tilespmem:v31+s2+$0x0], $0xffff  }
0xe2: {  	v35 =	vadd.s32 $0x2000, v8;
	[tilespmem:s28+$0xE010] =	vst v19;
	v41 =	vld.idx.msk [tilespmem:v37+s2+$0x0], $0xffff  }
0xe3: {  	v39 =	vadd.s32 $0x2000, v7;
	[tilespmem:s28+$0xE050] =	vst v34;
	v9 =	vld.idx.msk [tilespmem:v9+s2+$0x0], $0xffff  }
0xe4: {  	v44 =	vadd.s32 $0x2000, v3;
	[tilespmem:s28+$0xE020] =	vst v10;
	v11 =	vld.idx.msk [tilespmem:v11+s2+$0x0], $0xffff  }
0xe5: {  	v10 =	vadd.s32 $0x1800, v2;
	[tilespmem:s28+$0xE030] =	vst v13;
	v16 =	vld.idx.msk [tilespmem:v33+s2+$0x0], $0xffff  }
0xe6: {  	v38 =	vadd.s32 $0x1800, v1;
	v18 =	vld.idx.msk [tilespmem:v36+s2+$0x0], $0xffff;
	[tilespmem:s28+$0xF070] =	vst v32  }
0xe7: {  	v40 =	vadd.s32 $0x2000, v6;
	[tilespmem:s28+$0xF000] =	vst v12;
	v17 =	vld.idx.msk [tilespmem:v35+s2+$0x0], $0xffff  }
0xe8: {  	v42 =	vadd.s32 $0x2000, v5;
	[tilespmem:s28+$0xF040] =	vst v41;
	v14 =	vld.idx.msk [tilespmem:v39+s2+$0x0], $0xffff  }
0xe9: {  	v43 =	vadd.s32 $0x2000, v4;
	v13 =	vld.idx.msk [tilespmem:v44+s2+$0x0], $0xffff;
	[tilespmem:s28+$0xE060] =	vst v9  }
0xea: {  	v9 =	vadd.s32 $0x2800, v8;
	v10 =	vld.idx.msk [tilespmem:v10+s2+$0x0], $0xffff;
	[tilespmem:s28+$0xF010] =	vst v11  }
0xeb: {  	v47 =	vadd.s32 $0x2800, v7;
	v11 =	vld.idx.msk [tilespmem:v38+s2+$0x0], $0xffff;
	[tilespmem:s28+$0xF020] =	vst v16  }
0xec: {  	v51 =	vadd.s32 $0x2800, v3;
	[tilespmem:s28+$0xF030] =	vst v18;
	v20 =	vld.idx.msk [tilespmem:v40+s2+$0x0], $0xffff  }
0xed: {  	v45 =	vadd.s32 $0x2000, v2;
	v19 =	vld.idx.msk [tilespmem:v42+s2+$0x0], $0xffff;
	[tilespmem:s28+$0x10070] =	vst v17  }
0xee: {  	v46 =	vadd.s32 $0x2000, v1;
	v12 =	vld.idx.msk [tilespmem:v43+s2+$0x0], $0xffff;
	[tilespmem:s28+$0x10000] =	vst v14  }
0xef: {  	v48 =	vadd.s32 $0x2800, v6;
	[tilespmem:s28+$0x10040] =	vst v13;
	v9 =	vld.idx.msk [tilespmem:v9+s2+$0x0], $0xffff  }
0xf0: {  	v50 =	vadd.s32 $0x2800, v4;
	v18 =	vld.idx.msk [tilespmem:v47+s2+$0x0], $0xffff;
	[tilespmem:s28+$0xF050] =	vst v10  }
0xf1: {  	v56 =	vld.idx.msk [tilespmem:v51+s2+$0x0], $0xffff;
	v10 =	vadd.s32 $0x3000, v8;
	[tilespmem:s28+$0xF060] =	vst v11  }
0xf2: {  	v53 =	vadd.s32 $0x3000, v7;
	v49 =	vld.idx.msk [tilespmem:v45+s2+$0x0], $0xffff;
	[tilespmem:s28+$0x10010] =	vst v20  }
0xf3: {  	v11 =	vadd.s32 $0x2800, v5;
	v17 =	vld.idx.msk [tilespmem:v46+s2+$0x0], $0xffff;
	[tilespmem:s28+$0x10020] =	vst v19  }
0xf4: {  	v52 =	vadd.s32 $0x2800, v1;
	[tilespmem:s28+$0x10030] =	vst v12;
	v15 =	vld.idx.msk [tilespmem:v48+s2+$0x0], $0xffff  }
0xf5: {  	v54 =	vld.idx.msk [tilespmem:v50+s2+$0x0], $0xffff;
	[tilespmem:s28+$0x11070] =	vst v9;
	v9 =	vadd.s32 $0x2800, v2  }
0xf6: {  	v55 =	vadd.s32 $0x3000, v6;
	[tilespmem:s28+$0x11000] =	vst v18;
	v10 =	vld.idx.msk [tilespmem:v10+s2+$0x0], $0xffff  }
0xf7: {  	v8 =	vadd.s32 $0x3800, v8;
	[tilespmem:s28+$0x11040] =	vst v56;
	v12 =	vld.idx.msk [tilespmem:v53+s2+$0x0], $0xffff  }
0xf8: {  	v58 =	vadd.s32 $0x3000, v4;
	v11 =	vld.idx.msk [tilespmem:v11+s2+$0x0], $0xffff;
	[tilespmem:s28+$0x10060] =	vst v17  }
0xf9: {  	v57 =	vadd.s32 $0x3000, v5;
	[tilespmem:s28+$0x10050] =	vst v49;
	v19 =	vld.idx.msk [tilespmem:v52+s2+$0x0], $0xffff  }
0xfa: {  	v7 =	vadd.s32 $0x3800, v7;
	[tilespmem:s28+$0x11010] =	vst v15;
	v9 =	vld.idx.msk [tilespmem:v9+s2+$0x0], $0xffff  }
0xfb: {  	v14 =	vld.idx.msk [tilespmem:v55+s2+$0x0], $0xffff;
	[tilespmem:s28+$0x12070] =	vst v10;
	v10 =	vadd.s32 $0x3000, v3  }
0xfc: {  	v59 =	vadd.s32 $0x3000, v2;
	[tilespmem:s28+$0x11030] =	vst v54;
	v8 =	vld.idx.msk [tilespmem:v8+s2+$0x0], $0xffff  }
0xfd: {  	v61 =	vld.idx.msk [tilespmem:v58+s2+$0x0], $0xffff;
	[tilespmem:s28+$0x11020] =	vst v11;
	v11 =	vadd.s32 $0x3000, v1  }
0xfe: {  	v6 =	vadd.s32 $0x3800, v6;
	[tilespmem:s28+$0x12000] =	vst v12;
	v60 =	vld.idx.msk [tilespmem:v57+s2+$0x0], $0xffff  }
0xff: {  	v62 =	vadd.s32 $0x3800, v4;
	[tilespmem:s28+$0x11050] =	vst v9;
	v9 =	vld.idx.msk [tilespmem:v7+s2+$0x0], $0xffff  }
0x100: {  	v5 =	vadd.s32 $0x3800, v5;
	[tilespmem:s28+$0x11060] =	vst v19;
	v10 =	vld.idx.msk [tilespmem:v10+s2+$0x0], $0xffff  }
0x101: {  	v15 =	vld.idx.msk [tilespmem:v59+s2+$0x0], $0xffff;
	[tilespmem:s28+$0x13070] =	vst v8;
	v8 =	vadd.s32 $0x3800, v3  }
0x102: {  	v63 =	vadd.s32 $0x3800, v2;
	[tilespmem:s28+$0x12010] =	vst v14;
	v11 =	vld.idx.msk [tilespmem:v11+s2+$0x0], $0xffff  }
0x103: {  	v2 =	vadd.s32 $0x3800, v1;
	[tilespmem:s28+$0x12030] =	vst v61;
	v4 =	vld.idx.msk [tilespmem:v6+s2+$0x0], $0xffff  }
0x104: {  	v3 =	vld.idx.msk [tilespmem:v62+s2+$0x0], $0xffff;
	[tilespmem:s28+$0x12020] =	vst v60  }
0x105: {  	v6 =	vld.idx.msk [tilespmem:v5+s2+$0x0], $0xffff;
	[tilespmem:s28+$0x12040] =	vst v10  }
0x106: {  	[tilespmem:s28+$0x12050] =	vst v15;
	v7 =	vld.idx.msk [tilespmem:v8+s2+$0x0], $0xffff  }
0x107: {  	p0 =	por p1, p1;
	s12 =	simm.s32 $0x200;
	s0 =	simm.s32 $0x0;
	v5 =	vld.idx.msk [tilespmem:v63+s2+$0x0], $0xffff;
	[tilespmem:s28+$0x12060] =	vst v11  }
.LBB2_11:
0x108: {  	s13 =	sshra.s32 s12, $0x2;
	s0 =	sadd.s32 $0x80, s0;
	[tilespmem:s28+$0x13000] =	vst v9;
	v2 =	vld.idx.msk [tilespmem:v2+s2+$0x0], $0xffff  }
0x109: {  	v1 =	vld.idx.msk [tilespmem:v0+s13+$0x0 ss:$0x1], $0xffff;
	p1 =	slt.u32 s0, $0xF80;
	[tilespmem:s28+$0x13010] =	vst v4  }
0x10a: {  	v4 =	vld.idx.msk [tilespmem:v0+s13+$0xFFFFFF90 ss:$0x1], $0xffff;
	[tilespmem:s28+$0x13020] =	vst v6  }
0x10b: {  	v6 =	vld.idx.msk [tilespmem:v0+s13+$0xFFFFFFA0 ss:$0x1], $0xffff;
	[tilespmem:s28+$0x13030] =	vst v3  }
0x10c: {  	v3 =	vld.idx.msk [tilespmem:v0+s13+$0xFFFFFFB0 ss:$0x1], $0xffff;
	[tilespmem:s28+$0x13040] =	vst v7  }
0x10d: {  	v7 =	vld.idx.msk [tilespmem:v0+s13+$0xFFFFFFC0 ss:$0x1], $0xffff;
	[tilespmem:s28+$0x13050] =	vst v5  }
0x10e: {  	v5 =	vld.idx.msk [tilespmem:v0+s13+$0xFFFFFFD0 ss:$0x1], $0xffff;
	[tilespmem:s28+$0x13060] =	vst v2;
	s28 =	smov.u32 s13  }
0x10f: {  	v2 =	vld.idx.msk [tilespmem:v0+s28+$0xFFFFFFE0 ss:$0x1], $0xffff  }
0x110: {  	v8 =	vadd.s32 $0x800, v4;
	v17 =	vadd.s32 $0x1000, v4;
	v18 =	vadd.s32 $0x1800, v4;
	v19 =	vld.idx.msk [tilespmem:v0+s28+$0xFFFFFFF0 ss:$0x1], $0xffff  }
0x111: {  	v9 =	vadd.s32 $0x800, v6;
	v20 =	vadd.s32 $0x1000, v6;
	v21 =	vadd.s32 $0x1800, v6;
	v10 =	vld.idx.msk [tilespmem:v1+s2+$0x0], $0xffff  }
0x112: {  	v12 =	vadd.s32 $0x800, v3;
	v22 =	vadd.s32 $0x1000, v3;
	v23 =	vadd.s32 $0x1800, v3;
	v11 =	vld.idx.msk [tilespmem:v4+s2+$0x0], $0xffff  }
0x113: {  	v14 =	vadd.s32 $0x800, v1;
	v24 =	vadd.s32 $0x800, v7;
	v25 =	vadd.s32 $0x1000, v7;
	v13 =	vld.idx.msk [tilespmem:v6+s2+$0x0], $0xffff  }
0x114: {  	v26 =	vadd.s32 $0x1800, v7;
	v27 =	vadd.s32 $0x800, v5;
	v28 =	vadd.s32 $0x1000, v5;
	v15 =	vld.idx.msk [tilespmem:v3+s2+$0x0], $0xffff  }
0x115: {  	v29 =	vadd.s32 $0x1800, v5;
	v30 =	vadd.s32 $0x800, v2;
	v31 =	vadd.s32 $0x1000, v2;
	v16 =	vld.idx.msk [tilespmem:v7+s2+$0x0], $0xffff  }
0x116: {  	v33 =	vadd.s32 $0x1800, v2;
	v34 =	vadd.s32 $0x800, v19;
	v35 =	vadd.s32 $0x1000, v19;
	v32 =	vld.idx.msk [tilespmem:v5+s2+$0x0], $0xffff  }
0x117: {  	v36 =	vadd.s32 $0x2000, v4;
	v37 =	vadd.s32 $0x2000, v6;
	v39 =	vadd.s32 $0x1800, v19;
	v38 =	vld.idx.msk [tilespmem:v2+s2+$0x0], $0xffff;
	[tilespmem:s28+$0xC070] =	vst v10  }
0x118: {  	v40 =	vadd.s32 $0x2000, v3;
	v41 =	vadd.s32 $0x2000, v7;
	v42 =	vadd.s32 $0x2000, v5;
	[tilespmem:s28+$0xC000] =	vst v11;
	v43 =	vld.idx.msk [tilespmem:v14+s2+$0x0], $0xffff  }
0x119: {  	v44 =	vadd.s32 $0x2800, v4;
	v45 =	vadd.s32 $0x2000, v2;
	v47 =	vadd.s32 $0x2000, v19;
	[tilespmem:s28+$0xC010] =	vst v13;
	v46 =	vld.idx.msk [tilespmem:v19+s2+$0x0], $0xffff  }
0x11a: {  	v51 =	vadd.s32 $0x1000, v1;
	v49 =	vadd.s32 $0x2800, v6;
	v50 =	vadd.s32 $0x2800, v3;
	v48 =	vld.idx.msk [tilespmem:v8+s2+$0x0], $0xffff;
	[tilespmem:s28+$0xC020] =	vst v15  }
0x11b: {  	v53 =	vadd.s32 $0x2800, v7;
	v54 =	vadd.s32 $0x2800, v5;
	v52 =	vld.idx.msk [tilespmem:v9+s2+$0x0], $0xffff;
	[tilespmem:s28+$0xC030] =	vst v16;
	v16 =	vadd.s32 $0x2800, v2  }
0x11c: {  	v14 =	vadd.s32 $0x3000, v4;
	v11 =	vadd.s32 $0x3000, v6;
	v55 =	vld.idx.msk [tilespmem:v12+s2+$0x0], $0xffff;
	[tilespmem:s28+$0xC040] =	vst v32;
	v32 =	vadd.s32 $0x2800, v19  }
0x11d: {  	v10 =	vadd.s32 $0x3000, v5;
	v15 =	vadd.s32 $0x3000, v3;
	v12 =	vadd.s32 $0x3000, v7;
	v24 =	vld.idx.msk [tilespmem:v24+s2+$0x0], $0xffff;
	[tilespmem:s28+$0xC050] =	vst v38  }
0x11e: {  	v4 =	vadd.s32 $0x3800, v4;
	v13 =	vadd.s32 $0x3000, v2;
	v9 =	vadd.s32 $0x3000, v19;
	v27 =	vld.idx.msk [tilespmem:v27+s2+$0x0], $0xffff;
	[tilespmem:s28+$0xD070] =	vst v43  }
0x11f: {  	v8 =	vadd.s32 $0x3800, v6;
	v6 =	vadd.s32 $0x3800, v3;
	v3 =	vadd.s32 $0x3800, v7;
	[tilespmem:s28+$0xC060] =	vst v46;
	v38 =	vld.idx.msk [tilespmem:v51+s2+$0x0], $0xffff  }
0x120: {  	v7 =	vadd.s32 $0x3800, v5;
	v5 =	vadd.s32 $0x3800, v2;
	v2 =	vadd.s32 $0x3800, v19;
	[tilespmem:s28+$0xD000] =	vst v48;
	v30 =	vld.idx.msk [tilespmem:v30+s2+$0x0], $0xffff  }
0x121: {  	[tilespmem:s28+$0xD010] =	vst v52;
	v19 =	vld.idx.msk [tilespmem:v34+s2+$0x0], $0xffff;
	v34 =	vadd.s32 $0x1800, v1  }
0x122: {  	v17 =	vld.idx.msk [tilespmem:v17+s2+$0x0], $0xffff;
	[tilespmem:s28+$0xD020] =	vst v55  }
0x123: {  	v20 =	vld.idx.msk [tilespmem:v20+s2+$0x0], $0xffff;
	[tilespmem:s28+$0xD030] =	vst v24  }
0x124: {  	v22 =	vld.idx.msk [tilespmem:v22+s2+$0x0], $0xffff;
	[tilespmem:s28+$0xD040] =	vst v27  }
0x125: {  	v24 =	vld.idx.msk [tilespmem:v25+s2+$0x0], $0xffff;
	[tilespmem:s28+$0xE070] =	vst v38  }
0x126: {  	[tilespmem:s28+$0xD050] =	vst v30;
	v25 =	vld.idx.msk [tilespmem:v34+s2+$0x0], $0xffff  }
0x127: {  	v27 =	vld.idx.msk [tilespmem:v28+s2+$0x0], $0xffff;
	[tilespmem:s28+$0xD060] =	vst v19  }
0x128: {  	v19 =	vadd.s32 $0x2000, v1;
	[tilespmem:s28+$0xE000] =	vst v17;
	v17 =	vld.idx.msk [tilespmem:v31+s2+$0x0], $0xffff  }
0x129: {  	[tilespmem:s28+$0xE010] =	vst v20;
	v20 =	vld.idx.msk [tilespmem:v35+s2+$0x0], $0xffff  }
0x12a: {  	v18 =	vld.idx.msk [tilespmem:v18+s2+$0x0], $0xffff;
	[tilespmem:s28+$0xE020] =	vst v22  }
0x12b: {  	v21 =	vld.idx.msk [tilespmem:v21+s2+$0x0], $0xffff;
	[tilespmem:s28+$0xE030] =	vst v24  }
0x12c: {  	v22 =	vld.idx.msk [tilespmem:v23+s2+$0x0], $0xffff;
	[tilespmem:s28+$0xF070] =	vst v25  }
0x12d: {  	[tilespmem:s28+$0xE040] =	vst v27;
	v19 =	vld.idx.msk [tilespmem:v19+s2+$0x0], $0xffff  }
0x12e: {  	v23 =	vld.idx.msk [tilespmem:v26+s2+$0x0], $0xffff;
	[tilespmem:s28+$0xE050] =	vst v17  }
0x12f: {  	v17 =	vld.idx.msk [tilespmem:v29+s2+$0x0], $0xffff;
	[tilespmem:s28+$0xE060] =	vst v20;
	v20 =	vadd.s32 $0x2800, v1  }
0x130: {  	[tilespmem:s28+$0xF000] =	vst v18;
	v18 =	vld.idx.msk [tilespmem:v33+s2+$0x0], $0xffff  }
0x131: {  	[tilespmem:s28+$0xF010] =	vst v21;
	v21 =	vld.idx.msk [tilespmem:v39+s2+$0x0], $0xffff  }
0x132: {  	v24 =	vld.idx.msk [tilespmem:v36+s2+$0x0], $0xffff;
	[tilespmem:s28+$0xF020] =	vst v22  }
0x133: {  	v22 =	vld.idx.msk [tilespmem:v37+s2+$0x0], $0xffff;
	[tilespmem:s28+$0x10070] =	vst v19  }
0x134: {  	[tilespmem:s28+$0xF030] =	vst v23;
	v19 =	vld.idx.msk [tilespmem:v20+s2+$0x0], $0xffff  }
0x135: {  	v20 =	vld.idx.msk [tilespmem:v40+s2+$0x0], $0xffff;
	[tilespmem:s28+$0xF040] =	vst v17  }
0x136: {  	v17 =	vld.idx.msk [tilespmem:v41+s2+$0x0], $0xffff;
	[tilespmem:s28+$0xF050] =	vst v18;
	v18 =	vadd.s32 $0x3000, v1  }
0x137: {  	v23 =	vld.idx.msk [tilespmem:v42+s2+$0x0], $0xffff;
	[tilespmem:s28+$0xF060] =	vst v21  }
0x138: {  	[tilespmem:s28+$0x10000] =	vst v24;
	v21 =	vld.idx.msk [tilespmem:v45+s2+$0x0], $0xffff  }
0x139: {  	[tilespmem:s28+$0x10010] =	vst v22;
	v22 =	vld.idx.msk [tilespmem:v47+s2+$0x0], $0xffff  }
0x13a: {  	v24 =	vld.idx.msk [tilespmem:v44+s2+$0x0], $0xffff;
	[tilespmem:s28+$0x11070] =	vst v19  }
0x13b: {  	[tilespmem:s28+$0x10020] =	vst v20;
	v18 =	vld.idx.msk [tilespmem:v18+s2+$0x0], $0xffff  }
0x13c: {  	v19 =	vld.idx.msk [tilespmem:v49+s2+$0x0], $0xffff;
	[tilespmem:s28+$0x10030] =	vst v17  }
0x13d: {  	v1 =	vadd.s32 $0x3800, v1;
	v17 =	vld.idx.msk [tilespmem:v50+s2+$0x0], $0xffff;
	[tilespmem:s28+$0x10040] =	vst v23  }
0x13e: {  	v20 =	vld.idx.msk [tilespmem:v53+s2+$0x0], $0xffff;
	[tilespmem:s28+$0x10050] =	vst v21  }
0x13f: {  	v21 =	vld.idx.msk [tilespmem:v54+s2+$0x0], $0xffff;
	[tilespmem:s28+$0x10060] =	vst v22  }
0x140: {  	[tilespmem:s28+$0x11000] =	vst v24;
	v16 =	vld.idx.msk [tilespmem:v16+s2+$0x0], $0xffff  }
0x141: {  	v22 =	vld.idx.msk [tilespmem:v32+s2+$0x0], $0xffff;
	[tilespmem:s28+$0x12070] =	vst v18  }
0x142: {  	[tilespmem:s28+$0x11010] =	vst v19;
	v1 =	vld.idx.msk [tilespmem:v1+s2+$0x0], $0xffff  }
0x143: {  	v14 =	vld.idx.msk [tilespmem:v14+s2+$0x0], $0xffff;
	[tilespmem:s28+$0x11020] =	vst v17  }
0x144: {  	v11 =	vld.idx.msk [tilespmem:v11+s2+$0x0], $0xffff;
	[tilespmem:s28+$0x11030] =	vst v20  }
0x145: {  	v15 =	vld.idx.msk [tilespmem:v15+s2+$0x0], $0xffff;
	[tilespmem:s28+$0x11040] =	vst v21  }
0x146: {  	v12 =	vld.idx.msk [tilespmem:v12+s2+$0x0], $0xffff;
	[tilespmem:s28+$0x11050] =	vst v16  }
0x147: {  	v10 =	vld.idx.msk [tilespmem:v10+s2+$0x0], $0xffff;
	[tilespmem:s28+$0x11060] =	vst v22  }
0x148: {  	v13 =	vld.idx.msk [tilespmem:v13+s2+$0x0], $0xffff;
	[tilespmem:s28+$0x13070] =	vst v1  }
0x149: {  	[tilespmem:s28+$0x12000] =	vst v14;
	v1 =	vld.idx.msk [tilespmem:v9+s2+$0x0], $0xffff  }
0x14a: {  	v9 =	vld.idx.msk [tilespmem:v4+s2+$0x0], $0xffff;
	[tilespmem:s28+$0x12010] =	vst v11  }
.Ltmp5:
0x14b: {  	v4 =	vld.idx.msk [tilespmem:v8+s2+$0x0], $0xffff;
	[tilespmem:s28+$0x12020] =	vst v15;
	(pc) =	sbr.rel @p1 .LBB2_11-.Ltmp5, $4  }
0x14c: {  	v6 =	vld.idx.msk [tilespmem:v6+s2+$0x0], $0xffff;
	[tilespmem:s28+$0x12030] =	vst v12  }
0x14d: {  	v3 =	vld.idx.msk [tilespmem:v3+s2+$0x0], $0xffff;
	[tilespmem:s28+$0x12040] =	vst v10  }
0x14e: {  	v7 =	vld.idx.msk [tilespmem:v7+s2+$0x0], $0xffff;
	[tilespmem:s28+$0x12050] =	vst v13  }
0x14f: {  	s12 =	sadd.s32 $0x200, s12;
	v5 =	vld.idx.msk [tilespmem:v5+s2+$0x0], $0xffff;
	[tilespmem:s28+$0x12060] =	vst v1  }
0x150: {  	_ =	sdelay $0x2  }
0x151: {  	[tilespmem:s28+$0x13000] =	vst v9  }
0x152: {  	v0 =	vld.idx.msk [tilespmem:v2+s2+$0x0], $0xffff;
	[tilespmem:s28+$0x13010] =	vst v4  }
0x153: {  	[tilespmem:s28+$0x13020] =	vst v6  }
0x154: {  	s0 =	sshll.u32 s18, $0x7;
	[tilespmem:s28+$0x13030] =	vst v3  }
0x155: {  	s0 =	sor.u32 s16, s0;
	[tilespmem:s28+$0x13040] =	vst v7  }
0x156: {  	s18 =	sshrl.u32 s0, $0x3;
	[tilespmem:s28+$0x13050] =	vst v5  }
0x157: {  	s0 =	sadd.s32 s3, s18;
	s13 =	sor.u32 $0x800, s18;
	[tilespmem:s28+$0x13060] =	vst v0  }
0x158: {  	[hbm4b:s0+s26] =	stream.strided.scatter [tilespmem:s5], [sflag:$0x3], $0x1000, s4, s26, $0x38;
	[tilespmem:$0x1C000] =	vst v63  }
0x159: {  	s28 =	sor.u32 $0x1000, s18;
	s0 =	sadd.s32 s3, s13  }
0x15a: {  	[hbm4b:s0+s26] =	stream.strided.scatter [tilespmem:s8], [sflag:$0x3], $0x1000, s4, s26, $0x38;
	[tilespmem:$0x1C000] =	vst v63  }
0x15b: {  	s12 =	sor.u32 $0x1800, s18;
	s0 =	sadd.s32 s3, s28  }
0x15c: {  	[hbm4b:s0+s26] =	stream.strided.scatter [tilespmem:s9], [sflag:$0x3], $0x1000, s4, s26, $0x38;
	[tilespmem:$0x1C000] =	vst v63  }
0x15d: {  	s13 =	sor.u32 $0x2000, s18;
	s0 =	sadd.s32 s3, s12  }
0x15e: {  	[hbm4b:s0+s26] =	stream.strided.scatter [tilespmem:s11], [sflag:$0x3], $0x1000, s4, s26, $0x38;
	[tilespmem:$0x1C000] =	vst v63  }
0x15f: {  	s28 =	sor.u32 $0x2800, s18;
	s0 =	sadd.s32 s3, s13  }
0x160: {  	[hbm4b:s0+s26] =	stream.strided.scatter [tilespmem:s14], [sflag:$0x3], $0x1000, s4, s26, $0x38;
	[tilespmem:$0x1C000] =	vst v63  }
0x161: {  	s12 =	sor.u32 $0x3000, s18;
	s0 =	sadd.s32 s3, s28  }
0x162: {  	[hbm4b:s0+s26] =	stream.strided.scatter [tilespmem:s15], [sflag:$0x3], $0x1000, s4, s26, $0x38;
	[tilespmem:$0x1C000] =	vst v63  }
0x163: {  	s13 =	sor.u32 $0x3800, s18;
	s0 =	sadd.s32 s3, s12  }
0x164: {  	[hbm4b:s0+s26] =	stream.strided.scatter [tilespmem:s17], [sflag:$0x3], $0x1000, s4, s26, $0x38;
	[tilespmem:$0x1C000] =	vst v63  }
0x165: {  	s0 =	sadd.s32 s3, s13  }
0x166: {  	[hbm4b:s0+s26] =	stream.strided.scatter [tilespmem:s20], [sflag:$0x3], $0x1000, s4, s26, $0x38;
	[tilespmem:$0x1C000] =	vst v63  }
0x167: {  	_ =	swait.ge [sflag:s21], $0x1000  }
0x168: {  	[sflag:s21] =	ssyncset.done $0x0  }
0x169: {  	[sflag:s21] =	ssyncadd.s32 $0xFFFFF000  }
0x16a: {  	_ =	swait.ge [sflag:s21], $0x1000  }
0x16b: {  	[sflag:s21] =	ssyncset.done $0x0  }
0x16c: {  	[sflag:s21] =	ssyncadd.s32 $0xFFFFF000  }
0x16d: {  	_ =	swait.ge [sflag:s21], $0x1000  }
0x16e: {  	[sflag:s21] =	ssyncset.done $0x0  }
0x16f: {  	[sflag:s21] =	ssyncadd.s32 $0xFFFFF000  }
0x170: {  	_ =	swait.ge [sflag:s21], $0x1000  }
0x171: {  	[sflag:s21] =	ssyncset.done $0x0  }
0x172: {  	[sflag:s21] =	ssyncadd.s32 $0xFFFFF000  }
0x173: {  	_ =	swait.ge [sflag:s21], $0x1000  }
0x174: {  	[sflag:s21] =	ssyncset.done $0x0  }
0x175: {  	[sflag:s21] =	ssyncadd.s32 $0xFFFFF000  }
0x176: {  	_ =	swait.ge [sflag:s21], $0x1000  }
0x177: {  	[sflag:s21] =	ssyncset.done $0x0  }
0x178: {  	[sflag:s21] =	ssyncadd.s32 $0xFFFFF000  }
0x179: {  	s28 =	sadd.s32 $0x1070, s19;
	_ =	swait.ge [sflag:s21], $0x1000  }
0x17a: {  	v0 =	vmov s28;
	[sflag:s21] =	ssyncset.done $0x0  }
0x17b: {  	[sflag:s21] =	ssyncadd.s32 $0xFFFFF000  }
0x17c: {  	_ =	swait.ge [sflag:s21], $0x1000  }
0x17d: {  	[sflag:s21] =	ssyncset.done $0x0  }
0x17e: {  	s19 =	simm.s32 $0x0;
	[sflag:s21] =	ssyncadd.s32 $0xFFFFF000  }
0x17f: {  	v8 =	vld.idx.msk [tilespmem:v0+s19+$0x0 ss:$0x1], $0xffff  }
0x180: {  	v7 =	vld.idx.msk [tilespmem:v0+s19+$0xFFFFFF90 ss:$0x1], $0xffff  }
0x181: {  	v6 =	vld.idx.msk [tilespmem:v0+s19+$0xFFFFFFA0 ss:$0x1], $0xffff  }
0x182: {  	v5 =	vld.idx.msk [tilespmem:v0+s19+$0xFFFFFFB0 ss:$0x1], $0xffff  }
0x183: {  	v4 =	vld.idx.msk [tilespmem:v0+s19+$0xFFFFFFC0 ss:$0x1], $0xffff  }
0x184: {  	v3 =	vld.idx.msk [tilespmem:v0+s19+$0xFFFFFFD0 ss:$0x1], $0xffff  }
0x185: {  	v2 =	vld.idx.msk [tilespmem:v0+s19+$0xFFFFFFE0 ss:$0x1], $0xffff  }
0x186: {  	v1 =	vld.idx.msk [tilespmem:v0+s19+$0xFFFFFFF0 ss:$0x1], $0xffff  }
0x187: {  	v9 =	vld.idx.msk [tilespmem:v8+s2+$0x0], $0xffff  }
0x188: {  	v10 =	vld.idx.msk [tilespmem:v7+s2+$0x0], $0xffff  }
0x189: {  	v11 =	vld.idx.msk [tilespmem:v6+s2+$0x0], $0xffff  }
0x18a: {  	v12 =	vadd.s32 $0x800, v8;
	v13 =	vld.idx.msk [tilespmem:v5+s2+$0x0], $0xffff  }
0x18b: {  	v14 =	vadd.s32 $0x800, v7;
	v15 =	vld.idx.msk [tilespmem:v4+s2+$0x0], $0xffff  }
0x18c: {  	v16 =	vadd.s32 $0x800, v6;
	v17 =	vld.idx.msk [tilespmem:v3+s2+$0x0], $0xffff  }
0x18d: {  	v18 =	vadd.s32 $0x800, v5;
	v19 =	vld.idx.msk [tilespmem:v2+s2+$0x0], $0xffff;
	[tilespmem:s19+$0x14070] =	vst v9  }
0x18e: {  	v62 =	vadd.s32 $0x800, v3;
	[tilespmem:s19+$0x14010] =	vst v11;
	v11 =	vld.idx.msk [tilespmem:v1+s2+$0x0], $0xffff  }
0x18f: {  	v20 =	vadd.s32 $0x800, v2;
	[tilespmem:s19+$0x14000] =	vst v10;
	v10 =	vld.idx.msk [tilespmem:v12+s2+$0x0], $0xffff  }
0x190: {  	v9 =	vadd.s32 $0x800, v4;
	[tilespmem:s19+$0x14020] =	vst v13;
	v14 =	vld.idx.msk [tilespmem:v14+s2+$0x0], $0xffff  }
0x191: {  	v23 =	vadd.s32 $0x800, v1;
	[tilespmem:s19+$0x14030] =	vst v15;
	v16 =	vld.idx.msk [tilespmem:v16+s2+$0x0], $0xffff  }
0x192: {  	v63 =	vadd.s32 $0x1000, v8;
	[tilespmem:s19+$0x14040] =	vst v17;
	v18 =	vld.idx.msk [tilespmem:v18+s2+$0x0], $0xffff  }
0x193: {  	v24 =	vadd.s32 $0x1000, v7;
	[tilespmem:s19+$0x14050] =	vst v19;
	v12 =	vld.idx.msk [tilespmem:v62+s2+$0x0], $0xffff  }
0x194: {  	v25 =	vadd.s32 $0x1000, v6;
	v27 =	vld.idx.msk [tilespmem:v20+s2+$0x0], $0xffff;
	[tilespmem:s19+$0x14060] =	vst v11  }
0x195: {  	v29 =	vadd.s32 $0x1000, v3;
	v9 =	vld.idx.msk [tilespmem:v9+s2+$0x0], $0xffff;
	[tilespmem:s19+$0x15070] =	vst v10  }
0x196: {  	v30 =	vadd.s32 $0x1000, v2;
	[tilespmem:s19+$0x15000] =	vst v14;
	v15 =	vld.idx.msk [tilespmem:v23+s2+$0x0], $0xffff  }
0x197: {  	v10 =	vadd.s32 $0x1000, v5;
	[tilespmem:s19+$0x15010] =	vst v16;
	v11 =	vld.idx.msk [tilespmem:v63+s2+$0x0], $0xffff  }
0x198: {  	v26 =	vadd.s32 $0x1000, v4;
	[tilespmem:s19+$0x15020] =	vst v18;
	v17 =	vld.idx.msk [tilespmem:v24+s2+$0x0], $0xffff  }
0x199: {  	v28 =	vadd.s32 $0x1800, v8;
	[tilespmem:s19+$0x15040] =	vst v12;
	v19 =	vld.idx.msk [tilespmem:v25+s2+$0x0], $0xffff  }
0x19a: {  	v31 =	vadd.s32 $0x1800, v7;
	[tilespmem:s19+$0x15050] =	vst v27;
	v20 =	vld.idx.msk [tilespmem:v29+s2+$0x0], $0xffff  }
0x19b: {  	v37 =	vadd.s32 $0x1800, v3;
	v34 =	vld.idx.msk [tilespmem:v30+s2+$0x0], $0xffff;
	[tilespmem:s19+$0x15030] =	vst v9  }
0x19c: {  	v9 =	vadd.s32 $0x1000, v1;
	v10 =	vld.idx.msk [tilespmem:v10+s2+$0x0], $0xffff;
	[tilespmem:s19+$0x15060] =	vst v15  }
0x19d: {  	v13 =	vld.idx.msk [tilespmem:v26+s2+$0x0], $0xffff;
	[tilespmem:s19+$0x16070] =	vst v11;
	v11 =	vadd.s32 $0x1800, v6  }
0x19e: {  	v33 =	vadd.s32 $0x1800, v5;
	[tilespmem:s19+$0x16000] =	vst v17;
	v32 =	vld.idx.msk [tilespmem:v28+s2+$0x0], $0xffff  }
0x19f: {  	v36 =	vadd.s32 $0x1800, v4;
	[tilespmem:s19+$0x16040] =	vst v20;
	v12 =	vld.idx.msk [tilespmem:v31+s2+$0x0], $0xffff  }
0x1a0: {  	v35 =	vadd.s32 $0x2000, v8;
	[tilespmem:s19+$0x16010] =	vst v19;
	v41 =	vld.idx.msk [tilespmem:v37+s2+$0x0], $0xffff  }
0x1a1: {  	v39 =	vadd.s32 $0x2000, v7;
	[tilespmem:s19+$0x16050] =	vst v34;
	v9 =	vld.idx.msk [tilespmem:v9+s2+$0x0], $0xffff  }
0x1a2: {  	v44 =	vadd.s32 $0x2000, v3;
	[tilespmem:s19+$0x16020] =	vst v10;
	v11 =	vld.idx.msk [tilespmem:v11+s2+$0x0], $0xffff  }
0x1a3: {  	v10 =	vadd.s32 $0x1800, v2;
	[tilespmem:s19+$0x16030] =	vst v13;
	v16 =	vld.idx.msk [tilespmem:v33+s2+$0x0], $0xffff  }
0x1a4: {  	v38 =	vadd.s32 $0x1800, v1;
	v18 =	vld.idx.msk [tilespmem:v36+s2+$0x0], $0xffff;
	[tilespmem:s19+$0x17070] =	vst v32  }
0x1a5: {  	v40 =	vadd.s32 $0x2000, v6;
	[tilespmem:s19+$0x17000] =	vst v12;
	v17 =	vld.idx.msk [tilespmem:v35+s2+$0x0], $0xffff  }
0x1a6: {  	v42 =	vadd.s32 $0x2000, v5;
	[tilespmem:s19+$0x17040] =	vst v41;
	v14 =	vld.idx.msk [tilespmem:v39+s2+$0x0], $0xffff  }
0x1a7: {  	v43 =	vadd.s32 $0x2000, v4;
	v13 =	vld.idx.msk [tilespmem:v44+s2+$0x0], $0xffff;
	[tilespmem:s19+$0x16060] =	vst v9  }
0x1a8: {  	v9 =	vadd.s32 $0x2800, v8;
	v10 =	vld.idx.msk [tilespmem:v10+s2+$0x0], $0xffff;
	[tilespmem:s19+$0x17010] =	vst v11  }
0x1a9: {  	v47 =	vadd.s32 $0x2800, v7;
	v11 =	vld.idx.msk [tilespmem:v38+s2+$0x0], $0xffff;
	[tilespmem:s19+$0x17020] =	vst v16  }
0x1aa: {  	v51 =	vadd.s32 $0x2800, v3;
	[tilespmem:s19+$0x17030] =	vst v18;
	v20 =	vld.idx.msk [tilespmem:v40+s2+$0x0], $0xffff  }
0x1ab: {  	v45 =	vadd.s32 $0x2000, v2;
	v19 =	vld.idx.msk [tilespmem:v42+s2+$0x0], $0xffff;
	[tilespmem:s19+$0x18070] =	vst v17  }
0x1ac: {  	v46 =	vadd.s32 $0x2000, v1;
	v12 =	vld.idx.msk [tilespmem:v43+s2+$0x0], $0xffff;
	[tilespmem:s19+$0x18000] =	vst v14  }
0x1ad: {  	v48 =	vadd.s32 $0x2800, v6;
	[tilespmem:s19+$0x18040] =	vst v13;
	v9 =	vld.idx.msk [tilespmem:v9+s2+$0x0], $0xffff  }
0x1ae: {  	v50 =	vadd.s32 $0x2800, v4;
	v18 =	vld.idx.msk [tilespmem:v47+s2+$0x0], $0xffff;
	[tilespmem:s19+$0x17050] =	vst v10  }
0x1af: {  	v56 =	vld.idx.msk [tilespmem:v51+s2+$0x0], $0xffff;
	v10 =	vadd.s32 $0x3000, v8;
	[tilespmem:s19+$0x17060] =	vst v11  }
0x1b0: {  	v53 =	vadd.s32 $0x3000, v7;
	v49 =	vld.idx.msk [tilespmem:v45+s2+$0x0], $0xffff;
	[tilespmem:s19+$0x18010] =	vst v20  }
0x1b1: {  	v11 =	vadd.s32 $0x2800, v5;
	v17 =	vld.idx.msk [tilespmem:v46+s2+$0x0], $0xffff;
	[tilespmem:s19+$0x18020] =	vst v19  }
0x1b2: {  	v52 =	vadd.s32 $0x2800, v1;
	[tilespmem:s19+$0x18030] =	vst v12;
	v15 =	vld.idx.msk [tilespmem:v48+s2+$0x0], $0xffff  }
0x1b3: {  	v54 =	vld.idx.msk [tilespmem:v50+s2+$0x0], $0xffff;
	[tilespmem:s19+$0x19070] =	vst v9;
	v9 =	vadd.s32 $0x2800, v2  }
0x1b4: {  	v55 =	vadd.s32 $0x3000, v6;
	[tilespmem:s19+$0x19000] =	vst v18;
	v10 =	vld.idx.msk [tilespmem:v10+s2+$0x0], $0xffff  }
0x1b5: {  	v8 =	vadd.s32 $0x3800, v8;
	[tilespmem:s19+$0x19040] =	vst v56;
	v12 =	vld.idx.msk [tilespmem:v53+s2+$0x0], $0xffff  }
0x1b6: {  	v58 =	vadd.s32 $0x3000, v4;
	v11 =	vld.idx.msk [tilespmem:v11+s2+$0x0], $0xffff;
	[tilespmem:s19+$0x18060] =	vst v17  }
0x1b7: {  	v57 =	vadd.s32 $0x3000, v5;
	[tilespmem:s19+$0x18050] =	vst v49;
	v19 =	vld.idx.msk [tilespmem:v52+s2+$0x0], $0xffff  }
0x1b8: {  	v7 =	vadd.s32 $0x3800, v7;
	[tilespmem:s19+$0x19010] =	vst v15;
	v9 =	vld.idx.msk [tilespmem:v9+s2+$0x0], $0xffff  }
0x1b9: {  	v14 =	vld.idx.msk [tilespmem:v55+s2+$0x0], $0xffff;
	[tilespmem:s19+$0x1A070] =	vst v10;
	v10 =	vadd.s32 $0x3000, v3  }
0x1ba: {  	v59 =	vadd.s32 $0x3000, v2;
	[tilespmem:s19+$0x19030] =	vst v54;
	v8 =	vld.idx.msk [tilespmem:v8+s2+$0x0], $0xffff  }
0x1bb: {  	v61 =	vld.idx.msk [tilespmem:v58+s2+$0x0], $0xffff;
	[tilespmem:s19+$0x19020] =	vst v11;
	v11 =	vadd.s32 $0x3000, v1  }
0x1bc: {  	v6 =	vadd.s32 $0x3800, v6;
	[tilespmem:s19+$0x1A000] =	vst v12;
	v60 =	vld.idx.msk [tilespmem:v57+s2+$0x0], $0xffff  }
0x1bd: {  	v62 =	vadd.s32 $0x3800, v4;
	[tilespmem:s19+$0x19050] =	vst v9;
	v9 =	vld.idx.msk [tilespmem:v7+s2+$0x0], $0xffff  }
0x1be: {  	v5 =	vadd.s32 $0x3800, v5;
	[tilespmem:s19+$0x19060] =	vst v19;
	v10 =	vld.idx.msk [tilespmem:v10+s2+$0x0], $0xffff  }
0x1bf: {  	v15 =	vld.idx.msk [tilespmem:v59+s2+$0x0], $0xffff;
	[tilespmem:s19+$0x1B070] =	vst v8;
	v8 =	vadd.s32 $0x3800, v3  }
0x1c0: {  	v63 =	vadd.s32 $0x3800, v2;
	[tilespmem:s19+$0x1A010] =	vst v14;
	v11 =	vld.idx.msk [tilespmem:v11+s2+$0x0], $0xffff  }
0x1c1: {  	v2 =	vadd.s32 $0x3800, v1;
	[tilespmem:s19+$0x1A030] =	vst v61;
	v4 =	vld.idx.msk [tilespmem:v6+s2+$0x0], $0xffff  }
0x1c2: {  	v3 =	vld.idx.msk [tilespmem:v62+s2+$0x0], $0xffff;
	[tilespmem:s19+$0x1A020] =	vst v60  }
0x1c3: {  	v6 =	vld.idx.msk [tilespmem:v5+s2+$0x0], $0xffff;
	[tilespmem:s19+$0x1A040] =	vst v10  }
0x1c4: {  	[tilespmem:s19+$0x1A050] =	vst v15;
	v7 =	vld.idx.msk [tilespmem:v8+s2+$0x0], $0xffff  }
0x1c5: {  	s12 =	simm.s32 $0x200;
	s0 =	simm.s32 $0x0;
	v5 =	vld.idx.msk [tilespmem:v63+s2+$0x0], $0xffff;
	[tilespmem:s19+$0x1A060] =	vst v11  }
.LBB2_13:
0x1c6: {  	s13 =	sshra.s32 s12, $0x2;
	s0 =	sadd.s32 $0x80, s0;
	[tilespmem:s19+$0x1B000] =	vst v9;
	v2 =	vld.idx.msk [tilespmem:v2+s2+$0x0], $0xffff  }
0x1c7: {  	v1 =	vld.idx.msk [tilespmem:v0+s13+$0x0 ss:$0x1], $0xffff;
	p1 =	slt.u32 s0, $0xF80;
	[tilespmem:s19+$0x1B010] =	vst v4  }
0x1c8: {  	v4 =	vld.idx.msk [tilespmem:v0+s13+$0xFFFFFF90 ss:$0x1], $0xffff;
	[tilespmem:s19+$0x1B020] =	vst v6  }
0x1c9: {  	v6 =	vld.idx.msk [tilespmem:v0+s13+$0xFFFFFFA0 ss:$0x1], $0xffff;
	[tilespmem:s19+$0x1B030] =	vst v3  }
0x1ca: {  	v3 =	vld.idx.msk [tilespmem:v0+s13+$0xFFFFFFB0 ss:$0x1], $0xffff;
	[tilespmem:s19+$0x1B040] =	vst v7  }
0x1cb: {  	v7 =	vld.idx.msk [tilespmem:v0+s13+$0xFFFFFFC0 ss:$0x1], $0xffff;
	[tilespmem:s19+$0x1B050] =	vst v5  }
0x1cc: {  	v5 =	vld.idx.msk [tilespmem:v0+s13+$0xFFFFFFD0 ss:$0x1], $0xffff;
	[tilespmem:s19+$0x1B060] =	vst v2;
	s19 =	smov.u32 s13  }
0x1cd: {  	v2 =	vld.idx.msk [tilespmem:v0+s19+$0xFFFFFFE0 ss:$0x1], $0xffff  }
0x1ce: {  	v8 =	vadd.s32 $0x800, v4;
	v17 =	vadd.s32 $0x1000, v4;
	v18 =	vadd.s32 $0x1800, v4;
	v19 =	vld.idx.msk [tilespmem:v0+s19+$0xFFFFFFF0 ss:$0x1], $0xffff  }
0x1cf: {  	v9 =	vadd.s32 $0x800, v6;
	v20 =	vadd.s32 $0x1000, v6;
	v21 =	vadd.s32 $0x1800, v6;
	v10 =	vld.idx.msk [tilespmem:v1+s2+$0x0], $0xffff  }
0x1d0: {  	v12 =	vadd.s32 $0x800, v3;
	v22 =	vadd.s32 $0x1000, v3;
	v23 =	vadd.s32 $0x1800, v3;
	v11 =	vld.idx.msk [tilespmem:v4+s2+$0x0], $0xffff  }
0x1d1: {  	v14 =	vadd.s32 $0x800, v1;
	v24 =	vadd.s32 $0x800, v7;
	v25 =	vadd.s32 $0x1000, v7;
	v13 =	vld.idx.msk [tilespmem:v6+s2+$0x0], $0xffff  }
0x1d2: {  	v26 =	vadd.s32 $0x1800, v7;
	v27 =	vadd.s32 $0x800, v5;
	v28 =	vadd.s32 $0x1000, v5;
	v15 =	vld.idx.msk [tilespmem:v3+s2+$0x0], $0xffff  }
0x1d3: {  	v29 =	vadd.s32 $0x1800, v5;
	v30 =	vadd.s32 $0x800, v2;
	v31 =	vadd.s32 $0x1000, v2;
	v16 =	vld.idx.msk [tilespmem:v7+s2+$0x0], $0xffff  }
0x1d4: {  	v33 =	vadd.s32 $0x1800, v2;
	v34 =	vadd.s32 $0x800, v19;
	v35 =	vadd.s32 $0x1000, v19;
	v32 =	vld.idx.msk [tilespmem:v5+s2+$0x0], $0xffff  }
0x1d5: {  	v36 =	vadd.s32 $0x2000, v4;
	v37 =	vadd.s32 $0x2000, v6;
	v39 =	vadd.s32 $0x1800, v19;
	v38 =	vld.idx.msk [tilespmem:v2+s2+$0x0], $0xffff;
	[tilespmem:s19+$0x14070] =	vst v10  }
0x1d6: {  	v40 =	vadd.s32 $0x2000, v3;
	v41 =	vadd.s32 $0x2000, v7;
	v42 =	vadd.s32 $0x2000, v5;
	[tilespmem:s19+$0x14000] =	vst v11;
	v43 =	vld.idx.msk [tilespmem:v14+s2+$0x0], $0xffff  }
0x1d7: {  	v44 =	vadd.s32 $0x2800, v4;
	v45 =	vadd.s32 $0x2000, v2;
	v47 =	vadd.s32 $0x2000, v19;
	[tilespmem:s19+$0x14010] =	vst v13;
	v46 =	vld.idx.msk [tilespmem:v19+s2+$0x0], $0xffff  }
0x1d8: {  	v51 =	vadd.s32 $0x1000, v1;
	v49 =	vadd.s32 $0x2800, v6;
	v50 =	vadd.s32 $0x2800, v3;
	v48 =	vld.idx.msk [tilespmem:v8+s2+$0x0], $0xffff;
	[tilespmem:s19+$0x14020] =	vst v15  }
0x1d9: {  	v53 =	vadd.s32 $0x2800, v7;
	v54 =	vadd.s32 $0x2800, v5;
	v52 =	vld.idx.msk [tilespmem:v9+s2+$0x0], $0xffff;
	[tilespmem:s19+$0x14030] =	vst v16;
	v16 =	vadd.s32 $0x2800, v2  }
0x1da: {  	v14 =	vadd.s32 $0x3000, v4;
	v11 =	vadd.s32 $0x3000, v6;
	v55 =	vld.idx.msk [tilespmem:v12+s2+$0x0], $0xffff;
	[tilespmem:s19+$0x14040] =	vst v32;
	v32 =	vadd.s32 $0x2800, v19  }
0x1db: {  	v10 =	vadd.s32 $0x3000, v5;
	v15 =	vadd.s32 $0x3000, v3;
	v12 =	vadd.s32 $0x3000, v7;
	v24 =	vld.idx.msk [tilespmem:v24+s2+$0x0], $0xffff;
	[tilespmem:s19+$0x14050] =	vst v38  }
0x1dc: {  	v4 =	vadd.s32 $0x3800, v4;
	v13 =	vadd.s32 $0x3000, v2;
	v9 =	vadd.s32 $0x3000, v19;
	v27 =	vld.idx.msk [tilespmem:v27+s2+$0x0], $0xffff;
	[tilespmem:s19+$0x15070] =	vst v43  }
0x1dd: {  	v8 =	vadd.s32 $0x3800, v6;
	v6 =	vadd.s32 $0x3800, v3;
	v3 =	vadd.s32 $0x3800, v7;
	[tilespmem:s19+$0x14060] =	vst v46;
	v38 =	vld.idx.msk [tilespmem:v51+s2+$0x0], $0xffff  }
0x1de: {  	v7 =	vadd.s32 $0x3800, v5;
	v5 =	vadd.s32 $0x3800, v2;
	v2 =	vadd.s32 $0x3800, v19;
	[tilespmem:s19+$0x15000] =	vst v48;
	v30 =	vld.idx.msk [tilespmem:v30+s2+$0x0], $0xffff  }
0x1df: {  	[tilespmem:s19+$0x15010] =	vst v52;
	v19 =	vld.idx.msk [tilespmem:v34+s2+$0x0], $0xffff;
	v34 =	vadd.s32 $0x1800, v1  }
0x1e0: {  	v17 =	vld.idx.msk [tilespmem:v17+s2+$0x0], $0xffff;
	[tilespmem:s19+$0x15020] =	vst v55  }
0x1e1: {  	v20 =	vld.idx.msk [tilespmem:v20+s2+$0x0], $0xffff;
	[tilespmem:s19+$0x15030] =	vst v24  }
0x1e2: {  	v22 =	vld.idx.msk [tilespmem:v22+s2+$0x0], $0xffff;
	[tilespmem:s19+$0x15040] =	vst v27  }
0x1e3: {  	v24 =	vld.idx.msk [tilespmem:v25+s2+$0x0], $0xffff;
	[tilespmem:s19+$0x16070] =	vst v38  }
0x1e4: {  	[tilespmem:s19+$0x15050] =	vst v30;
	v25 =	vld.idx.msk [tilespmem:v34+s2+$0x0], $0xffff  }
0x1e5: {  	v27 =	vld.idx.msk [tilespmem:v28+s2+$0x0], $0xffff;
	[tilespmem:s19+$0x15060] =	vst v19  }
0x1e6: {  	v19 =	vadd.s32 $0x2000, v1;
	[tilespmem:s19+$0x16000] =	vst v17;
	v17 =	vld.idx.msk [tilespmem:v31+s2+$0x0], $0xffff  }
0x1e7: {  	[tilespmem:s19+$0x16010] =	vst v20;
	v20 =	vld.idx.msk [tilespmem:v35+s2+$0x0], $0xffff  }
0x1e8: {  	v18 =	vld.idx.msk [tilespmem:v18+s2+$0x0], $0xffff;
	[tilespmem:s19+$0x16020] =	vst v22  }
0x1e9: {  	v21 =	vld.idx.msk [tilespmem:v21+s2+$0x0], $0xffff;
	[tilespmem:s19+$0x16030] =	vst v24  }
0x1ea: {  	v22 =	vld.idx.msk [tilespmem:v23+s2+$0x0], $0xffff;
	[tilespmem:s19+$0x17070] =	vst v25  }
0x1eb: {  	[tilespmem:s19+$0x16040] =	vst v27;
	v19 =	vld.idx.msk [tilespmem:v19+s2+$0x0], $0xffff  }
0x1ec: {  	v23 =	vld.idx.msk [tilespmem:v26+s2+$0x0], $0xffff;
	[tilespmem:s19+$0x16050] =	vst v17  }
0x1ed: {  	v17 =	vld.idx.msk [tilespmem:v29+s2+$0x0], $0xffff;
	[tilespmem:s19+$0x16060] =	vst v20;
	v20 =	vadd.s32 $0x2800, v1  }
0x1ee: {  	[tilespmem:s19+$0x17000] =	vst v18;
	v18 =	vld.idx.msk [tilespmem:v33+s2+$0x0], $0xffff  }
0x1ef: {  	[tilespmem:s19+$0x17010] =	vst v21;
	v21 =	vld.idx.msk [tilespmem:v39+s2+$0x0], $0xffff  }
0x1f0: {  	v24 =	vld.idx.msk [tilespmem:v36+s2+$0x0], $0xffff;
	[tilespmem:s19+$0x17020] =	vst v22  }
0x1f1: {  	v22 =	vld.idx.msk [tilespmem:v37+s2+$0x0], $0xffff;
	[tilespmem:s19+$0x18070] =	vst v19  }
0x1f2: {  	[tilespmem:s19+$0x17030] =	vst v23;
	v19 =	vld.idx.msk [tilespmem:v20+s2+$0x0], $0xffff  }
0x1f3: {  	v20 =	vld.idx.msk [tilespmem:v40+s2+$0x0], $0xffff;
	[tilespmem:s19+$0x17040] =	vst v17  }
0x1f4: {  	v17 =	vld.idx.msk [tilespmem:v41+s2+$0x0], $0xffff;
	[tilespmem:s19+$0x17050] =	vst v18;
	v18 =	vadd.s32 $0x3000, v1  }
0x1f5: {  	v23 =	vld.idx.msk [tilespmem:v42+s2+$0x0], $0xffff;
	[tilespmem:s19+$0x17060] =	vst v21  }
0x1f6: {  	[tilespmem:s19+$0x18000] =	vst v24;
	v21 =	vld.idx.msk [tilespmem:v45+s2+$0x0], $0xffff  }
0x1f7: {  	[tilespmem:s19+$0x18010] =	vst v22;
	v22 =	vld.idx.msk [tilespmem:v47+s2+$0x0], $0xffff  }
0x1f8: {  	v24 =	vld.idx.msk [tilespmem:v44+s2+$0x0], $0xffff;
	[tilespmem:s19+$0x19070] =	vst v19  }
0x1f9: {  	[tilespmem:s19+$0x18020] =	vst v20;
	v18 =	vld.idx.msk [tilespmem:v18+s2+$0x0], $0xffff  }
0x1fa: {  	v19 =	vld.idx.msk [tilespmem:v49+s2+$0x0], $0xffff;
	[tilespmem:s19+$0x18030] =	vst v17  }
0x1fb: {  	v1 =	vadd.s32 $0x3800, v1;
	v17 =	vld.idx.msk [tilespmem:v50+s2+$0x0], $0xffff;
	[tilespmem:s19+$0x18040] =	vst v23  }
0x1fc: {  	v20 =	vld.idx.msk [tilespmem:v53+s2+$0x0], $0xffff;
	[tilespmem:s19+$0x18050] =	vst v21  }
0x1fd: {  	v21 =	vld.idx.msk [tilespmem:v54+s2+$0x0], $0xffff;
	[tilespmem:s19+$0x18060] =	vst v22  }
0x1fe: {  	[tilespmem:s19+$0x19000] =	vst v24;
	v16 =	vld.idx.msk [tilespmem:v16+s2+$0x0], $0xffff  }
0x1ff: {  	v22 =	vld.idx.msk [tilespmem:v32+s2+$0x0], $0xffff;
	[tilespmem:s19+$0x1A070] =	vst v18  }
0x200: {  	[tilespmem:s19+$0x19010] =	vst v19;
	v1 =	vld.idx.msk [tilespmem:v1+s2+$0x0], $0xffff  }
0x201: {  	v14 =	vld.idx.msk [tilespmem:v14+s2+$0x0], $0xffff;
	[tilespmem:s19+$0x19020] =	vst v17  }
0x202: {  	v11 =	vld.idx.msk [tilespmem:v11+s2+$0x0], $0xffff;
	[tilespmem:s19+$0x19030] =	vst v20  }
0x203: {  	v15 =	vld.idx.msk [tilespmem:v15+s2+$0x0], $0xffff;
	[tilespmem:s19+$0x19040] =	vst v21  }
0x204: {  	v12 =	vld.idx.msk [tilespmem:v12+s2+$0x0], $0xffff;
	[tilespmem:s19+$0x19050] =	vst v16  }
0x205: {  	v10 =	vld.idx.msk [tilespmem:v10+s2+$0x0], $0xffff;
	[tilespmem:s19+$0x19060] =	vst v22  }
0x206: {  	v13 =	vld.idx.msk [tilespmem:v13+s2+$0x0], $0xffff;
	[tilespmem:s19+$0x1B070] =	vst v1  }
0x207: {  	[tilespmem:s19+$0x1A000] =	vst v14;
	v1 =	vld.idx.msk [tilespmem:v9+s2+$0x0], $0xffff  }
0x208: {  	v9 =	vld.idx.msk [tilespmem:v4+s2+$0x0], $0xffff;
	[tilespmem:s19+$0x1A010] =	vst v11  }
.Ltmp6:
0x209: {  	v4 =	vld.idx.msk [tilespmem:v8+s2+$0x0], $0xffff;
	[tilespmem:s19+$0x1A020] =	vst v15;
	(pc) =	sbr.rel @p1 .LBB2_13-.Ltmp6, $4  }
0x20a: {  	v6 =	vld.idx.msk [tilespmem:v6+s2+$0x0], $0xffff;
	[tilespmem:s19+$0x1A030] =	vst v12  }
0x20b: {  	v3 =	vld.idx.msk [tilespmem:v3+s2+$0x0], $0xffff;
	[tilespmem:s19+$0x1A040] =	vst v10  }
0x20c: {  	v7 =	vld.idx.msk [tilespmem:v7+s2+$0x0], $0xffff;
	[tilespmem:s19+$0x1A050] =	vst v13  }
0x20d: {  	s12 =	sadd.s32 $0x200, s12;
	v5 =	vld.idx.msk [tilespmem:v5+s2+$0x0], $0xffff;
	[tilespmem:s19+$0x1A060] =	vst v1  }
0x20e: {  	_ =	sdelay $0x2  }
0x20f: {  	[tilespmem:s19+$0x1B000] =	vst v9  }
0x210: {  	v0 =	vld.idx.msk [tilespmem:v2+s2+$0x0], $0xffff;
	[tilespmem:s19+$0x1B010] =	vst v4  }
0x211: {  	[tilespmem:s19+$0x1B020] =	vst v6  }
0x212: {  	[tilespmem:s19+$0x1B030] =	vst v3  }
0x213: {  	[tilespmem:s19+$0x1B040] =	vst v7  }
0x214: {  	[tilespmem:s19+$0x1B050] =	vst v5  }
0x215: {  	s0 =	sadd.s32 s18, s23;
	s13 =	sor.u32 $0xC00, s18;
	[tilespmem:s19+$0x1B060] =	vst v0  }
0x216: {  	[hbm4b:s0+s26] =	stream.strided.scatter [tilespmem:s22], [sflag:$0x4], $0x1000, s4, s26, $0x38;
	[tilespmem:$0x1C000] =	vst v63  }
0x217: {  	s19 =	sor.u32 $0x1400, s18;
	s0 =	sadd.s32 s3, s13  }
0x218: {  	[hbm4b:s0+s26] =	stream.strided.scatter [tilespmem:s25], [sflag:$0x4], $0x1000, s4, s26, $0x38;
	[tilespmem:$0x1C000] =	vst v63  }
0x219: {  	s28 =	sor.u32 $0x1C00, s18;
	s0 =	sadd.s32 s3, s19  }
0x21a: {  	[hbm4b:s0+s26] =	stream.strided.scatter [tilespmem:s30], [sflag:$0x4], $0x1000, s4, s26, $0x38;
	[tilespmem:$0x1C000] =	vst v63  }
0x21b: {  	s12 =	sor.u32 $0x2400, s18;
	s0 =	sadd.s32 s3, s28  }
0x21c: {  	[hbm4b:s0+s26] =	stream.strided.scatter [tilespmem:s1], [sflag:$0x4], $0x1000, s4, s26, $0x38;
	[tilespmem:$0x1C000] =	vst v63  }
0x21d: {  	s13 =	sor.u32 $0x2C00, s18;
	s0 =	sadd.s32 s3, s12  }
0x21e: {  	[hbm4b:s0+s26] =	stream.strided.scatter [tilespmem:s24], [sflag:$0x4], $0x1000, s4, s26, $0x38;
	[tilespmem:$0x1C000] =	vst v63  }
0x21f: {  	s0 =	sadd.s32 s3, s13  }
0x220: {  	[hbm4b:s0+s26] =	stream.strided.scatter [tilespmem:s6], [sflag:$0x4], $0x1000, s4, s26, $0x38;
	[tilespmem:$0x1C000] =	vst v63  }
.Ltmp7:
0x221: {  	s19 =	sor.u32 $0x3400, s18;
	(pc) =	sbr.rel @p0 .LBB2_10-.Ltmp7, $4  }
.Ltmp8:
0x222: {  	s28 =	sor.u32 $0x3C00, s18;
	s0 =	sadd.s32 s3, s19;
	(pc) =	sbr.rel @!p0 .LBB2_15-.Ltmp8, $4  }
0x223: {  	[hbm4b:s0+s26] =	stream.strided.scatter [tilespmem:s7], [sflag:$0x4], $0x1000, s4, s26, $0x38;
	[tilespmem:$0x1C000] =	vst v63  }
0x224: {  	p1 =	por $0x0, $0x0;
	s18 =	simm.s32 $0x1;
	s0 =	sadd.s32 s3, s28  }
0x225: {  	[hbm4b:s0+s26] =	stream.strided.scatter [tilespmem:s10], [sflag:$0x4], $0x1000, s4, s26, $0x38;
	[tilespmem:$0x1C000] =	vst v63  }
0x226: {  	_ = 	snop  }
.LBB2_3:
0x227: {  	s13 =	simm.s32 $0x1  }
0x228: {  	_ =	swait.ge [sflag:s13], $0x800  }
0x229: {  	[sflag:s13] =	ssyncset.done $0x0  }
0x22a: {  	[sflag:s13] =	ssyncadd.s32 $0xFFFFF800  }
0x22b: {  	_ =	swait.ge [sflag:s13], $0x800  }
0x22c: {  	[sflag:s13] =	ssyncset.done $0x0  }
0x22d: {  	[sflag:s13] =	ssyncadd.s32 $0xFFFFF800  }
0x22e: {  	_ =	swait.ge [sflag:s13], $0x800  }
0x22f: {  	[sflag:s13] =	ssyncset.done $0x0  }
0x230: {  	[sflag:s13] =	ssyncadd.s32 $0xFFFFF800  }
0x231: {  	_ =	swait.ge [sflag:s13], $0x800  }
0x232: {  	[sflag:s13] =	ssyncset.done $0x0  }
0x233: {  	[sflag:s13] =	ssyncadd.s32 $0xFFFFF800  }
0x234: {  	_ =	swait.ge [sflag:s13], $0x800  }
0x235: {  	[sflag:s13] =	ssyncset.done $0x0  }
0x236: {  	[sflag:s13] =	ssyncadd.s32 $0xFFFFF800  }
0x237: {  	_ =	swait.ge [sflag:s13], $0x800  }
0x238: {  	[sflag:s13] =	ssyncset.done $0x0  }
0x239: {  	[sflag:s13] =	ssyncadd.s32 $0xFFFFF800  }
0x23a: {  	_ =	swait.ge [sflag:s13], $0x800  }
0x23b: {  	[sflag:s13] =	ssyncset.done $0x0  }
0x23c: {  	[sflag:s13] =	ssyncadd.s32 $0xFFFFF800  }
0x23d: {  	_ =	swait.ge [sflag:s13], $0x800  }
0x23e: {  	[sflag:s13] =	ssyncset.done $0x0  }
0x23f: {  	s12 =	sshll.u32 s0, $0x8;
	[sflag:s13] =	ssyncadd.s32 $0xFFFFF800  }
0x240: {  	s12 =	sor.u32 $0x800, s12;
	s13 =	rddreg [dreg:$0x0]  }
0x241: {  	s18 =	simm.s32 $0x400;
	s28 =	rddreg [dreg:$0x5];
	s16 =	sadd.s32 s13, s12  }
0x242: {  	[tilespmem:s2], [sflag:$0x2] =	stream.strided.gather [hbm4b:s16+s26], $0x800, s18, s26, $0x38;
	[tilespmem:$0x1C000] =	vst v63  }
0x243: {  	s13 =	sadd.s32 s12, s28;
	s28 =	simm.s32 $0x8800  }
0x244: {  	[tilespmem:s28], [sflag:$0x2] =	stream.strided.gather [hbm4b:s13+s26], $0x800, s18, s26, $0x38;
	[tilespmem:$0x1C000] =	vst v63  }
0x245: {  	s28 =	rddreg [dreg:$0x8]  }
0x246: {  	s13 =	sadd.s32 s12, s28;
	s28 =	simm.s32 $0x9000  }
0x247: {  	[tilespmem:s28], [sflag:$0x2] =	stream.strided.gather [hbm4b:s13+s26], $0x800, s18, s26, $0x38;
	[tilespmem:$0x1C000] =	vst v63  }
0x248: {  	s28 =	rddreg [dreg:$0xa]  }
0x249: {  	s13 =	sadd.s32 s12, s28;
	s28 =	simm.s32 $0x9800  }
0x24a: {  	[tilespmem:s28], [sflag:$0x2] =	stream.strided.gather [hbm4b:s13+s26], $0x800, s18, s26, $0x38;
	[tilespmem:$0x1C000] =	vst v63  }
0x24b: {  	s28 =	rddreg [dreg:$0xb]  }
0x24c: {  	s13 =	sadd.s32 s12, s28;
	s28 =	simm.s32 $0xA000  }
0x24d: {  	[tilespmem:s28], [sflag:$0x2] =	stream.strided.gather [hbm4b:s13+s26], $0x800, s18, s26, $0x38;
	[tilespmem:$0x1C000] =	vst v63  }
0x24e: {  	s28 =	rddreg [dreg:$0xe]  }
0x24f: {  	s13 =	sadd.s32 s12, s28;
	s28 =	simm.s32 $0xA800  }
0x250: {  	[tilespmem:s28], [sflag:$0x2] =	stream.strided.gather [hbm4b:s13+s26], $0x800, s18, s26, $0x38;
	[tilespmem:$0x1C000] =	vst v63  }
0x251: {  	s28 =	rddreg [dreg:$0x10]  }
0x252: {  	s16 =	rddreg [dreg:$0x11];
	s13 =	sadd.s32 s12, s28;
	s28 =	simm.s32 $0xB000  }
0x253: {  	[tilespmem:s28], [sflag:$0x2] =	stream.strided.gather [hbm4b:s13+s26], $0x800, s18, s26, $0x38;
	[tilespmem:$0x1C000] =	vst v63  }
0x254: {  	p1 =	sne.s32 s19, $0x0;
	s12 =	sadd.s32 s12, s16;
	s28 =	simm.s32 $0xB800  }
0x255: {  	[tilespmem:s28], [sflag:$0x2] =	stream.strided.gather [hbm4b:s12+s26], $0x800, s18, s26, $0x38;
	[tilespmem:$0x1C000] =	vst v63  }
0x256: {  	p2 =	por $0x1, $0x1;
	s16 =	sshll.u32 s0, $0xE;
	s18 =	simm.s32 $0x0  }
.LBB2_4:
0x257: {  	s0 =	simm.s32 @p1 $0x3  }
0x258: {  	_ =	swait.ge @p1 [sflag:s0], $0x1000  }
0x259: {  	[sflag:s0] =	ssyncset.done @p1 $0x0  }
0x25a: {  	[sflag:s0] =	ssyncadd.s32 @p1 $0xFFFFF000  }
0x25b: {  	_ =	swait.ge @p1 [sflag:s0], $0x1000  }
0x25c: {  	[sflag:s0] =	ssyncset.done @p1 $0x0  }
0x25d: {  	[sflag:s0] =	ssyncadd.s32 @p1 $0xFFFFF000  }
0x25e: {  	_ =	swait.ge @p1 [sflag:s0], $0x1000  }
0x25f: {  	[sflag:s0] =	ssyncset.done @p1 $0x0  }
0x260: {  	[sflag:s0] =	ssyncadd.s32 @p1 $0xFFFFF000  }
0x261: {  	_ =	swait.ge @p1 [sflag:s0], $0x1000  }
0x262: {  	[sflag:s0] =	ssyncset.done @p1 $0x0  }
0x263: {  	[sflag:s0] =	ssyncadd.s32 @p1 $0xFFFFF000  }
0x264: {  	_ =	swait.ge @p1 [sflag:s0], $0x1000  }
0x265: {  	[sflag:s0] =	ssyncset.done @p1 $0x0  }
0x266: {  	[sflag:s0] =	ssyncadd.s32 @p1 $0xFFFFF000  }
0x267: {  	_ =	swait.ge @p1 [sflag:s0], $0x1000  }
0x268: {  	s12 =	sshll.u32 s18, $0xF;
	[sflag:s0] =	ssyncset.done @p1 $0x0  }
0x269: {  	s19 =	sshrl.u32 s12, $0x2;
	[sflag:s0] =	ssyncadd.s32 @p1 $0xFFFFF000  }
0x26a: {  	s12 =	sor.u32 $0x70, s19;
	_ =	swait.ge @p1 [sflag:s0], $0x1000  }
0x26b: {  	v0 =	vmov s12;
	[sflag:s0] =	ssyncset.done @p1 $0x0  }
0x26c: {  	[sflag:s0] =	ssyncadd.s32 @p1 $0xFFFFF000  }
0x26d: {  	_ =	swait.ge @p1 [sflag:s0], $0x1000  }
0x26e: {  	[sflag:s0] =	ssyncset.done @p1 $0x0  }
0x26f: {  	s28 =	simm.s32 $0x0;
	[sflag:s0] =	ssyncadd.s32 @p1 $0xFFFFF000  }
0x270: {  	v8 =	vld.idx.msk [tilespmem:v0+s28+$0x0 ss:$0x1], $0xffff  }
0x271: {  	v7 =	vld.idx.msk [tilespmem:v0+s28+$0xFFFFFF90 ss:$0x1], $0xffff  }
0x272: {  	v6 =	vld.idx.msk [tilespmem:v0+s28+$0xFFFFFFA0 ss:$0x1], $0xffff  }
0x273: {  	v5 =	vld.idx.msk [tilespmem:v0+s28+$0xFFFFFFB0 ss:$0x1], $0xffff  }
0x274: {  	v4 =	vld.idx.msk [tilespmem:v0+s28+$0xFFFFFFC0 ss:$0x1], $0xffff  }
0x275: {  	v3 =	vld.idx.msk [tilespmem:v0+s28+$0xFFFFFFD0 ss:$0x1], $0xffff  }
0x276: {  	v2 =	vld.idx.msk [tilespmem:v0+s28+$0xFFFFFFE0 ss:$0x1], $0xffff  }
0x277: {  	v1 =	vld.idx.msk [tilespmem:v0+s28+$0xFFFFFFF0 ss:$0x1], $0xffff  }
0x278: {  	v9 =	vld.idx.msk [tilespmem:v8+s29+$0x0], $0xffff  }
0x279: {  	v10 =	vld.idx.msk [tilespmem:v7+s29+$0x0], $0xffff  }
0x27a: {  	v11 =	vld.idx.msk [tilespmem:v6+s29+$0x0], $0xffff  }
0x27b: {  	v12 =	vadd.s32 $0x800, v8;
	v13 =	vld.idx.msk [tilespmem:v5+s29+$0x0], $0xffff  }
0x27c: {  	v14 =	vadd.s32 $0x800, v7;
	v15 =	vld.idx.msk [tilespmem:v4+s29+$0x0], $0xffff  }
0x27d: {  	v16 =	vadd.s32 $0x800, v6;
	v17 =	vld.idx.msk [tilespmem:v3+s29+$0x0], $0xffff  }
0x27e: {  	v18 =	vadd.s32 $0x800, v5;
	v19 =	vld.idx.msk [tilespmem:v2+s29+$0x0], $0xffff;
	[tilespmem:s28+$0xC070] =	vst v9  }
0x27f: {  	v62 =	vadd.s32 $0x800, v3;
	[tilespmem:s28+$0xC010] =	vst v11;
	v11 =	vld.idx.msk [tilespmem:v1+s29+$0x0], $0xffff  }
0x280: {  	v20 =	vadd.s32 $0x800, v2;
	[tilespmem:s28+$0xC000] =	vst v10;
	v10 =	vld.idx.msk [tilespmem:v12+s29+$0x0], $0xffff  }
0x281: {  	v9 =	vadd.s32 $0x800, v4;
	[tilespmem:s28+$0xC020] =	vst v13;
	v14 =	vld.idx.msk [tilespmem:v14+s29+$0x0], $0xffff  }
0x282: {  	v23 =	vadd.s32 $0x800, v1;
	[tilespmem:s28+$0xC030] =	vst v15;
	v16 =	vld.idx.msk [tilespmem:v16+s29+$0x0], $0xffff  }
0x283: {  	v63 =	vadd.s32 $0x1000, v8;
	[tilespmem:s28+$0xC040] =	vst v17;
	v18 =	vld.idx.msk [tilespmem:v18+s29+$0x0], $0xffff  }
0x284: {  	v24 =	vadd.s32 $0x1000, v7;
	[tilespmem:s28+$0xC050] =	vst v19;
	v12 =	vld.idx.msk [tilespmem:v62+s29+$0x0], $0xffff  }
0x285: {  	v25 =	vadd.s32 $0x1000, v6;
	v27 =	vld.idx.msk [tilespmem:v20+s29+$0x0], $0xffff;
	[tilespmem:s28+$0xC060] =	vst v11  }
0x286: {  	v29 =	vadd.s32 $0x1000, v3;
	v9 =	vld.idx.msk [tilespmem:v9+s29+$0x0], $0xffff;
	[tilespmem:s28+$0xD070] =	vst v10  }
0x287: {  	v30 =	vadd.s32 $0x1000, v2;
	[tilespmem:s28+$0xD000] =	vst v14;
	v15 =	vld.idx.msk [tilespmem:v23+s29+$0x0], $0xffff  }
0x288: {  	v10 =	vadd.s32 $0x1000, v5;
	[tilespmem:s28+$0xD010] =	vst v16;
	v11 =	vld.idx.msk [tilespmem:v63+s29+$0x0], $0xffff  }
0x289: {  	v26 =	vadd.s32 $0x1000, v4;
	[tilespmem:s28+$0xD020] =	vst v18;
	v17 =	vld.idx.msk [tilespmem:v24+s29+$0x0], $0xffff  }
0x28a: {  	v28 =	vadd.s32 $0x1800, v8;
	[tilespmem:s28+$0xD040] =	vst v12;
	v19 =	vld.idx.msk [tilespmem:v25+s29+$0x0], $0xffff  }
0x28b: {  	v31 =	vadd.s32 $0x1800, v7;
	[tilespmem:s28+$0xD050] =	vst v27;
	v20 =	vld.idx.msk [tilespmem:v29+s29+$0x0], $0xffff  }
0x28c: {  	v37 =	vadd.s32 $0x1800, v3;
	v34 =	vld.idx.msk [tilespmem:v30+s29+$0x0], $0xffff;
	[tilespmem:s28+$0xD030] =	vst v9  }
0x28d: {  	v9 =	vadd.s32 $0x1000, v1;
	v10 =	vld.idx.msk [tilespmem:v10+s29+$0x0], $0xffff;
	[tilespmem:s28+$0xD060] =	vst v15  }
0x28e: {  	v13 =	vld.idx.msk [tilespmem:v26+s29+$0x0], $0xffff;
	[tilespmem:s28+$0xE070] =	vst v11;
	v11 =	vadd.s32 $0x1800, v6  }
0x28f: {  	v33 =	vadd.s32 $0x1800, v5;
	[tilespmem:s28+$0xE000] =	vst v17;
	v32 =	vld.idx.msk [tilespmem:v28+s29+$0x0], $0xffff  }
0x290: {  	v36 =	vadd.s32 $0x1800, v4;
	[tilespmem:s28+$0xE040] =	vst v20;
	v12 =	vld.idx.msk [tilespmem:v31+s29+$0x0], $0xffff  }
0x291: {  	v35 =	vadd.s32 $0x2000, v8;
	[tilespmem:s28+$0xE010] =	vst v19;
	v41 =	vld.idx.msk [tilespmem:v37+s29+$0x0], $0xffff  }
0x292: {  	v39 =	vadd.s32 $0x2000, v7;
	[tilespmem:s28+$0xE050] =	vst v34;
	v9 =	vld.idx.msk [tilespmem:v9+s29+$0x0], $0xffff  }
0x293: {  	v44 =	vadd.s32 $0x2000, v3;
	[tilespmem:s28+$0xE020] =	vst v10;
	v11 =	vld.idx.msk [tilespmem:v11+s29+$0x0], $0xffff  }
0x294: {  	v10 =	vadd.s32 $0x1800, v2;
	[tilespmem:s28+$0xE030] =	vst v13;
	v16 =	vld.idx.msk [tilespmem:v33+s29+$0x0], $0xffff  }
0x295: {  	v38 =	vadd.s32 $0x1800, v1;
	v18 =	vld.idx.msk [tilespmem:v36+s29+$0x0], $0xffff;
	[tilespmem:s28+$0xF070] =	vst v32  }
0x296: {  	v40 =	vadd.s32 $0x2000, v6;
	[tilespmem:s28+$0xF000] =	vst v12;
	v17 =	vld.idx.msk [tilespmem:v35+s29+$0x0], $0xffff  }
0x297: {  	v42 =	vadd.s32 $0x2000, v5;
	[tilespmem:s28+$0xF040] =	vst v41;
	v14 =	vld.idx.msk [tilespmem:v39+s29+$0x0], $0xffff  }
0x298: {  	v43 =	vadd.s32 $0x2000, v4;
	v13 =	vld.idx.msk [tilespmem:v44+s29+$0x0], $0xffff;
	[tilespmem:s28+$0xE060] =	vst v9  }
0x299: {  	v9 =	vadd.s32 $0x2800, v8;
	v10 =	vld.idx.msk [tilespmem:v10+s29+$0x0], $0xffff;
	[tilespmem:s28+$0xF010] =	vst v11  }
0x29a: {  	v47 =	vadd.s32 $0x2800, v7;
	v11 =	vld.idx.msk [tilespmem:v38+s29+$0x0], $0xffff;
	[tilespmem:s28+$0xF020] =	vst v16  }
0x29b: {  	v51 =	vadd.s32 $0x2800, v3;
	[tilespmem:s28+$0xF030] =	vst v18;
	v20 =	vld.idx.msk [tilespmem:v40+s29+$0x0], $0xffff  }
0x29c: {  	v45 =	vadd.s32 $0x2000, v2;
	v19 =	vld.idx.msk [tilespmem:v42+s29+$0x0], $0xffff;
	[tilespmem:s28+$0x10070] =	vst v17  }
0x29d: {  	v46 =	vadd.s32 $0x2000, v1;
	v12 =	vld.idx.msk [tilespmem:v43+s29+$0x0], $0xffff;
	[tilespmem:s28+$0x10000] =	vst v14  }
0x29e: {  	v48 =	vadd.s32 $0x2800, v6;
	[tilespmem:s28+$0x10040] =	vst v13;
	v9 =	vld.idx.msk [tilespmem:v9+s29+$0x0], $0xffff  }
0x29f: {  	v50 =	vadd.s32 $0x2800, v4;
	v18 =	vld.idx.msk [tilespmem:v47+s29+$0x0], $0xffff;
	[tilespmem:s28+$0xF050] =	vst v10  }
0x2a0: {  	v56 =	vld.idx.msk [tilespmem:v51+s29+$0x0], $0xffff;
	v10 =	vadd.s32 $0x3000, v8;
	[tilespmem:s28+$0xF060] =	vst v11  }
0x2a1: {  	v53 =	vadd.s32 $0x3000, v7;
	v49 =	vld.idx.msk [tilespmem:v45+s29+$0x0], $0xffff;
	[tilespmem:s28+$0x10010] =	vst v20  }
0x2a2: {  	v11 =	vadd.s32 $0x2800, v5;
	v17 =	vld.idx.msk [tilespmem:v46+s29+$0x0], $0xffff;
	[tilespmem:s28+$0x10020] =	vst v19  }
0x2a3: {  	v52 =	vadd.s32 $0x2800, v1;
	[tilespmem:s28+$0x10030] =	vst v12;
	v15 =	vld.idx.msk [tilespmem:v48+s29+$0x0], $0xffff  }
0x2a4: {  	v54 =	vld.idx.msk [tilespmem:v50+s29+$0x0], $0xffff;
	[tilespmem:s28+$0x11070] =	vst v9;
	v9 =	vadd.s32 $0x2800, v2  }
0x2a5: {  	v55 =	vadd.s32 $0x3000, v6;
	[tilespmem:s28+$0x11000] =	vst v18;
	v10 =	vld.idx.msk [tilespmem:v10+s29+$0x0], $0xffff  }
0x2a6: {  	v8 =	vadd.s32 $0x3800, v8;
	[tilespmem:s28+$0x11040] =	vst v56;
	v12 =	vld.idx.msk [tilespmem:v53+s29+$0x0], $0xffff  }
0x2a7: {  	v58 =	vadd.s32 $0x3000, v4;
	v11 =	vld.idx.msk [tilespmem:v11+s29+$0x0], $0xffff;
	[tilespmem:s28+$0x10060] =	vst v17  }
0x2a8: {  	v57 =	vadd.s32 $0x3000, v5;
	[tilespmem:s28+$0x10050] =	vst v49;
	v19 =	vld.idx.msk [tilespmem:v52+s29+$0x0], $0xffff  }
0x2a9: {  	v7 =	vadd.s32 $0x3800, v7;
	[tilespmem:s28+$0x11010] =	vst v15;
	v9 =	vld.idx.msk [tilespmem:v9+s29+$0x0], $0xffff  }
0x2aa: {  	v14 =	vld.idx.msk [tilespmem:v55+s29+$0x0], $0xffff;
	[tilespmem:s28+$0x12070] =	vst v10;
	v10 =	vadd.s32 $0x3000, v3  }
0x2ab: {  	v59 =	vadd.s32 $0x3000, v2;
	[tilespmem:s28+$0x11030] =	vst v54;
	v8 =	vld.idx.msk [tilespmem:v8+s29+$0x0], $0xffff  }
0x2ac: {  	v61 =	vld.idx.msk [tilespmem:v58+s29+$0x0], $0xffff;
	[tilespmem:s28+$0x11020] =	vst v11;
	v11 =	vadd.s32 $0x3000, v1  }
0x2ad: {  	v6 =	vadd.s32 $0x3800, v6;
	[tilespmem:s28+$0x12000] =	vst v12;
	v60 =	vld.idx.msk [tilespmem:v57+s29+$0x0], $0xffff  }
0x2ae: {  	v62 =	vadd.s32 $0x3800, v4;
	[tilespmem:s28+$0x11050] =	vst v9;
	v9 =	vld.idx.msk [tilespmem:v7+s29+$0x0], $0xffff  }
0x2af: {  	v5 =	vadd.s32 $0x3800, v5;
	[tilespmem:s28+$0x11060] =	vst v19;
	v10 =	vld.idx.msk [tilespmem:v10+s29+$0x0], $0xffff  }
0x2b0: {  	v15 =	vld.idx.msk [tilespmem:v59+s29+$0x0], $0xffff;
	[tilespmem:s28+$0x13070] =	vst v8;
	v8 =	vadd.s32 $0x3800, v3  }
0x2b1: {  	v63 =	vadd.s32 $0x3800, v2;
	[tilespmem:s28+$0x12010] =	vst v14;
	v11 =	vld.idx.msk [tilespmem:v11+s29+$0x0], $0xffff  }
0x2b2: {  	v2 =	vadd.s32 $0x3800, v1;
	[tilespmem:s28+$0x12030] =	vst v61;
	v4 =	vld.idx.msk [tilespmem:v6+s29+$0x0], $0xffff  }
0x2b3: {  	v3 =	vld.idx.msk [tilespmem:v62+s29+$0x0], $0xffff;
	[tilespmem:s28+$0x12020] =	vst v60  }
0x2b4: {  	v6 =	vld.idx.msk [tilespmem:v5+s29+$0x0], $0xffff;
	[tilespmem:s28+$0x12040] =	vst v10  }
0x2b5: {  	[tilespmem:s28+$0x12050] =	vst v15;
	v7 =	vld.idx.msk [tilespmem:v8+s29+$0x0], $0xffff  }
0x2b6: {  	p0 =	por p2, p2;
	s12 =	simm.s32 $0x200;
	s0 =	simm.s32 $0x0;
	v5 =	vld.idx.msk [tilespmem:v63+s29+$0x0], $0xffff;
	[tilespmem:s28+$0x12060] =	vst v11  }
.LBB2_5:
0x2b7: {  	s13 =	sshra.s32 s12, $0x2;
	s0 =	sadd.s32 $0x80, s0;
	[tilespmem:s28+$0x13000] =	vst v9;
	v2 =	vld.idx.msk [tilespmem:v2+s29+$0x0], $0xffff  }
0x2b8: {  	v1 =	vld.idx.msk [tilespmem:v0+s13+$0x0 ss:$0x1], $0xffff;
	p2 =	slt.u32 s0, $0xF80;
	[tilespmem:s28+$0x13010] =	vst v4  }
0x2b9: {  	v4 =	vld.idx.msk [tilespmem:v0+s13+$0xFFFFFF90 ss:$0x1], $0xffff;
	[tilespmem:s28+$0x13020] =	vst v6  }
0x2ba: {  	v6 =	vld.idx.msk [tilespmem:v0+s13+$0xFFFFFFA0 ss:$0x1], $0xffff;
	[tilespmem:s28+$0x13030] =	vst v3  }
0x2bb: {  	v3 =	vld.idx.msk [tilespmem:v0+s13+$0xFFFFFFB0 ss:$0x1], $0xffff;
	[tilespmem:s28+$0x13040] =	vst v7  }
0x2bc: {  	v7 =	vld.idx.msk [tilespmem:v0+s13+$0xFFFFFFC0 ss:$0x1], $0xffff;
	[tilespmem:s28+$0x13050] =	vst v5  }
0x2bd: {  	v5 =	vld.idx.msk [tilespmem:v0+s13+$0xFFFFFFD0 ss:$0x1], $0xffff;
	[tilespmem:s28+$0x13060] =	vst v2;
	s28 =	smov.u32 s13  }
0x2be: {  	v2 =	vld.idx.msk [tilespmem:v0+s28+$0xFFFFFFE0 ss:$0x1], $0xffff  }
0x2bf: {  	v8 =	vadd.s32 $0x800, v4;
	v17 =	vadd.s32 $0x1000, v4;
	v18 =	vadd.s32 $0x1800, v4;
	v19 =	vld.idx.msk [tilespmem:v0+s28+$0xFFFFFFF0 ss:$0x1], $0xffff  }
0x2c0: {  	v9 =	vadd.s32 $0x800, v6;
	v20 =	vadd.s32 $0x1000, v6;
	v21 =	vadd.s32 $0x1800, v6;
	v10 =	vld.idx.msk [tilespmem:v1+s29+$0x0], $0xffff  }
0x2c1: {  	v12 =	vadd.s32 $0x800, v3;
	v22 =	vadd.s32 $0x1000, v3;
	v23 =	vadd.s32 $0x1800, v3;
	v11 =	vld.idx.msk [tilespmem:v4+s29+$0x0], $0xffff  }
0x2c2: {  	v14 =	vadd.s32 $0x800, v1;
	v24 =	vadd.s32 $0x800, v7;
	v25 =	vadd.s32 $0x1000, v7;
	v13 =	vld.idx.msk [tilespmem:v6+s29+$0x0], $0xffff  }
0x2c3: {  	v26 =	vadd.s32 $0x1800, v7;
	v27 =	vadd.s32 $0x800, v5;
	v28 =	vadd.s32 $0x1000, v5;
	v15 =	vld.idx.msk [tilespmem:v3+s29+$0x0], $0xffff  }
0x2c4: {  	v29 =	vadd.s32 $0x1800, v5;
	v30 =	vadd.s32 $0x800, v2;
	v31 =	vadd.s32 $0x1000, v2;
	v16 =	vld.idx.msk [tilespmem:v7+s29+$0x0], $0xffff  }
0x2c5: {  	v33 =	vadd.s32 $0x1800, v2;
	v34 =	vadd.s32 $0x800, v19;
	v35 =	vadd.s32 $0x1000, v19;
	v32 =	vld.idx.msk [tilespmem:v5+s29+$0x0], $0xffff  }
0x2c6: {  	v36 =	vadd.s32 $0x2000, v4;
	v37 =	vadd.s32 $0x2000, v6;
	v39 =	vadd.s32 $0x1800, v19;
	v38 =	vld.idx.msk [tilespmem:v2+s29+$0x0], $0xffff;
	[tilespmem:s28+$0xC070] =	vst v10  }
0x2c7: {  	v40 =	vadd.s32 $0x2000, v3;
	v41 =	vadd.s32 $0x2000, v7;
	v42 =	vadd.s32 $0x2000, v5;
	[tilespmem:s28+$0xC000] =	vst v11;
	v43 =	vld.idx.msk [tilespmem:v14+s29+$0x0], $0xffff  }
0x2c8: {  	v44 =	vadd.s32 $0x2800, v4;
	v45 =	vadd.s32 $0x2000, v2;
	v47 =	vadd.s32 $0x2000, v19;
	[tilespmem:s28+$0xC010] =	vst v13;
	v46 =	vld.idx.msk [tilespmem:v19+s29+$0x0], $0xffff  }
0x2c9: {  	v51 =	vadd.s32 $0x1000, v1;
	v49 =	vadd.s32 $0x2800, v6;
	v50 =	vadd.s32 $0x2800, v3;
	v48 =	vld.idx.msk [tilespmem:v8+s29+$0x0], $0xffff;
	[tilespmem:s28+$0xC020] =	vst v15  }
0x2ca: {  	v53 =	vadd.s32 $0x2800, v7;
	v54 =	vadd.s32 $0x2800, v5;
	v52 =	vld.idx.msk [tilespmem:v9+s29+$0x0], $0xffff;
	[tilespmem:s28+$0xC030] =	vst v16;
	v16 =	vadd.s32 $0x2800, v2  }
0x2cb: {  	v14 =	vadd.s32 $0x3000, v4;
	v11 =	vadd.s32 $0x3000, v6;
	v55 =	vld.idx.msk [tilespmem:v12+s29+$0x0], $0xffff;
	[tilespmem:s28+$0xC040] =	vst v32;
	v32 =	vadd.s32 $0x2800, v19  }
0x2cc: {  	v10 =	vadd.s32 $0x3000, v5;
	v15 =	vadd.s32 $0x3000, v3;
	v12 =	vadd.s32 $0x3000, v7;
	v24 =	vld.idx.msk [tilespmem:v24+s29+$0x0], $0xffff;
	[tilespmem:s28+$0xC050] =	vst v38  }
0x2cd: {  	v4 =	vadd.s32 $0x3800, v4;
	v13 =	vadd.s32 $0x3000, v2;
	v9 =	vadd.s32 $0x3000, v19;
	v27 =	vld.idx.msk [tilespmem:v27+s29+$0x0], $0xffff;
	[tilespmem:s28+$0xD070] =	vst v43  }
0x2ce: {  	v8 =	vadd.s32 $0x3800, v6;
	v6 =	vadd.s32 $0x3800, v3;
	v3 =	vadd.s32 $0x3800, v7;
	[tilespmem:s28+$0xC060] =	vst v46;
	v38 =	vld.idx.msk [tilespmem:v51+s29+$0x0], $0xffff  }
0x2cf: {  	v7 =	vadd.s32 $0x3800, v5;
	v5 =	vadd.s32 $0x3800, v2;
	v2 =	vadd.s32 $0x3800, v19;
	[tilespmem:s28+$0xD000] =	vst v48;
	v30 =	vld.idx.msk [tilespmem:v30+s29+$0x0], $0xffff  }
0x2d0: {  	[tilespmem:s28+$0xD010] =	vst v52;
	v19 =	vld.idx.msk [tilespmem:v34+s29+$0x0], $0xffff;
	v34 =	vadd.s32 $0x1800, v1  }
0x2d1: {  	v17 =	vld.idx.msk [tilespmem:v17+s29+$0x0], $0xffff;
	[tilespmem:s28+$0xD020] =	vst v55  }
0x2d2: {  	v20 =	vld.idx.msk [tilespmem:v20+s29+$0x0], $0xffff;
	[tilespmem:s28+$0xD030] =	vst v24  }
0x2d3: {  	v22 =	vld.idx.msk [tilespmem:v22+s29+$0x0], $0xffff;
	[tilespmem:s28+$0xD040] =	vst v27  }
0x2d4: {  	v24 =	vld.idx.msk [tilespmem:v25+s29+$0x0], $0xffff;
	[tilespmem:s28+$0xE070] =	vst v38  }
0x2d5: {  	[tilespmem:s28+$0xD050] =	vst v30;
	v25 =	vld.idx.msk [tilespmem:v34+s29+$0x0], $0xffff  }
0x2d6: {  	v27 =	vld.idx.msk [tilespmem:v28+s29+$0x0], $0xffff;
	[tilespmem:s28+$0xD060] =	vst v19  }
0x2d7: {  	v19 =	vadd.s32 $0x2000, v1;
	[tilespmem:s28+$0xE000] =	vst v17;
	v17 =	vld.idx.msk [tilespmem:v31+s29+$0x0], $0xffff  }
0x2d8: {  	[tilespmem:s28+$0xE010] =	vst v20;
	v20 =	vld.idx.msk [tilespmem:v35+s29+$0x0], $0xffff  }
0x2d9: {  	v18 =	vld.idx.msk [tilespmem:v18+s29+$0x0], $0xffff;
	[tilespmem:s28+$0xE020] =	vst v22  }
0x2da: {  	v21 =	vld.idx.msk [tilespmem:v21+s29+$0x0], $0xffff;
	[tilespmem:s28+$0xE030] =	vst v24  }
0x2db: {  	v22 =	vld.idx.msk [tilespmem:v23+s29+$0x0], $0xffff;
	[tilespmem:s28+$0xF070] =	vst v25  }
0x2dc: {  	[tilespmem:s28+$0xE040] =	vst v27;
	v19 =	vld.idx.msk [tilespmem:v19+s29+$0x0], $0xffff  }
0x2dd: {  	v23 =	vld.idx.msk [tilespmem:v26+s29+$0x0], $0xffff;
	[tilespmem:s28+$0xE050] =	vst v17  }
0x2de: {  	v17 =	vld.idx.msk [tilespmem:v29+s29+$0x0], $0xffff;
	[tilespmem:s28+$0xE060] =	vst v20;
	v20 =	vadd.s32 $0x2800, v1  }
0x2df: {  	[tilespmem:s28+$0xF000] =	vst v18;
	v18 =	vld.idx.msk [tilespmem:v33+s29+$0x0], $0xffff  }
0x2e0: {  	[tilespmem:s28+$0xF010] =	vst v21;
	v21 =	vld.idx.msk [tilespmem:v39+s29+$0x0], $0xffff  }
0x2e1: {  	v24 =	vld.idx.msk [tilespmem:v36+s29+$0x0], $0xffff;
	[tilespmem:s28+$0xF020] =	vst v22  }
0x2e2: {  	v22 =	vld.idx.msk [tilespmem:v37+s29+$0x0], $0xffff;
	[tilespmem:s28+$0x10070] =	vst v19  }
0x2e3: {  	[tilespmem:s28+$0xF030] =	vst v23;
	v19 =	vld.idx.msk [tilespmem:v20+s29+$0x0], $0xffff  }
0x2e4: {  	v20 =	vld.idx.msk [tilespmem:v40+s29+$0x0], $0xffff;
	[tilespmem:s28+$0xF040] =	vst v17  }
0x2e5: {  	v17 =	vld.idx.msk [tilespmem:v41+s29+$0x0], $0xffff;
	[tilespmem:s28+$0xF050] =	vst v18;
	v18 =	vadd.s32 $0x3000, v1  }
0x2e6: {  	v23 =	vld.idx.msk [tilespmem:v42+s29+$0x0], $0xffff;
	[tilespmem:s28+$0xF060] =	vst v21  }
0x2e7: {  	[tilespmem:s28+$0x10000] =	vst v24;
	v21 =	vld.idx.msk [tilespmem:v45+s29+$0x0], $0xffff  }
0x2e8: {  	[tilespmem:s28+$0x10010] =	vst v22;
	v22 =	vld.idx.msk [tilespmem:v47+s29+$0x0], $0xffff  }
0x2e9: {  	v24 =	vld.idx.msk [tilespmem:v44+s29+$0x0], $0xffff;
	[tilespmem:s28+$0x11070] =	vst v19  }
0x2ea: {  	[tilespmem:s28+$0x10020] =	vst v20;
	v18 =	vld.idx.msk [tilespmem:v18+s29+$0x0], $0xffff  }
0x2eb: {  	v19 =	vld.idx.msk [tilespmem:v49+s29+$0x0], $0xffff;
	[tilespmem:s28+$0x10030] =	vst v17  }
0x2ec: {  	v1 =	vadd.s32 $0x3800, v1;
	v17 =	vld.idx.msk [tilespmem:v50+s29+$0x0], $0xffff;
	[tilespmem:s28+$0x10040] =	vst v23  }
0x2ed: {  	v20 =	vld.idx.msk [tilespmem:v53+s29+$0x0], $0xffff;
	[tilespmem:s28+$0x10050] =	vst v21  }
0x2ee: {  	v21 =	vld.idx.msk [tilespmem:v54+s29+$0x0], $0xffff;
	[tilespmem:s28+$0x10060] =	vst v22  }
0x2ef: {  	[tilespmem:s28+$0x11000] =	vst v24;
	v16 =	vld.idx.msk [tilespmem:v16+s29+$0x0], $0xffff  }
0x2f0: {  	v22 =	vld.idx.msk [tilespmem:v32+s29+$0x0], $0xffff;
	[tilespmem:s28+$0x12070] =	vst v18  }
0x2f1: {  	[tilespmem:s28+$0x11010] =	vst v19;
	v1 =	vld.idx.msk [tilespmem:v1+s29+$0x0], $0xffff  }
0x2f2: {  	v14 =	vld.idx.msk [tilespmem:v14+s29+$0x0], $0xffff;
	[tilespmem:s28+$0x11020] =	vst v17  }
0x2f3: {  	v11 =	vld.idx.msk [tilespmem:v11+s29+$0x0], $0xffff;
	[tilespmem:s28+$0x11030] =	vst v20  }
0x2f4: {  	v15 =	vld.idx.msk [tilespmem:v15+s29+$0x0], $0xffff;
	[tilespmem:s28+$0x11040] =	vst v21  }
0x2f5: {  	v12 =	vld.idx.msk [tilespmem:v12+s29+$0x0], $0xffff;
	[tilespmem:s28+$0x11050] =	vst v16  }
0x2f6: {  	v10 =	vld.idx.msk [tilespmem:v10+s29+$0x0], $0xffff;
	[tilespmem:s28+$0x11060] =	vst v22  }
0x2f7: {  	v13 =	vld.idx.msk [tilespmem:v13+s29+$0x0], $0xffff;
	[tilespmem:s28+$0x13070] =	vst v1  }
0x2f8: {  	[tilespmem:s28+$0x12000] =	vst v14;
	v1 =	vld.idx.msk [tilespmem:v9+s29+$0x0], $0xffff  }
0x2f9: {  	v9 =	vld.idx.msk [tilespmem:v4+s29+$0x0], $0xffff;
	[tilespmem:s28+$0x12010] =	vst v11  }
.Ltmp9:
0x2fa: {  	v4 =	vld.idx.msk [tilespmem:v8+s29+$0x0], $0xffff;
	[tilespmem:s28+$0x12020] =	vst v15;
	(pc) =	sbr.rel @p2 .LBB2_5-.Ltmp9, $4  }
0x2fb: {  	v6 =	vld.idx.msk [tilespmem:v6+s29+$0x0], $0xffff;
	[tilespmem:s28+$0x12030] =	vst v12  }
0x2fc: {  	v3 =	vld.idx.msk [tilespmem:v3+s29+$0x0], $0xffff;
	[tilespmem:s28+$0x12040] =	vst v10  }
0x2fd: {  	v7 =	vld.idx.msk [tilespmem:v7+s29+$0x0], $0xffff;
	[tilespmem:s28+$0x12050] =	vst v13  }
0x2fe: {  	s12 =	sadd.s32 $0x200, s12;
	v5 =	vld.idx.msk [tilespmem:v5+s29+$0x0], $0xffff;
	[tilespmem:s28+$0x12060] =	vst v1  }
0x2ff: {  	_ =	sdelay $0x2  }
0x300: {  	[tilespmem:s28+$0x13000] =	vst v9  }
0x301: {  	v0 =	vld.idx.msk [tilespmem:v2+s29+$0x0], $0xffff;
	[tilespmem:s28+$0x13010] =	vst v4  }
0x302: {  	[tilespmem:s28+$0x13020] =	vst v6  }
0x303: {  	s0 =	sshll.u32 s18, $0x7;
	[tilespmem:s28+$0x13030] =	vst v3  }
0x304: {  	s0 =	sor.u32 s16, s0;
	[tilespmem:s28+$0x13040] =	vst v7  }
0x305: {  	s18 =	sshrl.u32 s0, $0x3;
	[tilespmem:s28+$0x13050] =	vst v5  }
0x306: {  	s0 =	sadd.s32 s3, s18;
	[tilespmem:s28+$0x13060] =	vst v0;
	s28 =	sor.u32 $0x800, s18  }
0x307: {  	[hbm4b:s0+s26] =	stream.strided.scatter [tilespmem:s5], [sflag:$0x3], $0x1000, s4, s26, $0x38;
	[tilespmem:$0x1C000] =	vst v63  }
0x308: {  	s12 =	sor.u32 $0x1000, s18;
	s0 =	sadd.s32 s3, s28  }
0x309: {  	[hbm4b:s0+s26] =	stream.strided.scatter [tilespmem:s8], [sflag:$0x3], $0x1000, s4, s26, $0x38;
	[tilespmem:$0x1C000] =	vst v63  }
0x30a: {  	s13 =	sor.u32 $0x1800, s18;
	s0 =	sadd.s32 s3, s12  }
0x30b: {  	[hbm4b:s0+s26] =	stream.strided.scatter [tilespmem:s9], [sflag:$0x3], $0x1000, s4, s26, $0x38;
	[tilespmem:$0x1C000] =	vst v63  }
0x30c: {  	s28 =	sor.u32 $0x2000, s18;
	s0 =	sadd.s32 s3, s13  }
0x30d: {  	[hbm4b:s0+s26] =	stream.strided.scatter [tilespmem:s11], [sflag:$0x3], $0x1000, s4, s26, $0x38;
	[tilespmem:$0x1C000] =	vst v63  }
0x30e: {  	s12 =	sor.u32 $0x2800, s18;
	s0 =	sadd.s32 s3, s28  }
0x30f: {  	[hbm4b:s0+s26] =	stream.strided.scatter [tilespmem:s14], [sflag:$0x3], $0x1000, s4, s26, $0x38;
	[tilespmem:$0x1C000] =	vst v63  }
0x310: {  	s13 =	sor.u32 $0x3000, s18;
	s0 =	sadd.s32 s3, s12  }
0x311: {  	[hbm4b:s0+s26] =	stream.strided.scatter [tilespmem:s15], [sflag:$0x3], $0x1000, s4, s26, $0x38;
	[tilespmem:$0x1C000] =	vst v63  }
0x312: {  	s28 =	sor.u32 $0x3800, s18;
	s0 =	sadd.s32 s3, s13  }
0x313: {  	[hbm4b:s0+s26] =	stream.strided.scatter [tilespmem:s17], [sflag:$0x3], $0x1000, s4, s26, $0x38;
	[tilespmem:$0x1C000] =	vst v63  }
0x314: {  	s0 =	sadd.s32 s3, s28  }
0x315: {  	[hbm4b:s0+s26] =	stream.strided.scatter [tilespmem:s20], [sflag:$0x3], $0x1000, s4, s26, $0x38;
	[tilespmem:$0x1C000] =	vst v63  }
0x316: {  	s0 =	simm.s32 @p1 $0x4  }
0x317: {  	_ =	swait.ge @p1 [sflag:s0], $0x1000  }
0x318: {  	[sflag:s0] =	ssyncset.done @p1 $0x0  }
0x319: {  	[sflag:s0] =	ssyncadd.s32 @p1 $0xFFFFF000  }
0x31a: {  	_ =	swait.ge @p1 [sflag:s0], $0x1000  }
0x31b: {  	[sflag:s0] =	ssyncset.done @p1 $0x0  }
0x31c: {  	[sflag:s0] =	ssyncadd.s32 @p1 $0xFFFFF000  }
0x31d: {  	_ =	swait.ge @p1 [sflag:s0], $0x1000  }
0x31e: {  	[sflag:s0] =	ssyncset.done @p1 $0x0  }
0x31f: {  	[sflag:s0] =	ssyncadd.s32 @p1 $0xFFFFF000  }
0x320: {  	_ =	swait.ge @p1 [sflag:s0], $0x1000  }
0x321: {  	[sflag:s0] =	ssyncset.done @p1 $0x0  }
0x322: {  	[sflag:s0] =	ssyncadd.s32 @p1 $0xFFFFF000  }
0x323: {  	_ =	swait.ge @p1 [sflag:s0], $0x1000  }
0x324: {  	[sflag:s0] =	ssyncset.done @p1 $0x0  }
0x325: {  	[sflag:s0] =	ssyncadd.s32 @p1 $0xFFFFF000  }
0x326: {  	_ =	swait.ge @p1 [sflag:s0], $0x1000  }
0x327: {  	[sflag:s0] =	ssyncset.done @p1 $0x0  }
0x328: {  	[sflag:s0] =	ssyncadd.s32 @p1 $0xFFFFF000  }
0x329: {  	s12 =	sadd.s32 $0x1070, s19;
	_ =	swait.ge @p1 [sflag:s0], $0x1000  }
0x32a: {  	v0 =	vmov s12;
	[sflag:s0] =	ssyncset.done @p1 $0x0  }
0x32b: {  	[sflag:s0] =	ssyncadd.s32 @p1 $0xFFFFF000  }
0x32c: {  	_ =	swait.ge @p1 [sflag:s0], $0x1000  }
0x32d: {  	[sflag:s0] =	ssyncset.done @p1 $0x0  }
0x32e: {  	s19 =	simm.s32 $0x0;
	[sflag:s0] =	ssyncadd.s32 @p1 $0xFFFFF000  }
0x32f: {  	v8 =	vld.idx.msk [tilespmem:v0+s19+$0x0 ss:$0x1], $0xffff  }
0x330: {  	v7 =	vld.idx.msk [tilespmem:v0+s19+$0xFFFFFF90 ss:$0x1], $0xffff  }
0x331: {  	v6 =	vld.idx.msk [tilespmem:v0+s19+$0xFFFFFFA0 ss:$0x1], $0xffff  }
0x332: {  	v5 =	vld.idx.msk [tilespmem:v0+s19+$0xFFFFFFB0 ss:$0x1], $0xffff  }
0x333: {  	v4 =	vld.idx.msk [tilespmem:v0+s19+$0xFFFFFFC0 ss:$0x1], $0xffff  }
0x334: {  	v3 =	vld.idx.msk [tilespmem:v0+s19+$0xFFFFFFD0 ss:$0x1], $0xffff  }
0x335: {  	v2 =	vld.idx.msk [tilespmem:v0+s19+$0xFFFFFFE0 ss:$0x1], $0xffff  }
0x336: {  	v1 =	vld.idx.msk [tilespmem:v0+s19+$0xFFFFFFF0 ss:$0x1], $0xffff  }
0x337: {  	v9 =	vld.idx.msk [tilespmem:v8+s29+$0x0], $0xffff  }
0x338: {  	v10 =	vld.idx.msk [tilespmem:v7+s29+$0x0], $0xffff  }
0x339: {  	v11 =	vld.idx.msk [tilespmem:v6+s29+$0x0], $0xffff  }
0x33a: {  	v12 =	vadd.s32 $0x800, v8;
	v13 =	vld.idx.msk [tilespmem:v5+s29+$0x0], $0xffff  }
0x33b: {  	v14 =	vadd.s32 $0x800, v7;
	v15 =	vld.idx.msk [tilespmem:v4+s29+$0x0], $0xffff  }
0x33c: {  	v16 =	vadd.s32 $0x800, v6;
	v17 =	vld.idx.msk [tilespmem:v3+s29+$0x0], $0xffff  }
0x33d: {  	v18 =	vadd.s32 $0x800, v5;
	v19 =	vld.idx.msk [tilespmem:v2+s29+$0x0], $0xffff;
	[tilespmem:s19+$0x14070] =	vst v9  }
0x33e: {  	v62 =	vadd.s32 $0x800, v3;
	[tilespmem:s19+$0x14010] =	vst v11;
	v11 =	vld.idx.msk [tilespmem:v1+s29+$0x0], $0xffff  }
0x33f: {  	v20 =	vadd.s32 $0x800, v2;
	[tilespmem:s19+$0x14000] =	vst v10;
	v10 =	vld.idx.msk [tilespmem:v12+s29+$0x0], $0xffff  }
0x340: {  	v9 =	vadd.s32 $0x800, v4;
	[tilespmem:s19+$0x14020] =	vst v13;
	v14 =	vld.idx.msk [tilespmem:v14+s29+$0x0], $0xffff  }
0x341: {  	v23 =	vadd.s32 $0x800, v1;
	[tilespmem:s19+$0x14030] =	vst v15;
	v16 =	vld.idx.msk [tilespmem:v16+s29+$0x0], $0xffff  }
0x342: {  	v63 =	vadd.s32 $0x1000, v8;
	[tilespmem:s19+$0x14040] =	vst v17;
	v18 =	vld.idx.msk [tilespmem:v18+s29+$0x0], $0xffff  }
0x343: {  	v24 =	vadd.s32 $0x1000, v7;
	[tilespmem:s19+$0x14050] =	vst v19;
	v12 =	vld.idx.msk [tilespmem:v62+s29+$0x0], $0xffff  }
0x344: {  	v25 =	vadd.s32 $0x1000, v6;
	v27 =	vld.idx.msk [tilespmem:v20+s29+$0x0], $0xffff;
	[tilespmem:s19+$0x14060] =	vst v11  }
0x345: {  	v29 =	vadd.s32 $0x1000, v3;
	v9 =	vld.idx.msk [tilespmem:v9+s29+$0x0], $0xffff;
	[tilespmem:s19+$0x15070] =	vst v10  }
0x346: {  	v30 =	vadd.s32 $0x1000, v2;
	[tilespmem:s19+$0x15000] =	vst v14;
	v15 =	vld.idx.msk [tilespmem:v23+s29+$0x0], $0xffff  }
0x347: {  	v10 =	vadd.s32 $0x1000, v5;
	[tilespmem:s19+$0x15010] =	vst v16;
	v11 =	vld.idx.msk [tilespmem:v63+s29+$0x0], $0xffff  }
0x348: {  	v26 =	vadd.s32 $0x1000, v4;
	[tilespmem:s19+$0x15020] =	vst v18;
	v17 =	vld.idx.msk [tilespmem:v24+s29+$0x0], $0xffff  }
0x349: {  	v28 =	vadd.s32 $0x1800, v8;
	[tilespmem:s19+$0x15040] =	vst v12;
	v19 =	vld.idx.msk [tilespmem:v25+s29+$0x0], $0xffff  }
0x34a: {  	v31 =	vadd.s32 $0x1800, v7;
	[tilespmem:s19+$0x15050] =	vst v27;
	v20 =	vld.idx.msk [tilespmem:v29+s29+$0x0], $0xffff  }
0x34b: {  	v37 =	vadd.s32 $0x1800, v3;
	v34 =	vld.idx.msk [tilespmem:v30+s29+$0x0], $0xffff;
	[tilespmem:s19+$0x15030] =	vst v9  }
0x34c: {  	v9 =	vadd.s32 $0x1000, v1;
	v10 =	vld.idx.msk [tilespmem:v10+s29+$0x0], $0xffff;
	[tilespmem:s19+$0x15060] =	vst v15  }
0x34d: {  	v13 =	vld.idx.msk [tilespmem:v26+s29+$0x0], $0xffff;
	[tilespmem:s19+$0x16070] =	vst v11;
	v11 =	vadd.s32 $0x1800, v6  }
0x34e: {  	v33 =	vadd.s32 $0x1800, v5;
	[tilespmem:s19+$0x16000] =	vst v17;
	v32 =	vld.idx.msk [tilespmem:v28+s29+$0x0], $0xffff  }
0x34f: {  	v36 =	vadd.s32 $0x1800, v4;
	[tilespmem:s19+$0x16040] =	vst v20;
	v12 =	vld.idx.msk [tilespmem:v31+s29+$0x0], $0xffff  }
0x350: {  	v35 =	vadd.s32 $0x2000, v8;
	[tilespmem:s19+$0x16010] =	vst v19;
	v41 =	vld.idx.msk [tilespmem:v37+s29+$0x0], $0xffff  }
0x351: {  	v39 =	vadd.s32 $0x2000, v7;
	[tilespmem:s19+$0x16050] =	vst v34;
	v9 =	vld.idx.msk [tilespmem:v9+s29+$0x0], $0xffff  }
0x352: {  	v44 =	vadd.s32 $0x2000, v3;
	[tilespmem:s19+$0x16020] =	vst v10;
	v11 =	vld.idx.msk [tilespmem:v11+s29+$0x0], $0xffff  }
0x353: {  	v10 =	vadd.s32 $0x1800, v2;
	[tilespmem:s19+$0x16030] =	vst v13;
	v16 =	vld.idx.msk [tilespmem:v33+s29+$0x0], $0xffff  }
0x354: {  	v38 =	vadd.s32 $0x1800, v1;
	v18 =	vld.idx.msk [tilespmem:v36+s29+$0x0], $0xffff;
	[tilespmem:s19+$0x17070] =	vst v32  }
0x355: {  	v40 =	vadd.s32 $0x2000, v6;
	[tilespmem:s19+$0x17000] =	vst v12;
	v17 =	vld.idx.msk [tilespmem:v35+s29+$0x0], $0xffff  }
0x356: {  	v42 =	vadd.s32 $0x2000, v5;
	[tilespmem:s19+$0x17040] =	vst v41;
	v14 =	vld.idx.msk [tilespmem:v39+s29+$0x0], $0xffff  }
0x357: {  	v43 =	vadd.s32 $0x2000, v4;
	v13 =	vld.idx.msk [tilespmem:v44+s29+$0x0], $0xffff;
	[tilespmem:s19+$0x16060] =	vst v9  }
0x358: {  	v9 =	vadd.s32 $0x2800, v8;
	v10 =	vld.idx.msk [tilespmem:v10+s29+$0x0], $0xffff;
	[tilespmem:s19+$0x17010] =	vst v11  }
0x359: {  	v47 =	vadd.s32 $0x2800, v7;
	v11 =	vld.idx.msk [tilespmem:v38+s29+$0x0], $0xffff;
	[tilespmem:s19+$0x17020] =	vst v16  }
0x35a: {  	v51 =	vadd.s32 $0x2800, v3;
	[tilespmem:s19+$0x17030] =	vst v18;
	v20 =	vld.idx.msk [tilespmem:v40+s29+$0x0], $0xffff  }
0x35b: {  	v45 =	vadd.s32 $0x2000, v2;
	v19 =	vld.idx.msk [tilespmem:v42+s29+$0x0], $0xffff;
	[tilespmem:s19+$0x18070] =	vst v17  }
0x35c: {  	v46 =	vadd.s32 $0x2000, v1;
	v12 =	vld.idx.msk [tilespmem:v43+s29+$0x0], $0xffff;
	[tilespmem:s19+$0x18000] =	vst v14  }
0x35d: {  	v48 =	vadd.s32 $0x2800, v6;
	[tilespmem:s19+$0x18040] =	vst v13;
	v9 =	vld.idx.msk [tilespmem:v9+s29+$0x0], $0xffff  }
0x35e: {  	v50 =	vadd.s32 $0x2800, v4;
	v18 =	vld.idx.msk [tilespmem:v47+s29+$0x0], $0xffff;
	[tilespmem:s19+$0x17050] =	vst v10  }
0x35f: {  	v56 =	vld.idx.msk [tilespmem:v51+s29+$0x0], $0xffff;
	v10 =	vadd.s32 $0x3000, v8;
	[tilespmem:s19+$0x17060] =	vst v11  }
0x360: {  	v53 =	vadd.s32 $0x3000, v7;
	v49 =	vld.idx.msk [tilespmem:v45+s29+$0x0], $0xffff;
	[tilespmem:s19+$0x18010] =	vst v20  }
0x361: {  	v11 =	vadd.s32 $0x2800, v5;
	v17 =	vld.idx.msk [tilespmem:v46+s29+$0x0], $0xffff;
	[tilespmem:s19+$0x18020] =	vst v19  }
0x362: {  	v52 =	vadd.s32 $0x2800, v1;
	[tilespmem:s19+$0x18030] =	vst v12;
	v15 =	vld.idx.msk [tilespmem:v48+s29+$0x0], $0xffff  }
0x363: {  	v54 =	vld.idx.msk [tilespmem:v50+s29+$0x0], $0xffff;
	[tilespmem:s19+$0x19070] =	vst v9;
	v9 =	vadd.s32 $0x2800, v2  }
0x364: {  	v55 =	vadd.s32 $0x3000, v6;
	[tilespmem:s19+$0x19000] =	vst v18;
	v10 =	vld.idx.msk [tilespmem:v10+s29+$0x0], $0xffff  }
0x365: {  	v8 =	vadd.s32 $0x3800, v8;
	[tilespmem:s19+$0x19040] =	vst v56;
	v12 =	vld.idx.msk [tilespmem:v53+s29+$0x0], $0xffff  }
0x366: {  	v58 =	vadd.s32 $0x3000, v4;
	v11 =	vld.idx.msk [tilespmem:v11+s29+$0x0], $0xffff;
	[tilespmem:s19+$0x18060] =	vst v17  }
0x367: {  	v57 =	vadd.s32 $0x3000, v5;
	[tilespmem:s19+$0x18050] =	vst v49;
	v19 =	vld.idx.msk [tilespmem:v52+s29+$0x0], $0xffff  }
0x368: {  	v7 =	vadd.s32 $0x3800, v7;
	[tilespmem:s19+$0x19010] =	vst v15;
	v9 =	vld.idx.msk [tilespmem:v9+s29+$0x0], $0xffff  }
0x369: {  	v14 =	vld.idx.msk [tilespmem:v55+s29+$0x0], $0xffff;
	[tilespmem:s19+$0x1A070] =	vst v10;
	v10 =	vadd.s32 $0x3000, v3  }
0x36a: {  	v59 =	vadd.s32 $0x3000, v2;
	[tilespmem:s19+$0x19030] =	vst v54;
	v8 =	vld.idx.msk [tilespmem:v8+s29+$0x0], $0xffff  }
0x36b: {  	v61 =	vld.idx.msk [tilespmem:v58+s29+$0x0], $0xffff;
	[tilespmem:s19+$0x19020] =	vst v11;
	v11 =	vadd.s32 $0x3000, v1  }
0x36c: {  	v6 =	vadd.s32 $0x3800, v6;
	[tilespmem:s19+$0x1A000] =	vst v12;
	v60 =	vld.idx.msk [tilespmem:v57+s29+$0x0], $0xffff  }
0x36d: {  	v62 =	vadd.s32 $0x3800, v4;
	[tilespmem:s19+$0x19050] =	vst v9;
	v9 =	vld.idx.msk [tilespmem:v7+s29+$0x0], $0xffff  }
0x36e: {  	v5 =	vadd.s32 $0x3800, v5;
	[tilespmem:s19+$0x19060] =	vst v19;
	v10 =	vld.idx.msk [tilespmem:v10+s29+$0x0], $0xffff  }
0x36f: {  	v15 =	vld.idx.msk [tilespmem:v59+s29+$0x0], $0xffff;
	[tilespmem:s19+$0x1B070] =	vst v8;
	v8 =	vadd.s32 $0x3800, v3  }
0x370: {  	v63 =	vadd.s32 $0x3800, v2;
	[tilespmem:s19+$0x1A010] =	vst v14;
	v11 =	vld.idx.msk [tilespmem:v11+s29+$0x0], $0xffff  }
0x371: {  	v2 =	vadd.s32 $0x3800, v1;
	[tilespmem:s19+$0x1A030] =	vst v61;
	v4 =	vld.idx.msk [tilespmem:v6+s29+$0x0], $0xffff  }
0x372: {  	v3 =	vld.idx.msk [tilespmem:v62+s29+$0x0], $0xffff;
	[tilespmem:s19+$0x1A020] =	vst v60  }
0x373: {  	v6 =	vld.idx.msk [tilespmem:v5+s29+$0x0], $0xffff;
	[tilespmem:s19+$0x1A040] =	vst v10  }
0x374: {  	[tilespmem:s19+$0x1A050] =	vst v15;
	v7 =	vld.idx.msk [tilespmem:v8+s29+$0x0], $0xffff  }
0x375: {  	s12 =	simm.s32 $0x200;
	s0 =	simm.s32 $0x0;
	v5 =	vld.idx.msk [tilespmem:v63+s29+$0x0], $0xffff;
	[tilespmem:s19+$0x1A060] =	vst v11  }
.LBB2_7:
0x376: {  	s13 =	sshra.s32 s12, $0x2;
	s0 =	sadd.s32 $0x80, s0;
	[tilespmem:s19+$0x1B000] =	vst v9;
	v2 =	vld.idx.msk [tilespmem:v2+s29+$0x0], $0xffff  }
0x377: {  	v1 =	vld.idx.msk [tilespmem:v0+s13+$0x0 ss:$0x1], $0xffff;
	p1 =	slt.u32 s0, $0xF80;
	[tilespmem:s19+$0x1B010] =	vst v4  }
0x378: {  	v4 =	vld.idx.msk [tilespmem:v0+s13+$0xFFFFFF90 ss:$0x1], $0xffff;
	[tilespmem:s19+$0x1B020] =	vst v6  }
0x379: {  	v6 =	vld.idx.msk [tilespmem:v0+s13+$0xFFFFFFA0 ss:$0x1], $0xffff;
	[tilespmem:s19+$0x1B030] =	vst v3  }
0x37a: {  	v3 =	vld.idx.msk [tilespmem:v0+s13+$0xFFFFFFB0 ss:$0x1], $0xffff;
	[tilespmem:s19+$0x1B040] =	vst v7  }
0x37b: {  	v7 =	vld.idx.msk [tilespmem:v0+s13+$0xFFFFFFC0 ss:$0x1], $0xffff;
	[tilespmem:s19+$0x1B050] =	vst v5  }
0x37c: {  	v5 =	vld.idx.msk [tilespmem:v0+s13+$0xFFFFFFD0 ss:$0x1], $0xffff;
	[tilespmem:s19+$0x1B060] =	vst v2;
	s19 =	smov.u32 s13  }
0x37d: {  	v2 =	vld.idx.msk [tilespmem:v0+s19+$0xFFFFFFE0 ss:$0x1], $0xffff  }
0x37e: {  	v8 =	vadd.s32 $0x800, v4;
	v17 =	vadd.s32 $0x1000, v4;
	v18 =	vadd.s32 $0x1800, v4;
	v19 =	vld.idx.msk [tilespmem:v0+s19+$0xFFFFFFF0 ss:$0x1], $0xffff  }
0x37f: {  	v9 =	vadd.s32 $0x800, v6;
	v20 =	vadd.s32 $0x1000, v6;
	v21 =	vadd.s32 $0x1800, v6;
	v10 =	vld.idx.msk [tilespmem:v1+s29+$0x0], $0xffff  }
0x380: {  	v12 =	vadd.s32 $0x800, v3;
	v22 =	vadd.s32 $0x1000, v3;
	v23 =	vadd.s32 $0x1800, v3;
	v11 =	vld.idx.msk [tilespmem:v4+s29+$0x0], $0xffff  }
0x381: {  	v14 =	vadd.s32 $0x800, v1;
	v24 =	vadd.s32 $0x800, v7;
	v25 =	vadd.s32 $0x1000, v7;
	v13 =	vld.idx.msk [tilespmem:v6+s29+$0x0], $0xffff  }
0x382: {  	v26 =	vadd.s32 $0x1800, v7;
	v27 =	vadd.s32 $0x800, v5;
	v28 =	vadd.s32 $0x1000, v5;
	v15 =	vld.idx.msk [tilespmem:v3+s29+$0x0], $0xffff  }
0x383: {  	v29 =	vadd.s32 $0x1800, v5;
	v30 =	vadd.s32 $0x800, v2;
	v31 =	vadd.s32 $0x1000, v2;
	v16 =	vld.idx.msk [tilespmem:v7+s29+$0x0], $0xffff  }
0x384: {  	v33 =	vadd.s32 $0x1800, v2;
	v34 =	vadd.s32 $0x800, v19;
	v35 =	vadd.s32 $0x1000, v19;
	v32 =	vld.idx.msk [tilespmem:v5+s29+$0x0], $0xffff  }
0x385: {  	v36 =	vadd.s32 $0x2000, v4;
	v37 =	vadd.s32 $0x2000, v6;
	v39 =	vadd.s32 $0x1800, v19;
	v38 =	vld.idx.msk [tilespmem:v2+s29+$0x0], $0xffff;
	[tilespmem:s19+$0x14070] =	vst v10  }
0x386: {  	v40 =	vadd.s32 $0x2000, v3;
	v41 =	vadd.s32 $0x2000, v7;
	v42 =	vadd.s32 $0x2000, v5;
	[tilespmem:s19+$0x14000] =	vst v11;
	v43 =	vld.idx.msk [tilespmem:v14+s29+$0x0], $0xffff  }
0x387: {  	v44 =	vadd.s32 $0x2800, v4;
	v45 =	vadd.s32 $0x2000, v2;
	v47 =	vadd.s32 $0x2000, v19;
	[tilespmem:s19+$0x14010] =	vst v13;
	v46 =	vld.idx.msk [tilespmem:v19+s29+$0x0], $0xffff  }
0x388: {  	v51 =	vadd.s32 $0x1000, v1;
	v49 =	vadd.s32 $0x2800, v6;
	v50 =	vadd.s32 $0x2800, v3;
	v48 =	vld.idx.msk [tilespmem:v8+s29+$0x0], $0xffff;
	[tilespmem:s19+$0x14020] =	vst v15  }
0x389: {  	v53 =	vadd.s32 $0x2800, v7;
	v54 =	vadd.s32 $0x2800, v5;
	v52 =	vld.idx.msk [tilespmem:v9+s29+$0x0], $0xffff;
	[tilespmem:s19+$0x14030] =	vst v16;
	v16 =	vadd.s32 $0x2800, v2  }
0x38a: {  	v14 =	vadd.s32 $0x3000, v4;
	v11 =	vadd.s32 $0x3000, v6;
	v55 =	vld.idx.msk [tilespmem:v12+s29+$0x0], $0xffff;
	[tilespmem:s19+$0x14040] =	vst v32;
	v32 =	vadd.s32 $0x2800, v19  }
0x38b: {  	v10 =	vadd.s32 $0x3000, v5;
	v15 =	vadd.s32 $0x3000, v3;
	v12 =	vadd.s32 $0x3000, v7;
	v24 =	vld.idx.msk [tilespmem:v24+s29+$0x0], $0xffff;
	[tilespmem:s19+$0x14050] =	vst v38  }
0x38c: {  	v4 =	vadd.s32 $0x3800, v4;
	v13 =	vadd.s32 $0x3000, v2;
	v9 =	vadd.s32 $0x3000, v19;
	v27 =	vld.idx.msk [tilespmem:v27+s29+$0x0], $0xffff;
	[tilespmem:s19+$0x15070] =	vst v43  }
0x38d: {  	v8 =	vadd.s32 $0x3800, v6;
	v6 =	vadd.s32 $0x3800, v3;
	v3 =	vadd.s32 $0x3800, v7;
	[tilespmem:s19+$0x14060] =	vst v46;
	v38 =	vld.idx.msk [tilespmem:v51+s29+$0x0], $0xffff  }
0x38e: {  	v7 =	vadd.s32 $0x3800, v5;
	v5 =	vadd.s32 $0x3800, v2;
	v2 =	vadd.s32 $0x3800, v19;
	[tilespmem:s19+$0x15000] =	vst v48;
	v30 =	vld.idx.msk [tilespmem:v30+s29+$0x0], $0xffff  }
0x38f: {  	[tilespmem:s19+$0x15010] =	vst v52;
	v19 =	vld.idx.msk [tilespmem:v34+s29+$0x0], $0xffff;
	v34 =	vadd.s32 $0x1800, v1  }
0x390: {  	v17 =	vld.idx.msk [tilespmem:v17+s29+$0x0], $0xffff;
	[tilespmem:s19+$0x15020] =	vst v55  }
0x391: {  	v20 =	vld.idx.msk [tilespmem:v20+s29+$0x0], $0xffff;
	[tilespmem:s19+$0x15030] =	vst v24  }
0x392: {  	v22 =	vld.idx.msk [tilespmem:v22+s29+$0x0], $0xffff;
	[tilespmem:s19+$0x15040] =	vst v27  }
0x393: {  	v24 =	vld.idx.msk [tilespmem:v25+s29+$0x0], $0xffff;
	[tilespmem:s19+$0x16070] =	vst v38  }
0x394: {  	[tilespmem:s19+$0x15050] =	vst v30;
	v25 =	vld.idx.msk [tilespmem:v34+s29+$0x0], $0xffff  }
0x395: {  	v27 =	vld.idx.msk [tilespmem:v28+s29+$0x0], $0xffff;
	[tilespmem:s19+$0x15060] =	vst v19  }
0x396: {  	v19 =	vadd.s32 $0x2000, v1;
	[tilespmem:s19+$0x16000] =	vst v17;
	v17 =	vld.idx.msk [tilespmem:v31+s29+$0x0], $0xffff  }
0x397: {  	[tilespmem:s19+$0x16010] =	vst v20;
	v20 =	vld.idx.msk [tilespmem:v35+s29+$0x0], $0xffff  }
0x398: {  	v18 =	vld.idx.msk [tilespmem:v18+s29+$0x0], $0xffff;
	[tilespmem:s19+$0x16020] =	vst v22  }
0x399: {  	v21 =	vld.idx.msk [tilespmem:v21+s29+$0x0], $0xffff;
	[tilespmem:s19+$0x16030] =	vst v24  }
0x39a: {  	v22 =	vld.idx.msk [tilespmem:v23+s29+$0x0], $0xffff;
	[tilespmem:s19+$0x17070] =	vst v25  }
0x39b: {  	[tilespmem:s19+$0x16040] =	vst v27;
	v19 =	vld.idx.msk [tilespmem:v19+s29+$0x0], $0xffff  }
0x39c: {  	v23 =	vld.idx.msk [tilespmem:v26+s29+$0x0], $0xffff;
	[tilespmem:s19+$0x16050] =	vst v17  }
0x39d: {  	v17 =	vld.idx.msk [tilespmem:v29+s29+$0x0], $0xffff;
	[tilespmem:s19+$0x16060] =	vst v20;
	v20 =	vadd.s32 $0x2800, v1  }
0x39e: {  	[tilespmem:s19+$0x17000] =	vst v18;
	v18 =	vld.idx.msk [tilespmem:v33+s29+$0x0], $0xffff  }
0x39f: {  	[tilespmem:s19+$0x17010] =	vst v21;
	v21 =	vld.idx.msk [tilespmem:v39+s29+$0x0], $0xffff  }
0x3a0: {  	v24 =	vld.idx.msk [tilespmem:v36+s29+$0x0], $0xffff;
	[tilespmem:s19+$0x17020] =	vst v22  }
0x3a1: {  	v22 =	vld.idx.msk [tilespmem:v37+s29+$0x0], $0xffff;
	[tilespmem:s19+$0x18070] =	vst v19  }
0x3a2: {  	[tilespmem:s19+$0x17030] =	vst v23;
	v19 =	vld.idx.msk [tilespmem:v20+s29+$0x0], $0xffff  }
0x3a3: {  	v20 =	vld.idx.msk [tilespmem:v40+s29+$0x0], $0xffff;
	[tilespmem:s19+$0x17040] =	vst v17  }
0x3a4: {  	v17 =	vld.idx.msk [tilespmem:v41+s29+$0x0], $0xffff;
	[tilespmem:s19+$0x17050] =	vst v18;
	v18 =	vadd.s32 $0x3000, v1  }
0x3a5: {  	v23 =	vld.idx.msk [tilespmem:v42+s29+$0x0], $0xffff;
	[tilespmem:s19+$0x17060] =	vst v21  }
0x3a6: {  	[tilespmem:s19+$0x18000] =	vst v24;
	v21 =	vld.idx.msk [tilespmem:v45+s29+$0x0], $0xffff  }
0x3a7: {  	[tilespmem:s19+$0x18010] =	vst v22;
	v22 =	vld.idx.msk [tilespmem:v47+s29+$0x0], $0xffff  }
0x3a8: {  	v24 =	vld.idx.msk [tilespmem:v44+s29+$0x0], $0xffff;
	[tilespmem:s19+$0x19070] =	vst v19  }
0x3a9: {  	[tilespmem:s19+$0x18020] =	vst v20;
	v18 =	vld.idx.msk [tilespmem:v18+s29+$0x0], $0xffff  }
0x3aa: {  	v19 =	vld.idx.msk [tilespmem:v49+s29+$0x0], $0xffff;
	[tilespmem:s19+$0x18030] =	vst v17  }
0x3ab: {  	v1 =	vadd.s32 $0x3800, v1;
	v17 =	vld.idx.msk [tilespmem:v50+s29+$0x0], $0xffff;
	[tilespmem:s19+$0x18040] =	vst v23  }
0x3ac: {  	v20 =	vld.idx.msk [tilespmem:v53+s29+$0x0], $0xffff;
	[tilespmem:s19+$0x18050] =	vst v21  }
0x3ad: {  	v21 =	vld.idx.msk [tilespmem:v54+s29+$0x0], $0xffff;
	[tilespmem:s19+$0x18060] =	vst v22  }
0x3ae: {  	[tilespmem:s19+$0x19000] =	vst v24;
	v16 =	vld.idx.msk [tilespmem:v16+s29+$0x0], $0xffff  }
0x3af: {  	v22 =	vld.idx.msk [tilespmem:v32+s29+$0x0], $0xffff;
	[tilespmem:s19+$0x1A070] =	vst v18  }
0x3b0: {  	[tilespmem:s19+$0x19010] =	vst v19;
	v1 =	vld.idx.msk [tilespmem:v1+s29+$0x0], $0xffff  }
0x3b1: {  	v14 =	vld.idx.msk [tilespmem:v14+s29+$0x0], $0xffff;
	[tilespmem:s19+$0x19020] =	vst v17  }
0x3b2: {  	v11 =	vld.idx.msk [tilespmem:v11+s29+$0x0], $0xffff;
	[tilespmem:s19+$0x19030] =	vst v20  }
0x3b3: {  	v15 =	vld.idx.msk [tilespmem:v15+s29+$0x0], $0xffff;
	[tilespmem:s19+$0x19040] =	vst v21  }
0x3b4: {  	v12 =	vld.idx.msk [tilespmem:v12+s29+$0x0], $0xffff;
	[tilespmem:s19+$0x19050] =	vst v16  }
0x3b5: {  	v10 =	vld.idx.msk [tilespmem:v10+s29+$0x0], $0xffff;
	[tilespmem:s19+$0x19060] =	vst v22  }
0x3b6: {  	v13 =	vld.idx.msk [tilespmem:v13+s29+$0x0], $0xffff;
	[tilespmem:s19+$0x1B070] =	vst v1  }
0x3b7: {  	[tilespmem:s19+$0x1A000] =	vst v14;
	v1 =	vld.idx.msk [tilespmem:v9+s29+$0x0], $0xffff  }
0x3b8: {  	v9 =	vld.idx.msk [tilespmem:v4+s29+$0x0], $0xffff;
	[tilespmem:s19+$0x1A010] =	vst v11  }
.Ltmp10:
0x3b9: {  	v4 =	vld.idx.msk [tilespmem:v8+s29+$0x0], $0xffff;
	[tilespmem:s19+$0x1A020] =	vst v15;
	(pc) =	sbr.rel @p1 .LBB2_7-.Ltmp10, $4  }
0x3ba: {  	v6 =	vld.idx.msk [tilespmem:v6+s29+$0x0], $0xffff;
	[tilespmem:s19+$0x1A030] =	vst v12  }
0x3bb: {  	v3 =	vld.idx.msk [tilespmem:v3+s29+$0x0], $0xffff;
	[tilespmem:s19+$0x1A040] =	vst v10  }
0x3bc: {  	v7 =	vld.idx.msk [tilespmem:v7+s29+$0x0], $0xffff;
	[tilespmem:s19+$0x1A050] =	vst v13  }
0x3bd: {  	s12 =	sadd.s32 $0x200, s12;
	v5 =	vld.idx.msk [tilespmem:v5+s29+$0x0], $0xffff;
	[tilespmem:s19+$0x1A060] =	vst v1  }
0x3be: {  	_ =	sdelay $0x2  }
0x3bf: {  	[tilespmem:s19+$0x1B000] =	vst v9  }
0x3c0: {  	v0 =	vld.idx.msk [tilespmem:v2+s29+$0x0], $0xffff;
	[tilespmem:s19+$0x1B010] =	vst v4  }
0x3c1: {  	[tilespmem:s19+$0x1B020] =	vst v6  }
0x3c2: {  	[tilespmem:s19+$0x1B030] =	vst v3  }
0x3c3: {  	[tilespmem:s19+$0x1B040] =	vst v7  }
0x3c4: {  	[tilespmem:s19+$0x1B050] =	vst v5  }
0x3c5: {  	s0 =	sadd.s32 s18, s23;
	s13 =	sor.u32 $0xC00, s18;
	[tilespmem:s19+$0x1B060] =	vst v0  }
0x3c6: {  	[hbm4b:s0+s26] =	stream.strided.scatter [tilespmem:s22], [sflag:$0x4], $0x1000, s4, s26, $0x38;
	[tilespmem:$0x1C000] =	vst v63  }
0x3c7: {  	s19 =	sor.u32 $0x1400, s18;
	s0 =	sadd.s32 s3, s13  }
0x3c8: {  	[hbm4b:s0+s26] =	stream.strided.scatter [tilespmem:s25], [sflag:$0x4], $0x1000, s4, s26, $0x38;
	[tilespmem:$0x1C000] =	vst v63  }
0x3c9: {  	s28 =	sor.u32 $0x1C00, s18;
	s0 =	sadd.s32 s3, s19  }
0x3ca: {  	[hbm4b:s0+s26] =	stream.strided.scatter [tilespmem:s30], [sflag:$0x4], $0x1000, s4, s26, $0x38;
	[tilespmem:$0x1C000] =	vst v63  }
0x3cb: {  	s12 =	sor.u32 $0x2400, s18;
	s0 =	sadd.s32 s3, s28  }
0x3cc: {  	[hbm4b:s0+s26] =	stream.strided.scatter [tilespmem:s1], [sflag:$0x4], $0x1000, s4, s26, $0x38;
	[tilespmem:$0x1C000] =	vst v63  }
0x3cd: {  	s13 =	sor.u32 $0x2C00, s18;
	s0 =	sadd.s32 s3, s12  }
0x3ce: {  	[hbm4b:s0+s26] =	stream.strided.scatter [tilespmem:s24], [sflag:$0x4], $0x1000, s4, s26, $0x38;
	[tilespmem:$0x1C000] =	vst v63  }
0x3cf: {  	s0 =	sadd.s32 s3, s13  }
0x3d0: {  	[hbm4b:s0+s26] =	stream.strided.scatter [tilespmem:s6], [sflag:$0x4], $0x1000, s4, s26, $0x38;
	[tilespmem:$0x1C000] =	vst v63  }
.Ltmp11:
0x3d1: {  	p2 =	por $0x0, $0x0;
	s19 =	sor.u32 $0x3400, s18;
	(pc) =	sbr.rel @p0 .LBB2_4-.Ltmp11, $4  }
.Ltmp12:
0x3d2: {  	s28 =	sor.u32 $0x3C00, s18;
	s0 =	sadd.s32 s3, s19;
	(pc) =	sbr.rel @!p0 .LBB2_15-.Ltmp12, $4  }
0x3d3: {  	[hbm4b:s0+s26] =	stream.strided.scatter [tilespmem:s7], [sflag:$0x4], $0x1000, s4, s26, $0x38;
	[tilespmem:$0x1C000] =	vst v63  }
0x3d4: {  	p1 =	por $0x1, $0x1;
	s18 =	simm.s32 $0x1;
	s0 =	sadd.s32 s3, s28  }
0x3d5: {  	[hbm4b:s0+s26] =	stream.strided.scatter [tilespmem:s10], [sflag:$0x4], $0x1000, s4, s26, $0x38;
	[tilespmem:$0x1C000] =	vst v63  }
0x3d6: {  	_ = 	snop  }
.LBB2_17:
0x3d7: {  	_ =	sfence.sel $0x180000  }
0x3d8: {  	[bflag:$0x0] =	sbarrier.arrive $0xFFFF  }
0x3d9: {  	_ =	strace $0x90000047  }
0x3da: {  	s0 =	stileid.u32;
	[bflag:$0x2] =	sbarrier.arrive $0xFFFF  }
0x3db: {  	p0 =	sne.s32 s0, $0x0;
	s0 =	rddreg [dreg:$0x3]  }
0x3dc: {  	s0 =	sadd.s32 @!p0 $0x100000, s0  }
0x3dd: {  	[sflag:s0] =	ssyncadd.tile.s32 @!p0 $0x1;
	_ =	shalt  }
.Lfunc_end2:
_tile_overlayer_lowered:
.L_overlay_start_2:
0x3de: {  	(tag) =	ssettag $0x2  }
0x3df: {  	s0 =	rddreg [dreg:$0x0];
	s2 =	stileid.u32  }
0x3e0: {  	s1 =	rddreg [dreg:$0x1];
	p0 =	sne.s32 s2, $0x0  }
0x3e1: {  	s3 =	rddreg [dreg:$0x2];
	[bflag:$0x3] =	sbarrier.arrive $0xFFFF;
	s2 =	simm.s32 @!p0 $0x1C05  }
0x3e2: {  	[timem:s3], [sflag:s2] =	dma.local @!p0 [hbm:s0], s1  }
0x3e3: {  	s0 =	simm.s32 @!p0 $0x5  }
0x3e4: {  	_ =	swait.ge @!p0 [sflag:s0], s1  }
0x3e5: {  	s1 =	ssub.s32 @!p0 $0x0, s1;
	[sflag:s0] =	ssyncset.done @!p0 $0x0  }
0x3e6: {  	[sflag:s0] =	ssyncadd.s32 @!p0 s1  }
0x3e7: {  	[bflag:$0x3] =	sbarrier.arrive $0xFFFF  }
0x3e8: {  	_ =	shalt  }

</sc_bundles>
